<compile_context>
chip_gen: v7x
topology: tpu7x:2x2x1
jax: 0.10.2.dev20260603
libtpu: 0.0.44.dev20260713+nightly
codegen_flags: <defaults>
</compile_context>

<pallas_src>
import functools

import jax
import jax.numpy as jnp
from jax import lax
from jax.experimental import pallas as pl
from jax.experimental.pallas import tpu as pltpu
from jax.experimental.pallas import tpu_sc as plsc

K = 100000
L1 = 100
L2 = 10000
LENGTH = K + L1 + L2
D = 32
B = 1024

NC = 2
NS = 16
NW = NC * NS
KPAD = 100352
ROWS_W = KPAD // NW
QC = 112
NQ = ROWS_W // QC
N2 = 328
N1 = 16

TK = 2048
NT = KPAD // TK


def _sc_added_body(w_hbm, out_hbm, w1buf, w2buf, qa, qb, basea, baseb,
                   sw2, sw1, sba, sbb, sqa, sqb):
    wid = lax.axis_index("s") * NC + lax.axis_index("c")
    c0 = pl.multiple_of(wid * ROWS_W, 8)
    t6 = wid * 6
    d10 = (t6 * 52429) >> 19
    c0d10 = wid * 313 + d10
    c0m10 = t6 - d10 * 10
    u = wid * 136
    d1000 = ((u >= 1000).astype(jnp.int32) + (u >= 2000).astype(jnp.int32)
             + (u >= 3000).astype(jnp.int32) + (u >= 4000).astype(jnp.int32))
    c0d1000 = wid * 3 + d1000
    c0m1000 = u - d1000 * 1000

    abs2 = K + L1 + c0d10
    abs2a = pl.multiple_of(
        jnp.minimum((abs2 >> 3) << 3, ((LENGTH + 7) & ~7) - N2), 8)
    abs1 = K + c0d1000
    abs1a = pl.multiple_of((abs1 >> 3) << 3, 8)
    s2max = jnp.minimum(N2 - 1, (LENGTH - 1) - abs2a)
    s1max = jnp.minimum(N1 - 1, (K + L1 - 1) - abs1a)

    cw2 = pltpu.async_copy(w_hbm.at[pl.ds(abs2a, N2)], w2buf, sw2)
    cw1 = pltpu.async_copy(w_hbm.at[pl.ds(abs1a, N1)], w1buf, sw1)

    base = (basea, baseb)
    qv = (qa, qb)
    bsem = (sba, sbb)
    qsem = (sqa, sqb)

    def start_base(ch, s):
        return pltpu.async_copy(
            w_hbm.at[pl.ds(c0 + ch * QC, QC)], base[s], bsem[s])

    pending = [None, None]
    wpending = [None, None]
    pending[0] = start_base(0, 0)
    cw2.wait()
    cw1.wait()

    s2_0 = abs2 - abs2a
    s1_0 = abs1 - abs1a
    carry0 = (s2_0, 10 - c0m10, s1_0, 1000 - c0m1000)

    lo = pl.ds(0, 16)
    hi = pl.ds(16, 16)

    carry = carry0
    for ch in range(NQ):
        s = ch & 1
        if ch + 1 < NQ:
            pending[1 - s] = start_base(ch + 1, 1 - s)
        pending[s].wait()
        if wpending[s] is not None:
            wpending[s].wait()
        bb, q = base[s], qv[s]

        def row_body(r, c, bb=bb, q=q):
            s2, c10, s1, c1000 = c
            q[r, lo] = bb[r, lo] + w2buf[s2, lo] + w1buf[s1, lo]
            q[r, hi] = bb[r, hi] + w2buf[s2, hi] + w1buf[s1, hi]
            c10 = c10 - 1
            w10 = c10 == 0
            s2 = jnp.minimum(s2 + w10.astype(jnp.int32), s2max)
            c10 = jnp.where(w10, 10, c10)
            c1000 = c1000 - 1
            w1000 = c1000 == 0
            s1 = jnp.minimum(s1 + w1000.astype(jnp.int32), s1max)
            c1000 = jnp.where(w1000, 1000, c1000)
            return (s2, c10, s1, c1000)

        carry = lax.fori_loop(0, QC, row_body, carry)
        wpending[s] = pltpu.async_copy(
            q, out_hbm.at[pl.ds(c0 + ch * QC, QC)], qsem[s])
    for s in (0, 1):
        if wpending[s] is not None:
            wpending[s].wait()


@functools.cache
def _sc_added_call():
    return functools.partial(
        pl.kernel,
        mesh=plsc.VectorSubcoreMesh(core_axis_name="c", subcore_axis_name="s"),
        out_type=jax.ShapeDtypeStruct((KPAD, D), jnp.float32),
        scratch_types=[
            pltpu.VMEM((N1, D), jnp.float32),
            pltpu.VMEM((N2, D), jnp.float32),
            pltpu.VMEM((QC, D), jnp.float32),
            pltpu.VMEM((QC, D), jnp.float32),
            pltpu.VMEM((QC, D), jnp.float32),
            pltpu.VMEM((QC, D), jnp.float32),
            pltpu.SemaphoreType.DMA,
            pltpu.SemaphoreType.DMA,
            pltpu.SemaphoreType.DMA,
            pltpu.SemaphoreType.DMA,
            pltpu.SemaphoreType.DMA,
            pltpu.SemaphoreType.DMA,
        ],
    )(_sc_added_body)


def _tc_body(x_ref, y_ref, av_ref, logits_ref, added_ref, loss_ref,
             m_ref, s_ref, ly_ref):
    k = pl.program_id(0)

    @pl.when(k == 0)
    def _init():
        m_ref[...] = jnp.full((B, 1), -jnp.inf, jnp.float32)
        s_ref[...] = jnp.zeros((B, 1), jnp.float32)
        ly_ref[...] = jnp.zeros((B, 1), jnp.float32)

    av = av_ref[...]
    added_ref[...] = av
    logits = lax.dot_general(
        x_ref[...], av,
        dimension_numbers=(((1,), (1,)), ((), ())),
        preferred_element_type=jnp.float32,
    )
    logits_ref[...] = logits

    cols = k * TK + lax.broadcasted_iota(jnp.int32, (1, TK), 1)
    masked = jnp.where(cols < K, logits, -jnp.inf)
    tile_max = jnp.max(masked, axis=1, keepdims=True)
    m_old = m_ref[...]
    m_new = jnp.maximum(m_old, tile_max)
    p = jnp.exp(masked - m_new)
    s_ref[...] = s_ref[...] * jnp.exp(m_old - m_new) + jnp.sum(
        p, axis=1, keepdims=True)
    m_ref[...] = m_new

    ymask = cols == y_ref[...]
    ly_ref[...] += jnp.sum(jnp.where(ymask, logits, 0.0), axis=1, keepdims=True)

    @pl.when(k == NT - 1)
    def _fin():
        lse = m_ref[...] + jnp.log(s_ref[...])
        nll = lse - ly_ref[...]
        loss_ref[...] = jnp.sum(nll, axis=0, keepdims=True) / B


_tc_call = pl.pallas_call(
    _tc_body,
    grid=(NT,),
    in_specs=[
        pl.BlockSpec((B, D), lambda k: (0, 0)),
        pl.BlockSpec((B, 1), lambda k: (0, 0)),
        pl.BlockSpec((TK, D), lambda k: (k, 0)),
    ],
    out_specs=[
        pl.BlockSpec((B, TK), lambda k: (0, k)),
        pl.BlockSpec((TK, D), lambda k: (k, 0)),
        pl.BlockSpec((1, 1), lambda k: (0, 0)),
    ],
    out_shape=[
        jax.ShapeDtypeStruct((B, K), jnp.float32),
        jax.ShapeDtypeStruct((K, D), jnp.float32),
        jax.ShapeDtypeStruct((1, 1), jnp.float32),
    ],
    scratch_shapes=[
        pltpu.VMEM((B, 1), jnp.float32),
        pltpu.VMEM((B, 1), jnp.float32),
        pltpu.VMEM((B, 1), jnp.float32),
    ],
    compiler_params=pltpu.CompilerParams(
        dimension_semantics=("arbitrary",),
    ),
)


def kernel(weights, x, y, path_idx):
    added_pad = _sc_added_call()(weights)
    y2d = y.reshape(B, 1).astype(jnp.int32)
    logits, added, loss = _tc_call(x, y2d, added_pad)
    return (loss[0, 0], logits, added)

# --- scband reference (transcript-rebuilt; emitter-appended) ---
"""Pipeline reference for scband-cover-tree-loss-5823975653575 (READ-ONLY COPY).

The authoritative reference and input builder live on the scoring server;
editing this copy changes nothing except your own understanding.
"""

import jax, jax.numpy as jnp
import numpy as np

K = 100000      # number of real classes
L1 = 100        # level-1 internal nodes
L2 = 10000      # level-2 internal nodes
LENGTH = K + L1 + L2   # 110100 rows in weight matrix
D = 32
B = 1024


def setup_inputs(seed: int = 0) -> dict:
    key = jax.random.key(seed)
    k1, k2, k3 = jax.random.split(key, 3)
    weights = jax.random.normal(k1, (LENGTH, D), dtype=jnp.float32) * 0.02
    x = jax.random.normal(k2, (B, D), dtype=jnp.float32)
    y = jax.random.randint(k3, (B,), 0, K, dtype=jnp.int32)
    # Deterministic cover-tree paths: class j -> [root-child j//1000, mid node j//10, j]
    j = jnp.arange(K, dtype=jnp.int32)
    path1 = (K + j // 1000).astype(jnp.int32)        # in [K, K+100)
    path2 = (K + L1 + j // 10).astype(jnp.int32)     # in [K+100, K+100+10000)
    path_idx = jnp.stack([path1, path2], axis=1)
    return {"weights": weights, "x": x, "y": y, "path_idx": path_idx}


def reference(weights, x, y, path_idx):
    # added_weights[j] = weights[j] + sum of weights along internal path nodes (gather + sum)
    internal1 = jnp.take(weights, path_idx[:, 0], axis=0)
    internal2 = jnp.take(weights, path_idx[:, 1], axis=0)
    added_weights = weights[:K] + internal1 + internal2          # [K, D]
    logits = jnp.matmul(x, added_weights.T)                      # [B, K]
    logp = jax.nn.log_softmax(logits, axis=-1)
    nll = -jnp.take_along_axis(logp, y[:, None].astype(jnp.int32), axis=1)[:, 0]
    loss = jnp.mean(nll)
    return (loss, logits, added_weights)

if __name__ == "__main__":
    import jax
    _d = setup_inputs()
    print(jax.jit(kernel)(*tuple(_d.values())))

</pallas_src>

<mosaic_0001>
#map = affine_map<(d0, d1) -> (0, 0)>
module attributes {stable_mosaic.version = 14 : i64} {
  func.func @_sc_added_body(%arg0: i32, %arg1: i32, %arg2: memref<110100x32xf32, #tpu.memory_space<hbm>>, %arg3: memref<100352x32xf32, #tpu.memory_space<hbm>>, %arg4: memref<16x32xf32, #tpu.memory_space<vmem>>, %arg5: memref<328x32xf32, #tpu.memory_space<vmem>>, %arg6: memref<112x32xf32, #tpu.memory_space<vmem>>, %arg7: memref<112x32xf32, #tpu.memory_space<vmem>>, %arg8: memref<112x32xf32, #tpu.memory_space<vmem>>, %arg9: memref<112x32xf32, #tpu.memory_space<vmem>>, %arg10: memref<!tpu.dma_semaphore, #tpu.memory_space<semaphore_mem>>, %arg11: memref<!tpu.dma_semaphore, #tpu.memory_space<semaphore_mem>>, %arg12: memref<!tpu.dma_semaphore, #tpu.memory_space<semaphore_mem>>, %arg13: memref<!tpu.dma_semaphore, #tpu.memory_space<semaphore_mem>>, %arg14: memref<!tpu.dma_semaphore, #tpu.memory_space<semaphore_mem>>, %arg15: memref<!tpu.dma_semaphore, #tpu.memory_space<semaphore_mem>>) attributes {dimension_semantics = [#tpu.dimension_semantics<core_parallel>, #tpu.dimension_semantics<subcore_parallel>], iteration_bounds = array<i64: 2, 16>, scalar_prefetch = 0 : i64, scratch_operands = 12 : i64, tpu.core_type = #tpu.core_type<sc_vector_subcore>, window_params = [{transform_indices = #map}, {transform_indices = #map}]} {
    %mul3A = arith.constant 2 : i32
    %mul3A_0 = arith.muli %arg1, %mul3A : i32
    %add3A = arith.addi %mul3A_0, %arg0 : i32
    %mul3A_1 = arith.constant 3136 : i32
    %mul3A_2 = arith.muli %add3A, %mul3A_1 : i32
    %multiple_of3A = tpu.assume_multiple %mul3A_2, 8 : i32
    %mul3A_3 = arith.constant 6 : i32
    %mul3A_4 = arith.muli %add3A, %mul3A_3 : i32
    %mul3A_5 = arith.constant 52429 : i32
    %mul3A_6 = arith.muli %mul3A_4, %mul3A_5 : i32
    %shift_right_arithmetic3A = arith.constant 19 : i32
    %shift_right_arithmetic3A_7 = arith.shrsi %mul3A_6, %shift_right_arithmetic3A : i32
    %mul3A_8 = arith.constant 313 : i32
    %mul3A_9 = arith.muli %add3A, %mul3A_8 : i32
    %add3A_10 = arith.addi %mul3A_9, %shift_right_arithmetic3A_7 : i32
    %mul3A_11 = arith.constant 10 : i32
    %mul3A_12 = arith.muli %shift_right_arithmetic3A_7, %mul3A_11 : i32
    %sub3A = arith.subi %mul3A_4, %mul3A_12 : i32
    %mul3A_13 = arith.constant 136 : i32
    %mul3A_14 = arith.muli %add3A, %mul3A_13 : i32
    %ge3A = arith.constant 1000 : i32
    %ge3A_15 = arith.cmpi sge, %mul3A_14, %ge3A : i32
    %convert_element_type3A = arith.extui %ge3A_15 : i1 to i32
    %ge3A_16 = arith.constant 2000 : i32
    %ge3A_17 = arith.cmpi sge, %mul3A_14, %ge3A_16 : i32
    %convert_element_type3A_18 = arith.extui %ge3A_17 : i1 to i32
    %add3A_19 = arith.addi %convert_element_type3A, %convert_element_type3A_18 : i32
    %ge3A_20 = arith.constant 3000 : i32
    %ge3A_21 = arith.cmpi sge, %mul3A_14, %ge3A_20 : i32
    %convert_element_type3A_22 = arith.extui %ge3A_21 : i1 to i32
    %add3A_23 = arith.addi %add3A_19, %convert_element_type3A_22 : i32
    %ge3A_24 = arith.constant 4000 : i32
    %ge3A_25 = arith.cmpi sge, %mul3A_14, %ge3A_24 : i32
    %convert_element_type3A_26 = arith.extui %ge3A_25 : i1 to i32
    %add3A_27 = arith.addi %add3A_23, %convert_element_type3A_26 : i32
    %mul3A_28 = arith.constant 3 : i32
    %mul3A_29 = arith.muli %add3A, %mul3A_28 : i32
    %add3A_30 = arith.addi %mul3A_29, %add3A_27 : i32
    %mul3A_31 = arith.constant 1000 : i32
    %mul3A_32 = arith.muli %add3A_27, %mul3A_31 : i32
    %sub3A_33 = arith.subi %mul3A_14, %mul3A_32 : i32
    %add3A_34 = arith.constant 100100 : i32
    %add3A_35 = arith.addi %add3A_34, %add3A_10 : i32
    %shift_right_arithmetic3A_36 = arith.constant 3 : i32
    %shift_right_arithmetic3A_37 = arith.shrsi %add3A_35, %shift_right_arithmetic3A_36 : i32
    %shift_left3A = arith.constant 3 : i32
    %shift_left3A_38 = arith.shli %shift_right_arithmetic3A_37, %shift_left3A : i32
    %min3A = arith.constant 109776 : i32
    %min3A_39 = arith.minsi %shift_left3A_38, %min3A : i32
    %multiple_of3A_40 = tpu.assume_multiple %min3A_39, 8 : i32
    %add3A_41 = arith.constant 100000 : i32
    %add3A_42 = arith.addi %add3A_41, %add3A_30 : i32
    %shift_right_arithmetic3A_43 = arith.constant 3 : i32
    %shift_right_arithmetic3A_44 = arith.shrsi %add3A_42, %shift_right_arithmetic3A_43 : i32
    %shift_left3A_45 = arith.constant 3 : i32
    %shift_left3A_46 = arith.shli %shift_right_arithmetic3A_44, %shift_left3A_45 : i32
    %multiple_of3A_47 = tpu.assume_multiple %shift_left3A_46, 8 : i32
    %sub3A_48 = arith.constant 110099 : i32
    %sub3A_49 = arith.subi %sub3A_48, %multiple_of3A_40 : i32
    %min3A_50 = arith.constant 327 : i32
    %min3A_51 = arith.minsi %min3A_50, %sub3A_49 : i32
    %sub3A_52 = arith.constant 100099 : i32
    %sub3A_53 = arith.subi %sub3A_52, %multiple_of3A_47 : i32
    %min3A_54 = arith.constant 15 : i32
    %min3A_55 = arith.minsi %min3A_54, %sub3A_53 : i32
    %dma_start3A = arith.constant 0 : i32
    %dma_start3A_56 = tpu.memref_slice %arg2[%multiple_of3A_40, %dma_start3A] : memref<110100x32xf32, #tpu.memory_space<hbm>> -> memref<328x32xf32, #tpu.memory_space<hbm>>
    %dma_start3A_57 = arith.constant 0 : i32
    %dma_start3A_58 = tpu.memref_slice %arg2[%multiple_of3A_40, %dma_start3A_57] : memref<110100x32xf32, #tpu.memory_space<hbm>> -> memref<328x32xf32, #tpu.memory_space<hbm>>
    tpu.enqueue_dma source(%dma_start3A_58 : memref<328x32xf32, #tpu.memory_space<hbm>>) target(%arg5 : memref<328x32xf32, #tpu.memory_space<vmem>>) target_semaphore(%arg10 : memref<!tpu.dma_semaphore, #tpu.memory_space<semaphore_mem>>)
    %dma_start3A_59 = arith.constant 0 : i32
    %dma_start3A_60 = tpu.memref_slice %arg2[%multiple_of3A_47, %dma_start3A_59] : memref<110100x32xf32, #tpu.memory_space<hbm>> -> memref<16x32xf32, #tpu.memory_space<hbm>>
    %dma_start3A_61 = arith.constant 0 : i32
    %dma_start3A_62 = tpu.memref_slice %arg2[%multiple_of3A_47, %dma_start3A_61] : memref<110100x32xf32, #tpu.memory_space<hbm>> -> memref<16x32xf32, #tpu.memory_space<hbm>>
    tpu.enqueue_dma source(%dma_start3A_62 : memref<16x32xf32, #tpu.memory_space<hbm>>) target(%arg4 : memref<16x32xf32, #tpu.memory_space<vmem>>) target_semaphore(%arg11 : memref<!tpu.dma_semaphore, #tpu.memory_space<semaphore_mem>>)
    %add3A_63 = arith.constant 0 : i32
    %add3A_64 = arith.addi %multiple_of3A, %add3A_63 : i32
    %dma_start3A_65 = arith.constant 0 : i32
    %dma_start3A_66 = tpu.memref_slice %arg2[%add3A_64, %dma_start3A_65] : memref<110100x32xf32, #tpu.memory_space<hbm>> -> memref<112x32xf32, #tpu.memory_space<hbm>>
    %dma_start3A_67 = arith.constant 0 : i32
    %dma_start3A_68 = tpu.memref_slice %arg2[%add3A_64, %dma_start3A_67] : memref<110100x32xf32, #tpu.memory_space<hbm>> -> memref<112x32xf32, #tpu.memory_space<hbm>>
    tpu.enqueue_dma source(%dma_start3A_68 : memref<112x32xf32, #tpu.memory_space<hbm>>) target(%arg8 : memref<112x32xf32, #tpu.memory_space<vmem>>) target_semaphore(%arg12 : memref<!tpu.dma_semaphore, #tpu.memory_space<semaphore_mem>>)
    %dma_wait3A = arith.constant 0 : i32
    %dma_wait3A_69 = tpu.memref_slice %arg2[%multiple_of3A_40, %dma_wait3A] : memref<110100x32xf32, #tpu.memory_space<hbm>> -> memref<328x32xf32, #tpu.memory_space<hbm>>
    %dma_wait3A_70 = arith.constant 0 : i32
    %dma_wait3A_71 = tpu.memref_slice %arg2[%multiple_of3A_40, %dma_wait3A_70] : memref<110100x32xf32, #tpu.memory_space<hbm>> -> memref<328x32xf32, #tpu.memory_space<hbm>>
    tpu.wait_dma2 semaphore(%arg10 : memref<!tpu.dma_semaphore, #tpu.memory_space<semaphore_mem>>) src(%dma_wait3A_71 : memref<328x32xf32, #tpu.memory_space<hbm>>) dst(%arg5 : memref<328x32xf32, #tpu.memory_space<vmem>>)
    %dma_wait3A_72 = arith.constant 0 : i32
    %dma_wait3A_73 = tpu.memref_slice %arg2[%multiple_of3A_47, %dma_wait3A_72] : memref<110100x32xf32, #tpu.memory_space<hbm>> -> memref<16x32xf32, #tpu.memory_space<hbm>>
    %dma_wait3A_74 = arith.constant 0 : i32
    %dma_wait3A_75 = tpu.memref_slice %arg2[%multiple_of3A_47, %dma_wait3A_74] : memref<110100x32xf32, #tpu.memory_space<hbm>> -> memref<16x32xf32, #tpu.memory_space<hbm>>
    tpu.wait_dma2 semaphore(%arg11 : memref<!tpu.dma_semaphore, #tpu.memory_space<semaphore_mem>>) src(%dma_wait3A_75 : memref<16x32xf32, #tpu.memory_space<hbm>>) dst(%arg4 : memref<16x32xf32, #tpu.memory_space<vmem>>)
    %sub3A_76 = arith.subi %add3A_35, %multiple_of3A_40 : i32
    %sub3A_77 = arith.subi %add3A_42, %multiple_of3A_47 : i32
    %sub3A_78 = arith.constant 10 : i32
    %sub3A_79 = arith.subi %sub3A_78, %sub3A : i32
    %sub3A_80 = arith.constant 1000 : i32
    %sub3A_81 = arith.subi %sub3A_80, %sub3A_33 : i32
    %add3A_82 = arith.constant 112 : i32
    %add3A_83 = arith.addi %multiple_of3A, %add3A_82 : i32
    %dma_start3A_84 = arith.constant 0 : i32
    %dma_start3A_85 = tpu.memref_slice %arg2[%add3A_83, %dma_start3A_84] : memref<110100x32xf32, #tpu.memory_space<hbm>> -> memref<112x32xf32, #tpu.memory_space<hbm>>
    %dma_start3A_86 = arith.constant 0 : i32
    %dma_start3A_87 = tpu.memref_slice %arg2[%add3A_83, %dma_start3A_86] : memref<110100x32xf32, #tpu.memory_space<hbm>> -> memref<112x32xf32, #tpu.memory_space<hbm>>
    tpu.enqueue_dma source(%dma_start3A_87 : memref<112x32xf32, #tpu.memory_space<hbm>>) target(%arg9 : memref<112x32xf32, #tpu.memory_space<vmem>>) target_semaphore(%arg13 : memref<!tpu.dma_semaphore, #tpu.memory_space<semaphore_mem>>)
    %dma_wait3A_88 = arith.constant 0 : i32
    %dma_wait3A_89 = tpu.memref_slice %arg2[%add3A_64, %dma_wait3A_88] : memref<110100x32xf32, #tpu.memory_space<hbm>> -> memref<112x32xf32, #tpu.memory_space<hbm>>
    %dma_wait3A_90 = arith.constant 0 : i32
    %dma_wait3A_91 = tpu.memref_slice %arg2[%add3A_64, %dma_wait3A_90] : memref<110100x32xf32, #tpu.memory_space<hbm>> -> memref<112x32xf32, #tpu.memory_space<hbm>>
    tpu.wait_dma2 semaphore(%arg12 : memref<!tpu.dma_semaphore, #tpu.memory_space<semaphore_mem>>) src(%dma_wait3A_91 : memref<112x32xf32, #tpu.memory_space<hbm>>) dst(%arg8 : memref<112x32xf32, #tpu.memory_space<vmem>>)
    %scan3A = arith.constant 0 : i32
    %scan3A_92 = arith.constant 112 : i32
    %scan3A_93 = arith.addi %scan3A, %scan3A_92 : i32
    %scan3A_94 = arith.constant 1 : i32
    %scan3A_95:4 = scf.for %scan3A_803 = %scan3A to %scan3A_93 step %scan3A_94 iter_args(%scan3A_804 = %sub3A_76, %scan3A_805 = %sub3A_79, %scan3A_806 = %sub3A_77, %scan3A_807 = %sub3A_81) -> (i32, i32, i32, i32)  : i32 {
      %get3A = arith.index_cast %scan3A_803 : i32 to index
      %get3A_808 = arith.constant 0 : index
      %get3A_809 = tpu.vector_load %arg8[%get3A, %get3A_808] {strides = array<i32>} : memref<112x32xf32, #tpu.memory_space<vmem>>, vector<1x16xf32>,
      %get3A_810 = vector.shape_cast %get3A_809 : vector<1x16xf32> to vector<16xf32>
      %get3A_811 = arith.index_cast %scan3A_804 : i32 to index
      %get3A_812 = arith.constant 0 : index
      %get3A_813 = tpu.vector_load %arg5[%get3A_811, %get3A_812] {strides = array<i32>} : memref<328x32xf32, #tpu.memory_space<vmem>>, vector<1x16xf32>,
      %get3A_814 = vector.shape_cast %get3A_813 : vector<1x16xf32> to vector<16xf32>
      %add3A_815 = arith.addf %get3A_810, %get3A_814 : vector<16xf32>
      %get3A_816 = arith.index_cast %scan3A_806 : i32 to index
      %get3A_817 = arith.constant 0 : index
      %get3A_818 = tpu.vector_load %arg4[%get3A_816, %get3A_817] {strides = array<i32>} : memref<16x32xf32, #tpu.memory_space<vmem>>, vector<1x16xf32>,
      %get3A_819 = vector.shape_cast %get3A_818 : vector<1x16xf32> to vector<16xf32>
      %add3A_820 = arith.addf %add3A_815, %get3A_819 : vector<16xf32>
      %swap3A = arith.index_cast %scan3A_803 : i32 to index
      %swap3A_821 = arith.constant 0 : index
      %swap3A_822 = tpu.vector_load %arg6[%swap3A, %swap3A_821] {strides = array<i32>} : memref<112x32xf32, #tpu.memory_space<vmem>>, vector<1x16xf32>,
      %swap3A_823 = vector.shape_cast %swap3A_822 : vector<1x16xf32> to vector<16xf32>
      %swap3A_824 = vector.shape_cast %add3A_820 : vector<16xf32> to vector<1x16xf32>
      tpu.vector_store %arg6[%swap3A, %swap3A_821], %swap3A_824 {strides = array<i32>} : memref<112x32xf32, #tpu.memory_space<vmem>>, vector<1x16xf32>,
      %get3A_825 = arith.index_cast %scan3A_803 : i32 to index
      %get3A_826 = arith.constant 16 : index
      %get3A_827 = tpu.vector_load %arg8[%get3A_825, %get3A_826] {strides = array<i32>} : memref<112x32xf32, #tpu.memory_space<vmem>>, vector<1x16xf32>,
      %get3A_828 = vector.shape_cast %get3A_827 : vector<1x16xf32> to vector<16xf32>
      %get3A_829 = arith.index_cast %scan3A_804 : i32 to index
      %get3A_830 = arith.constant 16 : index
      %get3A_831 = tpu.vector_load %arg5[%get3A_829, %get3A_830] {strides = array<i32>} : memref<328x32xf32, #tpu.memory_space<vmem>>, vector<1x16xf32>,
      %get3A_832 = vector.shape_cast %get3A_831 : vector<1x16xf32> to vector<16xf32>
      %add3A_833 = arith.addf %get3A_828, %get3A_832 : vector<16xf32>
      %get3A_834 = arith.index_cast %scan3A_806 : i32 to index
      %get3A_835 = arith.constant 16 : index
      %get3A_836 = tpu.vector_load %arg4[%get3A_834, %get3A_835] {strides = array<i32>} : memref<16x32xf32, #tpu.memory_space<vmem>>, vector<1x16xf32>,
      %get3A_837 = vector.shape_cast %get3A_836 : vector<1x16xf32> to vector<16xf32>
      %add3A_838 = arith.addf %add3A_833, %get3A_837 : vector<16xf32>
      %swap3A_839 = arith.index_cast %scan3A_803 : i32 to index
      %swap3A_840 = arith.constant 16 : index
      %swap3A_841 = tpu.vector_load %arg6[%swap3A_839, %swap3A_840] {strides = array<i32>} : memref<112x32xf32, #tpu.memory_space<vmem>>, vector<1x16xf32>,
      %swap3A_842 = vector.shape_cast %swap3A_841 : vector<1x16xf32> to vector<16xf32>
      %swap3A_843 = vector.shape_cast %add3A_838 : vector<16xf32> to vector<1x16xf32>
      tpu.vector_store %arg6[%swap3A_839, %swap3A_840], %swap3A_843 {strides = array<i32>} : memref<112x32xf32, #tpu.memory_space<vmem>>, vector<1x16xf32>,
      %sub3A_844 = arith.constant 1 : i32
      %sub3A_845 = arith.subi %scan3A_805, %sub3A_844 : i32
      %eq3A = arith.constant 0 : i32
      %eq3A_846 = arith.cmpi eq, %sub3A_845, %eq3A : i32
      %convert_element_type3A_847 = arith.extui %eq3A_846 : i1 to i32
      %add3A_848 = arith.addi %scan3A_804, %convert_element_type3A_847 : i32
      %min3A_849 = arith.minsi %add3A_848, %min3A_51 : i32
      %jit3A = arith.constant 10 : i32
      %select_n3A = arith.select %eq3A_846, %jit3A, %sub3A_845 : i32
      %sub3A_850 = arith.constant 1 : i32
      %sub3A_851 = arith.subi %scan3A_807, %sub3A_850 : i32
      %eq3A_852 = arith.constant 0 : i32
      %eq3A_853 = arith.cmpi eq, %sub3A_851, %eq3A_852 : i32
      %convert_element_type3A_854 = arith.extui %eq3A_853 : i1 to i32
      %add3A_855 = arith.addi %scan3A_806, %convert_element_type3A_854 : i32
      %min3A_856 = arith.minsi %add3A_855, %min3A_55 : i32
      %jit3A_857 = arith.constant 1000 : i32
      %select_n3A_858 = arith.select %eq3A_853, %jit3A_857, %sub3A_851 : i32
      scf.yield %min3A_849, %select_n3A, %min3A_856, %select_n3A_858 : i32, i32, i32, i32
    }
    %scan3A_96 = arith.constant 112 : i32
    %add3A_97 = arith.constant 0 : i32
    %add3A_98 = arith.addi %multiple_of3A, %add3A_97 : i32
    %dma_start3A_99 = arith.constant 0 : i32
    %dma_start3A_100 = tpu.memref_slice %arg3[%add3A_98, %dma_start3A_99] : memref<100352x32xf32, #tpu.memory_space<hbm>> -> memref<112x32xf32, #tpu.memory_space<hbm>>
    %dma_start3A_101 = arith.constant 0 : i32
    %dma_start3A_102 = tpu.memref_slice %arg3[%add3A_98, %dma_start3A_101] : memref<100352x32xf32, #tpu.memory_space<hbm>> -> memref<112x32xf32, #tpu.memory_space<hbm>>
    tpu.enqueue_dma source(%arg6 : memref<112x32xf32, #tpu.memory_space<vmem>>) target(%dma_start3A_102 : memref<112x32xf32, #tpu.memory_space<hbm>>) target_semaphore(%arg14 : memref<!tpu.dma_semaphore, #tpu.memory_space<semaphore_mem>>)
    %add3A_103 = arith.constant 224 : i32
    %add3A_104 = arith.addi %multiple_of3A, %add3A_103 : i32
    %dma_start3A_105 = arith.constant 0 : i32
    %dma_start3A_106 = tpu.memref_slice %arg2[%add3A_104, %dma_start3A_105] : memref<110100x32xf32, #tpu.memory_space<hbm>> -> memref<112x32xf32, #tpu.memory_space<hbm>>
    %dma_start3A_107 = arith.constant 0 : i32
    %dma_start3A_108 = tpu.memref_slice %arg2[%add3A_104, %dma_start3A_107] : memref<110100x32xf32, #tpu.memory_space<hbm>> -> memref<112x32xf32, #tpu.memory_space<hbm>>
    tpu.enqueue_dma source(%dma_start3A_108 : memref<112x32xf32, #tpu.memory_space<hbm>>) target(%arg8 : memref<112x32xf32, #tpu.memory_space<vmem>>) target_semaphore(%arg12 : memref<!tpu.dma_semaphore, #tpu.memory_space<semaphore_mem>>)
    %dma_wait3A_109 = arith.constant 0 : i32
    %dma_wait3A_110 = tpu.memref_slice %arg2[%add3A_83, %dma_wait3A_109] : memref<110100x32xf32, #tpu.memory_space<hbm>> -> memref<112x32xf32, #tpu.memory_space<hbm>>
    %dma_wait3A_111 = arith.constant 0 : i32
    %dma_wait3A_112 = tpu.memref_slice %arg2[%add3A_83, %dma_wait3A_111] : memref<110100x32xf32, #tpu.memory_space<hbm>> -> memref<112x32xf32, #tpu.memory_space<hbm>>
    tpu.wait_dma2 semaphore(%arg13 : memref<!tpu.dma_semaphore, #tpu.memory_space<semaphore_mem>>) src(%dma_wait3A_112 : memref<112x32xf32, #tpu.memory_space<hbm>>) dst(%arg9 : memref<112x32xf32, #tpu.memory_space<vmem>>)
    %scan3A_113 = arith.constant 0 : i32
    %scan3A_114 = arith.constant 112 : i32
    %scan3A_115 = arith.addi %scan3A_113, %scan3A_114 : i32
    %scan3A_116 = arith.constant 1 : i32
    %scan3A_117:4 = scf.for %scan3A_803 = %scan3A_113 to %scan3A_115 step %scan3A_116 iter_args(%scan3A_804 = %scan3A_95#0, %scan3A_805 = %scan3A_95#1, %scan3A_806 = %scan3A_95#2, %scan3A_807 = %scan3A_95#3) -> (i32, i32, i32, i32)  : i32 {
      %get3A = arith.index_cast %scan3A_803 : i32 to index
      %get3A_808 = arith.constant 0 : index
      %get3A_809 = tpu.vector_load %arg9[%get3A, %get3A_808] {strides = array<i32>} : memref<112x32xf32, #tpu.memory_space<vmem>>, vector<1x16xf32>,
      %get3A_810 = vector.shape_cast %get3A_809 : vector<1x16xf32> to vector<16xf32>
      %get3A_811 = arith.index_cast %scan3A_804 : i32 to index
      %get3A_812 = arith.constant 0 : index
      %get3A_813 = tpu.vector_load %arg5[%get3A_811, %get3A_812] {strides = array<i32>} : memref<328x32xf32, #tpu.memory_space<vmem>>, vector<1x16xf32>,
      %get3A_814 = vector.shape_cast %get3A_813 : vector<1x16xf32> to vector<16xf32>
      %add3A_815 = arith.addf %get3A_810, %get3A_814 : vector<16xf32>
      %get3A_816 = arith.index_cast %scan3A_806 : i32 to index
      %get3A_817 = arith.constant 0 : index
      %get3A_818 = tpu.vector_load %arg4[%get3A_816, %get3A_817] {strides = array<i32>} : memref<16x32xf32, #tpu.memory_space<vmem>>, vector<1x16xf32>,
      %get3A_819 = vector.shape_cast %get3A_818 : vector<1x16xf32> to vector<16xf32>
      %add3A_820 = arith.addf %add3A_815, %get3A_819 : vector<16xf32>
      %swap3A = arith.index_cast %scan3A_803 : i32 to index
      %swap3A_821 = arith.constant 0 : index
      %swap3A_822 = tpu.vector_load %arg7[%swap3A, %swap3A_821] {strides = array<i32>} : memref<112x32xf32, #tpu.memory_space<vmem>>, vector<1x16xf32>,
      %swap3A_823 = vector.shape_cast %swap3A_822 : vector<1x16xf32> to vector<16xf32>
      %swap3A_824 = vector.shape_cast %add3A_820 : vector<16xf32> to vector<1x16xf32>
      tpu.vector_store %arg7[%swap3A, %swap3A_821], %swap3A_824 {strides = array<i32>} : memref<112x32xf32, #tpu.memory_space<vmem>>, vector<1x16xf32>,
      %get3A_825 = arith.index_cast %scan3A_803 : i32 to index
      %get3A_826 = arith.constant 16 : index
      %get3A_827 = tpu.vector_load %arg9[%get3A_825, %get3A_826] {strides = array<i32>} : memref<112x32xf32, #tpu.memory_space<vmem>>, vector<1x16xf32>,
      %get3A_828 = vector.shape_cast %get3A_827 : vector<1x16xf32> to vector<16xf32>
      %get3A_829 = arith.index_cast %scan3A_804 : i32 to index
      %get3A_830 = arith.constant 16 : index
      %get3A_831 = tpu.vector_load %arg5[%get3A_829, %get3A_830] {strides = array<i32>} : memref<328x32xf32, #tpu.memory_space<vmem>>, vector<1x16xf32>,
      %get3A_832 = vector.shape_cast %get3A_831 : vector<1x16xf32> to vector<16xf32>
      %add3A_833 = arith.addf %get3A_828, %get3A_832 : vector<16xf32>
      %get3A_834 = arith.index_cast %scan3A_806 : i32 to index
      %get3A_835 = arith.constant 16 : index
      %get3A_836 = tpu.vector_load %arg4[%get3A_834, %get3A_835] {strides = array<i32>} : memref<16x32xf32, #tpu.memory_space<vmem>>, vector<1x16xf32>,
      %get3A_837 = vector.shape_cast %get3A_836 : vector<1x16xf32> to vector<16xf32>
      %add3A_838 = arith.addf %add3A_833, %get3A_837 : vector<16xf32>
      %swap3A_839 = arith.index_cast %scan3A_803 : i32 to index
      %swap3A_840 = arith.constant 16 : index
      %swap3A_841 = tpu.vector_load %arg7[%swap3A_839, %swap3A_840] {strides = array<i32>} : memref<112x32xf32, #tpu.memory_space<vmem>>, vector<1x16xf32>,
      %swap3A_842 = vector.shape_cast %swap3A_841 : vector<1x16xf32> to vector<16xf32>
      %swap3A_843 = vector.shape_cast %add3A_838 : vector<16xf32> to vector<1x16xf32>
      tpu.vector_store %arg7[%swap3A_839, %swap3A_840], %swap3A_843 {strides = array<i32>} : memref<112x32xf32, #tpu.memory_space<vmem>>, vector<1x16xf32>,
      %sub3A_844 = arith.constant 1 : i32
      %sub3A_845 = arith.subi %scan3A_805, %sub3A_844 : i32
      %eq3A = arith.constant 0 : i32
      %eq3A_846 = arith.cmpi eq, %sub3A_845, %eq3A : i32
      %convert_element_type3A_847 = arith.extui %eq3A_846 : i1 to i32
      %add3A_848 = arith.addi %scan3A_804, %convert_element_type3A_847 : i32
      %min3A_849 = arith.minsi %add3A_848, %min3A_51 : i32
      %jit3A = arith.constant 10 : i32
      %select_n3A = arith.select %eq3A_846, %jit3A, %sub3A_845 : i32
      %sub3A_850 = arith.constant 1 : i32
      %sub3A_851 = arith.subi %scan3A_807, %sub3A_850 : i32
      %eq3A_852 = arith.constant 0 : i32
      %eq3A_853 = arith.cmpi eq, %sub3A_851, %eq3A_852 : i32
      %convert_element_type3A_854 = arith.extui %eq3A_853 : i1 to i32
      %add3A_855 = arith.addi %scan3A_806, %convert_element_type3A_854 : i32
      %min3A_856 = arith.minsi %add3A_855, %min3A_55 : i32
      %jit3A_857 = arith.constant 1000 : i32
      %select_n3A_858 = arith.select %eq3A_853, %jit3A_857, %sub3A_851 : i32
      scf.yield %min3A_849, %select_n3A, %min3A_856, %select_n3A_858 : i32, i32, i32, i32
    }
    %scan3A_118 = arith.constant 112 : i32
    %add3A_119 = arith.constant 112 : i32
    %add3A_120 = arith.addi %multiple_of3A, %add3A_119 : i32
    %dma_start3A_121 = arith.constant 0 : i32
    %dma_start3A_122 = tpu.memref_slice %arg3[%add3A_120, %dma_start3A_121] : memref<100352x32xf32, #tpu.memory_space<hbm>> -> memref<112x32xf32, #tpu.memory_space<hbm>>
    %dma_start3A_123 = arith.constant 0 : i32
    %dma_start3A_124 = tpu.memref_slice %arg3[%add3A_120, %dma_start3A_123] : memref<100352x32xf32, #tpu.memory_space<hbm>> -> memref<112x32xf32, #tpu.memory_space<hbm>>
    tpu.enqueue_dma source(%arg7 : memref<112x32xf32, #tpu.memory_space<vmem>>) target(%dma_start3A_124 : memref<112x32xf32, #tpu.memory_space<hbm>>) target_semaphore(%arg15 : memref<!tpu.dma_semaphore, #tpu.memory_space<semaphore_mem>>)
    %add3A_125 = arith.constant 336 : i32
    %add3A_126 = arith.addi %multiple_of3A, %add3A_125 : i32
    %dma_start3A_127 = arith.constant 0 : i32
    %dma_start3A_128 = tpu.memref_slice %arg2[%add3A_126, %dma_start3A_127] : memref<110100x32xf32, #tpu.memory_space<hbm>> -> memref<112x32xf32, #tpu.memory_space<hbm>>
    %dma_start3A_129 = arith.constant 0 : i32
    %dma_start3A_130 = tpu.memref_slice %arg2[%add3A_126, %dma_start3A_129] : memref<110100x32xf32, #tpu.memory_space<hbm>> -> memref<112x32xf32, #tpu.memory_space<hbm>>
    tpu.enqueue_dma source(%dma_start3A_130 : memref<112x32xf32, #tpu.memory_space<hbm>>) target(%arg9 : memref<112x32xf32, #tpu.memory_space<vmem>>) target_semaphore(%arg13 : memref<!tpu.dma_semaphore, #tpu.memory_space<semaphore_mem>>)
    %dma_wait3A_131 = arith.constant 0 : i32
    %dma_wait3A_132 = tpu.memref_slice %arg2[%add3A_104, %dma_wait3A_131] : memref<110100x32xf32, #tpu.memory_space<hbm>> -> memref<112x32xf32, #tpu.memory_space<hbm>>
    %dma_wait3A_133 = arith.constant 0 : i32
    %dma_wait3A_134 = tpu.memref_slice %arg2[%add3A_104, %dma_wait3A_133] : memref<110100x32xf32, #tpu.memory_space<hbm>> -> memref<112x32xf32, #tpu.memory_space<hbm>>
    tpu.wait_dma2 semaphore(%arg12 : memref<!tpu.dma_semaphore, #tpu.memory_space<semaphore_mem>>) src(%dma_wait3A_134 : memref<112x32xf32, #tpu.memory_space<hbm>>) dst(%arg8 : memref<112x32xf32, #tpu.memory_space<vmem>>)
    %dma_wait3A_135 = arith.constant 0 : i32
    %dma_wait3A_136 = tpu.memref_slice %arg3[%add3A_98, %dma_wait3A_135] : memref<100352x32xf32, #tpu.memory_space<hbm>> -> memref<112x32xf32, #tpu.memory_space<hbm>>
    %dma_wait3A_137 = arith.constant 0 : i32
    %dma_wait3A_138 = tpu.memref_slice %arg3[%add3A_98, %dma_wait3A_137] : memref<100352x32xf32, #tpu.memory_space<hbm>> -> memref<112x32xf32, #tpu.memory_space<hbm>>
    tpu.wait_dma2 semaphore(%arg14 : memref<!tpu.dma_semaphore, #tpu.memory_space<semaphore_mem>>) src(%arg6 : memref<112x32xf32, #tpu.memory_space<vmem>>) dst(%dma_wait3A_138 : memref<112x32xf32, #tpu.memory_space<hbm>>)
    %scan3A_139 = arith.constant 0 : i32
    %scan3A_140 = arith.constant 112 : i32
    %scan3A_141 = arith.addi %scan3A_139, %scan3A_140 : i32
    %scan3A_142 = arith.constant 1 : i32
    %scan3A_143:4 = scf.for %scan3A_803 = %scan3A_139 to %scan3A_141 step %scan3A_142 iter_args(%scan3A_804 = %scan3A_117#0, %scan3A_805 = %scan3A_117#1, %scan3A_806 = %scan3A_117#2, %scan3A_807 = %scan3A_117#3) -> (i32, i32, i32, i32)  : i32 {
      %get3A = arith.index_cast %scan3A_803 : i32 to index
      %get3A_808 = arith.constant 0 : index
      %get3A_809 = tpu.vector_load %arg8[%get3A, %get3A_808] {strides = array<i32>} : memref<112x32xf32, #tpu.memory_space<vmem>>, vector<1x16xf32>,
      %get3A_810 = vector.shape_cast %get3A_809 : vector<1x16xf32> to vector<16xf32>
      %get3A_811 = arith.index_cast %scan3A_804 : i32 to index
      %get3A_812 = arith.constant 0 : index
      %get3A_813 = tpu.vector_load %arg5[%get3A_811, %get3A_812] {strides = array<i32>} : memref<328x32xf32, #tpu.memory_space<vmem>>, vector<1x16xf32>,
      %get3A_814 = vector.shape_cast %get3A_813 : vector<1x16xf32> to vector<16xf32>
      %add3A_815 = arith.addf %get3A_810, %get3A_814 : vector<16xf32>
      %get3A_816 = arith.index_cast %scan3A_806 : i32 to index
      %get3A_817 = arith.constant 0 : index
      %get3A_818 = tpu.vector_load %arg4[%get3A_816, %get3A_817] {strides = array<i32>} : memref<16x32xf32, #tpu.memory_space<vmem>>, vector<1x16xf32>,
      %get3A_819 = vector.shape_cast %get3A_818 : vector<1x16xf32> to vector<16xf32>
      %add3A_820 = arith.addf %add3A_815, %get3A_819 : vector<16xf32>
      %swap3A = arith.index_cast %scan3A_803 : i32 to index
      %swap3A_821 = arith.constant 0 : index
      %swap3A_822 = tpu.vector_load %arg6[%swap3A, %swap3A_821] {strides = array<i32>} : memref<112x32xf32, #tpu.memory_space<vmem>>, vector<1x16xf32>,
      %swap3A_823 = vector.shape_cast %swap3A_822 : vector<1x16xf32> to vector<16xf32>
      %swap3A_824 = vector.shape_cast %add3A_820 : vector<16xf32> to vector<1x16xf32>
      tpu.vector_store %arg6[%swap3A, %swap3A_821], %swap3A_824 {strides = array<i32>} : memref<112x32xf32, #tpu.memory_space<vmem>>, vector<1x16xf32>,
      %get3A_825 = arith.index_cast %scan3A_803 : i32 to index
      %get3A_826 = arith.constant 16 : index
      %get3A_827 = tpu.vector_load %arg8[%get3A_825, %get3A_826] {strides = array<i32>} : memref<112x32xf32, #tpu.memory_space<vmem>>, vector<1x16xf32>,
      %get3A_828 = vector.shape_cast %get3A_827 : vector<1x16xf32> to vector<16xf32>
      %get3A_829 = arith.index_cast %scan3A_804 : i32 to index
      %get3A_830 = arith.constant 16 : index
      %get3A_831 = tpu.vector_load %arg5[%get3A_829, %get3A_830] {strides = array<i32>} : memref<328x32xf32, #tpu.memory_space<vmem>>, vector<1x16xf32>,
      %get3A_832 = vector.shape_cast %get3A_831 : vector<1x16xf32> to vector<16xf32>
      %add3A_833 = arith.addf %get3A_828, %get3A_832 : vector<16xf32>
      %get3A_834 = arith.index_cast %scan3A_806 : i32 to index
      %get3A_835 = arith.constant 16 : index
      %get3A_836 = tpu.vector_load %arg4[%get3A_834, %get3A_835] {strides = array<i32>} : memref<16x32xf32, #tpu.memory_space<vmem>>, vector<1x16xf32>,
      %get3A_837 = vector.shape_cast %get3A_836 : vector<1x16xf32> to vector<16xf32>
      %add3A_838 = arith.addf %add3A_833, %get3A_837 : vector<16xf32>
      %swap3A_839 = arith.index_cast %scan3A_803 : i32 to index
      %swap3A_840 = arith.constant 16 : index
      %swap3A_841 = tpu.vector_load %arg6[%swap3A_839, %swap3A_840] {strides = array<i32>} : memref<112x32xf32, #tpu.memory_space<vmem>>, vector<1x16xf32>,
      %swap3A_842 = vector.shape_cast %swap3A_841 : vector<1x16xf32> to vector<16xf32>
      %swap3A_843 = vector.shape_cast %add3A_838 : vector<16xf32> to vector<1x16xf32>
      tpu.vector_store %arg6[%swap3A_839, %swap3A_840], %swap3A_843 {strides = array<i32>} : memref<112x32xf32, #tpu.memory_space<vmem>>, vector<1x16xf32>,
      %sub3A_844 = arith.constant 1 : i32
      %sub3A_845 = arith.subi %scan3A_805, %sub3A_844 : i32
      %eq3A = arith.constant 0 : i32
      %eq3A_846 = arith.cmpi eq, %sub3A_845, %eq3A : i32
      %convert_element_type3A_847 = arith.extui %eq3A_846 : i1 to i32
      %add3A_848 = arith.addi %scan3A_804, %convert_element_type3A_847 : i32
      %min3A_849 = arith.minsi %add3A_848, %min3A_51 : i32
      %jit3A = arith.constant 10 : i32
      %select_n3A = arith.select %eq3A_846, %jit3A, %sub3A_845 : i32
      %sub3A_850 = arith.constant 1 : i32
      %sub3A_851 = arith.subi %scan3A_807, %sub3A_850 : i32
      %eq3A_852 = arith.constant 0 : i32
      %eq3A_853 = arith.cmpi eq, %sub3A_851, %eq3A_852 : i32
      %convert_element_type3A_854 = arith.extui %eq3A_853 : i1 to i32
      %add3A_855 = arith.addi %scan3A_806, %convert_element_type3A_854 : i32
      %min3A_856 = arith.minsi %add3A_855, %min3A_55 : i32
      %jit3A_857 = arith.constant 1000 : i32
      %select_n3A_858 = arith.select %eq3A_853, %jit3A_857, %sub3A_851 : i32
      scf.yield %min3A_849, %select_n3A, %min3A_856, %select_n3A_858 : i32, i32, i32, i32
    }
    %scan3A_144 = arith.constant 112 : i32
    %add3A_145 = arith.constant 224 : i32
    %add3A_146 = arith.addi %multiple_of3A, %add3A_145 : i32
    %dma_start3A_147 = arith.constant 0 : i32
    %dma_start3A_148 = tpu.memref_slice %arg3[%add3A_146, %dma_start3A_147] : memref<100352x32xf32, #tpu.memory_space<hbm>> -> memref<112x32xf32, #tpu.memory_space<hbm>>
    %dma_start3A_149 = arith.constant 0 : i32
    %dma_start3A_150 = tpu.memref_slice %arg3[%add3A_146, %dma_start3A_149] : memref<100352x32xf32, #tpu.memory_space<hbm>> -> memref<112x32xf32, #tpu.memory_space<hbm>>
    tpu.enqueue_dma source(%arg6 : memref<112x32xf32, #tpu.memory_space<vmem>>) target(%dma_start3A_150 : memref<112x32xf32, #tpu.memory_space<hbm>>) target_semaphore(%arg14 : memref<!tpu.dma_semaphore, #tpu.memory_space<semaphore_mem>>)
    %add3A_151 = arith.constant 448 : i32
    %add3A_152 = arith.addi %multiple_of3A, %add3A_151 : i32
    %dma_start3A_153 = arith.constant 0 : i32
    %dma_start3A_154 = tpu.memref_slice %arg2[%add3A_152, %dma_start3A_153] : memref<110100x32xf32, #tpu.memory_space<hbm>> -> memref<112x32xf32, #tpu.memory_space<hbm>>
    %dma_start3A_155 = arith.constant 0 : i32
    %dma_start3A_156 = tpu.memref_slice %arg2[%add3A_152, %dma_start3A_155] : memref<110100x32xf32, #tpu.memory_space<hbm>> -> memref<112x32xf32, #tpu.memory_space<hbm>>
    tpu.enqueue_dma source(%dma_start3A_156 : memref<112x32xf32, #tpu.memory_space<hbm>>) target(%arg8 : memref<112x32xf32, #tpu.memory_space<vmem>>) target_semaphore(%arg12 : memref<!tpu.dma_semaphore, #tpu.memory_space<semaphore_mem>>)
    %dma_wait3A_157 = arith.constant 0 : i32
    %dma_wait3A_158 = tpu.memref_slice %arg2[%add3A_126, %dma_wait3A_157] : memref<110100x32xf32, #tpu.memory_space<hbm>> -> memref<112x32xf32, #tpu.memory_space<hbm>>
    %dma_wait3A_159 = arith.constant 0 : i32
    %dma_wait3A_160 = tpu.memref_slice %arg2[%add3A_126, %dma_wait3A_159] : memref<110100x32xf32, #tpu.memory_space<hbm>> -> memref<112x32xf32, #tpu.memory_space<hbm>>
    tpu.wait_dma2 semaphore(%arg13 : memref<!tpu.dma_semaphore, #tpu.memory_space<semaphore_mem>>) src(%dma_wait3A_160 : memref<112x32xf32, #tpu.memory_space<hbm>>) dst(%arg9 : memref<112x32xf32, #tpu.memory_space<vmem>>)
    %dma_wait3A_161 = arith.constant 0 : i32
    %dma_wait3A_162 = tpu.memref_slice %arg3[%add3A_120, %dma_wait3A_161] : memref<100352x32xf32, #tpu.memory_space<hbm>> -> memref<112x32xf32, #tpu.memory_space<hbm>>
    %dma_wait3A_163 = arith.constant 0 : i32
    %dma_wait3A_164 = tpu.memref_slice %arg3[%add3A_120, %dma_wait3A_163] : memref<100352x32xf32, #tpu.memory_space<hbm>> -> memref<112x32xf32, #tpu.memory_space<hbm>>
    tpu.wait_dma2 semaphore(%arg15 : memref<!tpu.dma_semaphore, #tpu.memory_space<semaphore_mem>>) src(%arg7 : memref<112x32xf32, #tpu.memory_space<vmem>>) dst(%dma_wait3A_164 : memref<112x32xf32, #tpu.memory_space<hbm>>)
    %scan3A_165 = arith.constant 0 : i32
    %scan3A_166 = arith.constant 112 : i32
    %scan3A_167 = arith.addi %scan3A_165, %scan3A_166 : i32
    %scan3A_168 = arith.constant 1 : i32
    %scan3A_169:4 = scf.for %scan3A_803 = %scan3A_165 to %scan3A_167 step %scan3A_168 iter_args(%scan3A_804 = %scan3A_143#0, %scan3A_805 = %scan3A_143#1, %scan3A_806 = %scan3A_143#2, %scan3A_807 = %scan3A_143#3) -> (i32, i32, i32, i32)  : i32 {
      %get3A = arith.index_cast %scan3A_803 : i32 to index
      %get3A_808 = arith.constant 0 : index
      %get3A_809 = tpu.vector_load %arg9[%get3A, %get3A_808] {strides = array<i32>} : memref<112x32xf32, #tpu.memory_space<vmem>>, vector<1x16xf32>,
      %get3A_810 = vector.shape_cast %get3A_809 : vector<1x16xf32> to vector<16xf32>
      %get3A_811 = arith.index_cast %scan3A_804 : i32 to index
      %get3A_812 = arith.constant 0 : index
      %get3A_813 = tpu.vector_load %arg5[%get3A_811, %get3A_812] {strides = array<i32>} : memref<328x32xf32, #tpu.memory_space<vmem>>, vector<1x16xf32>,
      %get3A_814 = vector.shape_cast %get3A_813 : vector<1x16xf32> to vector<16xf32>
      %add3A_815 = arith.addf %get3A_810, %get3A_814 : vector<16xf32>
      %get3A_816 = arith.index_cast %scan3A_806 : i32 to index
      %get3A_817 = arith.constant 0 : index
      %get3A_818 = tpu.vector_load %arg4[%get3A_816, %get3A_817] {strides = array<i32>} : memref<16x32xf32, #tpu.memory_space<vmem>>, vector<1x16xf32>,
      %get3A_819 = vector.shape_cast %get3A_818 : vector<1x16xf32> to vector<16xf32>
      %add3A_820 = arith.addf %add3A_815, %get3A_819 : vector<16xf32>
      %swap3A = arith.index_cast %scan3A_803 : i32 to index
      %swap3A_821 = arith.constant 0 : index
      %swap3A_822 = tpu.vector_load %arg7[%swap3A, %swap3A_821] {strides = array<i32>} : memref<112x32xf32, #tpu.memory_space<vmem>>, vector<1x16xf32>,
      %swap3A_823 = vector.shape_cast %swap3A_822 : vector<1x16xf32> to vector<16xf32>
      %swap3A_824 = vector.shape_cast %add3A_820 : vector<16xf32> to vector<1x16xf32>
      tpu.vector_store %arg7[%swap3A, %swap3A_821], %swap3A_824 {strides = array<i32>} : memref<112x32xf32, #tpu.memory_space<vmem>>, vector<1x16xf32>,
      %get3A_825 = arith.index_cast %scan3A_803 : i32 to index
      %get3A_826 = arith.constant 16 : index
      %get3A_827 = tpu.vector_load %arg9[%get3A_825, %get3A_826] {strides = array<i32>} : memref<112x32xf32, #tpu.memory_space<vmem>>, vector<1x16xf32>,
      %get3A_828 = vector.shape_cast %get3A_827 : vector<1x16xf32> to vector<16xf32>
      %get3A_829 = arith.index_cast %scan3A_804 : i32 to index
      %get3A_830 = arith.constant 16 : index
      %get3A_831 = tpu.vector_load %arg5[%get3A_829, %get3A_830] {strides = array<i32>} : memref<328x32xf32, #tpu.memory_space<vmem>>, vector<1x16xf32>,
      %get3A_832 = vector.shape_cast %get3A_831 : vector<1x16xf32> to vector<16xf32>
      %add3A_833 = arith.addf %get3A_828, %get3A_832 : vector<16xf32>
      %get3A_834 = arith.index_cast %scan3A_806 : i32 to index
      %get3A_835 = arith.constant 16 : index
      %get3A_836 = tpu.vector_load %arg4[%get3A_834, %get3A_835] {strides = array<i32>} : memref<16x32xf32, #tpu.memory_space<vmem>>, vector<1x16xf32>,
      %get3A_837 = vector.shape_cast %get3A_836 : vector<1x16xf32> to vector<16xf32>
      %add3A_838 = arith.addf %add3A_833, %get3A_837 : vector<16xf32>
      %swap3A_839 = arith.index_cast %scan3A_803 : i32 to index
      %swap3A_840 = arith.constant 16 : index
      %swap3A_841 = tpu.vector_load %arg7[%swap3A_839, %swap3A_840] {strides = array<i32>} : memref<112x32xf32, #tpu.memory_space<vmem>>, vector<1x16xf32>,
      %swap3A_842 = vector.shape_cast %swap3A_841 : vector<1x16xf32> to vector<16xf32>
      %swap3A_843 = vector.shape_cast %add3A_838 : vector<16xf32> to vector<1x16xf32>
      tpu.vector_store %arg7[%swap3A_839, %swap3A_840], %swap3A_843 {strides = array<i32>} : memref<112x32xf32, #tpu.memory_space<vmem>>, vector<1x16xf32>,
      %sub3A_844 = arith.constant 1 : i32
      %sub3A_845 = arith.subi %scan3A_805, %sub3A_844 : i32
      %eq3A = arith.constant 0 : i32
      %eq3A_846 = arith.cmpi eq, %sub3A_845, %eq3A : i32
      %convert_element_type3A_847 = arith.extui %eq3A_846 : i1 to i32
      %add3A_848 = arith.addi %scan3A_804, %convert_element_type3A_847 : i32
      %min3A_849 = arith.minsi %add3A_848, %min3A_51 : i32
      %jit3A = arith.constant 10 : i32
      %select_n3A = arith.select %eq3A_846, %jit3A, %sub3A_845 : i32
      %sub3A_850 = arith.constant 1 : i32
      %sub3A_851 = arith.subi %scan3A_807, %sub3A_850 : i32
      %eq3A_852 = arith.constant 0 : i32
      %eq3A_853 = arith.cmpi eq, %sub3A_851, %eq3A_852 : i32
      %convert_element_type3A_854 = arith.extui %eq3A_853 : i1 to i32
      %add3A_855 = arith.addi %scan3A_806, %convert_element_type3A_854 : i32
      %min3A_856 = arith.minsi %add3A_855, %min3A_55 : i32
      %jit3A_857 = arith.constant 1000 : i32
      %select_n3A_858 = arith.select %eq3A_853, %jit3A_857, %sub3A_851 : i32
      scf.yield %min3A_849, %select_n3A, %min3A_856, %select_n3A_858 : i32, i32, i32, i32
    }
    %scan3A_170 = arith.constant 112 : i32
    %add3A_171 = arith.constant 336 : i32
    %add3A_172 = arith.addi %multiple_of3A, %add3A_171 : i32
    %dma_start3A_173 = arith.constant 0 : i32
    %dma_start3A_174 = tpu.memref_slice %arg3[%add3A_172, %dma_start3A_173] : memref<100352x32xf32, #tpu.memory_space<hbm>> -> memref<112x32xf32, #tpu.memory_space<hbm>>
    %dma_start3A_175 = arith.constant 0 : i32
    %dma_start3A_176 = tpu.memref_slice %arg3[%add3A_172, %dma_start3A_175] : memref<100352x32xf32, #tpu.memory_space<hbm>> -> memref<112x32xf32, #tpu.memory_space<hbm>>
    tpu.enqueue_dma source(%arg7 : memref<112x32xf32, #tpu.memory_space<vmem>>) target(%dma_start3A_176 : memref<112x32xf32, #tpu.memory_space<hbm>>) target_semaphore(%arg15 : memref<!tpu.dma_semaphore, #tpu.memory_space<semaphore_mem>>)
    %add3A_177 = arith.constant 560 : i32
    %add3A_178 = arith.addi %multiple_of3A, %add3A_177 : i32
    %dma_start3A_179 = arith.constant 0 : i32
    %dma_start3A_180 = tpu.memref_slice %arg2[%add3A_178, %dma_start3A_179] : memref<110100x32xf32, #tpu.memory_space<hbm>> -> memref<112x32xf32, #tpu.memory_space<hbm>>
    %dma_start3A_181 = arith.constant 0 : i32
    %dma_start3A_182 = tpu.memref_slice %arg2[%add3A_178, %dma_start3A_181] : memref<110100x32xf32, #tpu.memory_space<hbm>> -> memref<112x32xf32, #tpu.memory_space<hbm>>
    tpu.enqueue_dma source(%dma_start3A_182 : memref<112x32xf32, #tpu.memory_space<hbm>>) target(%arg9 : memref<112x32xf32, #tpu.memory_space<vmem>>) target_semaphore(%arg13 : memref<!tpu.dma_semaphore, #tpu.memory_space<semaphore_mem>>)
    %dma_wait3A_183 = arith.constant 0 : i32
    %dma_wait3A_184 = tpu.memref_slice %arg2[%add3A_152, %dma_wait3A_183] : memref<110100x32xf32, #tpu.memory_space<hbm>> -> memref<112x32xf32, #tpu.memory_space<hbm>>
    %dma_wait3A_185 = arith.constant 0 : i32
    %dma_wait3A_186 = tpu.memref_slice %arg2[%add3A_152, %dma_wait3A_185] : memref<110100x32xf32, #tpu.memory_space<hbm>> -> memref<112x32xf32, #tpu.memory_space<hbm>>
    tpu.wait_dma2 semaphore(%arg12 : memref<!tpu.dma_semaphore, #tpu.memory_space<semaphore_mem>>) src(%dma_wait3A_186 : memref<112x32xf32, #tpu.memory_space<hbm>>) dst(%arg8 : memref<112x32xf32, #tpu.memory_space<vmem>>)
    %dma_wait3A_187 = arith.constant 0 : i32
    %dma_wait3A_188 = tpu.memref_slice %arg3[%add3A_146, %dma_wait3A_187] : memref<100352x32xf32, #tpu.memory_space<hbm>> -> memref<112x32xf32, #tpu.memory_space<hbm>>
    %dma_wait3A_189 = arith.constant 0 : i32
    %dma_wait3A_190 = tpu.memref_slice %arg3[%add3A_146, %dma_wait3A_189] : memref<100352x32xf32, #tpu.memory_space<hbm>> -> memref<112x32xf32, #tpu.memory_space<hbm>>
    tpu.wait_dma2 semaphore(%arg14 : memref<!tpu.dma_semaphore, #tpu.memory_space<semaphore_mem>>) src(%arg6 : memref<112x32xf32, #tpu.memory_space<vmem>>) dst(%dma_wait3A_190 : memref<112x32xf32, #tpu.memory_space<hbm>>)
    %scan3A_191 = arith.constant 0 : i32
    %scan3A_192 = arith.constant 112 : i32
    %scan3A_193 = arith.addi %scan3A_191, %scan3A_192 : i32
    %scan3A_194 = arith.constant 1 : i32
    %scan3A_195:4 = scf.for %scan3A_803 = %scan3A_191 to %scan3A_193 step %scan3A_194 iter_args(%scan3A_804 = %scan3A_169#0, %scan3A_805 = %scan3A_169#1, %scan3A_806 = %scan3A_169#2, %scan3A_807 = %scan3A_169#3) -> (i32, i32, i32, i32)  : i32 {
      %get3A = arith.index_cast %scan3A_803 : i32 to index
      %get3A_808 = arith.constant 0 : index
      %get3A_809 = tpu.vector_load %arg8[%get3A, %get3A_808] {strides = array<i32>} : memref<112x32xf32, #tpu.memory_space<vmem>>, vector<1x16xf32>,
      %get3A_810 = vector.shape_cast %get3A_809 : vector<1x16xf32> to vector<16xf32>
      %get3A_811 = arith.index_cast %scan3A_804 : i32 to index
      %get3A_812 = arith.constant 0 : index
      %get3A_813 = tpu.vector_load %arg5[%get3A_811, %get3A_812] {strides = array<i32>} : memref<328x32xf32, #tpu.memory_space<vmem>>, vector<1x16xf32>,
      %get3A_814 = vector.shape_cast %get3A_813 : vector<1x16xf32> to vector<16xf32>
      %add3A_815 = arith.addf %get3A_810, %get3A_814 : vector<16xf32>
      %get3A_816 = arith.index_cast %scan3A_806 : i32 to index
      %get3A_817 = arith.constant 0 : index
      %get3A_818 = tpu.vector_load %arg4[%get3A_816, %get3A_817] {strides = array<i32>} : memref<16x32xf32, #tpu.memory_space<vmem>>, vector<1x16xf32>,
      %get3A_819 = vector.shape_cast %get3A_818 : vector<1x16xf32> to vector<16xf32>
      %add3A_820 = arith.addf %add3A_815, %get3A_819 : vector<16xf32>
      %swap3A = arith.index_cast %scan3A_803 : i32 to index
      %swap3A_821 = arith.constant 0 : index
      %swap3A_822 = tpu.vector_load %arg6[%swap3A, %swap3A_821] {strides = array<i32>} : memref<112x32xf32, #tpu.memory_space<vmem>>, vector<1x16xf32>,
      %swap3A_823 = vector.shape_cast %swap3A_822 : vector<1x16xf32> to vector<16xf32>
      %swap3A_824 = vector.shape_cast %add3A_820 : vector<16xf32> to vector<1x16xf32>
      tpu.vector_store %arg6[%swap3A, %swap3A_821], %swap3A_824 {strides = array<i32>} : memref<112x32xf32, #tpu.memory_space<vmem>>, vector<1x16xf32>,
      %get3A_825 = arith.index_cast %scan3A_803 : i32 to index
      %get3A_826 = arith.constant 16 : index
      %get3A_827 = tpu.vector_load %arg8[%get3A_825, %get3A_826] {strides = array<i32>} : memref<112x32xf32, #tpu.memory_space<vmem>>, vector<1x16xf32>,
      %get3A_828 = vector.shape_cast %get3A_827 : vector<1x16xf32> to vector<16xf32>
      %get3A_829 = arith.index_cast %scan3A_804 : i32 to index
      %get3A_830 = arith.constant 16 : index
      %get3A_831 = tpu.vector_load %arg5[%get3A_829, %get3A_830] {strides = array<i32>} : memref<328x32xf32, #tpu.memory_space<vmem>>, vector<1x16xf32>,
      %get3A_832 = vector.shape_cast %get3A_831 : vector<1x16xf32> to vector<16xf32>
      %add3A_833 = arith.addf %get3A_828, %get3A_832 : vector<16xf32>
      %get3A_834 = arith.index_cast %scan3A_806 : i32 to index
      %get3A_835 = arith.constant 16 : index
      %get3A_836 = tpu.vector_load %arg4[%get3A_834, %get3A_835] {strides = array<i32>} : memref<16x32xf32, #tpu.memory_space<vmem>>, vector<1x16xf32>,
      %get3A_837 = vector.shape_cast %get3A_836 : vector<1x16xf32> to vector<16xf32>
      %add3A_838 = arith.addf %add3A_833, %get3A_837 : vector<16xf32>
      %swap3A_839 = arith.index_cast %scan3A_803 : i32 to index
      %swap3A_840 = arith.constant 16 : index
      %swap3A_841 = tpu.vector_load %arg6[%swap3A_839, %swap3A_840] {strides = array<i32>} : memref<112x32xf32, #tpu.memory_space<vmem>>, vector<1x16xf32>,
      %swap3A_842 = vector.shape_cast %swap3A_841 : vector<1x16xf32> to vector<16xf32>
      %swap3A_843 = vector.shape_cast %add3A_838 : vector<16xf32> to vector<1x16xf32>
      tpu.vector_store %arg6[%swap3A_839, %swap3A_840], %swap3A_843 {strides = array<i32>} : memref<112x32xf32, #tpu.memory_space<vmem>>, vector<1x16xf32>,
      %sub3A_844 = arith.constant 1 : i32
      %sub3A_845 = arith.subi %scan3A_805, %sub3A_844 : i32
      %eq3A = arith.constant 0 : i32
      %eq3A_846 = arith.cmpi eq, %sub3A_845, %eq3A : i32
      %convert_element_type3A_847 = arith.extui %eq3A_846 : i1 to i32
      %add3A_848 = arith.addi %scan3A_804, %convert_element_type3A_847 : i32
      %min3A_849 = arith.minsi %add3A_848, %min3A_51 : i32
      %jit3A = arith.constant 10 : i32
      %select_n3A = arith.select %eq3A_846, %jit3A, %sub3A_845 : i32
      %sub3A_850 = arith.constant 1 : i32
      %sub3A_851 = arith.subi %scan3A_807, %sub3A_850 : i32
      %eq3A_852 = arith.constant 0 : i32
      %eq3A_853 = arith.cmpi eq, %sub3A_851, %eq3A_852 : i32
      %convert_element_type3A_854 = arith.extui %eq3A_853 : i1 to i32
      %add3A_855 = arith.addi %scan3A_806, %convert_element_type3A_854 : i32
      %min3A_856 = arith.minsi %add3A_855, %min3A_55 : i32
      %jit3A_857 = arith.constant 1000 : i32
      %select_n3A_858 = arith.select %eq3A_853, %jit3A_857, %sub3A_851 : i32
      scf.yield %min3A_849, %select_n3A, %min3A_856, %select_n3A_858 : i32, i32, i32, i32
    }
    %scan3A_196 = arith.constant 112 : i32
    %add3A_197 = arith.constant 448 : i32
    %add3A_198 = arith.addi %multiple_of3A, %add3A_197 : i32
    %dma_start3A_199 = arith.constant 0 : i32
    %dma_start3A_200 = tpu.memref_slice %arg3[%add3A_198, %dma_start3A_199] : memref<100352x32xf32, #tpu.memory_space<hbm>> -> memref<112x32xf32, #tpu.memory_space<hbm>>
    %dma_start3A_201 = arith.constant 0 : i32
    %dma_start3A_202 = tpu.memref_slice %arg3[%add3A_198, %dma_start3A_201] : memref<100352x32xf32, #tpu.memory_space<hbm>> -> memref<112x32xf32, #tpu.memory_space<hbm>>
    tpu.enqueue_dma source(%arg6 : memref<112x32xf32, #tpu.memory_space<vmem>>) target(%dma_start3A_202 : memref<112x32xf32, #tpu.memory_space<hbm>>) target_semaphore(%arg14 : memref<!tpu.dma_semaphore, #tpu.memory_space<semaphore_mem>>)
    %add3A_203 = arith.constant 672 : i32
    %add3A_204 = arith.addi %multiple_of3A, %add3A_203 : i32
    %dma_start3A_205 = arith.constant 0 : i32
    %dma_start3A_206 = tpu.memref_slice %arg2[%add3A_204, %dma_start3A_205] : memref<110100x32xf32, #tpu.memory_space<hbm>> -> memref<112x32xf32, #tpu.memory_space<hbm>>
    %dma_start3A_207 = arith.constant 0 : i32
    %dma_start3A_208 = tpu.memref_slice %arg2[%add3A_204, %dma_start3A_207] : memref<110100x32xf32, #tpu.memory_space<hbm>> -> memref<112x32xf32, #tpu.memory_space<hbm>>
    tpu.enqueue_dma source(%dma_start3A_208 : memref<112x32xf32, #tpu.memory_space<hbm>>) target(%arg8 : memref<112x32xf32, #tpu.memory_space<vmem>>) target_semaphore(%arg12 : memref<!tpu.dma_semaphore, #tpu.memory_space<semaphore_mem>>)
    %dma_wait3A_209 = arith.constant 0 : i32
    %dma_wait3A_210 = tpu.memref_slice %arg2[%add3A_178, %dma_wait3A_209] : memref<110100x32xf32, #tpu.memory_space<hbm>> -> memref<112x32xf32, #tpu.memory_space<hbm>>
    %dma_wait3A_211 = arith.constant 0 : i32
    %dma_wait3A_212 = tpu.memref_slice %arg2[%add3A_178, %dma_wait3A_211] : memref<110100x32xf32, #tpu.memory_space<hbm>> -> memref<112x32xf32, #tpu.memory_space<hbm>>
    tpu.wait_dma2 semaphore(%arg13 : memref<!tpu.dma_semaphore, #tpu.memory_space<semaphore_mem>>) src(%dma_wait3A_212 : memref<112x32xf32, #tpu.memory_space<hbm>>) dst(%arg9 : memref<112x32xf32, #tpu.memory_space<vmem>>)
    %dma_wait3A_213 = arith.constant 0 : i32
    %dma_wait3A_214 = tpu.memref_slice %arg3[%add3A_172, %dma_wait3A_213] : memref<100352x32xf32, #tpu.memory_space<hbm>> -> memref<112x32xf32, #tpu.memory_space<hbm>>
    %dma_wait3A_215 = arith.constant 0 : i32
    %dma_wait3A_216 = tpu.memref_slice %arg3[%add3A_172, %dma_wait3A_215] : memref<100352x32xf32, #tpu.memory_space<hbm>> -> memref<112x32xf32, #tpu.memory_space<hbm>>
    tpu.wait_dma2 semaphore(%arg15 : memref<!tpu.dma_semaphore, #tpu.memory_space<semaphore_mem>>) src(%arg7 : memref<112x32xf32, #tpu.memory_space<vmem>>) dst(%dma_wait3A_216 : memref<112x32xf32, #tpu.memory_space<hbm>>)
    %scan3A_217 = arith.constant 0 : i32
    %scan3A_218 = arith.constant 112 : i32
    %scan3A_219 = arith.addi %scan3A_217, %scan3A_218 : i32
    %scan3A_220 = arith.constant 1 : i32
    %scan3A_221:4 = scf.for %scan3A_803 = %scan3A_217 to %scan3A_219 step %scan3A_220 iter_args(%scan3A_804 = %scan3A_195#0, %scan3A_805 = %scan3A_195#1, %scan3A_806 = %scan3A_195#2, %scan3A_807 = %scan3A_195#3) -> (i32, i32, i32, i32)  : i32 {
      %get3A = arith.index_cast %scan3A_803 : i32 to index
      %get3A_808 = arith.constant 0 : index
      %get3A_809 = tpu.vector_load %arg9[%get3A, %get3A_808] {strides = array<i32>} : memref<112x32xf32, #tpu.memory_space<vmem>>, vector<1x16xf32>,
      %get3A_810 = vector.shape_cast %get3A_809 : vector<1x16xf32> to vector<16xf32>
      %get3A_811 = arith.index_cast %scan3A_804 : i32 to index
      %get3A_812 = arith.constant 0 : index
      %get3A_813 = tpu.vector_load %arg5[%get3A_811, %get3A_812] {strides = array<i32>} : memref<328x32xf32, #tpu.memory_space<vmem>>, vector<1x16xf32>,
      %get3A_814 = vector.shape_cast %get3A_813 : vector<1x16xf32> to vector<16xf32>
      %add3A_815 = arith.addf %get3A_810, %get3A_814 : vector<16xf32>
      %get3A_816 = arith.index_cast %scan3A_806 : i32 to index
      %get3A_817 = arith.constant 0 : index
      %get3A_818 = tpu.vector_load %arg4[%get3A_816, %get3A_817] {strides = array<i32>} : memref<16x32xf32, #tpu.memory_space<vmem>>, vector<1x16xf32>,
      %get3A_819 = vector.shape_cast %get3A_818 : vector<1x16xf32> to vector<16xf32>
      %add3A_820 = arith.addf %add3A_815, %get3A_819 : vector<16xf32>
      %swap3A = arith.index_cast %scan3A_803 : i32 to index
      %swap3A_821 = arith.constant 0 : index
      %swap3A_822 = tpu.vector_load %arg7[%swap3A, %swap3A_821] {strides = array<i32>} : memref<112x32xf32, #tpu.memory_space<vmem>>, vector<1x16xf32>,
      %swap3A_823 = vector.shape_cast %swap3A_822 : vector<1x16xf32> to vector<16xf32>
      %swap3A_824 = vector.shape_cast %add3A_820 : vector<16xf32> to vector<1x16xf32>
      tpu.vector_store %arg7[%swap3A, %swap3A_821], %swap3A_824 {strides = array<i32>} : memref<112x32xf32, #tpu.memory_space<vmem>>, vector<1x16xf32>,
      %get3A_825 = arith.index_cast %scan3A_803 : i32 to index
      %get3A_826 = arith.constant 16 : index
      %get3A_827 = tpu.vector_load %arg9[%get3A_825, %get3A_826] {strides = array<i32>} : memref<112x32xf32, #tpu.memory_space<vmem>>, vector<1x16xf32>,
      %get3A_828 = vector.shape_cast %get3A_827 : vector<1x16xf32> to vector<16xf32>
      %get3A_829 = arith.index_cast %scan3A_804 : i32 to index
      %get3A_830 = arith.constant 16 : index
      %get3A_831 = tpu.vector_load %arg5[%get3A_829, %get3A_830] {strides = array<i32>} : memref<328x32xf32, #tpu.memory_space<vmem>>, vector<1x16xf32>,
      %get3A_832 = vector.shape_cast %get3A_831 : vector<1x16xf32> to vector<16xf32>
      %add3A_833 = arith.addf %get3A_828, %get3A_832 : vector<16xf32>
      %get3A_834 = arith.index_cast %scan3A_806 : i32 to index
      %get3A_835 = arith.constant 16 : index
      %get3A_836 = tpu.vector_load %arg4[%get3A_834, %get3A_835] {strides = array<i32>} : memref<16x32xf32, #tpu.memory_space<vmem>>, vector<1x16xf32>,
      %get3A_837 = vector.shape_cast %get3A_836 : vector<1x16xf32> to vector<16xf32>
      %add3A_838 = arith.addf %add3A_833, %get3A_837 : vector<16xf32>
      %swap3A_839 = arith.index_cast %scan3A_803 : i32 to index
      %swap3A_840 = arith.constant 16 : index
      %swap3A_841 = tpu.vector_load %arg7[%swap3A_839, %swap3A_840] {strides = array<i32>} : memref<112x32xf32, #tpu.memory_space<vmem>>, vector<1x16xf32>,
      %swap3A_842 = vector.shape_cast %swap3A_841 : vector<1x16xf32> to vector<16xf32>
      %swap3A_843 = vector.shape_cast %add3A_838 : vector<16xf32> to vector<1x16xf32>
      tpu.vector_store %arg7[%swap3A_839, %swap3A_840], %swap3A_843 {strides = array<i32>} : memref<112x32xf32, #tpu.memory_space<vmem>>, vector<1x16xf32>,
      %sub3A_844 = arith.constant 1 : i32
      %sub3A_845 = arith.subi %scan3A_805, %sub3A_844 : i32
      %eq3A = arith.constant 0 : i32
      %eq3A_846 = arith.cmpi eq, %sub3A_845, %eq3A : i32
      %convert_element_type3A_847 = arith.extui %eq3A_846 : i1 to i32
      %add3A_848 = arith.addi %scan3A_804, %convert_element_type3A_847 : i32
      %min3A_849 = arith.minsi %add3A_848, %min3A_51 : i32
      %jit3A = arith.constant 10 : i32
      %select_n3A = arith.select %eq3A_846, %jit3A, %sub3A_845 : i32
      %sub3A_850 = arith.constant 1 : i32
      %sub3A_851 = arith.subi %scan3A_807, %sub3A_850 : i32
      %eq3A_852 = arith.constant 0 : i32
      %eq3A_853 = arith.cmpi eq, %sub3A_851, %eq3A_852 : i32
      %convert_element_type3A_854 = arith.extui %eq3A_853 : i1 to i32
      %add3A_855 = arith.addi %scan3A_806, %convert_element_type3A_854 : i32
      %min3A_856 = arith.minsi %add3A_855, %min3A_55 : i32
      %jit3A_857 = arith.constant 1000 : i32
      %select_n3A_858 = arith.select %eq3A_853, %jit3A_857, %sub3A_851 : i32
      scf.yield %min3A_849, %select_n3A, %min3A_856, %select_n3A_858 : i32, i32, i32, i32
    }
    %scan3A_222 = arith.constant 112 : i32
    %add3A_223 = arith.constant 560 : i32
    %add3A_224 = arith.addi %multiple_of3A, %add3A_223 : i32
    %dma_start3A_225 = arith.constant 0 : i32
    %dma_start3A_226 = tpu.memref_slice %arg3[%add3A_224, %dma_start3A_225] : memref<100352x32xf32, #tpu.memory_space<hbm>> -> memref<112x32xf32, #tpu.memory_space<hbm>>
    %dma_start3A_227 = arith.constant 0 : i32
    %dma_start3A_228 = tpu.memref_slice %arg3[%add3A_224, %dma_start3A_227] : memref<100352x32xf32, #tpu.memory_space<hbm>> -> memref<112x32xf32, #tpu.memory_space<hbm>>
    tpu.enqueue_dma source(%arg7 : memref<112x32xf32, #tpu.memory_space<vmem>>) target(%dma_start3A_228 : memref<112x32xf32, #tpu.memory_space<hbm>>) target_semaphore(%arg15 : memref<!tpu.dma_semaphore, #tpu.memory_space<semaphore_mem>>)
    %add3A_229 = arith.constant 784 : i32
    %add3A_230 = arith.addi %multiple_of3A, %add3A_229 : i32
    %dma_start3A_231 = arith.constant 0 : i32
    %dma_start3A_232 = tpu.memref_slice %arg2[%add3A_230, %dma_start3A_231] : memref<110100x32xf32, #tpu.memory_space<hbm>> -> memref<112x32xf32, #tpu.memory_space<hbm>>
    %dma_start3A_233 = arith.constant 0 : i32
    %dma_start3A_234 = tpu.memref_slice %arg2[%add3A_230, %dma_start3A_233] : memref<110100x32xf32, #tpu.memory_space<hbm>> -> memref<112x32xf32, #tpu.memory_space<hbm>>
    tpu.enqueue_dma source(%dma_start3A_234 : memref<112x32xf32, #tpu.memory_space<hbm>>) target(%arg9 : memref<112x32xf32, #tpu.memory_space<vmem>>) target_semaphore(%arg13 : memref<!tpu.dma_semaphore, #tpu.memory_space<semaphore_mem>>)
    %dma_wait3A_235 = arith.constant 0 : i32
    %dma_wait3A_236 = tpu.memref_slice %arg2[%add3A_204, %dma_wait3A_235] : memref<110100x32xf32, #tpu.memory_space<hbm>> -> memref<112x32xf32, #tpu.memory_space<hbm>>
    %dma_wait3A_237 = arith.constant 0 : i32
    %dma_wait3A_238 = tpu.memref_slice %arg2[%add3A_204, %dma_wait3A_237] : memref<110100x32xf32, #tpu.memory_space<hbm>> -> memref<112x32xf32, #tpu.memory_space<hbm>>
    tpu.wait_dma2 semaphore(%arg12 : memref<!tpu.dma_semaphore, #tpu.memory_space<semaphore_mem>>) src(%dma_wait3A_238 : memref<112x32xf32, #tpu.memory_space<hbm>>) dst(%arg8 : memref<112x32xf32, #tpu.memory_space<vmem>>)
    %dma_wait3A_239 = arith.constant 0 : i32
    %dma_wait3A_240 = tpu.memref_slice %arg3[%add3A_198, %dma_wait3A_239] : memref<100352x32xf32, #tpu.memory_space<hbm>> -> memref<112x32xf32, #tpu.memory_space<hbm>>
    %dma_wait3A_241 = arith.constant 0 : i32
    %dma_wait3A_242 = tpu.memref_slice %arg3[%add3A_198, %dma_wait3A_241] : memref<100352x32xf32, #tpu.memory_space<hbm>> -> memref<112x32xf32, #tpu.memory_space<hbm>>
    tpu.wait_dma2 semaphore(%arg14 : memref<!tpu.dma_semaphore, #tpu.memory_space<semaphore_mem>>) src(%arg6 : memref<112x32xf32, #tpu.memory_space<vmem>>) dst(%dma_wait3A_242 : memref<112x32xf32, #tpu.memory_space<hbm>>)
    %scan3A_243 = arith.constant 0 : i32
    %scan3A_244 = arith.constant 112 : i32
    %scan3A_245 = arith.addi %scan3A_243, %scan3A_244 : i32
    %scan3A_246 = arith.constant 1 : i32
    %scan3A_247:4 = scf.for %scan3A_803 = %scan3A_243 to %scan3A_245 step %scan3A_246 iter_args(%scan3A_804 = %scan3A_221#0, %scan3A_805 = %scan3A_221#1, %scan3A_806 = %scan3A_221#2, %scan3A_807 = %scan3A_221#3) -> (i32, i32, i32, i32)  : i32 {
      %get3A = arith.index_cast %scan3A_803 : i32 to index
      %get3A_808 = arith.constant 0 : index
      %get3A_809 = tpu.vector_load %arg8[%get3A, %get3A_808] {strides = array<i32>} : memref<112x32xf32, #tpu.memory_space<vmem>>, vector<1x16xf32>,
      %get3A_810 = vector.shape_cast %get3A_809 : vector<1x16xf32> to vector<16xf32>
      %get3A_811 = arith.index_cast %scan3A_804 : i32 to index
      %get3A_812 = arith.constant 0 : index
      %get3A_813 = tpu.vector_load %arg5[%get3A_811, %get3A_812] {strides = array<i32>} : memref<328x32xf32, #tpu.memory_space<vmem>>, vector<1x16xf32>,
      %get3A_814 = vector.shape_cast %get3A_813 : vector<1x16xf32> to vector<16xf32>
      %add3A_815 = arith.addf %get3A_810, %get3A_814 : vector<16xf32>
      %get3A_816 = arith.index_cast %scan3A_806 : i32 to index
      %get3A_817 = arith.constant 0 : index
      %get3A_818 = tpu.vector_load %arg4[%get3A_816, %get3A_817] {strides = array<i32>} : memref<16x32xf32, #tpu.memory_space<vmem>>, vector<1x16xf32>,
      %get3A_819 = vector.shape_cast %get3A_818 : vector<1x16xf32> to vector<16xf32>
      %add3A_820 = arith.addf %add3A_815, %get3A_819 : vector<16xf32>
      %swap3A = arith.index_cast %scan3A_803 : i32 to index
      %swap3A_821 = arith.constant 0 : index
      %swap3A_822 = tpu.vector_load %arg6[%swap3A, %swap3A_821] {strides = array<i32>} : memref<112x32xf32, #tpu.memory_space<vmem>>, vector<1x16xf32>,
      %swap3A_823 = vector.shape_cast %swap3A_822 : vector<1x16xf32> to vector<16xf32>
      %swap3A_824 = vector.shape_cast %add3A_820 : vector<16xf32> to vector<1x16xf32>
      tpu.vector_store %arg6[%swap3A, %swap3A_821], %swap3A_824 {strides = array<i32>} : memref<112x32xf32, #tpu.memory_space<vmem>>, vector<1x16xf32>,
      %get3A_825 = arith.index_cast %scan3A_803 : i32 to index
      %get3A_826 = arith.constant 16 : index
      %get3A_827 = tpu.vector_load %arg8[%get3A_825, %get3A_826] {strides = array<i32>} : memref<112x32xf32, #tpu.memory_space<vmem>>, vector<1x16xf32>,
      %get3A_828 = vector.shape_cast %get3A_827 : vector<1x16xf32> to vector<16xf32>
      %get3A_829 = arith.index_cast %scan3A_804 : i32 to index
      %get3A_830 = arith.constant 16 : index
      %get3A_831 = tpu.vector_load %arg5[%get3A_829, %get3A_830] {strides = array<i32>} : memref<328x32xf32, #tpu.memory_space<vmem>>, vector<1x16xf32>,
      %get3A_832 = vector.shape_cast %get3A_831 : vector<1x16xf32> to vector<16xf32>
      %add3A_833 = arith.addf %get3A_828, %get3A_832 : vector<16xf32>
      %get3A_834 = arith.index_cast %scan3A_806 : i32 to index
      %get3A_835 = arith.constant 16 : index
      %get3A_836 = tpu.vector_load %arg4[%get3A_834, %get3A_835] {strides = array<i32>} : memref<16x32xf32, #tpu.memory_space<vmem>>, vector<1x16xf32>,
      %get3A_837 = vector.shape_cast %get3A_836 : vector<1x16xf32> to vector<16xf32>
      %add3A_838 = arith.addf %add3A_833, %get3A_837 : vector<16xf32>
      %swap3A_839 = arith.index_cast %scan3A_803 : i32 to index
      %swap3A_840 = arith.constant 16 : index
      %swap3A_841 = tpu.vector_load %arg6[%swap3A_839, %swap3A_840] {strides = array<i32>} : memref<112x32xf32, #tpu.memory_space<vmem>>, vector<1x16xf32>,
      %swap3A_842 = vector.shape_cast %swap3A_841 : vector<1x16xf32> to vector<16xf32>
      %swap3A_843 = vector.shape_cast %add3A_838 : vector<16xf32> to vector<1x16xf32>
      tpu.vector_store %arg6[%swap3A_839, %swap3A_840], %swap3A_843 {strides = array<i32>} : memref<112x32xf32, #tpu.memory_space<vmem>>, vector<1x16xf32>,
      %sub3A_844 = arith.constant 1 : i32
      %sub3A_845 = arith.subi %scan3A_805, %sub3A_844 : i32
      %eq3A = arith.constant 0 : i32
      %eq3A_846 = arith.cmpi eq, %sub3A_845, %eq3A : i32
      %convert_element_type3A_847 = arith.extui %eq3A_846 : i1 to i32
      %add3A_848 = arith.addi %scan3A_804, %convert_element_type3A_847 : i32
      %min3A_849 = arith.minsi %add3A_848, %min3A_51 : i32
      %jit3A = arith.constant 10 : i32
      %select_n3A = arith.select %eq3A_846, %jit3A, %sub3A_845 : i32
      %sub3A_850 = arith.constant 1 : i32
      %sub3A_851 = arith.subi %scan3A_807, %sub3A_850 : i32
      %eq3A_852 = arith.constant 0 : i32
      %eq3A_853 = arith.cmpi eq, %sub3A_851, %eq3A_852 : i32
      %convert_element_type3A_854 = arith.extui %eq3A_853 : i1 to i32
      %add3A_855 = arith.addi %scan3A_806, %convert_element_type3A_854 : i32
      %min3A_856 = arith.minsi %add3A_855, %min3A_55 : i32
      %jit3A_857 = arith.constant 1000 : i32
      %select_n3A_858 = arith.select %eq3A_853, %jit3A_857, %sub3A_851 : i32
      scf.yield %min3A_849, %select_n3A, %min3A_856, %select_n3A_858 : i32, i32, i32, i32
    }
    %scan3A_248 = arith.constant 112 : i32
    %add3A_249 = arith.constant 672 : i32
    %add3A_250 = arith.addi %multiple_of3A, %add3A_249 : i32
    %dma_start3A_251 = arith.constant 0 : i32
    %dma_start3A_252 = tpu.memref_slice %arg3[%add3A_250, %dma_start3A_251] : memref<100352x32xf32, #tpu.memory_space<hbm>> -> memref<112x32xf32, #tpu.memory_space<hbm>>
    %dma_start3A_253 = arith.constant 0 : i32
    %dma_start3A_254 = tpu.memref_slice %arg3[%add3A_250, %dma_start3A_253] : memref<100352x32xf32, #tpu.memory_space<hbm>> -> memref<112x32xf32, #tpu.memory_space<hbm>>
    tpu.enqueue_dma source(%arg6 : memref<112x32xf32, #tpu.memory_space<vmem>>) target(%dma_start3A_254 : memref<112x32xf32, #tpu.memory_space<hbm>>) target_semaphore(%arg14 : memref<!tpu.dma_semaphore, #tpu.memory_space<semaphore_mem>>)
    %add3A_255 = arith.constant 896 : i32
    %add3A_256 = arith.addi %multiple_of3A, %add3A_255 : i32
    %dma_start3A_257 = arith.constant 0 : i32
    %dma_start3A_258 = tpu.memref_slice %arg2[%add3A_256, %dma_start3A_257] : memref<110100x32xf32, #tpu.memory_space<hbm>> -> memref<112x32xf32, #tpu.memory_space<hbm>>
    %dma_start3A_259 = arith.constant 0 : i32
    %dma_start3A_260 = tpu.memref_slice %arg2[%add3A_256, %dma_start3A_259] : memref<110100x32xf32, #tpu.memory_space<hbm>> -> memref<112x32xf32, #tpu.memory_space<hbm>>
    tpu.enqueue_dma source(%dma_start3A_260 : memref<112x32xf32, #tpu.memory_space<hbm>>) target(%arg8 : memref<112x32xf32, #tpu.memory_space<vmem>>) target_semaphore(%arg12 : memref<!tpu.dma_semaphore, #tpu.memory_space<semaphore_mem>>)
    %dma_wait3A_261 = arith.constant 0 : i32
    %dma_wait3A_262 = tpu.memref_slice %arg2[%add3A_230, %dma_wait3A_261] : memref<110100x32xf32, #tpu.memory_space<hbm>> -> memref<112x32xf32, #tpu.memory_space<hbm>>
    %dma_wait3A_263 = arith.constant 0 : i32
    %dma_wait3A_264 = tpu.memref_slice %arg2[%add3A_230, %dma_wait3A_263] : memref<110100x32xf32, #tpu.memory_space<hbm>> -> memref<112x32xf32, #tpu.memory_space<hbm>>
    tpu.wait_dma2 semaphore(%arg13 : memref<!tpu.dma_semaphore, #tpu.memory_space<semaphore_mem>>) src(%dma_wait3A_264 : memref<112x32xf32, #tpu.memory_space<hbm>>) dst(%arg9 : memref<112x32xf32, #tpu.memory_space<vmem>>)
    %dma_wait3A_265 = arith.constant 0 : i32
    %dma_wait3A_266 = tpu.memref_slice %arg3[%add3A_224, %dma_wait3A_265] : memref<100352x32xf32, #tpu.memory_space<hbm>> -> memref<112x32xf32, #tpu.memory_space<hbm>>
    %dma_wait3A_267 = arith.constant 0 : i32
    %dma_wait3A_268 = tpu.memref_slice %arg3[%add3A_224, %dma_wait3A_267] : memref<100352x32xf32, #tpu.memory_space<hbm>> -> memref<112x32xf32, #tpu.memory_space<hbm>>
    tpu.wait_dma2 semaphore(%arg15 : memref<!tpu.dma_semaphore, #tpu.memory_space<semaphore_mem>>) src(%arg7 : memref<112x32xf32, #tpu.memory_space<vmem>>) dst(%dma_wait3A_268 : memref<112x32xf32, #tpu.memory_space<hbm>>)
    %scan3A_269 = arith.constant 0 : i32
    %scan3A_270 = arith.constant 112 : i32
    %scan3A_271 = arith.addi %scan3A_269, %scan3A_270 : i32
    %scan3A_272 = arith.constant 1 : i32
    %scan3A_273:4 = scf.for %scan3A_803 = %scan3A_269 to %scan3A_271 step %scan3A_272 iter_args(%scan3A_804 = %scan3A_247#0, %scan3A_805 = %scan3A_247#1, %scan3A_806 = %scan3A_247#2, %scan3A_807 = %scan3A_247#3) -> (i32, i32, i32, i32)  : i32 {
      %get3A = arith.index_cast %scan3A_803 : i32 to index
      %get3A_808 = arith.constant 0 : index
      %get3A_809 = tpu.vector_load %arg9[%get3A, %get3A_808] {strides = array<i32>} : memref<112x32xf32, #tpu.memory_space<vmem>>, vector<1x16xf32>,
      %get3A_810 = vector.shape_cast %get3A_809 : vector<1x16xf32> to vector<16xf32>
      %get3A_811 = arith.index_cast %scan3A_804 : i32 to index
      %get3A_812 = arith.constant 0 : index
      %get3A_813 = tpu.vector_load %arg5[%get3A_811, %get3A_812] {strides = array<i32>} : memref<328x32xf32, #tpu.memory_space<vmem>>, vector<1x16xf32>,
      %get3A_814 = vector.shape_cast %get3A_813 : vector<1x16xf32> to vector<16xf32>
      %add3A_815 = arith.addf %get3A_810, %get3A_814 : vector<16xf32>
      %get3A_816 = arith.index_cast %scan3A_806 : i32 to index
      %get3A_817 = arith.constant 0 : index
      %get3A_818 = tpu.vector_load %arg4[%get3A_816, %get3A_817] {strides = array<i32>} : memref<16x32xf32, #tpu.memory_space<vmem>>, vector<1x16xf32>,
      %get3A_819 = vector.shape_cast %get3A_818 : vector<1x16xf32> to vector<16xf32>
      %add3A_820 = arith.addf %add3A_815, %get3A_819 : vector<16xf32>
      %swap3A = arith.index_cast %scan3A_803 : i32 to index
      %swap3A_821 = arith.constant 0 : index
      %swap3A_822 = tpu.vector_load %arg7[%swap3A, %swap3A_821] {strides = array<i32>} : memref<112x32xf32, #tpu.memory_space<vmem>>, vector<1x16xf32>,
      %swap3A_823 = vector.shape_cast %swap3A_822 : vector<1x16xf32> to vector<16xf32>
      %swap3A_824 = vector.shape_cast %add3A_820 : vector<16xf32> to vector<1x16xf32>
      tpu.vector_store %arg7[%swap3A, %swap3A_821], %swap3A_824 {strides = array<i32>} : memref<112x32xf32, #tpu.memory_space<vmem>>, vector<1x16xf32>,
      %get3A_825 = arith.index_cast %scan3A_803 : i32 to index
      %get3A_826 = arith.constant 16 : index
      %get3A_827 = tpu.vector_load %arg9[%get3A_825, %get3A_826] {strides = array<i32>} : memref<112x32xf32, #tpu.memory_space<vmem>>, vector<1x16xf32>,
      %get3A_828 = vector.shape_cast %get3A_827 : vector<1x16xf32> to vector<16xf32>
      %get3A_829 = arith.index_cast %scan3A_804 : i32 to index
      %get3A_830 = arith.constant 16 : index
      %get3A_831 = tpu.vector_load %arg5[%get3A_829, %get3A_830] {strides = array<i32>} : memref<328x32xf32, #tpu.memory_space<vmem>>, vector<1x16xf32>,
      %get3A_832 = vector.shape_cast %get3A_831 : vector<1x16xf32> to vector<16xf32>
      %add3A_833 = arith.addf %get3A_828, %get3A_832 : vector<16xf32>
      %get3A_834 = arith.index_cast %scan3A_806 : i32 to index
      %get3A_835 = arith.constant 16 : index
      %get3A_836 = tpu.vector_load %arg4[%get3A_834, %get3A_835] {strides = array<i32>} : memref<16x32xf32, #tpu.memory_space<vmem>>, vector<1x16xf32>,
      %get3A_837 = vector.shape_cast %get3A_836 : vector<1x16xf32> to vector<16xf32>
      %add3A_838 = arith.addf %add3A_833, %get3A_837 : vector<16xf32>
      %swap3A_839 = arith.index_cast %scan3A_803 : i32 to index
      %swap3A_840 = arith.constant 16 : index
      %swap3A_841 = tpu.vector_load %arg7[%swap3A_839, %swap3A_840] {strides = array<i32>} : memref<112x32xf32, #tpu.memory_space<vmem>>, vector<1x16xf32>,
      %swap3A_842 = vector.shape_cast %swap3A_841 : vector<1x16xf32> to vector<16xf32>
      %swap3A_843 = vector.shape_cast %add3A_838 : vector<16xf32> to vector<1x16xf32>
      tpu.vector_store %arg7[%swap3A_839, %swap3A_840], %swap3A_843 {strides = array<i32>} : memref<112x32xf32, #tpu.memory_space<vmem>>, vector<1x16xf32>,
      %sub3A_844 = arith.constant 1 : i32
      %sub3A_845 = arith.subi %scan3A_805, %sub3A_844 : i32
      %eq3A = arith.constant 0 : i32
      %eq3A_846 = arith.cmpi eq, %sub3A_845, %eq3A : i32
      %convert_element_type3A_847 = arith.extui %eq3A_846 : i1 to i32
      %add3A_848 = arith.addi %scan3A_804, %convert_element_type3A_847 : i32
      %min3A_849 = arith.minsi %add3A_848, %min3A_51 : i32
      %jit3A = arith.constant 10 : i32
      %select_n3A = arith.select %eq3A_846, %jit3A, %sub3A_845 : i32
      %sub3A_850 = arith.constant 1 : i32
      %sub3A_851 = arith.subi %scan3A_807, %sub3A_850 : i32
      %eq3A_852 = arith.constant 0 : i32
      %eq3A_853 = arith.cmpi eq, %sub3A_851, %eq3A_852 : i32
      %convert_element_type3A_854 = arith.extui %eq3A_853 : i1 to i32
      %add3A_855 = arith.addi %scan3A_806, %convert_element_type3A_854 : i32
      %min3A_856 = arith.minsi %add3A_855, %min3A_55 : i32
      %jit3A_857 = arith.constant 1000 : i32
      %select_n3A_858 = arith.select %eq3A_853, %jit3A_857, %sub3A_851 : i32
      scf.yield %min3A_849, %select_n3A, %min3A_856, %select_n3A_858 : i32, i32, i32, i32
    }
    %scan3A_274 = arith.constant 112 : i32
    %add3A_275 = arith.constant 784 : i32
    %add3A_276 = arith.addi %multiple_of3A, %add3A_275 : i32
    %dma_start3A_277 = arith.constant 0 : i32
    %dma_start3A_278 = tpu.memref_slice %arg3[%add3A_276, %dma_start3A_277] : memref<100352x32xf32, #tpu.memory_space<hbm>> -> memref<112x32xf32, #tpu.memory_space<hbm>>
    %dma_start3A_279 = arith.constant 0 : i32
    %dma_start3A_280 = tpu.memref_slice %arg3[%add3A_276, %dma_start3A_279] : memref<100352x32xf32, #tpu.memory_space<hbm>> -> memref<112x32xf32, #tpu.memory_space<hbm>>
    tpu.enqueue_dma source(%arg7 : memref<112x32xf32, #tpu.memory_space<vmem>>) target(%dma_start3A_280 : memref<112x32xf32, #tpu.memory_space<hbm>>) target_semaphore(%arg15 : memref<!tpu.dma_semaphore, #tpu.memory_space<semaphore_mem>>)
    %add3A_281 = arith.constant 1008 : i32
    %add3A_282 = arith.addi %multiple_of3A, %add3A_281 : i32
    %dma_start3A_283 = arith.constant 0 : i32
    %dma_start3A_284 = tpu.memref_slice %arg2[%add3A_282, %dma_start3A_283] : memref<110100x32xf32, #tpu.memory_space<hbm>> -> memref<112x32xf32, #tpu.memory_space<hbm>>
    %dma_start3A_285 = arith.constant 0 : i32
    %dma_start3A_286 = tpu.memref_slice %arg2[%add3A_282, %dma_start3A_285] : memref<110100x32xf32, #tpu.memory_space<hbm>> -> memref<112x32xf32, #tpu.memory_space<hbm>>
    tpu.enqueue_dma source(%dma_start3A_286 : memref<112x32xf32, #tpu.memory_space<hbm>>) target(%arg9 : memref<112x32xf32, #tpu.memory_space<vmem>>) target_semaphore(%arg13 : memref<!tpu.dma_semaphore, #tpu.memory_space<semaphore_mem>>)
    %dma_wait3A_287 = arith.constant 0 : i32
    %dma_wait3A_288 = tpu.memref_slice %arg2[%add3A_256, %dma_wait3A_287] : memref<110100x32xf32, #tpu.memory_space<hbm>> -> memref<112x32xf32, #tpu.memory_space<hbm>>
    %dma_wait3A_289 = arith.constant 0 : i32
    %dma_wait3A_290 = tpu.memref_slice %arg2[%add3A_256, %dma_wait3A_289] : memref<110100x32xf32, #tpu.memory_space<hbm>> -> memref<112x32xf32, #tpu.memory_space<hbm>>
    tpu.wait_dma2 semaphore(%arg12 : memref<!tpu.dma_semaphore, #tpu.memory_space<semaphore_mem>>) src(%dma_wait3A_290 : memref<112x32xf32, #tpu.memory_space<hbm>>) dst(%arg8 : memref<112x32xf32, #tpu.memory_space<vmem>>)
    %dma_wait3A_291 = arith.constant 0 : i32
    %dma_wait3A_292 = tpu.memref_slice %arg3[%add3A_250, %dma_wait3A_291] : memref<100352x32xf32, #tpu.memory_space<hbm>> -> memref<112x32xf32, #tpu.memory_space<hbm>>
    %dma_wait3A_293 = arith.constant 0 : i32
    %dma_wait3A_294 = tpu.memref_slice %arg3[%add3A_250, %dma_wait3A_293] : memref<100352x32xf32, #tpu.memory_space<hbm>> -> memref<112x32xf32, #tpu.memory_space<hbm>>
    tpu.wait_dma2 semaphore(%arg14 : memref<!tpu.dma_semaphore, #tpu.memory_space<semaphore_mem>>) src(%arg6 : memref<112x32xf32, #tpu.memory_space<vmem>>) dst(%dma_wait3A_294 : memref<112x32xf32, #tpu.memory_space<hbm>>)
    %scan3A_295 = arith.constant 0 : i32
    %scan3A_296 = arith.constant 112 : i32
    %scan3A_297 = arith.addi %scan3A_295, %scan3A_296 : i32
    %scan3A_298 = arith.constant 1 : i32
    %scan3A_299:4 = scf.for %scan3A_803 = %scan3A_295 to %scan3A_297 step %scan3A_298 iter_args(%scan3A_804 = %scan3A_273#0, %scan3A_805 = %scan3A_273#1, %scan3A_806 = %scan3A_273#2, %scan3A_807 = %scan3A_273#3) -> (i32, i32, i32, i32)  : i32 {
      %get3A = arith.index_cast %scan3A_803 : i32 to index
      %get3A_808 = arith.constant 0 : index
      %get3A_809 = tpu.vector_load %arg8[%get3A, %get3A_808] {strides = array<i32>} : memref<112x32xf32, #tpu.memory_space<vmem>>, vector<1x16xf32>,
      %get3A_810 = vector.shape_cast %get3A_809 : vector<1x16xf32> to vector<16xf32>
      %get3A_811 = arith.index_cast %scan3A_804 : i32 to index
      %get3A_812 = arith.constant 0 : index
      %get3A_813 = tpu.vector_load %arg5[%get3A_811, %get3A_812] {strides = array<i32>} : memref<328x32xf32, #tpu.memory_space<vmem>>, vector<1x16xf32>,
      %get3A_814 = vector.shape_cast %get3A_813 : vector<1x16xf32> to vector<16xf32>
      %add3A_815 = arith.addf %get3A_810, %get3A_814 : vector<16xf32>
      %get3A_816 = arith.index_cast %scan3A_806 : i32 to index
      %get3A_817 = arith.constant 0 : index
      %get3A_818 = tpu.vector_load %arg4[%get3A_816, %get3A_817] {strides = array<i32>} : memref<16x32xf32, #tpu.memory_space<vmem>>, vector<1x16xf32>,
      %get3A_819 = vector.shape_cast %get3A_818 : vector<1x16xf32> to vector<16xf32>
      %add3A_820 = arith.addf %add3A_815, %get3A_819 : vector<16xf32>
      %swap3A = arith.index_cast %scan3A_803 : i32 to index
      %swap3A_821 = arith.constant 0 : index
      %swap3A_822 = tpu.vector_load %arg6[%swap3A, %swap3A_821] {strides = array<i32>} : memref<112x32xf32, #tpu.memory_space<vmem>>, vector<1x16xf32>,
      %swap3A_823 = vector.shape_cast %swap3A_822 : vector<1x16xf32> to vector<16xf32>
      %swap3A_824 = vector.shape_cast %add3A_820 : vector<16xf32> to vector<1x16xf32>
      tpu.vector_store %arg6[%swap3A, %swap3A_821], %swap3A_824 {strides = array<i32>} : memref<112x32xf32, #tpu.memory_space<vmem>>, vector<1x16xf32>,
      %get3A_825 = arith.index_cast %scan3A_803 : i32 to index
      %get3A_826 = arith.constant 16 : index
      %get3A_827 = tpu.vector_load %arg8[%get3A_825, %get3A_826] {strides = array<i32>} : memref<112x32xf32, #tpu.memory_space<vmem>>, vector<1x16xf32>,
      %get3A_828 = vector.shape_cast %get3A_827 : vector<1x16xf32> to vector<16xf32>
      %get3A_829 = arith.index_cast %scan3A_804 : i32 to index
      %get3A_830 = arith.constant 16 : index
      %get3A_831 = tpu.vector_load %arg5[%get3A_829, %get3A_830] {strides = array<i32>} : memref<328x32xf32, #tpu.memory_space<vmem>>, vector<1x16xf32>,
      %get3A_832 = vector.shape_cast %get3A_831 : vector<1x16xf32> to vector<16xf32>
      %add3A_833 = arith.addf %get3A_828, %get3A_832 : vector<16xf32>
      %get3A_834 = arith.index_cast %scan3A_806 : i32 to index
      %get3A_835 = arith.constant 16 : index
      %get3A_836 = tpu.vector_load %arg4[%get3A_834, %get3A_835] {strides = array<i32>} : memref<16x32xf32, #tpu.memory_space<vmem>>, vector<1x16xf32>,
      %get3A_837 = vector.shape_cast %get3A_836 : vector<1x16xf32> to vector<16xf32>
      %add3A_838 = arith.addf %add3A_833, %get3A_837 : vector<16xf32>
      %swap3A_839 = arith.index_cast %scan3A_803 : i32 to index
      %swap3A_840 = arith.constant 16 : index
      %swap3A_841 = tpu.vector_load %arg6[%swap3A_839, %swap3A_840] {strides = array<i32>} : memref<112x32xf32, #tpu.memory_space<vmem>>, vector<1x16xf32>,
      %swap3A_842 = vector.shape_cast %swap3A_841 : vector<1x16xf32> to vector<16xf32>
      %swap3A_843 = vector.shape_cast %add3A_838 : vector<16xf32> to vector<1x16xf32>
      tpu.vector_store %arg6[%swap3A_839, %swap3A_840], %swap3A_843 {strides = array<i32>} : memref<112x32xf32, #tpu.memory_space<vmem>>, vector<1x16xf32>,
      %sub3A_844 = arith.constant 1 : i32
      %sub3A_845 = arith.subi %scan3A_805, %sub3A_844 : i32
      %eq3A = arith.constant 0 : i32
      %eq3A_846 = arith.cmpi eq, %sub3A_845, %eq3A : i32
      %convert_element_type3A_847 = arith.extui %eq3A_846 : i1 to i32
      %add3A_848 = arith.addi %scan3A_804, %convert_element_type3A_847 : i32
      %min3A_849 = arith.minsi %add3A_848, %min3A_51 : i32
      %jit3A = arith.constant 10 : i32
      %select_n3A = arith.select %eq3A_846, %jit3A, %sub3A_845 : i32
      %sub3A_850 = arith.constant 1 : i32
      %sub3A_851 = arith.subi %scan3A_807, %sub3A_850 : i32
      %eq3A_852 = arith.constant 0 : i32
      %eq3A_853 = arith.cmpi eq, %sub3A_851, %eq3A_852 : i32
      %convert_element_type3A_854 = arith.extui %eq3A_853 : i1 to i32
      %add3A_855 = arith.addi %scan3A_806, %convert_element_type3A_854 : i32
      %min3A_856 = arith.minsi %add3A_855, %min3A_55 : i32
      %jit3A_857 = arith.constant 1000 : i32
      %select_n3A_858 = arith.select %eq3A_853, %jit3A_857, %sub3A_851 : i32
      scf.yield %min3A_849, %select_n3A, %min3A_856, %select_n3A_858 : i32, i32, i32, i32
    }
    %scan3A_300 = arith.constant 112 : i32
    %add3A_301 = arith.constant 896 : i32
    %add3A_302 = arith.addi %multiple_of3A, %add3A_301 : i32
    %dma_start3A_303 = arith.constant 0 : i32
    %dma_start3A_304 = tpu.memref_slice %arg3[%add3A_302, %dma_start3A_303] : memref<100352x32xf32, #tpu.memory_space<hbm>> -> memref<112x32xf32, #tpu.memory_space<hbm>>
    %dma_start3A_305 = arith.constant 0 : i32
    %dma_start3A_306 = tpu.memref_slice %arg3[%add3A_302, %dma_start3A_305] : memref<100352x32xf32, #tpu.memory_space<hbm>> -> memref<112x32xf32, #tpu.memory_space<hbm>>
    tpu.enqueue_dma source(%arg6 : memref<112x32xf32, #tpu.memory_space<vmem>>) target(%dma_start3A_306 : memref<112x32xf32, #tpu.memory_space<hbm>>) target_semaphore(%arg14 : memref<!tpu.dma_semaphore, #tpu.memory_space<semaphore_mem>>)
    %add3A_307 = arith.constant 1120 : i32
    %add3A_308 = arith.addi %multiple_of3A, %add3A_307 : i32
    %dma_start3A_309 = arith.constant 0 : i32
    %dma_start3A_310 = tpu.memref_slice %arg2[%add3A_308, %dma_start3A_309] : memref<110100x32xf32, #tpu.memory_space<hbm>> -> memref<112x32xf32, #tpu.memory_space<hbm>>
    %dma_start3A_311 = arith.constant 0 : i32
    %dma_start3A_312 = tpu.memref_slice %arg2[%add3A_308, %dma_start3A_311] : memref<110100x32xf32, #tpu.memory_space<hbm>> -> memref<112x32xf32, #tpu.memory_space<hbm>>
    tpu.enqueue_dma source(%dma_start3A_312 : memref<112x32xf32, #tpu.memory_space<hbm>>) target(%arg8 : memref<112x32xf32, #tpu.memory_space<vmem>>) target_semaphore(%arg12 : memref<!tpu.dma_semaphore, #tpu.memory_space<semaphore_mem>>)
    %dma_wait3A_313 = arith.constant 0 : i32
    %dma_wait3A_314 = tpu.memref_slice %arg2[%add3A_282, %dma_wait3A_313] : memref<110100x32xf32, #tpu.memory_space<hbm>> -> memref<112x32xf32, #tpu.memory_space<hbm>>
    %dma_wait3A_315 = arith.constant 0 : i32
    %dma_wait3A_316 = tpu.memref_slice %arg2[%add3A_282, %dma_wait3A_315] : memref<110100x32xf32, #tpu.memory_space<hbm>> -> memref<112x32xf32, #tpu.memory_space<hbm>>
    tpu.wait_dma2 semaphore(%arg13 : memref<!tpu.dma_semaphore, #tpu.memory_space<semaphore_mem>>) src(%dma_wait3A_316 : memref<112x32xf32, #tpu.memory_space<hbm>>) dst(%arg9 : memref<112x32xf32, #tpu.memory_space<vmem>>)
    %dma_wait3A_317 = arith.constant 0 : i32
    %dma_wait3A_318 = tpu.memref_slice %arg3[%add3A_276, %dma_wait3A_317] : memref<100352x32xf32, #tpu.memory_space<hbm>> -> memref<112x32xf32, #tpu.memory_space<hbm>>
    %dma_wait3A_319 = arith.constant 0 : i32
    %dma_wait3A_320 = tpu.memref_slice %arg3[%add3A_276, %dma_wait3A_319] : memref<100352x32xf32, #tpu.memory_space<hbm>> -> memref<112x32xf32, #tpu.memory_space<hbm>>
    tpu.wait_dma2 semaphore(%arg15 : memref<!tpu.dma_semaphore, #tpu.memory_space<semaphore_mem>>) src(%arg7 : memref<112x32xf32, #tpu.memory_space<vmem>>) dst(%dma_wait3A_320 : memref<112x32xf32, #tpu.memory_space<hbm>>)
    %scan3A_321 = arith.constant 0 : i32
    %scan3A_322 = arith.constant 112 : i32
    %scan3A_323 = arith.addi %scan3A_321, %scan3A_322 : i32
    %scan3A_324 = arith.constant 1 : i32
    %scan3A_325:4 = scf.for %scan3A_803 = %scan3A_321 to %scan3A_323 step %scan3A_324 iter_args(%scan3A_804 = %scan3A_299#0, %scan3A_805 = %scan3A_299#1, %scan3A_806 = %scan3A_299#2, %scan3A_807 = %scan3A_299#3) -> (i32, i32, i32, i32)  : i32 {
      %get3A = arith.index_cast %scan3A_803 : i32 to index
      %get3A_808 = arith.constant 0 : index
      %get3A_809 = tpu.vector_load %arg9[%get3A, %get3A_808] {strides = array<i32>} : memref<112x32xf32, #tpu.memory_space<vmem>>, vector<1x16xf32>,
      %get3A_810 = vector.shape_cast %get3A_809 : vector<1x16xf32> to vector<16xf32>
      %get3A_811 = arith.index_cast %scan3A_804 : i32 to index
      %get3A_812 = arith.constant 0 : index
      %get3A_813 = tpu.vector_load %arg5[%get3A_811, %get3A_812] {strides = array<i32>} : memref<328x32xf32, #tpu.memory_space<vmem>>, vector<1x16xf32>,
      %get3A_814 = vector.shape_cast %get3A_813 : vector<1x16xf32> to vector<16xf32>
      %add3A_815 = arith.addf %get3A_810, %get3A_814 : vector<16xf32>
      %get3A_816 = arith.index_cast %scan3A_806 : i32 to index
      %get3A_817 = arith.constant 0 : index
      %get3A_818 = tpu.vector_load %arg4[%get3A_816, %get3A_817] {strides = array<i32>} : memref<16x32xf32, #tpu.memory_space<vmem>>, vector<1x16xf32>,
      %get3A_819 = vector.shape_cast %get3A_818 : vector<1x16xf32> to vector<16xf32>
      %add3A_820 = arith.addf %add3A_815, %get3A_819 : vector<16xf32>
      %swap3A = arith.index_cast %scan3A_803 : i32 to index
      %swap3A_821 = arith.constant 0 : index
      %swap3A_822 = tpu.vector_load %arg7[%swap3A, %swap3A_821] {strides = array<i32>} : memref<112x32xf32, #tpu.memory_space<vmem>>, vector<1x16xf32>,
      %swap3A_823 = vector.shape_cast %swap3A_822 : vector<1x16xf32> to vector<16xf32>
      %swap3A_824 = vector.shape_cast %add3A_820 : vector<16xf32> to vector<1x16xf32>
      tpu.vector_store %arg7[%swap3A, %swap3A_821], %swap3A_824 {strides = array<i32>} : memref<112x32xf32, #tpu.memory_space<vmem>>, vector<1x16xf32>,
      %get3A_825 = arith.index_cast %scan3A_803 : i32 to index
      %get3A_826 = arith.constant 16 : index
      %get3A_827 = tpu.vector_load %arg9[%get3A_825, %get3A_826] {strides = array<i32>} : memref<112x32xf32, #tpu.memory_space<vmem>>, vector<1x16xf32>,
      %get3A_828 = vector.shape_cast %get3A_827 : vector<1x16xf32> to vector<16xf32>
      %get3A_829 = arith.index_cast %scan3A_804 : i32 to index
      %get3A_830 = arith.constant 16 : index
      %get3A_831 = tpu.vector_load %arg5[%get3A_829, %get3A_830] {strides = array<i32>} : memref<328x32xf32, #tpu.memory_space<vmem>>, vector<1x16xf32>,
      %get3A_832 = vector.shape_cast %get3A_831 : vector<1x16xf32> to vector<16xf32>
      %add3A_833 = arith.addf %get3A_828, %get3A_832 : vector<16xf32>
      %get3A_834 = arith.index_cast %scan3A_806 : i32 to index
      %get3A_835 = arith.constant 16 : index
      %get3A_836 = tpu.vector_load %arg4[%get3A_834, %get3A_835] {strides = array<i32>} : memref<16x32xf32, #tpu.memory_space<vmem>>, vector<1x16xf32>,
      %get3A_837 = vector.shape_cast %get3A_836 : vector<1x16xf32> to vector<16xf32>
      %add3A_838 = arith.addf %add3A_833, %get3A_837 : vector<16xf32>
      %swap3A_839 = arith.index_cast %scan3A_803 : i32 to index
      %swap3A_840 = arith.constant 16 : index
      %swap3A_841 = tpu.vector_load %arg7[%swap3A_839, %swap3A_840] {strides = array<i32>} : memref<112x32xf32, #tpu.memory_space<vmem>>, vector<1x16xf32>,
      %swap3A_842 = vector.shape_cast %swap3A_841 : vector<1x16xf32> to vector<16xf32>
      %swap3A_843 = vector.shape_cast %add3A_838 : vector<16xf32> to vector<1x16xf32>
      tpu.vector_store %arg7[%swap3A_839, %swap3A_840], %swap3A_843 {strides = array<i32>} : memref<112x32xf32, #tpu.memory_space<vmem>>, vector<1x16xf32>,
      %sub3A_844 = arith.constant 1 : i32
      %sub3A_845 = arith.subi %scan3A_805, %sub3A_844 : i32
      %eq3A = arith.constant 0 : i32
      %eq3A_846 = arith.cmpi eq, %sub3A_845, %eq3A : i32
      %convert_element_type3A_847 = arith.extui %eq3A_846 : i1 to i32
      %add3A_848 = arith.addi %scan3A_804, %convert_element_type3A_847 : i32
      %min3A_849 = arith.minsi %add3A_848, %min3A_51 : i32
      %jit3A = arith.constant 10 : i32
      %select_n3A = arith.select %eq3A_846, %jit3A, %sub3A_845 : i32
      %sub3A_850 = arith.constant 1 : i32
      %sub3A_851 = arith.subi %scan3A_807, %sub3A_850 : i32
      %eq3A_852 = arith.constant 0 : i32
      %eq3A_853 = arith.cmpi eq, %sub3A_851, %eq3A_852 : i32
      %convert_element_type3A_854 = arith.extui %eq3A_853 : i1 to i32
      %add3A_855 = arith.addi %scan3A_806, %convert_element_type3A_854 : i32
      %min3A_856 = arith.minsi %add3A_855, %min3A_55 : i32
      %jit3A_857 = arith.constant 1000 : i32
      %select_n3A_858 = arith.select %eq3A_853, %jit3A_857, %sub3A_851 : i32
      scf.yield %min3A_849, %select_n3A, %min3A_856, %select_n3A_858 : i32, i32, i32, i32
    }
    %scan3A_326 = arith.constant 112 : i32
    %add3A_327 = arith.constant 1008 : i32
    %add3A_328 = arith.addi %multiple_of3A, %add3A_327 : i32
    %dma_start3A_329 = arith.constant 0 : i32
    %dma_start3A_330 = tpu.memref_slice %arg3[%add3A_328, %dma_start3A_329] : memref<100352x32xf32, #tpu.memory_space<hbm>> -> memref<112x32xf32, #tpu.memory_space<hbm>>
    %dma_start3A_331 = arith.constant 0 : i32
    %dma_start3A_332 = tpu.memref_slice %arg3[%add3A_328, %dma_start3A_331] : memref<100352x32xf32, #tpu.memory_space<hbm>> -> memref<112x32xf32, #tpu.memory_space<hbm>>
    tpu.enqueue_dma source(%arg7 : memref<112x32xf32, #tpu.memory_space<vmem>>) target(%dma_start3A_332 : memref<112x32xf32, #tpu.memory_space<hbm>>) target_semaphore(%arg15 : memref<!tpu.dma_semaphore, #tpu.memory_space<semaphore_mem>>)
    %add3A_333 = arith.constant 1232 : i32
    %add3A_334 = arith.addi %multiple_of3A, %add3A_333 : i32
    %dma_start3A_335 = arith.constant 0 : i32
    %dma_start3A_336 = tpu.memref_slice %arg2[%add3A_334, %dma_start3A_335] : memref<110100x32xf32, #tpu.memory_space<hbm>> -> memref<112x32xf32, #tpu.memory_space<hbm>>
    %dma_start3A_337 = arith.constant 0 : i32
    %dma_start3A_338 = tpu.memref_slice %arg2[%add3A_334, %dma_start3A_337] : memref<110100x32xf32, #tpu.memory_space<hbm>> -> memref<112x32xf32, #tpu.memory_space<hbm>>
    tpu.enqueue_dma source(%dma_start3A_338 : memref<112x32xf32, #tpu.memory_space<hbm>>) target(%arg9 : memref<112x32xf32, #tpu.memory_space<vmem>>) target_semaphore(%arg13 : memref<!tpu.dma_semaphore, #tpu.memory_space<semaphore_mem>>)
    %dma_wait3A_339 = arith.constant 0 : i32
    %dma_wait3A_340 = tpu.memref_slice %arg2[%add3A_308, %dma_wait3A_339] : memref<110100x32xf32, #tpu.memory_space<hbm>> -> memref<112x32xf32, #tpu.memory_space<hbm>>
    %dma_wait3A_341 = arith.constant 0 : i32
    %dma_wait3A_342 = tpu.memref_slice %arg2[%add3A_308, %dma_wait3A_341] : memref<110100x32xf32, #tpu.memory_space<hbm>> -> memref<112x32xf32, #tpu.memory_space<hbm>>
    tpu.wait_dma2 semaphore(%arg12 : memref<!tpu.dma_semaphore, #tpu.memory_space<semaphore_mem>>) src(%dma_wait3A_342 : memref<112x32xf32, #tpu.memory_space<hbm>>) dst(%arg8 : memref<112x32xf32, #tpu.memory_space<vmem>>)
    %dma_wait3A_343 = arith.constant 0 : i32
    %dma_wait3A_344 = tpu.memref_slice %arg3[%add3A_302, %dma_wait3A_343] : memref<100352x32xf32, #tpu.memory_space<hbm>> -> memref<112x32xf32, #tpu.memory_space<hbm>>
    %dma_wait3A_345 = arith.constant 0 : i32
    %dma_wait3A_346 = tpu.memref_slice %arg3[%add3A_302, %dma_wait3A_345] : memref<100352x32xf32, #tpu.memory_space<hbm>> -> memref<112x32xf32, #tpu.memory_space<hbm>>
    tpu.wait_dma2 semaphore(%arg14 : memref<!tpu.dma_semaphore, #tpu.memory_space<semaphore_mem>>) src(%arg6 : memref<112x32xf32, #tpu.memory_space<vmem>>) dst(%dma_wait3A_346 : memref<112x32xf32, #tpu.memory_space<hbm>>)
    %scan3A_347 = arith.constant 0 : i32
    %scan3A_348 = arith.constant 112 : i32
    %scan3A_349 = arith.addi %scan3A_347, %scan3A_348 : i32
    %scan3A_350 = arith.constant 1 : i32
    %scan3A_351:4 = scf.for %scan3A_803 = %scan3A_347 to %scan3A_349 step %scan3A_350 iter_args(%scan3A_804 = %scan3A_325#0, %scan3A_805 = %scan3A_325#1, %scan3A_806 = %scan3A_325#2, %scan3A_807 = %scan3A_325#3) -> (i32, i32, i32, i32)  : i32 {
      %get3A = arith.index_cast %scan3A_803 : i32 to index
      %get3A_808 = arith.constant 0 : index
      %get3A_809 = tpu.vector_load %arg8[%get3A, %get3A_808] {strides = array<i32>} : memref<112x32xf32, #tpu.memory_space<vmem>>, vector<1x16xf32>,
      %get3A_810 = vector.shape_cast %get3A_809 : vector<1x16xf32> to vector<16xf32>
      %get3A_811 = arith.index_cast %scan3A_804 : i32 to index
      %get3A_812 = arith.constant 0 : index
      %get3A_813 = tpu.vector_load %arg5[%get3A_811, %get3A_812] {strides = array<i32>} : memref<328x32xf32, #tpu.memory_space<vmem>>, vector<1x16xf32>,
      %get3A_814 = vector.shape_cast %get3A_813 : vector<1x16xf32> to vector<16xf32>
      %add3A_815 = arith.addf %get3A_810, %get3A_814 : vector<16xf32>
      %get3A_816 = arith.index_cast %scan3A_806 : i32 to index
      %get3A_817 = arith.constant 0 : index
      %get3A_818 = tpu.vector_load %arg4[%get3A_816, %get3A_817] {strides = array<i32>} : memref<16x32xf32, #tpu.memory_space<vmem>>, vector<1x16xf32>,
      %get3A_819 = vector.shape_cast %get3A_818 : vector<1x16xf32> to vector<16xf32>
      %add3A_820 = arith.addf %add3A_815, %get3A_819 : vector<16xf32>
      %swap3A = arith.index_cast %scan3A_803 : i32 to index
      %swap3A_821 = arith.constant 0 : index
      %swap3A_822 = tpu.vector_load %arg6[%swap3A, %swap3A_821] {strides = array<i32>} : memref<112x32xf32, #tpu.memory_space<vmem>>, vector<1x16xf32>,
      %swap3A_823 = vector.shape_cast %swap3A_822 : vector<1x16xf32> to vector<16xf32>
      %swap3A_824 = vector.shape_cast %add3A_820 : vector<16xf32> to vector<1x16xf32>
      tpu.vector_store %arg6[%swap3A, %swap3A_821], %swap3A_824 {strides = array<i32>} : memref<112x32xf32, #tpu.memory_space<vmem>>, vector<1x16xf32>,
      %get3A_825 = arith.index_cast %scan3A_803 : i32 to index
      %get3A_826 = arith.constant 16 : index
      %get3A_827 = tpu.vector_load %arg8[%get3A_825, %get3A_826] {strides = array<i32>} : memref<112x32xf32, #tpu.memory_space<vmem>>, vector<1x16xf32>,
      %get3A_828 = vector.shape_cast %get3A_827 : vector<1x16xf32> to vector<16xf32>
      %get3A_829 = arith.index_cast %scan3A_804 : i32 to index
      %get3A_830 = arith.constant 16 : index
      %get3A_831 = tpu.vector_load %arg5[%get3A_829, %get3A_830] {strides = array<i32>} : memref<328x32xf32, #tpu.memory_space<vmem>>, vector<1x16xf32>,
      %get3A_832 = vector.shape_cast %get3A_831 : vector<1x16xf32> to vector<16xf32>
      %add3A_833 = arith.addf %get3A_828, %get3A_832 : vector<16xf32>
      %get3A_834 = arith.index_cast %scan3A_806 : i32 to index
      %get3A_835 = arith.constant 16 : index
      %get3A_836 = tpu.vector_load %arg4[%get3A_834, %get3A_835] {strides = array<i32>} : memref<16x32xf32, #tpu.memory_space<vmem>>, vector<1x16xf32>,
      %get3A_837 = vector.shape_cast %get3A_836 : vector<1x16xf32> to vector<16xf32>
      %add3A_838 = arith.addf %add3A_833, %get3A_837 : vector<16xf32>
      %swap3A_839 = arith.index_cast %scan3A_803 : i32 to index
      %swap3A_840 = arith.constant 16 : index
      %swap3A_841 = tpu.vector_load %arg6[%swap3A_839, %swap3A_840] {strides = array<i32>} : memref<112x32xf32, #tpu.memory_space<vmem>>, vector<1x16xf32>,
      %swap3A_842 = vector.shape_cast %swap3A_841 : vector<1x16xf32> to vector<16xf32>
      %swap3A_843 = vector.shape_cast %add3A_838 : vector<16xf32> to vector<1x16xf32>
      tpu.vector_store %arg6[%swap3A_839, %swap3A_840], %swap3A_843 {strides = array<i32>} : memref<112x32xf32, #tpu.memory_space<vmem>>, vector<1x16xf32>,
      %sub3A_844 = arith.constant 1 : i32
      %sub3A_845 = arith.subi %scan3A_805, %sub3A_844 : i32
      %eq3A = arith.constant 0 : i32
      %eq3A_846 = arith.cmpi eq, %sub3A_845, %eq3A : i32
      %convert_element_type3A_847 = arith.extui %eq3A_846 : i1 to i32
      %add3A_848 = arith.addi %scan3A_804, %convert_element_type3A_847 : i32
      %min3A_849 = arith.minsi %add3A_848, %min3A_51 : i32
      %jit3A = arith.constant 10 : i32
      %select_n3A = arith.select %eq3A_846, %jit3A, %sub3A_845 : i32
      %sub3A_850 = arith.constant 1 : i32
      %sub3A_851 = arith.subi %scan3A_807, %sub3A_850 : i32
      %eq3A_852 = arith.constant 0 : i32
      %eq3A_853 = arith.cmpi eq, %sub3A_851, %eq3A_852 : i32
      %convert_element_type3A_854 = arith.extui %eq3A_853 : i1 to i32
      %add3A_855 = arith.addi %scan3A_806, %convert_element_type3A_854 : i32
      %min3A_856 = arith.minsi %add3A_855, %min3A_55 : i32
      %jit3A_857 = arith.constant 1000 : i32
      %select_n3A_858 = arith.select %eq3A_853, %jit3A_857, %sub3A_851 : i32
      scf.yield %min3A_849, %select_n3A, %min3A_856, %select_n3A_858 : i32, i32, i32, i32
    }
    %scan3A_352 = arith.constant 112 : i32
    %add3A_353 = arith.constant 1120 : i32
    %add3A_354 = arith.addi %multiple_of3A, %add3A_353 : i32
    %dma_start3A_355 = arith.constant 0 : i32
    %dma_start3A_356 = tpu.memref_slice %arg3[%add3A_354, %dma_start3A_355] : memref<100352x32xf32, #tpu.memory_space<hbm>> -> memref<112x32xf32, #tpu.memory_space<hbm>>
    %dma_start3A_357 = arith.constant 0 : i32
    %dma_start3A_358 = tpu.memref_slice %arg3[%add3A_354, %dma_start3A_357] : memref<100352x32xf32, #tpu.memory_space<hbm>> -> memref<112x32xf32, #tpu.memory_space<hbm>>
    tpu.enqueue_dma source(%arg6 : memref<112x32xf32, #tpu.memory_space<vmem>>) target(%dma_start3A_358 : memref<112x32xf32, #tpu.memory_space<hbm>>) target_semaphore(%arg14 : memref<!tpu.dma_semaphore, #tpu.memory_space<semaphore_mem>>)
    %add3A_359 = arith.constant 1344 : i32
    %add3A_360 = arith.addi %multiple_of3A, %add3A_359 : i32
    %dma_start3A_361 = arith.constant 0 : i32
    %dma_start3A_362 = tpu.memref_slice %arg2[%add3A_360, %dma_start3A_361] : memref<110100x32xf32, #tpu.memory_space<hbm>> -> memref<112x32xf32, #tpu.memory_space<hbm>>
    %dma_start3A_363 = arith.constant 0 : i32
    %dma_start3A_364 = tpu.memref_slice %arg2[%add3A_360, %dma_start3A_363] : memref<110100x32xf32, #tpu.memory_space<hbm>> -> memref<112x32xf32, #tpu.memory_space<hbm>>
    tpu.enqueue_dma source(%dma_start3A_364 : memref<112x32xf32, #tpu.memory_space<hbm>>) target(%arg8 : memref<112x32xf32, #tpu.memory_space<vmem>>) target_semaphore(%arg12 : memref<!tpu.dma_semaphore, #tpu.memory_space<semaphore_mem>>)
    %dma_wait3A_365 = arith.constant 0 : i32
    %dma_wait3A_366 = tpu.memref_slice %arg2[%add3A_334, %dma_wait3A_365] : memref<110100x32xf32, #tpu.memory_space<hbm>> -> memref<112x32xf32, #tpu.memory_space<hbm>>
    %dma_wait3A_367 = arith.constant 0 : i32
    %dma_wait3A_368 = tpu.memref_slice %arg2[%add3A_334, %dma_wait3A_367] : memref<110100x32xf32, #tpu.memory_space<hbm>> -> memref<112x32xf32, #tpu.memory_space<hbm>>
    tpu.wait_dma2 semaphore(%arg13 : memref<!tpu.dma_semaphore, #tpu.memory_space<semaphore_mem>>) src(%dma_wait3A_368 : memref<112x32xf32, #tpu.memory_space<hbm>>) dst(%arg9 : memref<112x32xf32, #tpu.memory_space<vmem>>)
    %dma_wait3A_369 = arith.constant 0 : i32
    %dma_wait3A_370 = tpu.memref_slice %arg3[%add3A_328, %dma_wait3A_369] : memref<100352x32xf32, #tpu.memory_space<hbm>> -> memref<112x32xf32, #tpu.memory_space<hbm>>
    %dma_wait3A_371 = arith.constant 0 : i32
    %dma_wait3A_372 = tpu.memref_slice %arg3[%add3A_328, %dma_wait3A_371] : memref<100352x32xf32, #tpu.memory_space<hbm>> -> memref<112x32xf32, #tpu.memory_space<hbm>>
    tpu.wait_dma2 semaphore(%arg15 : memref<!tpu.dma_semaphore, #tpu.memory_space<semaphore_mem>>) src(%arg7 : memref<112x32xf32, #tpu.memory_space<vmem>>) dst(%dma_wait3A_372 : memref<112x32xf32, #tpu.memory_space<hbm>>)
    %scan3A_373 = arith.constant 0 : i32
    %scan3A_374 = arith.constant 112 : i32
    %scan3A_375 = arith.addi %scan3A_373, %scan3A_374 : i32
    %scan3A_376 = arith.constant 1 : i32
    %scan3A_377:4 = scf.for %scan3A_803 = %scan3A_373 to %scan3A_375 step %scan3A_376 iter_args(%scan3A_804 = %scan3A_351#0, %scan3A_805 = %scan3A_351#1, %scan3A_806 = %scan3A_351#2, %scan3A_807 = %scan3A_351#3) -> (i32, i32, i32, i32)  : i32 {
      %get3A = arith.index_cast %scan3A_803 : i32 to index
      %get3A_808 = arith.constant 0 : index
      %get3A_809 = tpu.vector_load %arg9[%get3A, %get3A_808] {strides = array<i32>} : memref<112x32xf32, #tpu.memory_space<vmem>>, vector<1x16xf32>,
      %get3A_810 = vector.shape_cast %get3A_809 : vector<1x16xf32> to vector<16xf32>
      %get3A_811 = arith.index_cast %scan3A_804 : i32 to index
      %get3A_812 = arith.constant 0 : index
      %get3A_813 = tpu.vector_load %arg5[%get3A_811, %get3A_812] {strides = array<i32>} : memref<328x32xf32, #tpu.memory_space<vmem>>, vector<1x16xf32>,
      %get3A_814 = vector.shape_cast %get3A_813 : vector<1x16xf32> to vector<16xf32>
      %add3A_815 = arith.addf %get3A_810, %get3A_814 : vector<16xf32>
      %get3A_816 = arith.index_cast %scan3A_806 : i32 to index
      %get3A_817 = arith.constant 0 : index
      %get3A_818 = tpu.vector_load %arg4[%get3A_816, %get3A_817] {strides = array<i32>} : memref<16x32xf32, #tpu.memory_space<vmem>>, vector<1x16xf32>,
      %get3A_819 = vector.shape_cast %get3A_818 : vector<1x16xf32> to vector<16xf32>
      %add3A_820 = arith.addf %add3A_815, %get3A_819 : vector<16xf32>
      %swap3A = arith.index_cast %scan3A_803 : i32 to index
      %swap3A_821 = arith.constant 0 : index
      %swap3A_822 = tpu.vector_load %arg7[%swap3A, %swap3A_821] {strides = array<i32>} : memref<112x32xf32, #tpu.memory_space<vmem>>, vector<1x16xf32>,
      %swap3A_823 = vector.shape_cast %swap3A_822 : vector<1x16xf32> to vector<16xf32>
      %swap3A_824 = vector.shape_cast %add3A_820 : vector<16xf32> to vector<1x16xf32>
      tpu.vector_store %arg7[%swap3A, %swap3A_821], %swap3A_824 {strides = array<i32>} : memref<112x32xf32, #tpu.memory_space<vmem>>, vector<1x16xf32>,
      %get3A_825 = arith.index_cast %scan3A_803 : i32 to index
      %get3A_826 = arith.constant 16 : index
      %get3A_827 = tpu.vector_load %arg9[%get3A_825, %get3A_826] {strides = array<i32>} : memref<112x32xf32, #tpu.memory_space<vmem>>, vector<1x16xf32>,
      %get3A_828 = vector.shape_cast %get3A_827 : vector<1x16xf32> to vector<16xf32>
      %get3A_829 = arith.index_cast %scan3A_804 : i32 to index
      %get3A_830 = arith.constant 16 : index
      %get3A_831 = tpu.vector_load %arg5[%get3A_829, %get3A_830] {strides = array<i32>} : memref<328x32xf32, #tpu.memory_space<vmem>>, vector<1x16xf32>,
      %get3A_832 = vector.shape_cast %get3A_831 : vector<1x16xf32> to vector<16xf32>
      %add3A_833 = arith.addf %get3A_828, %get3A_832 : vector<16xf32>
      %get3A_834 = arith.index_cast %scan3A_806 : i32 to index
      %get3A_835 = arith.constant 16 : index
      %get3A_836 = tpu.vector_load %arg4[%get3A_834, %get3A_835] {strides = array<i32>} : memref<16x32xf32, #tpu.memory_space<vmem>>, vector<1x16xf32>,
      %get3A_837 = vector.shape_cast %get3A_836 : vector<1x16xf32> to vector<16xf32>
      %add3A_838 = arith.addf %add3A_833, %get3A_837 : vector<16xf32>
      %swap3A_839 = arith.index_cast %scan3A_803 : i32 to index
      %swap3A_840 = arith.constant 16 : index
      %swap3A_841 = tpu.vector_load %arg7[%swap3A_839, %swap3A_840] {strides = array<i32>} : memref<112x32xf32, #tpu.memory_space<vmem>>, vector<1x16xf32>,
      %swap3A_842 = vector.shape_cast %swap3A_841 : vector<1x16xf32> to vector<16xf32>
      %swap3A_843 = vector.shape_cast %add3A_838 : vector<16xf32> to vector<1x16xf32>
      tpu.vector_store %arg7[%swap3A_839, %swap3A_840], %swap3A_843 {strides = array<i32>} : memref<112x32xf32, #tpu.memory_space<vmem>>, vector<1x16xf32>,
      %sub3A_844 = arith.constant 1 : i32
      %sub3A_845 = arith.subi %scan3A_805, %sub3A_844 : i32
      %eq3A = arith.constant 0 : i32
      %eq3A_846 = arith.cmpi eq, %sub3A_845, %eq3A : i32
      %convert_element_type3A_847 = arith.extui %eq3A_846 : i1 to i32
      %add3A_848 = arith.addi %scan3A_804, %convert_element_type3A_847 : i32
      %min3A_849 = arith.minsi %add3A_848, %min3A_51 : i32
      %jit3A = arith.constant 10 : i32
      %select_n3A = arith.select %eq3A_846, %jit3A, %sub3A_845 : i32
      %sub3A_850 = arith.constant 1 : i32
      %sub3A_851 = arith.subi %scan3A_807, %sub3A_850 : i32
      %eq3A_852 = arith.constant 0 : i32
      %eq3A_853 = arith.cmpi eq, %sub3A_851, %eq3A_852 : i32
      %convert_element_type3A_854 = arith.extui %eq3A_853 : i1 to i32
      %add3A_855 = arith.addi %scan3A_806, %convert_element_type3A_854 : i32
      %min3A_856 = arith.minsi %add3A_855, %min3A_55 : i32
      %jit3A_857 = arith.constant 1000 : i32
      %select_n3A_858 = arith.select %eq3A_853, %jit3A_857, %sub3A_851 : i32
      scf.yield %min3A_849, %select_n3A, %min3A_856, %select_n3A_858 : i32, i32, i32, i32
    }
    %scan3A_378 = arith.constant 112 : i32
    %add3A_379 = arith.constant 1232 : i32
    %add3A_380 = arith.addi %multiple_of3A, %add3A_379 : i32
    %dma_start3A_381 = arith.constant 0 : i32
    %dma_start3A_382 = tpu.memref_slice %arg3[%add3A_380, %dma_start3A_381] : memref<100352x32xf32, #tpu.memory_space<hbm>> -> memref<112x32xf32, #tpu.memory_space<hbm>>
    %dma_start3A_383 = arith.constant 0 : i32
    %dma_start3A_384 = tpu.memref_slice %arg3[%add3A_380, %dma_start3A_383] : memref<100352x32xf32, #tpu.memory_space<hbm>> -> memref<112x32xf32, #tpu.memory_space<hbm>>
    tpu.enqueue_dma source(%arg7 : memref<112x32xf32, #tpu.memory_space<vmem>>) target(%dma_start3A_384 : memref<112x32xf32, #tpu.memory_space<hbm>>) target_semaphore(%arg15 : memref<!tpu.dma_semaphore, #tpu.memory_space<semaphore_mem>>)
    %add3A_385 = arith.constant 1456 : i32
    %add3A_386 = arith.addi %multiple_of3A, %add3A_385 : i32
    %dma_start3A_387 = arith.constant 0 : i32
    %dma_start3A_388 = tpu.memref_slice %arg2[%add3A_386, %dma_start3A_387] : memref<110100x32xf32, #tpu.memory_space<hbm>> -> memref<112x32xf32, #tpu.memory_space<hbm>>
    %dma_start3A_389 = arith.constant 0 : i32
    %dma_start3A_390 = tpu.memref_slice %arg2[%add3A_386, %dma_start3A_389] : memref<110100x32xf32, #tpu.memory_space<hbm>> -> memref<112x32xf32, #tpu.memory_space<hbm>>
    tpu.enqueue_dma source(%dma_start3A_390 : memref<112x32xf32, #tpu.memory_space<hbm>>) target(%arg9 : memref<112x32xf32, #tpu.memory_space<vmem>>) target_semaphore(%arg13 : memref<!tpu.dma_semaphore, #tpu.memory_space<semaphore_mem>>)
    %dma_wait3A_391 = arith.constant 0 : i32
    %dma_wait3A_392 = tpu.memref_slice %arg2[%add3A_360, %dma_wait3A_391] : memref<110100x32xf32, #tpu.memory_space<hbm>> -> memref<112x32xf32, #tpu.memory_space<hbm>>
    %dma_wait3A_393 = arith.constant 0 : i32
    %dma_wait3A_394 = tpu.memref_slice %arg2[%add3A_360, %dma_wait3A_393] : memref<110100x32xf32, #tpu.memory_space<hbm>> -> memref<112x32xf32, #tpu.memory_space<hbm>>
    tpu.wait_dma2 semaphore(%arg12 : memref<!tpu.dma_semaphore, #tpu.memory_space<semaphore_mem>>) src(%dma_wait3A_394 : memref<112x32xf32, #tpu.memory_space<hbm>>) dst(%arg8 : memref<112x32xf32, #tpu.memory_space<vmem>>)
    %dma_wait3A_395 = arith.constant 0 : i32
    %dma_wait3A_396 = tpu.memref_slice %arg3[%add3A_354, %dma_wait3A_395] : memref<100352x32xf32, #tpu.memory_space<hbm>> -> memref<112x32xf32, #tpu.memory_space<hbm>>
    %dma_wait3A_397 = arith.constant 0 : i32
    %dma_wait3A_398 = tpu.memref_slice %arg3[%add3A_354, %dma_wait3A_397] : memref<100352x32xf32, #tpu.memory_space<hbm>> -> memref<112x32xf32, #tpu.memory_space<hbm>>
    tpu.wait_dma2 semaphore(%arg14 : memref<!tpu.dma_semaphore, #tpu.memory_space<semaphore_mem>>) src(%arg6 : memref<112x32xf32, #tpu.memory_space<vmem>>) dst(%dma_wait3A_398 : memref<112x32xf32, #tpu.memory_space<hbm>>)
    %scan3A_399 = arith.constant 0 : i32
    %scan3A_400 = arith.constant 112 : i32
    %scan3A_401 = arith.addi %scan3A_399, %scan3A_400 : i32
    %scan3A_402 = arith.constant 1 : i32
    %scan3A_403:4 = scf.for %scan3A_803 = %scan3A_399 to %scan3A_401 step %scan3A_402 iter_args(%scan3A_804 = %scan3A_377#0, %scan3A_805 = %scan3A_377#1, %scan3A_806 = %scan3A_377#2, %scan3A_807 = %scan3A_377#3) -> (i32, i32, i32, i32)  : i32 {
      %get3A = arith.index_cast %scan3A_803 : i32 to index
      %get3A_808 = arith.constant 0 : index
      %get3A_809 = tpu.vector_load %arg8[%get3A, %get3A_808] {strides = array<i32>} : memref<112x32xf32, #tpu.memory_space<vmem>>, vector<1x16xf32>,
      %get3A_810 = vector.shape_cast %get3A_809 : vector<1x16xf32> to vector<16xf32>
      %get3A_811 = arith.index_cast %scan3A_804 : i32 to index
      %get3A_812 = arith.constant 0 : index
      %get3A_813 = tpu.vector_load %arg5[%get3A_811, %get3A_812] {strides = array<i32>} : memref<328x32xf32, #tpu.memory_space<vmem>>, vector<1x16xf32>,
      %get3A_814 = vector.shape_cast %get3A_813 : vector<1x16xf32> to vector<16xf32>
      %add3A_815 = arith.addf %get3A_810, %get3A_814 : vector<16xf32>
      %get3A_816 = arith.index_cast %scan3A_806 : i32 to index
      %get3A_817 = arith.constant 0 : index
      %get3A_818 = tpu.vector_load %arg4[%get3A_816, %get3A_817] {strides = array<i32>} : memref<16x32xf32, #tpu.memory_space<vmem>>, vector<1x16xf32>,
      %get3A_819 = vector.shape_cast %get3A_818 : vector<1x16xf32> to vector<16xf32>
      %add3A_820 = arith.addf %add3A_815, %get3A_819 : vector<16xf32>
      %swap3A = arith.index_cast %scan3A_803 : i32 to index
      %swap3A_821 = arith.constant 0 : index
      %swap3A_822 = tpu.vector_load %arg6[%swap3A, %swap3A_821] {strides = array<i32>} : memref<112x32xf32, #tpu.memory_space<vmem>>, vector<1x16xf32>,
      %swap3A_823 = vector.shape_cast %swap3A_822 : vector<1x16xf32> to vector<16xf32>
      %swap3A_824 = vector.shape_cast %add3A_820 : vector<16xf32> to vector<1x16xf32>
      tpu.vector_store %arg6[%swap3A, %swap3A_821], %swap3A_824 {strides = array<i32>} : memref<112x32xf32, #tpu.memory_space<vmem>>, vector<1x16xf32>,
      %get3A_825 = arith.index_cast %scan3A_803 : i32 to index
      %get3A_826 = arith.constant 16 : index
      %get3A_827 = tpu.vector_load %arg8[%get3A_825, %get3A_826] {strides = array<i32>} : memref<112x32xf32, #tpu.memory_space<vmem>>, vector<1x16xf32>,
      %get3A_828 = vector.shape_cast %get3A_827 : vector<1x16xf32> to vector<16xf32>
      %get3A_829 = arith.index_cast %scan3A_804 : i32 to index
      %get3A_830 = arith.constant 16 : index
      %get3A_831 = tpu.vector_load %arg5[%get3A_829, %get3A_830] {strides = array<i32>} : memref<328x32xf32, #tpu.memory_space<vmem>>, vector<1x16xf32>,
      %get3A_832 = vector.shape_cast %get3A_831 : vector<1x16xf32> to vector<16xf32>
      %add3A_833 = arith.addf %get3A_828, %get3A_832 : vector<16xf32>
      %get3A_834 = arith.index_cast %scan3A_806 : i32 to index
      %get3A_835 = arith.constant 16 : index
      %get3A_836 = tpu.vector_load %arg4[%get3A_834, %get3A_835] {strides = array<i32>} : memref<16x32xf32, #tpu.memory_space<vmem>>, vector<1x16xf32>,
      %get3A_837 = vector.shape_cast %get3A_836 : vector<1x16xf32> to vector<16xf32>
      %add3A_838 = arith.addf %add3A_833, %get3A_837 : vector<16xf32>
      %swap3A_839 = arith.index_cast %scan3A_803 : i32 to index
      %swap3A_840 = arith.constant 16 : index
      %swap3A_841 = tpu.vector_load %arg6[%swap3A_839, %swap3A_840] {strides = array<i32>} : memref<112x32xf32, #tpu.memory_space<vmem>>, vector<1x16xf32>,
      %swap3A_842 = vector.shape_cast %swap3A_841 : vector<1x16xf32> to vector<16xf32>
      %swap3A_843 = vector.shape_cast %add3A_838 : vector<16xf32> to vector<1x16xf32>
      tpu.vector_store %arg6[%swap3A_839, %swap3A_840], %swap3A_843 {strides = array<i32>} : memref<112x32xf32, #tpu.memory_space<vmem>>, vector<1x16xf32>,
      %sub3A_844 = arith.constant 1 : i32
      %sub3A_845 = arith.subi %scan3A_805, %sub3A_844 : i32
      %eq3A = arith.constant 0 : i32
      %eq3A_846 = arith.cmpi eq, %sub3A_845, %eq3A : i32
      %convert_element_type3A_847 = arith.extui %eq3A_846 : i1 to i32
      %add3A_848 = arith.addi %scan3A_804, %convert_element_type3A_847 : i32
      %min3A_849 = arith.minsi %add3A_848, %min3A_51 : i32
      %jit3A = arith.constant 10 : i32
      %select_n3A = arith.select %eq3A_846, %jit3A, %sub3A_845 : i32
      %sub3A_850 = arith.constant 1 : i32
      %sub3A_851 = arith.subi %scan3A_807, %sub3A_850 : i32
      %eq3A_852 = arith.constant 0 : i32
      %eq3A_853 = arith.cmpi eq, %sub3A_851, %eq3A_852 : i32
      %convert_element_type3A_854 = arith.extui %eq3A_853 : i1 to i32
      %add3A_855 = arith.addi %scan3A_806, %convert_element_type3A_854 : i32
      %min3A_856 = arith.minsi %add3A_855, %min3A_55 : i32
      %jit3A_857 = arith.constant 1000 : i32
      %select_n3A_858 = arith.select %eq3A_853, %jit3A_857, %sub3A_851 : i32
      scf.yield %min3A_849, %select_n3A, %min3A_856, %select_n3A_858 : i32, i32, i32, i32
    }
    %scan3A_404 = arith.constant 112 : i32
    %add3A_405 = arith.constant 1344 : i32
    %add3A_406 = arith.addi %multiple_of3A, %add3A_405 : i32
    %dma_start3A_407 = arith.constant 0 : i32
    %dma_start3A_408 = tpu.memref_slice %arg3[%add3A_406, %dma_start3A_407] : memref<100352x32xf32, #tpu.memory_space<hbm>> -> memref<112x32xf32, #tpu.memory_space<hbm>>
    %dma_start3A_409 = arith.constant 0 : i32
    %dma_start3A_410 = tpu.memref_slice %arg3[%add3A_406, %dma_start3A_409] : memref<100352x32xf32, #tpu.memory_space<hbm>> -> memref<112x32xf32, #tpu.memory_space<hbm>>
    tpu.enqueue_dma source(%arg6 : memref<112x32xf32, #tpu.memory_space<vmem>>) target(%dma_start3A_410 : memref<112x32xf32, #tpu.memory_space<hbm>>) target_semaphore(%arg14 : memref<!tpu.dma_semaphore, #tpu.memory_space<semaphore_mem>>)
    %add3A_411 = arith.constant 1568 : i32
    %add3A_412 = arith.addi %multiple_of3A, %add3A_411 : i32
    %dma_start3A_413 = arith.constant 0 : i32
    %dma_start3A_414 = tpu.memref_slice %arg2[%add3A_412, %dma_start3A_413] : memref<110100x32xf32, #tpu.memory_space<hbm>> -> memref<112x32xf32, #tpu.memory_space<hbm>>
    %dma_start3A_415 = arith.constant 0 : i32
    %dma_start3A_416 = tpu.memref_slice %arg2[%add3A_412, %dma_start3A_415] : memref<110100x32xf32, #tpu.memory_space<hbm>> -> memref<112x32xf32, #tpu.memory_space<hbm>>
    tpu.enqueue_dma source(%dma_start3A_416 : memref<112x32xf32, #tpu.memory_space<hbm>>) target(%arg8 : memref<112x32xf32, #tpu.memory_space<vmem>>) target_semaphore(%arg12 : memref<!tpu.dma_semaphore, #tpu.memory_space<semaphore_mem>>)
    %dma_wait3A_417 = arith.constant 0 : i32
    %dma_wait3A_418 = tpu.memref_slice %arg2[%add3A_386, %dma_wait3A_417] : memref<110100x32xf32, #tpu.memory_space<hbm>> -> memref<112x32xf32, #tpu.memory_space<hbm>>
    %dma_wait3A_419 = arith.constant 0 : i32
    %dma_wait3A_420 = tpu.memref_slice %arg2[%add3A_386, %dma_wait3A_419] : memref<110100x32xf32, #tpu.memory_space<hbm>> -> memref<112x32xf32, #tpu.memory_space<hbm>>
    tpu.wait_dma2 semaphore(%arg13 : memref<!tpu.dma_semaphore, #tpu.memory_space<semaphore_mem>>) src(%dma_wait3A_420 : memref<112x32xf32, #tpu.memory_space<hbm>>) dst(%arg9 : memref<112x32xf32, #tpu.memory_space<vmem>>)
    %dma_wait3A_421 = arith.constant 0 : i32
    %dma_wait3A_422 = tpu.memref_slice %arg3[%add3A_380, %dma_wait3A_421] : memref<100352x32xf32, #tpu.memory_space<hbm>> -> memref<112x32xf32, #tpu.memory_space<hbm>>
    %dma_wait3A_423 = arith.constant 0 : i32
    %dma_wait3A_424 = tpu.memref_slice %arg3[%add3A_380, %dma_wait3A_423] : memref<100352x32xf32, #tpu.memory_space<hbm>> -> memref<112x32xf32, #tpu.memory_space<hbm>>
    tpu.wait_dma2 semaphore(%arg15 : memref<!tpu.dma_semaphore, #tpu.memory_space<semaphore_mem>>) src(%arg7 : memref<112x32xf32, #tpu.memory_space<vmem>>) dst(%dma_wait3A_424 : memref<112x32xf32, #tpu.memory_space<hbm>>)
    %scan3A_425 = arith.constant 0 : i32
    %scan3A_426 = arith.constant 112 : i32
    %scan3A_427 = arith.addi %scan3A_425, %scan3A_426 : i32
    %scan3A_428 = arith.constant 1 : i32
    %scan3A_429:4 = scf.for %scan3A_803 = %scan3A_425 to %scan3A_427 step %scan3A_428 iter_args(%scan3A_804 = %scan3A_403#0, %scan3A_805 = %scan3A_403#1, %scan3A_806 = %scan3A_403#2, %scan3A_807 = %scan3A_403#3) -> (i32, i32, i32, i32)  : i32 {
      %get3A = arith.index_cast %scan3A_803 : i32 to index
      %get3A_808 = arith.constant 0 : index
      %get3A_809 = tpu.vector_load %arg9[%get3A, %get3A_808] {strides = array<i32>} : memref<112x32xf32, #tpu.memory_space<vmem>>, vector<1x16xf32>,
      %get3A_810 = vector.shape_cast %get3A_809 : vector<1x16xf32> to vector<16xf32>
      %get3A_811 = arith.index_cast %scan3A_804 : i32 to index
      %get3A_812 = arith.constant 0 : index
      %get3A_813 = tpu.vector_load %arg5[%get3A_811, %get3A_812] {strides = array<i32>} : memref<328x32xf32, #tpu.memory_space<vmem>>, vector<1x16xf32>,
      %get3A_814 = vector.shape_cast %get3A_813 : vector<1x16xf32> to vector<16xf32>
      %add3A_815 = arith.addf %get3A_810, %get3A_814 : vector<16xf32>
      %get3A_816 = arith.index_cast %scan3A_806 : i32 to index
      %get3A_817 = arith.constant 0 : index
      %get3A_818 = tpu.vector_load %arg4[%get3A_816, %get3A_817] {strides = array<i32>} : memref<16x32xf32, #tpu.memory_space<vmem>>, vector<1x16xf32>,
      %get3A_819 = vector.shape_cast %get3A_818 : vector<1x16xf32> to vector<16xf32>
      %add3A_820 = arith.addf %add3A_815, %get3A_819 : vector<16xf32>
      %swap3A = arith.index_cast %scan3A_803 : i32 to index
      %swap3A_821 = arith.constant 0 : index
      %swap3A_822 = tpu.vector_load %arg7[%swap3A, %swap3A_821] {strides = array<i32>} : memref<112x32xf32, #tpu.memory_space<vmem>>, vector<1x16xf32>,
      %swap3A_823 = vector.shape_cast %swap3A_822 : vector<1x16xf32> to vector<16xf32>
      %swap3A_824 = vector.shape_cast %add3A_820 : vector<16xf32> to vector<1x16xf32>
      tpu.vector_store %arg7[%swap3A, %swap3A_821], %swap3A_824 {strides = array<i32>} : memref<112x32xf32, #tpu.memory_space<vmem>>, vector<1x16xf32>,
      %get3A_825 = arith.index_cast %scan3A_803 : i32 to index
      %get3A_826 = arith.constant 16 : index
      %get3A_827 = tpu.vector_load %arg9[%get3A_825, %get3A_826] {strides = array<i32>} : memref<112x32xf32, #tpu.memory_space<vmem>>, vector<1x16xf32>,
      %get3A_828 = vector.shape_cast %get3A_827 : vector<1x16xf32> to vector<16xf32>
      %get3A_829 = arith.index_cast %scan3A_804 : i32 to index
      %get3A_830 = arith.constant 16 : index
      %get3A_831 = tpu.vector_load %arg5[%get3A_829, %get3A_830] {strides = array<i32>} : memref<328x32xf32, #tpu.memory_space<vmem>>, vector<1x16xf32>,
      %get3A_832 = vector.shape_cast %get3A_831 : vector<1x16xf32> to vector<16xf32>
      %add3A_833 = arith.addf %get3A_828, %get3A_832 : vector<16xf32>
      %get3A_834 = arith.index_cast %scan3A_806 : i32 to index
      %get3A_835 = arith.constant 16 : index
      %get3A_836 = tpu.vector_load %arg4[%get3A_834, %get3A_835] {strides = array<i32>} : memref<16x32xf32, #tpu.memory_space<vmem>>, vector<1x16xf32>,
      %get3A_837 = vector.shape_cast %get3A_836 : vector<1x16xf32> to vector<16xf32>
      %add3A_838 = arith.addf %add3A_833, %get3A_837 : vector<16xf32>
      %swap3A_839 = arith.index_cast %scan3A_803 : i32 to index
      %swap3A_840 = arith.constant 16 : index
      %swap3A_841 = tpu.vector_load %arg7[%swap3A_839, %swap3A_840] {strides = array<i32>} : memref<112x32xf32, #tpu.memory_space<vmem>>, vector<1x16xf32>,
      %swap3A_842 = vector.shape_cast %swap3A_841 : vector<1x16xf32> to vector<16xf32>
      %swap3A_843 = vector.shape_cast %add3A_838 : vector<16xf32> to vector<1x16xf32>
      tpu.vector_store %arg7[%swap3A_839, %swap3A_840], %swap3A_843 {strides = array<i32>} : memref<112x32xf32, #tpu.memory_space<vmem>>, vector<1x16xf32>,
      %sub3A_844 = arith.constant 1 : i32
      %sub3A_845 = arith.subi %scan3A_805, %sub3A_844 : i32
      %eq3A = arith.constant 0 : i32
      %eq3A_846 = arith.cmpi eq, %sub3A_845, %eq3A : i32
      %convert_element_type3A_847 = arith.extui %eq3A_846 : i1 to i32
      %add3A_848 = arith.addi %scan3A_804, %convert_element_type3A_847 : i32
      %min3A_849 = arith.minsi %add3A_848, %min3A_51 : i32
      %jit3A = arith.constant 10 : i32
      %select_n3A = arith.select %eq3A_846, %jit3A, %sub3A_845 : i32
      %sub3A_850 = arith.constant 1 : i32
      %sub3A_851 = arith.subi %scan3A_807, %sub3A_850 : i32
      %eq3A_852 = arith.constant 0 : i32
      %eq3A_853 = arith.cmpi eq, %sub3A_851, %eq3A_852 : i32
      %convert_element_type3A_854 = arith.extui %eq3A_853 : i1 to i32
      %add3A_855 = arith.addi %scan3A_806, %convert_element_type3A_854 : i32
      %min3A_856 = arith.minsi %add3A_855, %min3A_55 : i32
      %jit3A_857 = arith.constant 1000 : i32
      %select_n3A_858 = arith.select %eq3A_853, %jit3A_857, %sub3A_851 : i32
      scf.yield %min3A_849, %select_n3A, %min3A_856, %select_n3A_858 : i32, i32, i32, i32
    }
    %scan3A_430 = arith.constant 112 : i32
    %add3A_431 = arith.constant 1456 : i32
    %add3A_432 = arith.addi %multiple_of3A, %add3A_431 : i32
    %dma_start3A_433 = arith.constant 0 : i32
    %dma_start3A_434 = tpu.memref_slice %arg3[%add3A_432, %dma_start3A_433] : memref<100352x32xf32, #tpu.memory_space<hbm>> -> memref<112x32xf32, #tpu.memory_space<hbm>>
    %dma_start3A_435 = arith.constant 0 : i32
    %dma_start3A_436 = tpu.memref_slice %arg3[%add3A_432, %dma_start3A_435] : memref<100352x32xf32, #tpu.memory_space<hbm>> -> memref<112x32xf32, #tpu.memory_space<hbm>>
    tpu.enqueue_dma source(%arg7 : memref<112x32xf32, #tpu.memory_space<vmem>>) target(%dma_start3A_436 : memref<112x32xf32, #tpu.memory_space<hbm>>) target_semaphore(%arg15 : memref<!tpu.dma_semaphore, #tpu.memory_space<semaphore_mem>>)
    %add3A_437 = arith.constant 1680 : i32
    %add3A_438 = arith.addi %multiple_of3A, %add3A_437 : i32
    %dma_start3A_439 = arith.constant 0 : i32
    %dma_start3A_440 = tpu.memref_slice %arg2[%add3A_438, %dma_start3A_439] : memref<110100x32xf32, #tpu.memory_space<hbm>> -> memref<112x32xf32, #tpu.memory_space<hbm>>
    %dma_start3A_441 = arith.constant 0 : i32
    %dma_start3A_442 = tpu.memref_slice %arg2[%add3A_438, %dma_start3A_441] : memref<110100x32xf32, #tpu.memory_space<hbm>> -> memref<112x32xf32, #tpu.memory_space<hbm>>
    tpu.enqueue_dma source(%dma_start3A_442 : memref<112x32xf32, #tpu.memory_space<hbm>>) target(%arg9 : memref<112x32xf32, #tpu.memory_space<vmem>>) target_semaphore(%arg13 : memref<!tpu.dma_semaphore, #tpu.memory_space<semaphore_mem>>)
    %dma_wait3A_443 = arith.constant 0 : i32
    %dma_wait3A_444 = tpu.memref_slice %arg2[%add3A_412, %dma_wait3A_443] : memref<110100x32xf32, #tpu.memory_space<hbm>> -> memref<112x32xf32, #tpu.memory_space<hbm>>
    %dma_wait3A_445 = arith.constant 0 : i32
    %dma_wait3A_446 = tpu.memref_slice %arg2[%add3A_412, %dma_wait3A_445] : memref<110100x32xf32, #tpu.memory_space<hbm>> -> memref<112x32xf32, #tpu.memory_space<hbm>>
    tpu.wait_dma2 semaphore(%arg12 : memref<!tpu.dma_semaphore, #tpu.memory_space<semaphore_mem>>) src(%dma_wait3A_446 : memref<112x32xf32, #tpu.memory_space<hbm>>) dst(%arg8 : memref<112x32xf32, #tpu.memory_space<vmem>>)
    %dma_wait3A_447 = arith.constant 0 : i32
    %dma_wait3A_448 = tpu.memref_slice %arg3[%add3A_406, %dma_wait3A_447] : memref<100352x32xf32, #tpu.memory_space<hbm>> -> memref<112x32xf32, #tpu.memory_space<hbm>>
    %dma_wait3A_449 = arith.constant 0 : i32
    %dma_wait3A_450 = tpu.memref_slice %arg3[%add3A_406, %dma_wait3A_449] : memref<100352x32xf32, #tpu.memory_space<hbm>> -> memref<112x32xf32, #tpu.memory_space<hbm>>
    tpu.wait_dma2 semaphore(%arg14 : memref<!tpu.dma_semaphore, #tpu.memory_space<semaphore_mem>>) src(%arg6 : memref<112x32xf32, #tpu.memory_space<vmem>>) dst(%dma_wait3A_450 : memref<112x32xf32, #tpu.memory_space<hbm>>)
    %scan3A_451 = arith.constant 0 : i32
    %scan3A_452 = arith.constant 112 : i32
    %scan3A_453 = arith.addi %scan3A_451, %scan3A_452 : i32
    %scan3A_454 = arith.constant 1 : i32
    %scan3A_455:4 = scf.for %scan3A_803 = %scan3A_451 to %scan3A_453 step %scan3A_454 iter_args(%scan3A_804 = %scan3A_429#0, %scan3A_805 = %scan3A_429#1, %scan3A_806 = %scan3A_429#2, %scan3A_807 = %scan3A_429#3) -> (i32, i32, i32, i32)  : i32 {
      %get3A = arith.index_cast %scan3A_803 : i32 to index
      %get3A_808 = arith.constant 0 : index
      %get3A_809 = tpu.vector_load %arg8[%get3A, %get3A_808] {strides = array<i32>} : memref<112x32xf32, #tpu.memory_space<vmem>>, vector<1x16xf32>,
      %get3A_810 = vector.shape_cast %get3A_809 : vector<1x16xf32> to vector<16xf32>
      %get3A_811 = arith.index_cast %scan3A_804 : i32 to index
      %get3A_812 = arith.constant 0 : index
      %get3A_813 = tpu.vector_load %arg5[%get3A_811, %get3A_812] {strides = array<i32>} : memref<328x32xf32, #tpu.memory_space<vmem>>, vector<1x16xf32>,
      %get3A_814 = vector.shape_cast %get3A_813 : vector<1x16xf32> to vector<16xf32>
      %add3A_815 = arith.addf %get3A_810, %get3A_814 : vector<16xf32>
      %get3A_816 = arith.index_cast %scan3A_806 : i32 to index
      %get3A_817 = arith.constant 0 : index
      %get3A_818 = tpu.vector_load %arg4[%get3A_816, %get3A_817] {strides = array<i32>} : memref<16x32xf32, #tpu.memory_space<vmem>>, vector<1x16xf32>,
      %get3A_819 = vector.shape_cast %get3A_818 : vector<1x16xf32> to vector<16xf32>
      %add3A_820 = arith.addf %add3A_815, %get3A_819 : vector<16xf32>
      %swap3A = arith.index_cast %scan3A_803 : i32 to index
      %swap3A_821 = arith.constant 0 : index
      %swap3A_822 = tpu.vector_load %arg6[%swap3A, %swap3A_821] {strides = array<i32>} : memref<112x32xf32, #tpu.memory_space<vmem>>, vector<1x16xf32>,
      %swap3A_823 = vector.shape_cast %swap3A_822 : vector<1x16xf32> to vector<16xf32>
      %swap3A_824 = vector.shape_cast %add3A_820 : vector<16xf32> to vector<1x16xf32>
      tpu.vector_store %arg6[%swap3A, %swap3A_821], %swap3A_824 {strides = array<i32>} : memref<112x32xf32, #tpu.memory_space<vmem>>, vector<1x16xf32>,
      %get3A_825 = arith.index_cast %scan3A_803 : i32 to index
      %get3A_826 = arith.constant 16 : index
      %get3A_827 = tpu.vector_load %arg8[%get3A_825, %get3A_826] {strides = array<i32>} : memref<112x32xf32, #tpu.memory_space<vmem>>, vector<1x16xf32>,
      %get3A_828 = vector.shape_cast %get3A_827 : vector<1x16xf32> to vector<16xf32>
      %get3A_829 = arith.index_cast %scan3A_804 : i32 to index
      %get3A_830 = arith.constant 16 : index
      %get3A_831 = tpu.vector_load %arg5[%get3A_829, %get3A_830] {strides = array<i32>} : memref<328x32xf32, #tpu.memory_space<vmem>>, vector<1x16xf32>,
      %get3A_832 = vector.shape_cast %get3A_831 : vector<1x16xf32> to vector<16xf32>
      %add3A_833 = arith.addf %get3A_828, %get3A_832 : vector<16xf32>
      %get3A_834 = arith.index_cast %scan3A_806 : i32 to index
      %get3A_835 = arith.constant 16 : index
      %get3A_836 = tpu.vector_load %arg4[%get3A_834, %get3A_835] {strides = array<i32>} : memref<16x32xf32, #tpu.memory_space<vmem>>, vector<1x16xf32>,
      %get3A_837 = vector.shape_cast %get3A_836 : vector<1x16xf32> to vector<16xf32>
      %add3A_838 = arith.addf %add3A_833, %get3A_837 : vector<16xf32>
      %swap3A_839 = arith.index_cast %scan3A_803 : i32 to index
      %swap3A_840 = arith.constant 16 : index
      %swap3A_841 = tpu.vector_load %arg6[%swap3A_839, %swap3A_840] {strides = array<i32>} : memref<112x32xf32, #tpu.memory_space<vmem>>, vector<1x16xf32>,
      %swap3A_842 = vector.shape_cast %swap3A_841 : vector<1x16xf32> to vector<16xf32>
      %swap3A_843 = vector.shape_cast %add3A_838 : vector<16xf32> to vector<1x16xf32>
      tpu.vector_store %arg6[%swap3A_839, %swap3A_840], %swap3A_843 {strides = array<i32>} : memref<112x32xf32, #tpu.memory_space<vmem>>, vector<1x16xf32>,
      %sub3A_844 = arith.constant 1 : i32
      %sub3A_845 = arith.subi %scan3A_805, %sub3A_844 : i32
      %eq3A = arith.constant 0 : i32
      %eq3A_846 = arith.cmpi eq, %sub3A_845, %eq3A : i32
      %convert_element_type3A_847 = arith.extui %eq3A_846 : i1 to i32
      %add3A_848 = arith.addi %scan3A_804, %convert_element_type3A_847 : i32
      %min3A_849 = arith.minsi %add3A_848, %min3A_51 : i32
      %jit3A = arith.constant 10 : i32
      %select_n3A = arith.select %eq3A_846, %jit3A, %sub3A_845 : i32
      %sub3A_850 = arith.constant 1 : i32
      %sub3A_851 = arith.subi %scan3A_807, %sub3A_850 : i32
      %eq3A_852 = arith.constant 0 : i32
      %eq3A_853 = arith.cmpi eq, %sub3A_851, %eq3A_852 : i32
      %convert_element_type3A_854 = arith.extui %eq3A_853 : i1 to i32
      %add3A_855 = arith.addi %scan3A_806, %convert_element_type3A_854 : i32
      %min3A_856 = arith.minsi %add3A_855, %min3A_55 : i32
      %jit3A_857 = arith.constant 1000 : i32
      %select_n3A_858 = arith.select %eq3A_853, %jit3A_857, %sub3A_851 : i32
      scf.yield %min3A_849, %select_n3A, %min3A_856, %select_n3A_858 : i32, i32, i32, i32
    }
    %scan3A_456 = arith.constant 112 : i32
    %add3A_457 = arith.constant 1568 : i32
    %add3A_458 = arith.addi %multiple_of3A, %add3A_457 : i32
    %dma_start3A_459 = arith.constant 0 : i32
    %dma_start3A_460 = tpu.memref_slice %arg3[%add3A_458, %dma_start3A_459] : memref<100352x32xf32, #tpu.memory_space<hbm>> -> memref<112x32xf32, #tpu.memory_space<hbm>>
    %dma_start3A_461 = arith.constant 0 : i32
    %dma_start3A_462 = tpu.memref_slice %arg3[%add3A_458, %dma_start3A_461] : memref<100352x32xf32, #tpu.memory_space<hbm>> -> memref<112x32xf32, #tpu.memory_space<hbm>>
    tpu.enqueue_dma source(%arg6 : memref<112x32xf32, #tpu.memory_space<vmem>>) target(%dma_start3A_462 : memref<112x32xf32, #tpu.memory_space<hbm>>) target_semaphore(%arg14 : memref<!tpu.dma_semaphore, #tpu.memory_space<semaphore_mem>>)
    %add3A_463 = arith.constant 1792 : i32
    %add3A_464 = arith.addi %multiple_of3A, %add3A_463 : i32
    %dma_start3A_465 = arith.constant 0 : i32
    %dma_start3A_466 = tpu.memref_slice %arg2[%add3A_464, %dma_start3A_465] : memref<110100x32xf32, #tpu.memory_space<hbm>> -> memref<112x32xf32, #tpu.memory_space<hbm>>
    %dma_start3A_467 = arith.constant 0 : i32
    %dma_start3A_468 = tpu.memref_slice %arg2[%add3A_464, %dma_start3A_467] : memref<110100x32xf32, #tpu.memory_space<hbm>> -> memref<112x32xf32, #tpu.memory_space<hbm>>
    tpu.enqueue_dma source(%dma_start3A_468 : memref<112x32xf32, #tpu.memory_space<hbm>>) target(%arg8 : memref<112x32xf32, #tpu.memory_space<vmem>>) target_semaphore(%arg12 : memref<!tpu.dma_semaphore, #tpu.memory_space<semaphore_mem>>)
    %dma_wait3A_469 = arith.constant 0 : i32
    %dma_wait3A_470 = tpu.memref_slice %arg2[%add3A_438, %dma_wait3A_469] : memref<110100x32xf32, #tpu.memory_space<hbm>> -> memref<112x32xf32, #tpu.memory_space<hbm>>
    %dma_wait3A_471 = arith.constant 0 : i32
    %dma_wait3A_472 = tpu.memref_slice %arg2[%add3A_438, %dma_wait3A_471] : memref<110100x32xf32, #tpu.memory_space<hbm>> -> memref<112x32xf32, #tpu.memory_space<hbm>>
    tpu.wait_dma2 semaphore(%arg13 : memref<!tpu.dma_semaphore, #tpu.memory_space<semaphore_mem>>) src(%dma_wait3A_472 : memref<112x32xf32, #tpu.memory_space<hbm>>) dst(%arg9 : memref<112x32xf32, #tpu.memory_space<vmem>>)
    %dma_wait3A_473 = arith.constant 0 : i32
    %dma_wait3A_474 = tpu.memref_slice %arg3[%add3A_432, %dma_wait3A_473] : memref<100352x32xf32, #tpu.memory_space<hbm>> -> memref<112x32xf32, #tpu.memory_space<hbm>>
    %dma_wait3A_475 = arith.constant 0 : i32
    %dma_wait3A_476 = tpu.memref_slice %arg3[%add3A_432, %dma_wait3A_475] : memref<100352x32xf32, #tpu.memory_space<hbm>> -> memref<112x32xf32, #tpu.memory_space<hbm>>
    tpu.wait_dma2 semaphore(%arg15 : memref<!tpu.dma_semaphore, #tpu.memory_space<semaphore_mem>>) src(%arg7 : memref<112x32xf32, #tpu.memory_space<vmem>>) dst(%dma_wait3A_476 : memref<112x32xf32, #tpu.memory_space<hbm>>)
    %scan3A_477 = arith.constant 0 : i32
    %scan3A_478 = arith.constant 112 : i32
    %scan3A_479 = arith.addi %scan3A_477, %scan3A_478 : i32
    %scan3A_480 = arith.constant 1 : i32
    %scan3A_481:4 = scf.for %scan3A_803 = %scan3A_477 to %scan3A_479 step %scan3A_480 iter_args(%scan3A_804 = %scan3A_455#0, %scan3A_805 = %scan3A_455#1, %scan3A_806 = %scan3A_455#2, %scan3A_807 = %scan3A_455#3) -> (i32, i32, i32, i32)  : i32 {
      %get3A = arith.index_cast %scan3A_803 : i32 to index
      %get3A_808 = arith.constant 0 : index
      %get3A_809 = tpu.vector_load %arg9[%get3A, %get3A_808] {strides = array<i32>} : memref<112x32xf32, #tpu.memory_space<vmem>>, vector<1x16xf32>,
      %get3A_810 = vector.shape_cast %get3A_809 : vector<1x16xf32> to vector<16xf32>
      %get3A_811 = arith.index_cast %scan3A_804 : i32 to index
      %get3A_812 = arith.constant 0 : index
      %get3A_813 = tpu.vector_load %arg5[%get3A_811, %get3A_812] {strides = array<i32>} : memref<328x32xf32, #tpu.memory_space<vmem>>, vector<1x16xf32>,
      %get3A_814 = vector.shape_cast %get3A_813 : vector<1x16xf32> to vector<16xf32>
      %add3A_815 = arith.addf %get3A_810, %get3A_814 : vector<16xf32>
      %get3A_816 = arith.index_cast %scan3A_806 : i32 to index
      %get3A_817 = arith.constant 0 : index
      %get3A_818 = tpu.vector_load %arg4[%get3A_816, %get3A_817] {strides = array<i32>} : memref<16x32xf32, #tpu.memory_space<vmem>>, vector<1x16xf32>,
      %get3A_819 = vector.shape_cast %get3A_818 : vector<1x16xf32> to vector<16xf32>
      %add3A_820 = arith.addf %add3A_815, %get3A_819 : vector<16xf32>
      %swap3A = arith.index_cast %scan3A_803 : i32 to index
      %swap3A_821 = arith.constant 0 : index
      %swap3A_822 = tpu.vector_load %arg7[%swap3A, %swap3A_821] {strides = array<i32>} : memref<112x32xf32, #tpu.memory_space<vmem>>, vector<1x16xf32>,
      %swap3A_823 = vector.shape_cast %swap3A_822 : vector<1x16xf32> to vector<16xf32>
      %swap3A_824 = vector.shape_cast %add3A_820 : vector<16xf32> to vector<1x16xf32>
      tpu.vector_store %arg7[%swap3A, %swap3A_821], %swap3A_824 {strides = array<i32>} : memref<112x32xf32, #tpu.memory_space<vmem>>, vector<1x16xf32>,
      %get3A_825 = arith.index_cast %scan3A_803 : i32 to index
      %get3A_826 = arith.constant 16 : index
      %get3A_827 = tpu.vector_load %arg9[%get3A_825, %get3A_826] {strides = array<i32>} : memref<112x32xf32, #tpu.memory_space<vmem>>, vector<1x16xf32>,
      %get3A_828 = vector.shape_cast %get3A_827 : vector<1x16xf32> to vector<16xf32>
      %get3A_829 = arith.index_cast %scan3A_804 : i32 to index
      %get3A_830 = arith.constant 16 : index
      %get3A_831 = tpu.vector_load %arg5[%get3A_829, %get3A_830] {strides = array<i32>} : memref<328x32xf32, #tpu.memory_space<vmem>>, vector<1x16xf32>,
      %get3A_832 = vector.shape_cast %get3A_831 : vector<1x16xf32> to vector<16xf32>
      %add3A_833 = arith.addf %get3A_828, %get3A_832 : vector<16xf32>
      %get3A_834 = arith.index_cast %scan3A_806 : i32 to index
      %get3A_835 = arith.constant 16 : index
      %get3A_836 = tpu.vector_load %arg4[%get3A_834, %get3A_835] {strides = array<i32>} : memref<16x32xf32, #tpu.memory_space<vmem>>, vector<1x16xf32>,
      %get3A_837 = vector.shape_cast %get3A_836 : vector<1x16xf32> to vector<16xf32>
      %add3A_838 = arith.addf %add3A_833, %get3A_837 : vector<16xf32>
      %swap3A_839 = arith.index_cast %scan3A_803 : i32 to index
      %swap3A_840 = arith.constant 16 : index
      %swap3A_841 = tpu.vector_load %arg7[%swap3A_839, %swap3A_840] {strides = array<i32>} : memref<112x32xf32, #tpu.memory_space<vmem>>, vector<1x16xf32>,
      %swap3A_842 = vector.shape_cast %swap3A_841 : vector<1x16xf32> to vector<16xf32>
      %swap3A_843 = vector.shape_cast %add3A_838 : vector<16xf32> to vector<1x16xf32>
      tpu.vector_store %arg7[%swap3A_839, %swap3A_840], %swap3A_843 {strides = array<i32>} : memref<112x32xf32, #tpu.memory_space<vmem>>, vector<1x16xf32>,
      %sub3A_844 = arith.constant 1 : i32
      %sub3A_845 = arith.subi %scan3A_805, %sub3A_844 : i32
      %eq3A = arith.constant 0 : i32
      %eq3A_846 = arith.cmpi eq, %sub3A_845, %eq3A : i32
      %convert_element_type3A_847 = arith.extui %eq3A_846 : i1 to i32
      %add3A_848 = arith.addi %scan3A_804, %convert_element_type3A_847 : i32
      %min3A_849 = arith.minsi %add3A_848, %min3A_51 : i32
      %jit3A = arith.constant 10 : i32
      %select_n3A = arith.select %eq3A_846, %jit3A, %sub3A_845 : i32
      %sub3A_850 = arith.constant 1 : i32
      %sub3A_851 = arith.subi %scan3A_807, %sub3A_850 : i32
      %eq3A_852 = arith.constant 0 : i32
      %eq3A_853 = arith.cmpi eq, %sub3A_851, %eq3A_852 : i32
      %convert_element_type3A_854 = arith.extui %eq3A_853 : i1 to i32
      %add3A_855 = arith.addi %scan3A_806, %convert_element_type3A_854 : i32
      %min3A_856 = arith.minsi %add3A_855, %min3A_55 : i32
      %jit3A_857 = arith.constant 1000 : i32
      %select_n3A_858 = arith.select %eq3A_853, %jit3A_857, %sub3A_851 : i32
      scf.yield %min3A_849, %select_n3A, %min3A_856, %select_n3A_858 : i32, i32, i32, i32
    }
    %scan3A_482 = arith.constant 112 : i32
    %add3A_483 = arith.constant 1680 : i32
    %add3A_484 = arith.addi %multiple_of3A, %add3A_483 : i32
    %dma_start3A_485 = arith.constant 0 : i32
    %dma_start3A_486 = tpu.memref_slice %arg3[%add3A_484, %dma_start3A_485] : memref<100352x32xf32, #tpu.memory_space<hbm>> -> memref<112x32xf32, #tpu.memory_space<hbm>>
    %dma_start3A_487 = arith.constant 0 : i32
    %dma_start3A_488 = tpu.memref_slice %arg3[%add3A_484, %dma_start3A_487] : memref<100352x32xf32, #tpu.memory_space<hbm>> -> memref<112x32xf32, #tpu.memory_space<hbm>>
    tpu.enqueue_dma source(%arg7 : memref<112x32xf32, #tpu.memory_space<vmem>>) target(%dma_start3A_488 : memref<112x32xf32, #tpu.memory_space<hbm>>) target_semaphore(%arg15 : memref<!tpu.dma_semaphore, #tpu.memory_space<semaphore_mem>>)
    %add3A_489 = arith.constant 1904 : i32
    %add3A_490 = arith.addi %multiple_of3A, %add3A_489 : i32
    %dma_start3A_491 = arith.constant 0 : i32
    %dma_start3A_492 = tpu.memref_slice %arg2[%add3A_490, %dma_start3A_491] : memref<110100x32xf32, #tpu.memory_space<hbm>> -> memref<112x32xf32, #tpu.memory_space<hbm>>
    %dma_start3A_493 = arith.constant 0 : i32
    %dma_start3A_494 = tpu.memref_slice %arg2[%add3A_490, %dma_start3A_493] : memref<110100x32xf32, #tpu.memory_space<hbm>> -> memref<112x32xf32, #tpu.memory_space<hbm>>
    tpu.enqueue_dma source(%dma_start3A_494 : memref<112x32xf32, #tpu.memory_space<hbm>>) target(%arg9 : memref<112x32xf32, #tpu.memory_space<vmem>>) target_semaphore(%arg13 : memref<!tpu.dma_semaphore, #tpu.memory_space<semaphore_mem>>)
    %dma_wait3A_495 = arith.constant 0 : i32
    %dma_wait3A_496 = tpu.memref_slice %arg2[%add3A_464, %dma_wait3A_495] : memref<110100x32xf32, #tpu.memory_space<hbm>> -> memref<112x32xf32, #tpu.memory_space<hbm>>
    %dma_wait3A_497 = arith.constant 0 : i32
    %dma_wait3A_498 = tpu.memref_slice %arg2[%add3A_464, %dma_wait3A_497] : memref<110100x32xf32, #tpu.memory_space<hbm>> -> memref<112x32xf32, #tpu.memory_space<hbm>>
    tpu.wait_dma2 semaphore(%arg12 : memref<!tpu.dma_semaphore, #tpu.memory_space<semaphore_mem>>) src(%dma_wait3A_498 : memref<112x32xf32, #tpu.memory_space<hbm>>) dst(%arg8 : memref<112x32xf32, #tpu.memory_space<vmem>>)
    %dma_wait3A_499 = arith.constant 0 : i32
    %dma_wait3A_500 = tpu.memref_slice %arg3[%add3A_458, %dma_wait3A_499] : memref<100352x32xf32, #tpu.memory_space<hbm>> -> memref<112x32xf32, #tpu.memory_space<hbm>>
    %dma_wait3A_501 = arith.constant 0 : i32
    %dma_wait3A_502 = tpu.memref_slice %arg3[%add3A_458, %dma_wait3A_501] : memref<100352x32xf32, #tpu.memory_space<hbm>> -> memref<112x32xf32, #tpu.memory_space<hbm>>
    tpu.wait_dma2 semaphore(%arg14 : memref<!tpu.dma_semaphore, #tpu.memory_space<semaphore_mem>>) src(%arg6 : memref<112x32xf32, #tpu.memory_space<vmem>>) dst(%dma_wait3A_502 : memref<112x32xf32, #tpu.memory_space<hbm>>)
    %scan3A_503 = arith.constant 0 : i32
    %scan3A_504 = arith.constant 112 : i32
    %scan3A_505 = arith.addi %scan3A_503, %scan3A_504 : i32
    %scan3A_506 = arith.constant 1 : i32
    %scan3A_507:4 = scf.for %scan3A_803 = %scan3A_503 to %scan3A_505 step %scan3A_506 iter_args(%scan3A_804 = %scan3A_481#0, %scan3A_805 = %scan3A_481#1, %scan3A_806 = %scan3A_481#2, %scan3A_807 = %scan3A_481#3) -> (i32, i32, i32, i32)  : i32 {
      %get3A = arith.index_cast %scan3A_803 : i32 to index
      %get3A_808 = arith.constant 0 : index
      %get3A_809 = tpu.vector_load %arg8[%get3A, %get3A_808] {strides = array<i32>} : memref<112x32xf32, #tpu.memory_space<vmem>>, vector<1x16xf32>,
      %get3A_810 = vector.shape_cast %get3A_809 : vector<1x16xf32> to vector<16xf32>
      %get3A_811 = arith.index_cast %scan3A_804 : i32 to index
      %get3A_812 = arith.constant 0 : index
      %get3A_813 = tpu.vector_load %arg5[%get3A_811, %get3A_812] {strides = array<i32>} : memref<328x32xf32, #tpu.memory_space<vmem>>, vector<1x16xf32>,
      %get3A_814 = vector.shape_cast %get3A_813 : vector<1x16xf32> to vector<16xf32>
      %add3A_815 = arith.addf %get3A_810, %get3A_814 : vector<16xf32>
      %get3A_816 = arith.index_cast %scan3A_806 : i32 to index
      %get3A_817 = arith.constant 0 : index
      %get3A_818 = tpu.vector_load %arg4[%get3A_816, %get3A_817] {strides = array<i32>} : memref<16x32xf32, #tpu.memory_space<vmem>>, vector<1x16xf32>,
      %get3A_819 = vector.shape_cast %get3A_818 : vector<1x16xf32> to vector<16xf32>
      %add3A_820 = arith.addf %add3A_815, %get3A_819 : vector<16xf32>
      %swap3A = arith.index_cast %scan3A_803 : i32 to index
      %swap3A_821 = arith.constant 0 : index
      %swap3A_822 = tpu.vector_load %arg6[%swap3A, %swap3A_821] {strides = array<i32>} : memref<112x32xf32, #tpu.memory_space<vmem>>, vector<1x16xf32>,
      %swap3A_823 = vector.shape_cast %swap3A_822 : vector<1x16xf32> to vector<16xf32>
      %swap3A_824 = vector.shape_cast %add3A_820 : vector<16xf32> to vector<1x16xf32>
      tpu.vector_store %arg6[%swap3A, %swap3A_821], %swap3A_824 {strides = array<i32>} : memref<112x32xf32, #tpu.memory_space<vmem>>, vector<1x16xf32>,
      %get3A_825 = arith.index_cast %scan3A_803 : i32 to index
      %get3A_826 = arith.constant 16 : index
      %get3A_827 = tpu.vector_load %arg8[%get3A_825, %get3A_826] {strides = array<i32>} : memref<112x32xf32, #tpu.memory_space<vmem>>, vector<1x16xf32>,
      %get3A_828 = vector.shape_cast %get3A_827 : vector<1x16xf32> to vector<16xf32>
      %get3A_829 = arith.index_cast %scan3A_804 : i32 to index
      %get3A_830 = arith.constant 16 : index
      %get3A_831 = tpu.vector_load %arg5[%get3A_829, %get3A_830] {strides = array<i32>} : memref<328x32xf32, #tpu.memory_space<vmem>>, vector<1x16xf32>,
      %get3A_832 = vector.shape_cast %get3A_831 : vector<1x16xf32> to vector<16xf32>
      %add3A_833 = arith.addf %get3A_828, %get3A_832 : vector<16xf32>
      %get3A_834 = arith.index_cast %scan3A_806 : i32 to index
      %get3A_835 = arith.constant 16 : index
      %get3A_836 = tpu.vector_load %arg4[%get3A_834, %get3A_835] {strides = array<i32>} : memref<16x32xf32, #tpu.memory_space<vmem>>, vector<1x16xf32>,
      %get3A_837 = vector.shape_cast %get3A_836 : vector<1x16xf32> to vector<16xf32>
      %add3A_838 = arith.addf %add3A_833, %get3A_837 : vector<16xf32>
      %swap3A_839 = arith.index_cast %scan3A_803 : i32 to index
      %swap3A_840 = arith.constant 16 : index
      %swap3A_841 = tpu.vector_load %arg6[%swap3A_839, %swap3A_840] {strides = array<i32>} : memref<112x32xf32, #tpu.memory_space<vmem>>, vector<1x16xf32>,
      %swap3A_842 = vector.shape_cast %swap3A_841 : vector<1x16xf32> to vector<16xf32>
      %swap3A_843 = vector.shape_cast %add3A_838 : vector<16xf32> to vector<1x16xf32>
      tpu.vector_store %arg6[%swap3A_839, %swap3A_840], %swap3A_843 {strides = array<i32>} : memref<112x32xf32, #tpu.memory_space<vmem>>, vector<1x16xf32>,
      %sub3A_844 = arith.constant 1 : i32
      %sub3A_845 = arith.subi %scan3A_805, %sub3A_844 : i32
      %eq3A = arith.constant 0 : i32
      %eq3A_846 = arith.cmpi eq, %sub3A_845, %eq3A : i32
      %convert_element_type3A_847 = arith.extui %eq3A_846 : i1 to i32
      %add3A_848 = arith.addi %scan3A_804, %convert_element_type3A_847 : i32
      %min3A_849 = arith.minsi %add3A_848, %min3A_51 : i32
      %jit3A = arith.constant 10 : i32
      %select_n3A = arith.select %eq3A_846, %jit3A, %sub3A_845 : i32
      %sub3A_850 = arith.constant 1 : i32
      %sub3A_851 = arith.subi %scan3A_807, %sub3A_850 : i32
      %eq3A_852 = arith.constant 0 : i32
      %eq3A_853 = arith.cmpi eq, %sub3A_851, %eq3A_852 : i32
      %convert_element_type3A_854 = arith.extui %eq3A_853 : i1 to i32
      %add3A_855 = arith.addi %scan3A_806, %convert_element_type3A_854 : i32
      %min3A_856 = arith.minsi %add3A_855, %min3A_55 : i32
      %jit3A_857 = arith.constant 1000 : i32
      %select_n3A_858 = arith.select %eq3A_853, %jit3A_857, %sub3A_851 : i32
      scf.yield %min3A_849, %select_n3A, %min3A_856, %select_n3A_858 : i32, i32, i32, i32
    }
    %scan3A_508 = arith.constant 112 : i32
    %add3A_509 = arith.constant 1792 : i32
    %add3A_510 = arith.addi %multiple_of3A, %add3A_509 : i32
    %dma_start3A_511 = arith.constant 0 : i32
    %dma_start3A_512 = tpu.memref_slice %arg3[%add3A_510, %dma_start3A_511] : memref<100352x32xf32, #tpu.memory_space<hbm>> -> memref<112x32xf32, #tpu.memory_space<hbm>>
    %dma_start3A_513 = arith.constant 0 : i32
    %dma_start3A_514 = tpu.memref_slice %arg3[%add3A_510, %dma_start3A_513] : memref<100352x32xf32, #tpu.memory_space<hbm>> -> memref<112x32xf32, #tpu.memory_space<hbm>>
    tpu.enqueue_dma source(%arg6 : memref<112x32xf32, #tpu.memory_space<vmem>>) target(%dma_start3A_514 : memref<112x32xf32, #tpu.memory_space<hbm>>) target_semaphore(%arg14 : memref<!tpu.dma_semaphore, #tpu.memory_space<semaphore_mem>>)
    %add3A_515 = arith.constant 2016 : i32
    %add3A_516 = arith.addi %multiple_of3A, %add3A_515 : i32
    %dma_start3A_517 = arith.constant 0 : i32
    %dma_start3A_518 = tpu.memref_slice %arg2[%add3A_516, %dma_start3A_517] : memref<110100x32xf32, #tpu.memory_space<hbm>> -> memref<112x32xf32, #tpu.memory_space<hbm>>
    %dma_start3A_519 = arith.constant 0 : i32
    %dma_start3A_520 = tpu.memref_slice %arg2[%add3A_516, %dma_start3A_519] : memref<110100x32xf32, #tpu.memory_space<hbm>> -> memref<112x32xf32, #tpu.memory_space<hbm>>
    tpu.enqueue_dma source(%dma_start3A_520 : memref<112x32xf32, #tpu.memory_space<hbm>>) target(%arg8 : memref<112x32xf32, #tpu.memory_space<vmem>>) target_semaphore(%arg12 : memref<!tpu.dma_semaphore, #tpu.memory_space<semaphore_mem>>)
    %dma_wait3A_521 = arith.constant 0 : i32
    %dma_wait3A_522 = tpu.memref_slice %arg2[%add3A_490, %dma_wait3A_521] : memref<110100x32xf32, #tpu.memory_space<hbm>> -> memref<112x32xf32, #tpu.memory_space<hbm>>
    %dma_wait3A_523 = arith.constant 0 : i32
    %dma_wait3A_524 = tpu.memref_slice %arg2[%add3A_490, %dma_wait3A_523] : memref<110100x32xf32, #tpu.memory_space<hbm>> -> memref<112x32xf32, #tpu.memory_space<hbm>>
    tpu.wait_dma2 semaphore(%arg13 : memref<!tpu.dma_semaphore, #tpu.memory_space<semaphore_mem>>) src(%dma_wait3A_524 : memref<112x32xf32, #tpu.memory_space<hbm>>) dst(%arg9 : memref<112x32xf32, #tpu.memory_space<vmem>>)
    %dma_wait3A_525 = arith.constant 0 : i32
    %dma_wait3A_526 = tpu.memref_slice %arg3[%add3A_484, %dma_wait3A_525] : memref<100352x32xf32, #tpu.memory_space<hbm>> -> memref<112x32xf32, #tpu.memory_space<hbm>>
    %dma_wait3A_527 = arith.constant 0 : i32
    %dma_wait3A_528 = tpu.memref_slice %arg3[%add3A_484, %dma_wait3A_527] : memref<100352x32xf32, #tpu.memory_space<hbm>> -> memref<112x32xf32, #tpu.memory_space<hbm>>
    tpu.wait_dma2 semaphore(%arg15 : memref<!tpu.dma_semaphore, #tpu.memory_space<semaphore_mem>>) src(%arg7 : memref<112x32xf32, #tpu.memory_space<vmem>>) dst(%dma_wait3A_528 : memref<112x32xf32, #tpu.memory_space<hbm>>)
    %scan3A_529 = arith.constant 0 : i32
    %scan3A_530 = arith.constant 112 : i32
    %scan3A_531 = arith.addi %scan3A_529, %scan3A_530 : i32
    %scan3A_532 = arith.constant 1 : i32
    %scan3A_533:4 = scf.for %scan3A_803 = %scan3A_529 to %scan3A_531 step %scan3A_532 iter_args(%scan3A_804 = %scan3A_507#0, %scan3A_805 = %scan3A_507#1, %scan3A_806 = %scan3A_507#2, %scan3A_807 = %scan3A_507#3) -> (i32, i32, i32, i32)  : i32 {
      %get3A = arith.index_cast %scan3A_803 : i32 to index
      %get3A_808 = arith.constant 0 : index
      %get3A_809 = tpu.vector_load %arg9[%get3A, %get3A_808] {strides = array<i32>} : memref<112x32xf32, #tpu.memory_space<vmem>>, vector<1x16xf32>,
      %get3A_810 = vector.shape_cast %get3A_809 : vector<1x16xf32> to vector<16xf32>
      %get3A_811 = arith.index_cast %scan3A_804 : i32 to index
      %get3A_812 = arith.constant 0 : index
      %get3A_813 = tpu.vector_load %arg5[%get3A_811, %get3A_812] {strides = array<i32>} : memref<328x32xf32, #tpu.memory_space<vmem>>, vector<1x16xf32>,
      %get3A_814 = vector.shape_cast %get3A_813 : vector<1x16xf32> to vector<16xf32>
      %add3A_815 = arith.addf %get3A_810, %get3A_814 : vector<16xf32>
      %get3A_816 = arith.index_cast %scan3A_806 : i32 to index
      %get3A_817 = arith.constant 0 : index
      %get3A_818 = tpu.vector_load %arg4[%get3A_816, %get3A_817] {strides = array<i32>} : memref<16x32xf32, #tpu.memory_space<vmem>>, vector<1x16xf32>,
      %get3A_819 = vector.shape_cast %get3A_818 : vector<1x16xf32> to vector<16xf32>
      %add3A_820 = arith.addf %add3A_815, %get3A_819 : vector<16xf32>
      %swap3A = arith.index_cast %scan3A_803 : i32 to index
      %swap3A_821 = arith.constant 0 : index
      %swap3A_822 = tpu.vector_load %arg7[%swap3A, %swap3A_821] {strides = array<i32>} : memref<112x32xf32, #tpu.memory_space<vmem>>, vector<1x16xf32>,
      %swap3A_823 = vector.shape_cast %swap3A_822 : vector<1x16xf32> to vector<16xf32>
      %swap3A_824 = vector.shape_cast %add3A_820 : vector<16xf32> to vector<1x16xf32>
      tpu.vector_store %arg7[%swap3A, %swap3A_821], %swap3A_824 {strides = array<i32>} : memref<112x32xf32, #tpu.memory_space<vmem>>, vector<1x16xf32>,
      %get3A_825 = arith.index_cast %scan3A_803 : i32 to index
      %get3A_826 = arith.constant 16 : index
      %get3A_827 = tpu.vector_load %arg9[%get3A_825, %get3A_826] {strides = array<i32>} : memref<112x32xf32, #tpu.memory_space<vmem>>, vector<1x16xf32>,
      %get3A_828 = vector.shape_cast %get3A_827 : vector<1x16xf32> to vector<16xf32>
      %get3A_829 = arith.index_cast %scan3A_804 : i32 to index
      %get3A_830 = arith.constant 16 : index
      %get3A_831 = tpu.vector_load %arg5[%get3A_829, %get3A_830] {strides = array<i32>} : memref<328x32xf32, #tpu.memory_space<vmem>>, vector<1x16xf32>,
      %get3A_832 = vector.shape_cast %get3A_831 : vector<1x16xf32> to vector<16xf32>
      %add3A_833 = arith.addf %get3A_828, %get3A_832 : vector<16xf32>
      %get3A_834 = arith.index_cast %scan3A_806 : i32 to index
      %get3A_835 = arith.constant 16 : index
      %get3A_836 = tpu.vector_load %arg4[%get3A_834, %get3A_835] {strides = array<i32>} : memref<16x32xf32, #tpu.memory_space<vmem>>, vector<1x16xf32>,
      %get3A_837 = vector.shape_cast %get3A_836 : vector<1x16xf32> to vector<16xf32>
      %add3A_838 = arith.addf %add3A_833, %get3A_837 : vector<16xf32>
      %swap3A_839 = arith.index_cast %scan3A_803 : i32 to index
      %swap3A_840 = arith.constant 16 : index
      %swap3A_841 = tpu.vector_load %arg7[%swap3A_839, %swap3A_840] {strides = array<i32>} : memref<112x32xf32, #tpu.memory_space<vmem>>, vector<1x16xf32>,
      %swap3A_842 = vector.shape_cast %swap3A_841 : vector<1x16xf32> to vector<16xf32>
      %swap3A_843 = vector.shape_cast %add3A_838 : vector<16xf32> to vector<1x16xf32>
      tpu.vector_store %arg7[%swap3A_839, %swap3A_840], %swap3A_843 {strides = array<i32>} : memref<112x32xf32, #tpu.memory_space<vmem>>, vector<1x16xf32>,
      %sub3A_844 = arith.constant 1 : i32
      %sub3A_845 = arith.subi %scan3A_805, %sub3A_844 : i32
      %eq3A = arith.constant 0 : i32
      %eq3A_846 = arith.cmpi eq, %sub3A_845, %eq3A : i32
      %convert_element_type3A_847 = arith.extui %eq3A_846 : i1 to i32
      %add3A_848 = arith.addi %scan3A_804, %convert_element_type3A_847 : i32
      %min3A_849 = arith.minsi %add3A_848, %min3A_51 : i32
      %jit3A = arith.constant 10 : i32
      %select_n3A = arith.select %eq3A_846, %jit3A, %sub3A_845 : i32
      %sub3A_850 = arith.constant 1 : i32
      %sub3A_851 = arith.subi %scan3A_807, %sub3A_850 : i32
      %eq3A_852 = arith.constant 0 : i32
      %eq3A_853 = arith.cmpi eq, %sub3A_851, %eq3A_852 : i32
      %convert_element_type3A_854 = arith.extui %eq3A_853 : i1 to i32
      %add3A_855 = arith.addi %scan3A_806, %convert_element_type3A_854 : i32
      %min3A_856 = arith.minsi %add3A_855, %min3A_55 : i32
      %jit3A_857 = arith.constant 1000 : i32
      %select_n3A_858 = arith.select %eq3A_853, %jit3A_857, %sub3A_851 : i32
      scf.yield %min3A_849, %select_n3A, %min3A_856, %select_n3A_858 : i32, i32, i32, i32
    }
    %scan3A_534 = arith.constant 112 : i32
    %add3A_535 = arith.constant 1904 : i32
    %add3A_536 = arith.addi %multiple_of3A, %add3A_535 : i32
    %dma_start3A_537 = arith.constant 0 : i32
    %dma_start3A_538 = tpu.memref_slice %arg3[%add3A_536, %dma_start3A_537] : memref<100352x32xf32, #tpu.memory_space<hbm>> -> memref<112x32xf32, #tpu.memory_space<hbm>>
    %dma_start3A_539 = arith.constant 0 : i32
    %dma_start3A_540 = tpu.memref_slice %arg3[%add3A_536, %dma_start3A_539] : memref<100352x32xf32, #tpu.memory_space<hbm>> -> memref<112x32xf32, #tpu.memory_space<hbm>>
    tpu.enqueue_dma source(%arg7 : memref<112x32xf32, #tpu.memory_space<vmem>>) target(%dma_start3A_540 : memref<112x32xf32, #tpu.memory_space<hbm>>) target_semaphore(%arg15 : memref<!tpu.dma_semaphore, #tpu.memory_space<semaphore_mem>>)
    %add3A_541 = arith.constant 2128 : i32
    %add3A_542 = arith.addi %multiple_of3A, %add3A_541 : i32
    %dma_start3A_543 = arith.constant 0 : i32
    %dma_start3A_544 = tpu.memref_slice %arg2[%add3A_542, %dma_start3A_543] : memref<110100x32xf32, #tpu.memory_space<hbm>> -> memref<112x32xf32, #tpu.memory_space<hbm>>
    %dma_start3A_545 = arith.constant 0 : i32
    %dma_start3A_546 = tpu.memref_slice %arg2[%add3A_542, %dma_start3A_545] : memref<110100x32xf32, #tpu.memory_space<hbm>> -> memref<112x32xf32, #tpu.memory_space<hbm>>
    tpu.enqueue_dma source(%dma_start3A_546 : memref<112x32xf32, #tpu.memory_space<hbm>>) target(%arg9 : memref<112x32xf32, #tpu.memory_space<vmem>>) target_semaphore(%arg13 : memref<!tpu.dma_semaphore, #tpu.memory_space<semaphore_mem>>)
    %dma_wait3A_547 = arith.constant 0 : i32
    %dma_wait3A_548 = tpu.memref_slice %arg2[%add3A_516, %dma_wait3A_547] : memref<110100x32xf32, #tpu.memory_space<hbm>> -> memref<112x32xf32, #tpu.memory_space<hbm>>
    %dma_wait3A_549 = arith.constant 0 : i32
    %dma_wait3A_550 = tpu.memref_slice %arg2[%add3A_516, %dma_wait3A_549] : memref<110100x32xf32, #tpu.memory_space<hbm>> -> memref<112x32xf32, #tpu.memory_space<hbm>>
    tpu.wait_dma2 semaphore(%arg12 : memref<!tpu.dma_semaphore, #tpu.memory_space<semaphore_mem>>) src(%dma_wait3A_550 : memref<112x32xf32, #tpu.memory_space<hbm>>) dst(%arg8 : memref<112x32xf32, #tpu.memory_space<vmem>>)
    %dma_wait3A_551 = arith.constant 0 : i32
    %dma_wait3A_552 = tpu.memref_slice %arg3[%add3A_510, %dma_wait3A_551] : memref<100352x32xf32, #tpu.memory_space<hbm>> -> memref<112x32xf32, #tpu.memory_space<hbm>>
    %dma_wait3A_553 = arith.constant 0 : i32
    %dma_wait3A_554 = tpu.memref_slice %arg3[%add3A_510, %dma_wait3A_553] : memref<100352x32xf32, #tpu.memory_space<hbm>> -> memref<112x32xf32, #tpu.memory_space<hbm>>
    tpu.wait_dma2 semaphore(%arg14 : memref<!tpu.dma_semaphore, #tpu.memory_space<semaphore_mem>>) src(%arg6 : memref<112x32xf32, #tpu.memory_space<vmem>>) dst(%dma_wait3A_554 : memref<112x32xf32, #tpu.memory_space<hbm>>)
    %scan3A_555 = arith.constant 0 : i32
    %scan3A_556 = arith.constant 112 : i32
    %scan3A_557 = arith.addi %scan3A_555, %scan3A_556 : i32
    %scan3A_558 = arith.constant 1 : i32
    %scan3A_559:4 = scf.for %scan3A_803 = %scan3A_555 to %scan3A_557 step %scan3A_558 iter_args(%scan3A_804 = %scan3A_533#0, %scan3A_805 = %scan3A_533#1, %scan3A_806 = %scan3A_533#2, %scan3A_807 = %scan3A_533#3) -> (i32, i32, i32, i32)  : i32 {
      %get3A = arith.index_cast %scan3A_803 : i32 to index
      %get3A_808 = arith.constant 0 : index
      %get3A_809 = tpu.vector_load %arg8[%get3A, %get3A_808] {strides = array<i32>} : memref<112x32xf32, #tpu.memory_space<vmem>>, vector<1x16xf32>,
      %get3A_810 = vector.shape_cast %get3A_809 : vector<1x16xf32> to vector<16xf32>
      %get3A_811 = arith.index_cast %scan3A_804 : i32 to index
      %get3A_812 = arith.constant 0 : index
      %get3A_813 = tpu.vector_load %arg5[%get3A_811, %get3A_812] {strides = array<i32>} : memref<328x32xf32, #tpu.memory_space<vmem>>, vector<1x16xf32>,
      %get3A_814 = vector.shape_cast %get3A_813 : vector<1x16xf32> to vector<16xf32>
      %add3A_815 = arith.addf %get3A_810, %get3A_814 : vector<16xf32>
      %get3A_816 = arith.index_cast %scan3A_806 : i32 to index
      %get3A_817 = arith.constant 0 : index
      %get3A_818 = tpu.vector_load %arg4[%get3A_816, %get3A_817] {strides = array<i32>} : memref<16x32xf32, #tpu.memory_space<vmem>>, vector<1x16xf32>,
      %get3A_819 = vector.shape_cast %get3A_818 : vector<1x16xf32> to vector<16xf32>
      %add3A_820 = arith.addf %add3A_815, %get3A_819 : vector<16xf32>
      %swap3A = arith.index_cast %scan3A_803 : i32 to index
      %swap3A_821 = arith.constant 0 : index
      %swap3A_822 = tpu.vector_load %arg6[%swap3A, %swap3A_821] {strides = array<i32>} : memref<112x32xf32, #tpu.memory_space<vmem>>, vector<1x16xf32>,
      %swap3A_823 = vector.shape_cast %swap3A_822 : vector<1x16xf32> to vector<16xf32>
      %swap3A_824 = vector.shape_cast %add3A_820 : vector<16xf32> to vector<1x16xf32>
      tpu.vector_store %arg6[%swap3A, %swap3A_821], %swap3A_824 {strides = array<i32>} : memref<112x32xf32, #tpu.memory_space<vmem>>, vector<1x16xf32>,
      %get3A_825 = arith.index_cast %scan3A_803 : i32 to index
      %get3A_826 = arith.constant 16 : index
      %get3A_827 = tpu.vector_load %arg8[%get3A_825, %get3A_826] {strides = array<i32>} : memref<112x32xf32, #tpu.memory_space<vmem>>, vector<1x16xf32>,
      %get3A_828 = vector.shape_cast %get3A_827 : vector<1x16xf32> to vector<16xf32>
      %get3A_829 = arith.index_cast %scan3A_804 : i32 to index
      %get3A_830 = arith.constant 16 : index
      %get3A_831 = tpu.vector_load %arg5[%get3A_829, %get3A_830] {strides = array<i32>} : memref<328x32xf32, #tpu.memory_space<vmem>>, vector<1x16xf32>,
      %get3A_832 = vector.shape_cast %get3A_831 : vector<1x16xf32> to vector<16xf32>
      %add3A_833 = arith.addf %get3A_828, %get3A_832 : vector<16xf32>
      %get3A_834 = arith.index_cast %scan3A_806 : i32 to index
      %get3A_835 = arith.constant 16 : index
      %get3A_836 = tpu.vector_load %arg4[%get3A_834, %get3A_835] {strides = array<i32>} : memref<16x32xf32, #tpu.memory_space<vmem>>, vector<1x16xf32>,
      %get3A_837 = vector.shape_cast %get3A_836 : vector<1x16xf32> to vector<16xf32>
      %add3A_838 = arith.addf %add3A_833, %get3A_837 : vector<16xf32>
      %swap3A_839 = arith.index_cast %scan3A_803 : i32 to index
      %swap3A_840 = arith.constant 16 : index
      %swap3A_841 = tpu.vector_load %arg6[%swap3A_839, %swap3A_840] {strides = array<i32>} : memref<112x32xf32, #tpu.memory_space<vmem>>, vector<1x16xf32>,
      %swap3A_842 = vector.shape_cast %swap3A_841 : vector<1x16xf32> to vector<16xf32>
      %swap3A_843 = vector.shape_cast %add3A_838 : vector<16xf32> to vector<1x16xf32>
      tpu.vector_store %arg6[%swap3A_839, %swap3A_840], %swap3A_843 {strides = array<i32>} : memref<112x32xf32, #tpu.memory_space<vmem>>, vector<1x16xf32>,
      %sub3A_844 = arith.constant 1 : i32
      %sub3A_845 = arith.subi %scan3A_805, %sub3A_844 : i32
      %eq3A = arith.constant 0 : i32
      %eq3A_846 = arith.cmpi eq, %sub3A_845, %eq3A : i32
      %convert_element_type3A_847 = arith.extui %eq3A_846 : i1 to i32
      %add3A_848 = arith.addi %scan3A_804, %convert_element_type3A_847 : i32
      %min3A_849 = arith.minsi %add3A_848, %min3A_51 : i32
      %jit3A = arith.constant 10 : i32
      %select_n3A = arith.select %eq3A_846, %jit3A, %sub3A_845 : i32
      %sub3A_850 = arith.constant 1 : i32
      %sub3A_851 = arith.subi %scan3A_807, %sub3A_850 : i32
      %eq3A_852 = arith.constant 0 : i32
      %eq3A_853 = arith.cmpi eq, %sub3A_851, %eq3A_852 : i32
      %convert_element_type3A_854 = arith.extui %eq3A_853 : i1 to i32
      %add3A_855 = arith.addi %scan3A_806, %convert_element_type3A_854 : i32
      %min3A_856 = arith.minsi %add3A_855, %min3A_55 : i32
      %jit3A_857 = arith.constant 1000 : i32
      %select_n3A_858 = arith.select %eq3A_853, %jit3A_857, %sub3A_851 : i32
      scf.yield %min3A_849, %select_n3A, %min3A_856, %select_n3A_858 : i32, i32, i32, i32
    }
    %scan3A_560 = arith.constant 112 : i32
    %add3A_561 = arith.constant 2016 : i32
    %add3A_562 = arith.addi %multiple_of3A, %add3A_561 : i32
    %dma_start3A_563 = arith.constant 0 : i32
    %dma_start3A_564 = tpu.memref_slice %arg3[%add3A_562, %dma_start3A_563] : memref<100352x32xf32, #tpu.memory_space<hbm>> -> memref<112x32xf32, #tpu.memory_space<hbm>>
    %dma_start3A_565 = arith.constant 0 : i32
    %dma_start3A_566 = tpu.memref_slice %arg3[%add3A_562, %dma_start3A_565] : memref<100352x32xf32, #tpu.memory_space<hbm>> -> memref<112x32xf32, #tpu.memory_space<hbm>>
    tpu.enqueue_dma source(%arg6 : memref<112x32xf32, #tpu.memory_space<vmem>>) target(%dma_start3A_566 : memref<112x32xf32, #tpu.memory_space<hbm>>) target_semaphore(%arg14 : memref<!tpu.dma_semaphore, #tpu.memory_space<semaphore_mem>>)
    %add3A_567 = arith.constant 2240 : i32
    %add3A_568 = arith.addi %multiple_of3A, %add3A_567 : i32
    %dma_start3A_569 = arith.constant 0 : i32
    %dma_start3A_570 = tpu.memref_slice %arg2[%add3A_568, %dma_start3A_569] : memref<110100x32xf32, #tpu.memory_space<hbm>> -> memref<112x32xf32, #tpu.memory_space<hbm>>
    %dma_start3A_571 = arith.constant 0 : i32
    %dma_start3A_572 = tpu.memref_slice %arg2[%add3A_568, %dma_start3A_571] : memref<110100x32xf32, #tpu.memory_space<hbm>> -> memref<112x32xf32, #tpu.memory_space<hbm>>
    tpu.enqueue_dma source(%dma_start3A_572 : memref<112x32xf32, #tpu.memory_space<hbm>>) target(%arg8 : memref<112x32xf32, #tpu.memory_space<vmem>>) target_semaphore(%arg12 : memref<!tpu.dma_semaphore, #tpu.memory_space<semaphore_mem>>)
    %dma_wait3A_573 = arith.constant 0 : i32
    %dma_wait3A_574 = tpu.memref_slice %arg2[%add3A_542, %dma_wait3A_573] : memref<110100x32xf32, #tpu.memory_space<hbm>> -> memref<112x32xf32, #tpu.memory_space<hbm>>
    %dma_wait3A_575 = arith.constant 0 : i32
    %dma_wait3A_576 = tpu.memref_slice %arg2[%add3A_542, %dma_wait3A_575] : memref<110100x32xf32, #tpu.memory_space<hbm>> -> memref<112x32xf32, #tpu.memory_space<hbm>>
    tpu.wait_dma2 semaphore(%arg13 : memref<!tpu.dma_semaphore, #tpu.memory_space<semaphore_mem>>) src(%dma_wait3A_576 : memref<112x32xf32, #tpu.memory_space<hbm>>) dst(%arg9 : memref<112x32xf32, #tpu.memory_space<vmem>>)
    %dma_wait3A_577 = arith.constant 0 : i32
    %dma_wait3A_578 = tpu.memref_slice %arg3[%add3A_536, %dma_wait3A_577] : memref<100352x32xf32, #tpu.memory_space<hbm>> -> memref<112x32xf32, #tpu.memory_space<hbm>>
    %dma_wait3A_579 = arith.constant 0 : i32
    %dma_wait3A_580 = tpu.memref_slice %arg3[%add3A_536, %dma_wait3A_579] : memref<100352x32xf32, #tpu.memory_space<hbm>> -> memref<112x32xf32, #tpu.memory_space<hbm>>
    tpu.wait_dma2 semaphore(%arg15 : memref<!tpu.dma_semaphore, #tpu.memory_space<semaphore_mem>>) src(%arg7 : memref<112x32xf32, #tpu.memory_space<vmem>>) dst(%dma_wait3A_580 : memref<112x32xf32, #tpu.memory_space<hbm>>)
    %scan3A_581 = arith.constant 0 : i32
    %scan3A_582 = arith.constant 112 : i32
    %scan3A_583 = arith.addi %scan3A_581, %scan3A_582 : i32
    %scan3A_584 = arith.constant 1 : i32
    %scan3A_585:4 = scf.for %scan3A_803 = %scan3A_581 to %scan3A_583 step %scan3A_584 iter_args(%scan3A_804 = %scan3A_559#0, %scan3A_805 = %scan3A_559#1, %scan3A_806 = %scan3A_559#2, %scan3A_807 = %scan3A_559#3) -> (i32, i32, i32, i32)  : i32 {
      %get3A = arith.index_cast %scan3A_803 : i32 to index
      %get3A_808 = arith.constant 0 : index
      %get3A_809 = tpu.vector_load %arg9[%get3A, %get3A_808] {strides = array<i32>} : memref<112x32xf32, #tpu.memory_space<vmem>>, vector<1x16xf32>,
      %get3A_810 = vector.shape_cast %get3A_809 : vector<1x16xf32> to vector<16xf32>
      %get3A_811 = arith.index_cast %scan3A_804 : i32 to index
      %get3A_812 = arith.constant 0 : index
      %get3A_813 = tpu.vector_load %arg5[%get3A_811, %get3A_812] {strides = array<i32>} : memref<328x32xf32, #tpu.memory_space<vmem>>, vector<1x16xf32>,
      %get3A_814 = vector.shape_cast %get3A_813 : vector<1x16xf32> to vector<16xf32>
      %add3A_815 = arith.addf %get3A_810, %get3A_814 : vector<16xf32>
      %get3A_816 = arith.index_cast %scan3A_806 : i32 to index
      %get3A_817 = arith.constant 0 : index
      %get3A_818 = tpu.vector_load %arg4[%get3A_816, %get3A_817] {strides = array<i32>} : memref<16x32xf32, #tpu.memory_space<vmem>>, vector<1x16xf32>,
      %get3A_819 = vector.shape_cast %get3A_818 : vector<1x16xf32> to vector<16xf32>
      %add3A_820 = arith.addf %add3A_815, %get3A_819 : vector<16xf32>
      %swap3A = arith.index_cast %scan3A_803 : i32 to index
      %swap3A_821 = arith.constant 0 : index
      %swap3A_822 = tpu.vector_load %arg7[%swap3A, %swap3A_821] {strides = array<i32>} : memref<112x32xf32, #tpu.memory_space<vmem>>, vector<1x16xf32>,
      %swap3A_823 = vector.shape_cast %swap3A_822 : vector<1x16xf32> to vector<16xf32>
      %swap3A_824 = vector.shape_cast %add3A_820 : vector<16xf32> to vector<1x16xf32>
      tpu.vector_store %arg7[%swap3A, %swap3A_821], %swap3A_824 {strides = array<i32>} : memref<112x32xf32, #tpu.memory_space<vmem>>, vector<1x16xf32>,
      %get3A_825 = arith.index_cast %scan3A_803 : i32 to index
      %get3A_826 = arith.constant 16 : index
      %get3A_827 = tpu.vector_load %arg9[%get3A_825, %get3A_826] {strides = array<i32>} : memref<112x32xf32, #tpu.memory_space<vmem>>, vector<1x16xf32>,
      %get3A_828 = vector.shape_cast %get3A_827 : vector<1x16xf32> to vector<16xf32>
      %get3A_829 = arith.index_cast %scan3A_804 : i32 to index
      %get3A_830 = arith.constant 16 : index
      %get3A_831 = tpu.vector_load %arg5[%get3A_829, %get3A_830] {strides = array<i32>} : memref<328x32xf32, #tpu.memory_space<vmem>>, vector<1x16xf32>,
      %get3A_832 = vector.shape_cast %get3A_831 : vector<1x16xf32> to vector<16xf32>
      %add3A_833 = arith.addf %get3A_828, %get3A_832 : vector<16xf32>
      %get3A_834 = arith.index_cast %scan3A_806 : i32 to index
      %get3A_835 = arith.constant 16 : index
      %get3A_836 = tpu.vector_load %arg4[%get3A_834, %get3A_835] {strides = array<i32>} : memref<16x32xf32, #tpu.memory_space<vmem>>, vector<1x16xf32>,
      %get3A_837 = vector.shape_cast %get3A_836 : vector<1x16xf32> to vector<16xf32>
      %add3A_838 = arith.addf %add3A_833, %get3A_837 : vector<16xf32>
      %swap3A_839 = arith.index_cast %scan3A_803 : i32 to index
      %swap3A_840 = arith.constant 16 : index
      %swap3A_841 = tpu.vector_load %arg7[%swap3A_839, %swap3A_840] {strides = array<i32>} : memref<112x32xf32, #tpu.memory_space<vmem>>, vector<1x16xf32>,
      %swap3A_842 = vector.shape_cast %swap3A_841 : vector<1x16xf32> to vector<16xf32>
      %swap3A_843 = vector.shape_cast %add3A_838 : vector<16xf32> to vector<1x16xf32>
      tpu.vector_store %arg7[%swap3A_839, %swap3A_840], %swap3A_843 {strides = array<i32>} : memref<112x32xf32, #tpu.memory_space<vmem>>, vector<1x16xf32>,
      %sub3A_844 = arith.constant 1 : i32
      %sub3A_845 = arith.subi %scan3A_805, %sub3A_844 : i32
      %eq3A = arith.constant 0 : i32
      %eq3A_846 = arith.cmpi eq, %sub3A_845, %eq3A : i32
      %convert_element_type3A_847 = arith.extui %eq3A_846 : i1 to i32
      %add3A_848 = arith.addi %scan3A_804, %convert_element_type3A_847 : i32
      %min3A_849 = arith.minsi %add3A_848, %min3A_51 : i32
      %jit3A = arith.constant 10 : i32
      %select_n3A = arith.select %eq3A_846, %jit3A, %sub3A_845 : i32
      %sub3A_850 = arith.constant 1 : i32
      %sub3A_851 = arith.subi %scan3A_807, %sub3A_850 : i32
      %eq3A_852 = arith.constant 0 : i32
      %eq3A_853 = arith.cmpi eq, %sub3A_851, %eq3A_852 : i32
      %convert_element_type3A_854 = arith.extui %eq3A_853 : i1 to i32
      %add3A_855 = arith.addi %scan3A_806, %convert_element_type3A_854 : i32
      %min3A_856 = arith.minsi %add3A_855, %min3A_55 : i32
      %jit3A_857 = arith.constant 1000 : i32
      %select_n3A_858 = arith.select %eq3A_853, %jit3A_857, %sub3A_851 : i32
      scf.yield %min3A_849, %select_n3A, %min3A_856, %select_n3A_858 : i32, i32, i32, i32
    }
    %scan3A_586 = arith.constant 112 : i32
    %add3A_587 = arith.constant 2128 : i32
    %add3A_588 = arith.addi %multiple_of3A, %add3A_587 : i32
    %dma_start3A_589 = arith.constant 0 : i32
    %dma_start3A_590 = tpu.memref_slice %arg3[%add3A_588, %dma_start3A_589] : memref<100352x32xf32, #tpu.memory_space<hbm>> -> memref<112x32xf32, #tpu.memory_space<hbm>>
    %dma_start3A_591 = arith.constant 0 : i32
    %dma_start3A_592 = tpu.memref_slice %arg3[%add3A_588, %dma_start3A_591] : memref<100352x32xf32, #tpu.memory_space<hbm>> -> memref<112x32xf32, #tpu.memory_space<hbm>>
    tpu.enqueue_dma source(%arg7 : memref<112x32xf32, #tpu.memory_space<vmem>>) target(%dma_start3A_592 : memref<112x32xf32, #tpu.memory_space<hbm>>) target_semaphore(%arg15 : memref<!tpu.dma_semaphore, #tpu.memory_space<semaphore_mem>>)
    %add3A_593 = arith.constant 2352 : i32
    %add3A_594 = arith.addi %multiple_of3A, %add3A_593 : i32
    %dma_start3A_595 = arith.constant 0 : i32
    %dma_start3A_596 = tpu.memref_slice %arg2[%add3A_594, %dma_start3A_595] : memref<110100x32xf32, #tpu.memory_space<hbm>> -> memref<112x32xf32, #tpu.memory_space<hbm>>
    %dma_start3A_597 = arith.constant 0 : i32
    %dma_start3A_598 = tpu.memref_slice %arg2[%add3A_594, %dma_start3A_597] : memref<110100x32xf32, #tpu.memory_space<hbm>> -> memref<112x32xf32, #tpu.memory_space<hbm>>
    tpu.enqueue_dma source(%dma_start3A_598 : memref<112x32xf32, #tpu.memory_space<hbm>>) target(%arg9 : memref<112x32xf32, #tpu.memory_space<vmem>>) target_semaphore(%arg13 : memref<!tpu.dma_semaphore, #tpu.memory_space<semaphore_mem>>)
    %dma_wait3A_599 = arith.constant 0 : i32
    %dma_wait3A_600 = tpu.memref_slice %arg2[%add3A_568, %dma_wait3A_599] : memref<110100x32xf32, #tpu.memory_space<hbm>> -> memref<112x32xf32, #tpu.memory_space<hbm>>
    %dma_wait3A_601 = arith.constant 0 : i32
    %dma_wait3A_602 = tpu.memref_slice %arg2[%add3A_568, %dma_wait3A_601] : memref<110100x32xf32, #tpu.memory_space<hbm>> -> memref<112x32xf32, #tpu.memory_space<hbm>>
    tpu.wait_dma2 semaphore(%arg12 : memref<!tpu.dma_semaphore, #tpu.memory_space<semaphore_mem>>) src(%dma_wait3A_602 : memref<112x32xf32, #tpu.memory_space<hbm>>) dst(%arg8 : memref<112x32xf32, #tpu.memory_space<vmem>>)
    %dma_wait3A_603 = arith.constant 0 : i32
    %dma_wait3A_604 = tpu.memref_slice %arg3[%add3A_562, %dma_wait3A_603] : memref<100352x32xf32, #tpu.memory_space<hbm>> -> memref<112x32xf32, #tpu.memory_space<hbm>>
    %dma_wait3A_605 = arith.constant 0 : i32
    %dma_wait3A_606 = tpu.memref_slice %arg3[%add3A_562, %dma_wait3A_605] : memref<100352x32xf32, #tpu.memory_space<hbm>> -> memref<112x32xf32, #tpu.memory_space<hbm>>
    tpu.wait_dma2 semaphore(%arg14 : memref<!tpu.dma_semaphore, #tpu.memory_space<semaphore_mem>>) src(%arg6 : memref<112x32xf32, #tpu.memory_space<vmem>>) dst(%dma_wait3A_606 : memref<112x32xf32, #tpu.memory_space<hbm>>)
    %scan3A_607 = arith.constant 0 : i32
    %scan3A_608 = arith.constant 112 : i32
    %scan3A_609 = arith.addi %scan3A_607, %scan3A_608 : i32
    %scan3A_610 = arith.constant 1 : i32
    %scan3A_611:4 = scf.for %scan3A_803 = %scan3A_607 to %scan3A_609 step %scan3A_610 iter_args(%scan3A_804 = %scan3A_585#0, %scan3A_805 = %scan3A_585#1, %scan3A_806 = %scan3A_585#2, %scan3A_807 = %scan3A_585#3) -> (i32, i32, i32, i32)  : i32 {
      %get3A = arith.index_cast %scan3A_803 : i32 to index
      %get3A_808 = arith.constant 0 : index
      %get3A_809 = tpu.vector_load %arg8[%get3A, %get3A_808] {strides = array<i32>} : memref<112x32xf32, #tpu.memory_space<vmem>>, vector<1x16xf32>,
      %get3A_810 = vector.shape_cast %get3A_809 : vector<1x16xf32> to vector<16xf32>
      %get3A_811 = arith.index_cast %scan3A_804 : i32 to index
      %get3A_812 = arith.constant 0 : index
      %get3A_813 = tpu.vector_load %arg5[%get3A_811, %get3A_812] {strides = array<i32>} : memref<328x32xf32, #tpu.memory_space<vmem>>, vector<1x16xf32>,
      %get3A_814 = vector.shape_cast %get3A_813 : vector<1x16xf32> to vector<16xf32>
      %add3A_815 = arith.addf %get3A_810, %get3A_814 : vector<16xf32>
      %get3A_816 = arith.index_cast %scan3A_806 : i32 to index
      %get3A_817 = arith.constant 0 : index
      %get3A_818 = tpu.vector_load %arg4[%get3A_816, %get3A_817] {strides = array<i32>} : memref<16x32xf32, #tpu.memory_space<vmem>>, vector<1x16xf32>,
      %get3A_819 = vector.shape_cast %get3A_818 : vector<1x16xf32> to vector<16xf32>
      %add3A_820 = arith.addf %add3A_815, %get3A_819 : vector<16xf32>
      %swap3A = arith.index_cast %scan3A_803 : i32 to index
      %swap3A_821 = arith.constant 0 : index
      %swap3A_822 = tpu.vector_load %arg6[%swap3A, %swap3A_821] {strides = array<i32>} : memref<112x32xf32, #tpu.memory_space<vmem>>, vector<1x16xf32>,
      %swap3A_823 = vector.shape_cast %swap3A_822 : vector<1x16xf32> to vector<16xf32>
      %swap3A_824 = vector.shape_cast %add3A_820 : vector<16xf32> to vector<1x16xf32>
      tpu.vector_store %arg6[%swap3A, %swap3A_821], %swap3A_824 {strides = array<i32>} : memref<112x32xf32, #tpu.memory_space<vmem>>, vector<1x16xf32>,
      %get3A_825 = arith.index_cast %scan3A_803 : i32 to index
      %get3A_826 = arith.constant 16 : index
      %get3A_827 = tpu.vector_load %arg8[%get3A_825, %get3A_826] {strides = array<i32>} : memref<112x32xf32, #tpu.memory_space<vmem>>, vector<1x16xf32>,
      %get3A_828 = vector.shape_cast %get3A_827 : vector<1x16xf32> to vector<16xf32>
      %get3A_829 = arith.index_cast %scan3A_804 : i32 to index
      %get3A_830 = arith.constant 16 : index
      %get3A_831 = tpu.vector_load %arg5[%get3A_829, %get3A_830] {strides = array<i32>} : memref<328x32xf32, #tpu.memory_space<vmem>>, vector<1x16xf32>,
      %get3A_832 = vector.shape_cast %get3A_831 : vector<1x16xf32> to vector<16xf32>
      %add3A_833 = arith.addf %get3A_828, %get3A_832 : vector<16xf32>
      %get3A_834 = arith.index_cast %scan3A_806 : i32 to index
      %get3A_835 = arith.constant 16 : index
      %get3A_836 = tpu.vector_load %arg4[%get3A_834, %get3A_835] {strides = array<i32>} : memref<16x32xf32, #tpu.memory_space<vmem>>, vector<1x16xf32>,
      %get3A_837 = vector.shape_cast %get3A_836 : vector<1x16xf32> to vector<16xf32>
      %add3A_838 = arith.addf %add3A_833, %get3A_837 : vector<16xf32>
      %swap3A_839 = arith.index_cast %scan3A_803 : i32 to index
      %swap3A_840 = arith.constant 16 : index
      %swap3A_841 = tpu.vector_load %arg6[%swap3A_839, %swap3A_840] {strides = array<i32>} : memref<112x32xf32, #tpu.memory_space<vmem>>, vector<1x16xf32>,
      %swap3A_842 = vector.shape_cast %swap3A_841 : vector<1x16xf32> to vector<16xf32>
      %swap3A_843 = vector.shape_cast %add3A_838 : vector<16xf32> to vector<1x16xf32>
      tpu.vector_store %arg6[%swap3A_839, %swap3A_840], %swap3A_843 {strides = array<i32>} : memref<112x32xf32, #tpu.memory_space<vmem>>, vector<1x16xf32>,
      %sub3A_844 = arith.constant 1 : i32
      %sub3A_845 = arith.subi %scan3A_805, %sub3A_844 : i32
      %eq3A = arith.constant 0 : i32
      %eq3A_846 = arith.cmpi eq, %sub3A_845, %eq3A : i32
      %convert_element_type3A_847 = arith.extui %eq3A_846 : i1 to i32
      %add3A_848 = arith.addi %scan3A_804, %convert_element_type3A_847 : i32
      %min3A_849 = arith.minsi %add3A_848, %min3A_51 : i32
      %jit3A = arith.constant 10 : i32
      %select_n3A = arith.select %eq3A_846, %jit3A, %sub3A_845 : i32
      %sub3A_850 = arith.constant 1 : i32
      %sub3A_851 = arith.subi %scan3A_807, %sub3A_850 : i32
      %eq3A_852 = arith.constant 0 : i32
      %eq3A_853 = arith.cmpi eq, %sub3A_851, %eq3A_852 : i32
      %convert_element_type3A_854 = arith.extui %eq3A_853 : i1 to i32
      %add3A_855 = arith.addi %scan3A_806, %convert_element_type3A_854 : i32
      %min3A_856 = arith.minsi %add3A_855, %min3A_55 : i32
      %jit3A_857 = arith.constant 1000 : i32
      %select_n3A_858 = arith.select %eq3A_853, %jit3A_857, %sub3A_851 : i32
      scf.yield %min3A_849, %select_n3A, %min3A_856, %select_n3A_858 : i32, i32, i32, i32
    }
    %scan3A_612 = arith.constant 112 : i32
    %add3A_613 = arith.constant 2240 : i32
    %add3A_614 = arith.addi %multiple_of3A, %add3A_613 : i32
    %dma_start3A_615 = arith.constant 0 : i32
    %dma_start3A_616 = tpu.memref_slice %arg3[%add3A_614, %dma_start3A_615] : memref<100352x32xf32, #tpu.memory_space<hbm>> -> memref<112x32xf32, #tpu.memory_space<hbm>>
    %dma_start3A_617 = arith.constant 0 : i32
    %dma_start3A_618 = tpu.memref_slice %arg3[%add3A_614, %dma_start3A_617] : memref<100352x32xf32, #tpu.memory_space<hbm>> -> memref<112x32xf32, #tpu.memory_space<hbm>>
    tpu.enqueue_dma source(%arg6 : memref<112x32xf32, #tpu.memory_space<vmem>>) target(%dma_start3A_618 : memref<112x32xf32, #tpu.memory_space<hbm>>) target_semaphore(%arg14 : memref<!tpu.dma_semaphore, #tpu.memory_space<semaphore_mem>>)
    %add3A_619 = arith.constant 2464 : i32
    %add3A_620 = arith.addi %multiple_of3A, %add3A_619 : i32
    %dma_start3A_621 = arith.constant 0 : i32
    %dma_start3A_622 = tpu.memref_slice %arg2[%add3A_620, %dma_start3A_621] : memref<110100x32xf32, #tpu.memory_space<hbm>> -> memref<112x32xf32, #tpu.memory_space<hbm>>
    %dma_start3A_623 = arith.constant 0 : i32
    %dma_start3A_624 = tpu.memref_slice %arg2[%add3A_620, %dma_start3A_623] : memref<110100x32xf32, #tpu.memory_space<hbm>> -> memref<112x32xf32, #tpu.memory_space<hbm>>
    tpu.enqueue_dma source(%dma_start3A_624 : memref<112x32xf32, #tpu.memory_space<hbm>>) target(%arg8 : memref<112x32xf32, #tpu.memory_space<vmem>>) target_semaphore(%arg12 : memref<!tpu.dma_semaphore, #tpu.memory_space<semaphore_mem>>)
    %dma_wait3A_625 = arith.constant 0 : i32
    %dma_wait3A_626 = tpu.memref_slice %arg2[%add3A_594, %dma_wait3A_625] : memref<110100x32xf32, #tpu.memory_space<hbm>> -> memref<112x32xf32, #tpu.memory_space<hbm>>
    %dma_wait3A_627 = arith.constant 0 : i32
    %dma_wait3A_628 = tpu.memref_slice %arg2[%add3A_594, %dma_wait3A_627] : memref<110100x32xf32, #tpu.memory_space<hbm>> -> memref<112x32xf32, #tpu.memory_space<hbm>>
    tpu.wait_dma2 semaphore(%arg13 : memref<!tpu.dma_semaphore, #tpu.memory_space<semaphore_mem>>) src(%dma_wait3A_628 : memref<112x32xf32, #tpu.memory_space<hbm>>) dst(%arg9 : memref<112x32xf32, #tpu.memory_space<vmem>>)
    %dma_wait3A_629 = arith.constant 0 : i32
    %dma_wait3A_630 = tpu.memref_slice %arg3[%add3A_588, %dma_wait3A_629] : memref<100352x32xf32, #tpu.memory_space<hbm>> -> memref<112x32xf32, #tpu.memory_space<hbm>>
    %dma_wait3A_631 = arith.constant 0 : i32
    %dma_wait3A_632 = tpu.memref_slice %arg3[%add3A_588, %dma_wait3A_631] : memref<100352x32xf32, #tpu.memory_space<hbm>> -> memref<112x32xf32, #tpu.memory_space<hbm>>
    tpu.wait_dma2 semaphore(%arg15 : memref<!tpu.dma_semaphore, #tpu.memory_space<semaphore_mem>>) src(%arg7 : memref<112x32xf32, #tpu.memory_space<vmem>>) dst(%dma_wait3A_632 : memref<112x32xf32, #tpu.memory_space<hbm>>)
    %scan3A_633 = arith.constant 0 : i32
    %scan3A_634 = arith.constant 112 : i32
    %scan3A_635 = arith.addi %scan3A_633, %scan3A_634 : i32
    %scan3A_636 = arith.constant 1 : i32
    %scan3A_637:4 = scf.for %scan3A_803 = %scan3A_633 to %scan3A_635 step %scan3A_636 iter_args(%scan3A_804 = %scan3A_611#0, %scan3A_805 = %scan3A_611#1, %scan3A_806 = %scan3A_611#2, %scan3A_807 = %scan3A_611#3) -> (i32, i32, i32, i32)  : i32 {
      %get3A = arith.index_cast %scan3A_803 : i32 to index
      %get3A_808 = arith.constant 0 : index
      %get3A_809 = tpu.vector_load %arg9[%get3A, %get3A_808] {strides = array<i32>} : memref<112x32xf32, #tpu.memory_space<vmem>>, vector<1x16xf32>,
      %get3A_810 = vector.shape_cast %get3A_809 : vector<1x16xf32> to vector<16xf32>
      %get3A_811 = arith.index_cast %scan3A_804 : i32 to index
      %get3A_812 = arith.constant 0 : index
      %get3A_813 = tpu.vector_load %arg5[%get3A_811, %get3A_812] {strides = array<i32>} : memref<328x32xf32, #tpu.memory_space<vmem>>, vector<1x16xf32>,
      %get3A_814 = vector.shape_cast %get3A_813 : vector<1x16xf32> to vector<16xf32>
      %add3A_815 = arith.addf %get3A_810, %get3A_814 : vector<16xf32>
      %get3A_816 = arith.index_cast %scan3A_806 : i32 to index
      %get3A_817 = arith.constant 0 : index
      %get3A_818 = tpu.vector_load %arg4[%get3A_816, %get3A_817] {strides = array<i32>} : memref<16x32xf32, #tpu.memory_space<vmem>>, vector<1x16xf32>,
      %get3A_819 = vector.shape_cast %get3A_818 : vector<1x16xf32> to vector<16xf32>
      %add3A_820 = arith.addf %add3A_815, %get3A_819 : vector<16xf32>
      %swap3A = arith.index_cast %scan3A_803 : i32 to index
      %swap3A_821 = arith.constant 0 : index
      %swap3A_822 = tpu.vector_load %arg7[%swap3A, %swap3A_821] {strides = array<i32>} : memref<112x32xf32, #tpu.memory_space<vmem>>, vector<1x16xf32>,
      %swap3A_823 = vector.shape_cast %swap3A_822 : vector<1x16xf32> to vector<16xf32>
      %swap3A_824 = vector.shape_cast %add3A_820 : vector<16xf32> to vector<1x16xf32>
      tpu.vector_store %arg7[%swap3A, %swap3A_821], %swap3A_824 {strides = array<i32>} : memref<112x32xf32, #tpu.memory_space<vmem>>, vector<1x16xf32>,
      %get3A_825 = arith.index_cast %scan3A_803 : i32 to index
      %get3A_826 = arith.constant 16 : index
      %get3A_827 = tpu.vector_load %arg9[%get3A_825, %get3A_826] {strides = array<i32>} : memref<112x32xf32, #tpu.memory_space<vmem>>, vector<1x16xf32>,
      %get3A_828 = vector.shape_cast %get3A_827 : vector<1x16xf32> to vector<16xf32>
      %get3A_829 = arith.index_cast %scan3A_804 : i32 to index
      %get3A_830 = arith.constant 16 : index
      %get3A_831 = tpu.vector_load %arg5[%get3A_829, %get3A_830] {strides = array<i32>} : memref<328x32xf32, #tpu.memory_space<vmem>>, vector<1x16xf32>,
      %get3A_832 = vector.shape_cast %get3A_831 : vector<1x16xf32> to vector<16xf32>
      %add3A_833 = arith.addf %get3A_828, %get3A_832 : vector<16xf32>
      %get3A_834 = arith.index_cast %scan3A_806 : i32 to index
      %get3A_835 = arith.constant 16 : index
      %get3A_836 = tpu.vector_load %arg4[%get3A_834, %get3A_835] {strides = array<i32>} : memref<16x32xf32, #tpu.memory_space<vmem>>, vector<1x16xf32>,
      %get3A_837 = vector.shape_cast %get3A_836 : vector<1x16xf32> to vector<16xf32>
      %add3A_838 = arith.addf %add3A_833, %get3A_837 : vector<16xf32>
      %swap3A_839 = arith.index_cast %scan3A_803 : i32 to index
      %swap3A_840 = arith.constant 16 : index
      %swap3A_841 = tpu.vector_load %arg7[%swap3A_839, %swap3A_840] {strides = array<i32>} : memref<112x32xf32, #tpu.memory_space<vmem>>, vector<1x16xf32>,
      %swap3A_842 = vector.shape_cast %swap3A_841 : vector<1x16xf32> to vector<16xf32>
      %swap3A_843 = vector.shape_cast %add3A_838 : vector<16xf32> to vector<1x16xf32>
      tpu.vector_store %arg7[%swap3A_839, %swap3A_840], %swap3A_843 {strides = array<i32>} : memref<112x32xf32, #tpu.memory_space<vmem>>, vector<1x16xf32>,
      %sub3A_844 = arith.constant 1 : i32
      %sub3A_845 = arith.subi %scan3A_805, %sub3A_844 : i32
      %eq3A = arith.constant 0 : i32
      %eq3A_846 = arith.cmpi eq, %sub3A_845, %eq3A : i32
      %convert_element_type3A_847 = arith.extui %eq3A_846 : i1 to i32
      %add3A_848 = arith.addi %scan3A_804, %convert_element_type3A_847 : i32
      %min3A_849 = arith.minsi %add3A_848, %min3A_51 : i32
      %jit3A = arith.constant 10 : i32
      %select_n3A = arith.select %eq3A_846, %jit3A, %sub3A_845 : i32
      %sub3A_850 = arith.constant 1 : i32
      %sub3A_851 = arith.subi %scan3A_807, %sub3A_850 : i32
      %eq3A_852 = arith.constant 0 : i32
      %eq3A_853 = arith.cmpi eq, %sub3A_851, %eq3A_852 : i32
      %convert_element_type3A_854 = arith.extui %eq3A_853 : i1 to i32
      %add3A_855 = arith.addi %scan3A_806, %convert_element_type3A_854 : i32
      %min3A_856 = arith.minsi %add3A_855, %min3A_55 : i32
      %jit3A_857 = arith.constant 1000 : i32
      %select_n3A_858 = arith.select %eq3A_853, %jit3A_857, %sub3A_851 : i32
      scf.yield %min3A_849, %select_n3A, %min3A_856, %select_n3A_858 : i32, i32, i32, i32
    }
    %scan3A_638 = arith.constant 112 : i32
    %add3A_639 = arith.constant 2352 : i32
    %add3A_640 = arith.addi %multiple_of3A, %add3A_639 : i32
    %dma_start3A_641 = arith.constant 0 : i32
    %dma_start3A_642 = tpu.memref_slice %arg3[%add3A_640, %dma_start3A_641] : memref<100352x32xf32, #tpu.memory_space<hbm>> -> memref<112x32xf32, #tpu.memory_space<hbm>>
    %dma_start3A_643 = arith.constant 0 : i32
    %dma_start3A_644 = tpu.memref_slice %arg3[%add3A_640, %dma_start3A_643] : memref<100352x32xf32, #tpu.memory_space<hbm>> -> memref<112x32xf32, #tpu.memory_space<hbm>>
    tpu.enqueue_dma source(%arg7 : memref<112x32xf32, #tpu.memory_space<vmem>>) target(%dma_start3A_644 : memref<112x32xf32, #tpu.memory_space<hbm>>) target_semaphore(%arg15 : memref<!tpu.dma_semaphore, #tpu.memory_space<semaphore_mem>>)
    %add3A_645 = arith.constant 2576 : i32
    %add3A_646 = arith.addi %multiple_of3A, %add3A_645 : i32
    %dma_start3A_647 = arith.constant 0 : i32
    %dma_start3A_648 = tpu.memref_slice %arg2[%add3A_646, %dma_start3A_647] : memref<110100x32xf32, #tpu.memory_space<hbm>> -> memref<112x32xf32, #tpu.memory_space<hbm>>
    %dma_start3A_649 = arith.constant 0 : i32
    %dma_start3A_650 = tpu.memref_slice %arg2[%add3A_646, %dma_start3A_649] : memref<110100x32xf32, #tpu.memory_space<hbm>> -> memref<112x32xf32, #tpu.memory_space<hbm>>
    tpu.enqueue_dma source(%dma_start3A_650 : memref<112x32xf32, #tpu.memory_space<hbm>>) target(%arg9 : memref<112x32xf32, #tpu.memory_space<vmem>>) target_semaphore(%arg13 : memref<!tpu.dma_semaphore, #tpu.memory_space<semaphore_mem>>)
    %dma_wait3A_651 = arith.constant 0 : i32
    %dma_wait3A_652 = tpu.memref_slice %arg2[%add3A_620, %dma_wait3A_651] : memref<110100x32xf32, #tpu.memory_space<hbm>> -> memref<112x32xf32, #tpu.memory_space<hbm>>
    %dma_wait3A_653 = arith.constant 0 : i32
    %dma_wait3A_654 = tpu.memref_slice %arg2[%add3A_620, %dma_wait3A_653] : memref<110100x32xf32, #tpu.memory_space<hbm>> -> memref<112x32xf32, #tpu.memory_space<hbm>>
    tpu.wait_dma2 semaphore(%arg12 : memref<!tpu.dma_semaphore, #tpu.memory_space<semaphore_mem>>) src(%dma_wait3A_654 : memref<112x32xf32, #tpu.memory_space<hbm>>) dst(%arg8 : memref<112x32xf32, #tpu.memory_space<vmem>>)
    %dma_wait3A_655 = arith.constant 0 : i32
    %dma_wait3A_656 = tpu.memref_slice %arg3[%add3A_614, %dma_wait3A_655] : memref<100352x32xf32, #tpu.memory_space<hbm>> -> memref<112x32xf32, #tpu.memory_space<hbm>>
    %dma_wait3A_657 = arith.constant 0 : i32
    %dma_wait3A_658 = tpu.memref_slice %arg3[%add3A_614, %dma_wait3A_657] : memref<100352x32xf32, #tpu.memory_space<hbm>> -> memref<112x32xf32, #tpu.memory_space<hbm>>
    tpu.wait_dma2 semaphore(%arg14 : memref<!tpu.dma_semaphore, #tpu.memory_space<semaphore_mem>>) src(%arg6 : memref<112x32xf32, #tpu.memory_space<vmem>>) dst(%dma_wait3A_658 : memref<112x32xf32, #tpu.memory_space<hbm>>)
    %scan3A_659 = arith.constant 0 : i32
    %scan3A_660 = arith.constant 112 : i32
    %scan3A_661 = arith.addi %scan3A_659, %scan3A_660 : i32
    %scan3A_662 = arith.constant 1 : i32
    %scan3A_663:4 = scf.for %scan3A_803 = %scan3A_659 to %scan3A_661 step %scan3A_662 iter_args(%scan3A_804 = %scan3A_637#0, %scan3A_805 = %scan3A_637#1, %scan3A_806 = %scan3A_637#2, %scan3A_807 = %scan3A_637#3) -> (i32, i32, i32, i32)  : i32 {
      %get3A = arith.index_cast %scan3A_803 : i32 to index
      %get3A_808 = arith.constant 0 : index
      %get3A_809 = tpu.vector_load %arg8[%get3A, %get3A_808] {strides = array<i32>} : memref<112x32xf32, #tpu.memory_space<vmem>>, vector<1x16xf32>,
      %get3A_810 = vector.shape_cast %get3A_809 : vector<1x16xf32> to vector<16xf32>
      %get3A_811 = arith.index_cast %scan3A_804 : i32 to index
      %get3A_812 = arith.constant 0 : index
      %get3A_813 = tpu.vector_load %arg5[%get3A_811, %get3A_812] {strides = array<i32>} : memref<328x32xf32, #tpu.memory_space<vmem>>, vector<1x16xf32>,
      %get3A_814 = vector.shape_cast %get3A_813 : vector<1x16xf32> to vector<16xf32>
      %add3A_815 = arith.addf %get3A_810, %get3A_814 : vector<16xf32>
      %get3A_816 = arith.index_cast %scan3A_806 : i32 to index
      %get3A_817 = arith.constant 0 : index
      %get3A_818 = tpu.vector_load %arg4[%get3A_816, %get3A_817] {strides = array<i32>} : memref<16x32xf32, #tpu.memory_space<vmem>>, vector<1x16xf32>,
      %get3A_819 = vector.shape_cast %get3A_818 : vector<1x16xf32> to vector<16xf32>
      %add3A_820 = arith.addf %add3A_815, %get3A_819 : vector<16xf32>
      %swap3A = arith.index_cast %scan3A_803 : i32 to index
      %swap3A_821 = arith.constant 0 : index
      %swap3A_822 = tpu.vector_load %arg6[%swap3A, %swap3A_821] {strides = array<i32>} : memref<112x32xf32, #tpu.memory_space<vmem>>, vector<1x16xf32>,
      %swap3A_823 = vector.shape_cast %swap3A_822 : vector<1x16xf32> to vector<16xf32>
      %swap3A_824 = vector.shape_cast %add3A_820 : vector<16xf32> to vector<1x16xf32>
      tpu.vector_store %arg6[%swap3A, %swap3A_821], %swap3A_824 {strides = array<i32>} : memref<112x32xf32, #tpu.memory_space<vmem>>, vector<1x16xf32>,
      %get3A_825 = arith.index_cast %scan3A_803 : i32 to index
      %get3A_826 = arith.constant 16 : index
      %get3A_827 = tpu.vector_load %arg8[%get3A_825, %get3A_826] {strides = array<i32>} : memref<112x32xf32, #tpu.memory_space<vmem>>, vector<1x16xf32>,
      %get3A_828 = vector.shape_cast %get3A_827 : vector<1x16xf32> to vector<16xf32>
      %get3A_829 = arith.index_cast %scan3A_804 : i32 to index
      %get3A_830 = arith.constant 16 : index
      %get3A_831 = tpu.vector_load %arg5[%get3A_829, %get3A_830] {strides = array<i32>} : memref<328x32xf32, #tpu.memory_space<vmem>>, vector<1x16xf32>,
      %get3A_832 = vector.shape_cast %get3A_831 : vector<1x16xf32> to vector<16xf32>
      %add3A_833 = arith.addf %get3A_828, %get3A_832 : vector<16xf32>
      %get3A_834 = arith.index_cast %scan3A_806 : i32 to index
      %get3A_835 = arith.constant 16 : index
      %get3A_836 = tpu.vector_load %arg4[%get3A_834, %get3A_835] {strides = array<i32>} : memref<16x32xf32, #tpu.memory_space<vmem>>, vector<1x16xf32>,
      %get3A_837 = vector.shape_cast %get3A_836 : vector<1x16xf32> to vector<16xf32>
      %add3A_838 = arith.addf %add3A_833, %get3A_837 : vector<16xf32>
      %swap3A_839 = arith.index_cast %scan3A_803 : i32 to index
      %swap3A_840 = arith.constant 16 : index
      %swap3A_841 = tpu.vector_load %arg6[%swap3A_839, %swap3A_840] {strides = array<i32>} : memref<112x32xf32, #tpu.memory_space<vmem>>, vector<1x16xf32>,
      %swap3A_842 = vector.shape_cast %swap3A_841 : vector<1x16xf32> to vector<16xf32>
      %swap3A_843 = vector.shape_cast %add3A_838 : vector<16xf32> to vector<1x16xf32>
      tpu.vector_store %arg6[%swap3A_839, %swap3A_840], %swap3A_843 {strides = array<i32>} : memref<112x32xf32, #tpu.memory_space<vmem>>, vector<1x16xf32>,
      %sub3A_844 = arith.constant 1 : i32
      %sub3A_845 = arith.subi %scan3A_805, %sub3A_844 : i32
      %eq3A = arith.constant 0 : i32
      %eq3A_846 = arith.cmpi eq, %sub3A_845, %eq3A : i32
      %convert_element_type3A_847 = arith.extui %eq3A_846 : i1 to i32
      %add3A_848 = arith.addi %scan3A_804, %convert_element_type3A_847 : i32
      %min3A_849 = arith.minsi %add3A_848, %min3A_51 : i32
      %jit3A = arith.constant 10 : i32
      %select_n3A = arith.select %eq3A_846, %jit3A, %sub3A_845 : i32
      %sub3A_850 = arith.constant 1 : i32
      %sub3A_851 = arith.subi %scan3A_807, %sub3A_850 : i32
      %eq3A_852 = arith.constant 0 : i32
      %eq3A_853 = arith.cmpi eq, %sub3A_851, %eq3A_852 : i32
      %convert_element_type3A_854 = arith.extui %eq3A_853 : i1 to i32
      %add3A_855 = arith.addi %scan3A_806, %convert_element_type3A_854 : i32
      %min3A_856 = arith.minsi %add3A_855, %min3A_55 : i32
      %jit3A_857 = arith.constant 1000 : i32
      %select_n3A_858 = arith.select %eq3A_853, %jit3A_857, %sub3A_851 : i32
      scf.yield %min3A_849, %select_n3A, %min3A_856, %select_n3A_858 : i32, i32, i32, i32
    }
    %scan3A_664 = arith.constant 112 : i32
    %add3A_665 = arith.constant 2464 : i32
    %add3A_666 = arith.addi %multiple_of3A, %add3A_665 : i32
    %dma_start3A_667 = arith.constant 0 : i32
    %dma_start3A_668 = tpu.memref_slice %arg3[%add3A_666, %dma_start3A_667] : memref<100352x32xf32, #tpu.memory_space<hbm>> -> memref<112x32xf32, #tpu.memory_space<hbm>>
    %dma_start3A_669 = arith.constant 0 : i32
    %dma_start3A_670 = tpu.memref_slice %arg3[%add3A_666, %dma_start3A_669] : memref<100352x32xf32, #tpu.memory_space<hbm>> -> memref<112x32xf32, #tpu.memory_space<hbm>>
    tpu.enqueue_dma source(%arg6 : memref<112x32xf32, #tpu.memory_space<vmem>>) target(%dma_start3A_670 : memref<112x32xf32, #tpu.memory_space<hbm>>) target_semaphore(%arg14 : memref<!tpu.dma_semaphore, #tpu.memory_space<semaphore_mem>>)
    %add3A_671 = arith.constant 2688 : i32
    %add3A_672 = arith.addi %multiple_of3A, %add3A_671 : i32
    %dma_start3A_673 = arith.constant 0 : i32
    %dma_start3A_674 = tpu.memref_slice %arg2[%add3A_672, %dma_start3A_673] : memref<110100x32xf32, #tpu.memory_space<hbm>> -> memref<112x32xf32, #tpu.memory_space<hbm>>
    %dma_start3A_675 = arith.constant 0 : i32
    %dma_start3A_676 = tpu.memref_slice %arg2[%add3A_672, %dma_start3A_675] : memref<110100x32xf32, #tpu.memory_space<hbm>> -> memref<112x32xf32, #tpu.memory_space<hbm>>
    tpu.enqueue_dma source(%dma_start3A_676 : memref<112x32xf32, #tpu.memory_space<hbm>>) target(%arg8 : memref<112x32xf32, #tpu.memory_space<vmem>>) target_semaphore(%arg12 : memref<!tpu.dma_semaphore, #tpu.memory_space<semaphore_mem>>)
    %dma_wait3A_677 = arith.constant 0 : i32
    %dma_wait3A_678 = tpu.memref_slice %arg2[%add3A_646, %dma_wait3A_677] : memref<110100x32xf32, #tpu.memory_space<hbm>> -> memref<112x32xf32, #tpu.memory_space<hbm>>
    %dma_wait3A_679 = arith.constant 0 : i32
    %dma_wait3A_680 = tpu.memref_slice %arg2[%add3A_646, %dma_wait3A_679] : memref<110100x32xf32, #tpu.memory_space<hbm>> -> memref<112x32xf32, #tpu.memory_space<hbm>>
    tpu.wait_dma2 semaphore(%arg13 : memref<!tpu.dma_semaphore, #tpu.memory_space<semaphore_mem>>) src(%dma_wait3A_680 : memref<112x32xf32, #tpu.memory_space<hbm>>) dst(%arg9 : memref<112x32xf32, #tpu.memory_space<vmem>>)
    %dma_wait3A_681 = arith.constant 0 : i32
    %dma_wait3A_682 = tpu.memref_slice %arg3[%add3A_640, %dma_wait3A_681] : memref<100352x32xf32, #tpu.memory_space<hbm>> -> memref<112x32xf32, #tpu.memory_space<hbm>>
    %dma_wait3A_683 = arith.constant 0 : i32
    %dma_wait3A_684 = tpu.memref_slice %arg3[%add3A_640, %dma_wait3A_683] : memref<100352x32xf32, #tpu.memory_space<hbm>> -> memref<112x32xf32, #tpu.memory_space<hbm>>
    tpu.wait_dma2 semaphore(%arg15 : memref<!tpu.dma_semaphore, #tpu.memory_space<semaphore_mem>>) src(%arg7 : memref<112x32xf32, #tpu.memory_space<vmem>>) dst(%dma_wait3A_684 : memref<112x32xf32, #tpu.memory_space<hbm>>)
    %scan3A_685 = arith.constant 0 : i32
    %scan3A_686 = arith.constant 112 : i32
    %scan3A_687 = arith.addi %scan3A_685, %scan3A_686 : i32
    %scan3A_688 = arith.constant 1 : i32
    %scan3A_689:4 = scf.for %scan3A_803 = %scan3A_685 to %scan3A_687 step %scan3A_688 iter_args(%scan3A_804 = %scan3A_663#0, %scan3A_805 = %scan3A_663#1, %scan3A_806 = %scan3A_663#2, %scan3A_807 = %scan3A_663#3) -> (i32, i32, i32, i32)  : i32 {
      %get3A = arith.index_cast %scan3A_803 : i32 to index
      %get3A_808 = arith.constant 0 : index
      %get3A_809 = tpu.vector_load %arg9[%get3A, %get3A_808] {strides = array<i32>} : memref<112x32xf32, #tpu.memory_space<vmem>>, vector<1x16xf32>,
      %get3A_810 = vector.shape_cast %get3A_809 : vector<1x16xf32> to vector<16xf32>
      %get3A_811 = arith.index_cast %scan3A_804 : i32 to index
      %get3A_812 = arith.constant 0 : index
      %get3A_813 = tpu.vector_load %arg5[%get3A_811, %get3A_812] {strides = array<i32>} : memref<328x32xf32, #tpu.memory_space<vmem>>, vector<1x16xf32>,
      %get3A_814 = vector.shape_cast %get3A_813 : vector<1x16xf32> to vector<16xf32>
      %add3A_815 = arith.addf %get3A_810, %get3A_814 : vector<16xf32>
      %get3A_816 = arith.index_cast %scan3A_806 : i32 to index
      %get3A_817 = arith.constant 0 : index
      %get3A_818 = tpu.vector_load %arg4[%get3A_816, %get3A_817] {strides = array<i32>} : memref<16x32xf32, #tpu.memory_space<vmem>>, vector<1x16xf32>,
      %get3A_819 = vector.shape_cast %get3A_818 : vector<1x16xf32> to vector<16xf32>
      %add3A_820 = arith.addf %add3A_815, %get3A_819 : vector<16xf32>
      %swap3A = arith.index_cast %scan3A_803 : i32 to index
      %swap3A_821 = arith.constant 0 : index
      %swap3A_822 = tpu.vector_load %arg7[%swap3A, %swap3A_821] {strides = array<i32>} : memref<112x32xf32, #tpu.memory_space<vmem>>, vector<1x16xf32>,
      %swap3A_823 = vector.shape_cast %swap3A_822 : vector<1x16xf32> to vector<16xf32>
      %swap3A_824 = vector.shape_cast %add3A_820 : vector<16xf32> to vector<1x16xf32>
      tpu.vector_store %arg7[%swap3A, %swap3A_821], %swap3A_824 {strides = array<i32>} : memref<112x32xf32, #tpu.memory_space<vmem>>, vector<1x16xf32>,
      %get3A_825 = arith.index_cast %scan3A_803 : i32 to index
      %get3A_826 = arith.constant 16 : index
      %get3A_827 = tpu.vector_load %arg9[%get3A_825, %get3A_826] {strides = array<i32>} : memref<112x32xf32, #tpu.memory_space<vmem>>, vector<1x16xf32>,
      %get3A_828 = vector.shape_cast %get3A_827 : vector<1x16xf32> to vector<16xf32>
      %get3A_829 = arith.index_cast %scan3A_804 : i32 to index
      %get3A_830 = arith.constant 16 : index
      %get3A_831 = tpu.vector_load %arg5[%get3A_829, %get3A_830] {strides = array<i32>} : memref<328x32xf32, #tpu.memory_space<vmem>>, vector<1x16xf32>,
      %get3A_832 = vector.shape_cast %get3A_831 : vector<1x16xf32> to vector<16xf32>
      %add3A_833 = arith.addf %get3A_828, %get3A_832 : vector<16xf32>
      %get3A_834 = arith.index_cast %scan3A_806 : i32 to index
      %get3A_835 = arith.constant 16 : index
      %get3A_836 = tpu.vector_load %arg4[%get3A_834, %get3A_835] {strides = array<i32>} : memref<16x32xf32, #tpu.memory_space<vmem>>, vector<1x16xf32>,
      %get3A_837 = vector.shape_cast %get3A_836 : vector<1x16xf32> to vector<16xf32>
      %add3A_838 = arith.addf %add3A_833, %get3A_837 : vector<16xf32>
      %swap3A_839 = arith.index_cast %scan3A_803 : i32 to index
      %swap3A_840 = arith.constant 16 : index
      %swap3A_841 = tpu.vector_load %arg7[%swap3A_839, %swap3A_840] {strides = array<i32>} : memref<112x32xf32, #tpu.memory_space<vmem>>, vector<1x16xf32>,
      %swap3A_842 = vector.shape_cast %swap3A_841 : vector<1x16xf32> to vector<16xf32>
      %swap3A_843 = vector.shape_cast %add3A_838 : vector<16xf32> to vector<1x16xf32>
      tpu.vector_store %arg7[%swap3A_839, %swap3A_840], %swap3A_843 {strides = array<i32>} : memref<112x32xf32, #tpu.memory_space<vmem>>, vector<1x16xf32>,
      %sub3A_844 = arith.constant 1 : i32
      %sub3A_845 = arith.subi %scan3A_805, %sub3A_844 : i32
      %eq3A = arith.constant 0 : i32
      %eq3A_846 = arith.cmpi eq, %sub3A_845, %eq3A : i32
      %convert_element_type3A_847 = arith.extui %eq3A_846 : i1 to i32
      %add3A_848 = arith.addi %scan3A_804, %convert_element_type3A_847 : i32
      %min3A_849 = arith.minsi %add3A_848, %min3A_51 : i32
      %jit3A = arith.constant 10 : i32
      %select_n3A = arith.select %eq3A_846, %jit3A, %sub3A_845 : i32
      %sub3A_850 = arith.constant 1 : i32
      %sub3A_851 = arith.subi %scan3A_807, %sub3A_850 : i32
      %eq3A_852 = arith.constant 0 : i32
      %eq3A_853 = arith.cmpi eq, %sub3A_851, %eq3A_852 : i32
      %convert_element_type3A_854 = arith.extui %eq3A_853 : i1 to i32
      %add3A_855 = arith.addi %scan3A_806, %convert_element_type3A_854 : i32
      %min3A_856 = arith.minsi %add3A_855, %min3A_55 : i32
      %jit3A_857 = arith.constant 1000 : i32
      %select_n3A_858 = arith.select %eq3A_853, %jit3A_857, %sub3A_851 : i32
      scf.yield %min3A_849, %select_n3A, %min3A_856, %select_n3A_858 : i32, i32, i32, i32
    }
    %scan3A_690 = arith.constant 112 : i32
    %add3A_691 = arith.constant 2576 : i32
    %add3A_692 = arith.addi %multiple_of3A, %add3A_691 : i32
    %dma_start3A_693 = arith.constant 0 : i32
    %dma_start3A_694 = tpu.memref_slice %arg3[%add3A_692, %dma_start3A_693] : memref<100352x32xf32, #tpu.memory_space<hbm>> -> memref<112x32xf32, #tpu.memory_space<hbm>>
    %dma_start3A_695 = arith.constant 0 : i32
    %dma_start3A_696 = tpu.memref_slice %arg3[%add3A_692, %dma_start3A_695] : memref<100352x32xf32, #tpu.memory_space<hbm>> -> memref<112x32xf32, #tpu.memory_space<hbm>>
    tpu.enqueue_dma source(%arg7 : memref<112x32xf32, #tpu.memory_space<vmem>>) target(%dma_start3A_696 : memref<112x32xf32, #tpu.memory_space<hbm>>) target_semaphore(%arg15 : memref<!tpu.dma_semaphore, #tpu.memory_space<semaphore_mem>>)
    %add3A_697 = arith.constant 2800 : i32
    %add3A_698 = arith.addi %multiple_of3A, %add3A_697 : i32
    %dma_start3A_699 = arith.constant 0 : i32
    %dma_start3A_700 = tpu.memref_slice %arg2[%add3A_698, %dma_start3A_699] : memref<110100x32xf32, #tpu.memory_space<hbm>> -> memref<112x32xf32, #tpu.memory_space<hbm>>
    %dma_start3A_701 = arith.constant 0 : i32
    %dma_start3A_702 = tpu.memref_slice %arg2[%add3A_698, %dma_start3A_701] : memref<110100x32xf32, #tpu.memory_space<hbm>> -> memref<112x32xf32, #tpu.memory_space<hbm>>
    tpu.enqueue_dma source(%dma_start3A_702 : memref<112x32xf32, #tpu.memory_space<hbm>>) target(%arg9 : memref<112x32xf32, #tpu.memory_space<vmem>>) target_semaphore(%arg13 : memref<!tpu.dma_semaphore, #tpu.memory_space<semaphore_mem>>)
    %dma_wait3A_703 = arith.constant 0 : i32
    %dma_wait3A_704 = tpu.memref_slice %arg2[%add3A_672, %dma_wait3A_703] : memref<110100x32xf32, #tpu.memory_space<hbm>> -> memref<112x32xf32, #tpu.memory_space<hbm>>
    %dma_wait3A_705 = arith.constant 0 : i32
    %dma_wait3A_706 = tpu.memref_slice %arg2[%add3A_672, %dma_wait3A_705] : memref<110100x32xf32, #tpu.memory_space<hbm>> -> memref<112x32xf32, #tpu.memory_space<hbm>>
    tpu.wait_dma2 semaphore(%arg12 : memref<!tpu.dma_semaphore, #tpu.memory_space<semaphore_mem>>) src(%dma_wait3A_706 : memref<112x32xf32, #tpu.memory_space<hbm>>) dst(%arg8 : memref<112x32xf32, #tpu.memory_space<vmem>>)
    %dma_wait3A_707 = arith.constant 0 : i32
    %dma_wait3A_708 = tpu.memref_slice %arg3[%add3A_666, %dma_wait3A_707] : memref<100352x32xf32, #tpu.memory_space<hbm>> -> memref<112x32xf32, #tpu.memory_space<hbm>>
    %dma_wait3A_709 = arith.constant 0 : i32
    %dma_wait3A_710 = tpu.memref_slice %arg3[%add3A_666, %dma_wait3A_709] : memref<100352x32xf32, #tpu.memory_space<hbm>> -> memref<112x32xf32, #tpu.memory_space<hbm>>
    tpu.wait_dma2 semaphore(%arg14 : memref<!tpu.dma_semaphore, #tpu.memory_space<semaphore_mem>>) src(%arg6 : memref<112x32xf32, #tpu.memory_space<vmem>>) dst(%dma_wait3A_710 : memref<112x32xf32, #tpu.memory_space<hbm>>)
    %scan3A_711 = arith.constant 0 : i32
    %scan3A_712 = arith.constant 112 : i32
    %scan3A_713 = arith.addi %scan3A_711, %scan3A_712 : i32
    %scan3A_714 = arith.constant 1 : i32
    %scan3A_715:4 = scf.for %scan3A_803 = %scan3A_711 to %scan3A_713 step %scan3A_714 iter_args(%scan3A_804 = %scan3A_689#0, %scan3A_805 = %scan3A_689#1, %scan3A_806 = %scan3A_689#2, %scan3A_807 = %scan3A_689#3) -> (i32, i32, i32, i32)  : i32 {
      %get3A = arith.index_cast %scan3A_803 : i32 to index
      %get3A_808 = arith.constant 0 : index
      %get3A_809 = tpu.vector_load %arg8[%get3A, %get3A_808] {strides = array<i32>} : memref<112x32xf32, #tpu.memory_space<vmem>>, vector<1x16xf32>,
      %get3A_810 = vector.shape_cast %get3A_809 : vector<1x16xf32> to vector<16xf32>
      %get3A_811 = arith.index_cast %scan3A_804 : i32 to index
      %get3A_812 = arith.constant 0 : index
      %get3A_813 = tpu.vector_load %arg5[%get3A_811, %get3A_812] {strides = array<i32>} : memref<328x32xf32, #tpu.memory_space<vmem>>, vector<1x16xf32>,
      %get3A_814 = vector.shape_cast %get3A_813 : vector<1x16xf32> to vector<16xf32>
      %add3A_815 = arith.addf %get3A_810, %get3A_814 : vector<16xf32>
      %get3A_816 = arith.index_cast %scan3A_806 : i32 to index
      %get3A_817 = arith.constant 0 : index
      %get3A_818 = tpu.vector_load %arg4[%get3A_816, %get3A_817] {strides = array<i32>} : memref<16x32xf32, #tpu.memory_space<vmem>>, vector<1x16xf32>,
      %get3A_819 = vector.shape_cast %get3A_818 : vector<1x16xf32> to vector<16xf32>
      %add3A_820 = arith.addf %add3A_815, %get3A_819 : vector<16xf32>
      %swap3A = arith.index_cast %scan3A_803 : i32 to index
      %swap3A_821 = arith.constant 0 : index
      %swap3A_822 = tpu.vector_load %arg6[%swap3A, %swap3A_821] {strides = array<i32>} : memref<112x32xf32, #tpu.memory_space<vmem>>, vector<1x16xf32>,
      %swap3A_823 = vector.shape_cast %swap3A_822 : vector<1x16xf32> to vector<16xf32>
      %swap3A_824 = vector.shape_cast %add3A_820 : vector<16xf32> to vector<1x16xf32>
      tpu.vector_store %arg6[%swap3A, %swap3A_821], %swap3A_824 {strides = array<i32>} : memref<112x32xf32, #tpu.memory_space<vmem>>, vector<1x16xf32>,
      %get3A_825 = arith.index_cast %scan3A_803 : i32 to index
      %get3A_826 = arith.constant 16 : index
      %get3A_827 = tpu.vector_load %arg8[%get3A_825, %get3A_826] {strides = array<i32>} : memref<112x32xf32, #tpu.memory_space<vmem>>, vector<1x16xf32>,
      %get3A_828 = vector.shape_cast %get3A_827 : vector<1x16xf32> to vector<16xf32>
      %get3A_829 = arith.index_cast %scan3A_804 : i32 to index
      %get3A_830 = arith.constant 16 : index
      %get3A_831 = tpu.vector_load %arg5[%get3A_829, %get3A_830] {strides = array<i32>} : memref<328x32xf32, #tpu.memory_space<vmem>>, vector<1x16xf32>,
      %get3A_832 = vector.shape_cast %get3A_831 : vector<1x16xf32> to vector<16xf32>
      %add3A_833 = arith.addf %get3A_828, %get3A_832 : vector<16xf32>
      %get3A_834 = arith.index_cast %scan3A_806 : i32 to index
      %get3A_835 = arith.constant 16 : index
      %get3A_836 = tpu.vector_load %arg4[%get3A_834, %get3A_835] {strides = array<i32>} : memref<16x32xf32, #tpu.memory_space<vmem>>, vector<1x16xf32>,
      %get3A_837 = vector.shape_cast %get3A_836 : vector<1x16xf32> to vector<16xf32>
      %add3A_838 = arith.addf %add3A_833, %get3A_837 : vector<16xf32>
      %swap3A_839 = arith.index_cast %scan3A_803 : i32 to index
      %swap3A_840 = arith.constant 16 : index
      %swap3A_841 = tpu.vector_load %arg6[%swap3A_839, %swap3A_840] {strides = array<i32>} : memref<112x32xf32, #tpu.memory_space<vmem>>, vector<1x16xf32>,
      %swap3A_842 = vector.shape_cast %swap3A_841 : vector<1x16xf32> to vector<16xf32>
      %swap3A_843 = vector.shape_cast %add3A_838 : vector<16xf32> to vector<1x16xf32>
      tpu.vector_store %arg6[%swap3A_839, %swap3A_840], %swap3A_843 {strides = array<i32>} : memref<112x32xf32, #tpu.memory_space<vmem>>, vector<1x16xf32>,
      %sub3A_844 = arith.constant 1 : i32
      %sub3A_845 = arith.subi %scan3A_805, %sub3A_844 : i32
      %eq3A = arith.constant 0 : i32
      %eq3A_846 = arith.cmpi eq, %sub3A_845, %eq3A : i32
      %convert_element_type3A_847 = arith.extui %eq3A_846 : i1 to i32
      %add3A_848 = arith.addi %scan3A_804, %convert_element_type3A_847 : i32
      %min3A_849 = arith.minsi %add3A_848, %min3A_51 : i32
      %jit3A = arith.constant 10 : i32
      %select_n3A = arith.select %eq3A_846, %jit3A, %sub3A_845 : i32
      %sub3A_850 = arith.constant 1 : i32
      %sub3A_851 = arith.subi %scan3A_807, %sub3A_850 : i32
      %eq3A_852 = arith.constant 0 : i32
      %eq3A_853 = arith.cmpi eq, %sub3A_851, %eq3A_852 : i32
      %convert_element_type3A_854 = arith.extui %eq3A_853 : i1 to i32
      %add3A_855 = arith.addi %scan3A_806, %convert_element_type3A_854 : i32
      %min3A_856 = arith.minsi %add3A_855, %min3A_55 : i32
      %jit3A_857 = arith.constant 1000 : i32
      %select_n3A_858 = arith.select %eq3A_853, %jit3A_857, %sub3A_851 : i32
      scf.yield %min3A_849, %select_n3A, %min3A_856, %select_n3A_858 : i32, i32, i32, i32
    }
    %scan3A_716 = arith.constant 112 : i32
    %add3A_717 = arith.constant 2688 : i32
    %add3A_718 = arith.addi %multiple_of3A, %add3A_717 : i32
    %dma_start3A_719 = arith.constant 0 : i32
    %dma_start3A_720 = tpu.memref_slice %arg3[%add3A_718, %dma_start3A_719] : memref<100352x32xf32, #tpu.memory_space<hbm>> -> memref<112x32xf32, #tpu.memory_space<hbm>>
    %dma_start3A_721 = arith.constant 0 : i32
    %dma_start3A_722 = tpu.memref_slice %arg3[%add3A_718, %dma_start3A_721] : memref<100352x32xf32, #tpu.memory_space<hbm>> -> memref<112x32xf32, #tpu.memory_space<hbm>>
    tpu.enqueue_dma source(%arg6 : memref<112x32xf32, #tpu.memory_space<vmem>>) target(%dma_start3A_722 : memref<112x32xf32, #tpu.memory_space<hbm>>) target_semaphore(%arg14 : memref<!tpu.dma_semaphore, #tpu.memory_space<semaphore_mem>>)
    %add3A_723 = arith.constant 2912 : i32
    %add3A_724 = arith.addi %multiple_of3A, %add3A_723 : i32
    %dma_start3A_725 = arith.constant 0 : i32
    %dma_start3A_726 = tpu.memref_slice %arg2[%add3A_724, %dma_start3A_725] : memref<110100x32xf32, #tpu.memory_space<hbm>> -> memref<112x32xf32, #tpu.memory_space<hbm>>
    %dma_start3A_727 = arith.constant 0 : i32
    %dma_start3A_728 = tpu.memref_slice %arg2[%add3A_724, %dma_start3A_727] : memref<110100x32xf32, #tpu.memory_space<hbm>> -> memref<112x32xf32, #tpu.memory_space<hbm>>
    tpu.enqueue_dma source(%dma_start3A_728 : memref<112x32xf32, #tpu.memory_space<hbm>>) target(%arg8 : memref<112x32xf32, #tpu.memory_space<vmem>>) target_semaphore(%arg12 : memref<!tpu.dma_semaphore, #tpu.memory_space<semaphore_mem>>)
    %dma_wait3A_729 = arith.constant 0 : i32
    %dma_wait3A_730 = tpu.memref_slice %arg2[%add3A_698, %dma_wait3A_729] : memref<110100x32xf32, #tpu.memory_space<hbm>> -> memref<112x32xf32, #tpu.memory_space<hbm>>
    %dma_wait3A_731 = arith.constant 0 : i32
    %dma_wait3A_732 = tpu.memref_slice %arg2[%add3A_698, %dma_wait3A_731] : memref<110100x32xf32, #tpu.memory_space<hbm>> -> memref<112x32xf32, #tpu.memory_space<hbm>>
    tpu.wait_dma2 semaphore(%arg13 : memref<!tpu.dma_semaphore, #tpu.memory_space<semaphore_mem>>) src(%dma_wait3A_732 : memref<112x32xf32, #tpu.memory_space<hbm>>) dst(%arg9 : memref<112x32xf32, #tpu.memory_space<vmem>>)
    %dma_wait3A_733 = arith.constant 0 : i32
    %dma_wait3A_734 = tpu.memref_slice %arg3[%add3A_692, %dma_wait3A_733] : memref<100352x32xf32, #tpu.memory_space<hbm>> -> memref<112x32xf32, #tpu.memory_space<hbm>>
    %dma_wait3A_735 = arith.constant 0 : i32
    %dma_wait3A_736 = tpu.memref_slice %arg3[%add3A_692, %dma_wait3A_735] : memref<100352x32xf32, #tpu.memory_space<hbm>> -> memref<112x32xf32, #tpu.memory_space<hbm>>
    tpu.wait_dma2 semaphore(%arg15 : memref<!tpu.dma_semaphore, #tpu.memory_space<semaphore_mem>>) src(%arg7 : memref<112x32xf32, #tpu.memory_space<vmem>>) dst(%dma_wait3A_736 : memref<112x32xf32, #tpu.memory_space<hbm>>)
    %scan3A_737 = arith.constant 0 : i32
    %scan3A_738 = arith.constant 112 : i32
    %scan3A_739 = arith.addi %scan3A_737, %scan3A_738 : i32
    %scan3A_740 = arith.constant 1 : i32
    %scan3A_741:4 = scf.for %scan3A_803 = %scan3A_737 to %scan3A_739 step %scan3A_740 iter_args(%scan3A_804 = %scan3A_715#0, %scan3A_805 = %scan3A_715#1, %scan3A_806 = %scan3A_715#2, %scan3A_807 = %scan3A_715#3) -> (i32, i32, i32, i32)  : i32 {
      %get3A = arith.index_cast %scan3A_803 : i32 to index
      %get3A_808 = arith.constant 0 : index
      %get3A_809 = tpu.vector_load %arg9[%get3A, %get3A_808] {strides = array<i32>} : memref<112x32xf32, #tpu.memory_space<vmem>>, vector<1x16xf32>,
      %get3A_810 = vector.shape_cast %get3A_809 : vector<1x16xf32> to vector<16xf32>
      %get3A_811 = arith.index_cast %scan3A_804 : i32 to index
      %get3A_812 = arith.constant 0 : index
      %get3A_813 = tpu.vector_load %arg5[%get3A_811, %get3A_812] {strides = array<i32>} : memref<328x32xf32, #tpu.memory_space<vmem>>, vector<1x16xf32>,
      %get3A_814 = vector.shape_cast %get3A_813 : vector<1x16xf32> to vector<16xf32>
      %add3A_815 = arith.addf %get3A_810, %get3A_814 : vector<16xf32>
      %get3A_816 = arith.index_cast %scan3A_806 : i32 to index
      %get3A_817 = arith.constant 0 : index
      %get3A_818 = tpu.vector_load %arg4[%get3A_816, %get3A_817] {strides = array<i32>} : memref<16x32xf32, #tpu.memory_space<vmem>>, vector<1x16xf32>,
      %get3A_819 = vector.shape_cast %get3A_818 : vector<1x16xf32> to vector<16xf32>
      %add3A_820 = arith.addf %add3A_815, %get3A_819 : vector<16xf32>
      %swap3A = arith.index_cast %scan3A_803 : i32 to index
      %swap3A_821 = arith.constant 0 : index
      %swap3A_822 = tpu.vector_load %arg7[%swap3A, %swap3A_821] {strides = array<i32>} : memref<112x32xf32, #tpu.memory_space<vmem>>, vector<1x16xf32>,
      %swap3A_823 = vector.shape_cast %swap3A_822 : vector<1x16xf32> to vector<16xf32>
      %swap3A_824 = vector.shape_cast %add3A_820 : vector<16xf32> to vector<1x16xf32>
      tpu.vector_store %arg7[%swap3A, %swap3A_821], %swap3A_824 {strides = array<i32>} : memref<112x32xf32, #tpu.memory_space<vmem>>, vector<1x16xf32>,
      %get3A_825 = arith.index_cast %scan3A_803 : i32 to index
      %get3A_826 = arith.constant 16 : index
      %get3A_827 = tpu.vector_load %arg9[%get3A_825, %get3A_826] {strides = array<i32>} : memref<112x32xf32, #tpu.memory_space<vmem>>, vector<1x16xf32>,
      %get3A_828 = vector.shape_cast %get3A_827 : vector<1x16xf32> to vector<16xf32>
      %get3A_829 = arith.index_cast %scan3A_804 : i32 to index
      %get3A_830 = arith.constant 16 : index
      %get3A_831 = tpu.vector_load %arg5[%get3A_829, %get3A_830] {strides = array<i32>} : memref<328x32xf32, #tpu.memory_space<vmem>>, vector<1x16xf32>,
      %get3A_832 = vector.shape_cast %get3A_831 : vector<1x16xf32> to vector<16xf32>
      %add3A_833 = arith.addf %get3A_828, %get3A_832 : vector<16xf32>
      %get3A_834 = arith.index_cast %scan3A_806 : i32 to index
      %get3A_835 = arith.constant 16 : index
      %get3A_836 = tpu.vector_load %arg4[%get3A_834, %get3A_835] {strides = array<i32>} : memref<16x32xf32, #tpu.memory_space<vmem>>, vector<1x16xf32>,
      %get3A_837 = vector.shape_cast %get3A_836 : vector<1x16xf32> to vector<16xf32>
      %add3A_838 = arith.addf %add3A_833, %get3A_837 : vector<16xf32>
      %swap3A_839 = arith.index_cast %scan3A_803 : i32 to index
      %swap3A_840 = arith.constant 16 : index
      %swap3A_841 = tpu.vector_load %arg7[%swap3A_839, %swap3A_840] {strides = array<i32>} : memref<112x32xf32, #tpu.memory_space<vmem>>, vector<1x16xf32>,
      %swap3A_842 = vector.shape_cast %swap3A_841 : vector<1x16xf32> to vector<16xf32>
      %swap3A_843 = vector.shape_cast %add3A_838 : vector<16xf32> to vector<1x16xf32>
      tpu.vector_store %arg7[%swap3A_839, %swap3A_840], %swap3A_843 {strides = array<i32>} : memref<112x32xf32, #tpu.memory_space<vmem>>, vector<1x16xf32>,
      %sub3A_844 = arith.constant 1 : i32
      %sub3A_845 = arith.subi %scan3A_805, %sub3A_844 : i32
      %eq3A = arith.constant 0 : i32
      %eq3A_846 = arith.cmpi eq, %sub3A_845, %eq3A : i32
      %convert_element_type3A_847 = arith.extui %eq3A_846 : i1 to i32
      %add3A_848 = arith.addi %scan3A_804, %convert_element_type3A_847 : i32
      %min3A_849 = arith.minsi %add3A_848, %min3A_51 : i32
      %jit3A = arith.constant 10 : i32
      %select_n3A = arith.select %eq3A_846, %jit3A, %sub3A_845 : i32
      %sub3A_850 = arith.constant 1 : i32
      %sub3A_851 = arith.subi %scan3A_807, %sub3A_850 : i32
      %eq3A_852 = arith.constant 0 : i32
      %eq3A_853 = arith.cmpi eq, %sub3A_851, %eq3A_852 : i32
      %convert_element_type3A_854 = arith.extui %eq3A_853 : i1 to i32
      %add3A_855 = arith.addi %scan3A_806, %convert_element_type3A_854 : i32
      %min3A_856 = arith.minsi %add3A_855, %min3A_55 : i32
      %jit3A_857 = arith.constant 1000 : i32
      %select_n3A_858 = arith.select %eq3A_853, %jit3A_857, %sub3A_851 : i32
      scf.yield %min3A_849, %select_n3A, %min3A_856, %select_n3A_858 : i32, i32, i32, i32
    }
    %scan3A_742 = arith.constant 112 : i32
    %add3A_743 = arith.constant 2800 : i32
    %add3A_744 = arith.addi %multiple_of3A, %add3A_743 : i32
    %dma_start3A_745 = arith.constant 0 : i32
    %dma_start3A_746 = tpu.memref_slice %arg3[%add3A_744, %dma_start3A_745] : memref<100352x32xf32, #tpu.memory_space<hbm>> -> memref<112x32xf32, #tpu.memory_space<hbm>>
    %dma_start3A_747 = arith.constant 0 : i32
    %dma_start3A_748 = tpu.memref_slice %arg3[%add3A_744, %dma_start3A_747] : memref<100352x32xf32, #tpu.memory_space<hbm>> -> memref<112x32xf32, #tpu.memory_space<hbm>>
    tpu.enqueue_dma source(%arg7 : memref<112x32xf32, #tpu.memory_space<vmem>>) target(%dma_start3A_748 : memref<112x32xf32, #tpu.memory_space<hbm>>) target_semaphore(%arg15 : memref<!tpu.dma_semaphore, #tpu.memory_space<semaphore_mem>>)
    %add3A_749 = arith.constant 3024 : i32
    %add3A_750 = arith.addi %multiple_of3A, %add3A_749 : i32
    %dma_start3A_751 = arith.constant 0 : i32
    %dma_start3A_752 = tpu.memref_slice %arg2[%add3A_750, %dma_start3A_751] : memref<110100x32xf32, #tpu.memory_space<hbm>> -> memref<112x32xf32, #tpu.memory_space<hbm>>
    %dma_start3A_753 = arith.constant 0 : i32
    %dma_start3A_754 = tpu.memref_slice %arg2[%add3A_750, %dma_start3A_753] : memref<110100x32xf32, #tpu.memory_space<hbm>> -> memref<112x32xf32, #tpu.memory_space<hbm>>
    tpu.enqueue_dma source(%dma_start3A_754 : memref<112x32xf32, #tpu.memory_space<hbm>>) target(%arg9 : memref<112x32xf32, #tpu.memory_space<vmem>>) target_semaphore(%arg13 : memref<!tpu.dma_semaphore, #tpu.memory_space<semaphore_mem>>)
    %dma_wait3A_755 = arith.constant 0 : i32
    %dma_wait3A_756 = tpu.memref_slice %arg2[%add3A_724, %dma_wait3A_755] : memref<110100x32xf32, #tpu.memory_space<hbm>> -> memref<112x32xf32, #tpu.memory_space<hbm>>
    %dma_wait3A_757 = arith.constant 0 : i32
    %dma_wait3A_758 = tpu.memref_slice %arg2[%add3A_724, %dma_wait3A_757] : memref<110100x32xf32, #tpu.memory_space<hbm>> -> memref<112x32xf32, #tpu.memory_space<hbm>>
    tpu.wait_dma2 semaphore(%arg12 : memref<!tpu.dma_semaphore, #tpu.memory_space<semaphore_mem>>) src(%dma_wait3A_758 : memref<112x32xf32, #tpu.memory_space<hbm>>) dst(%arg8 : memref<112x32xf32, #tpu.memory_space<vmem>>)
    %dma_wait3A_759 = arith.constant 0 : i32
    %dma_wait3A_760 = tpu.memref_slice %arg3[%add3A_718, %dma_wait3A_759] : memref<100352x32xf32, #tpu.memory_space<hbm>> -> memref<112x32xf32, #tpu.memory_space<hbm>>
    %dma_wait3A_761 = arith.constant 0 : i32
    %dma_wait3A_762 = tpu.memref_slice %arg3[%add3A_718, %dma_wait3A_761] : memref<100352x32xf32, #tpu.memory_space<hbm>> -> memref<112x32xf32, #tpu.memory_space<hbm>>
    tpu.wait_dma2 semaphore(%arg14 : memref<!tpu.dma_semaphore, #tpu.memory_space<semaphore_mem>>) src(%arg6 : memref<112x32xf32, #tpu.memory_space<vmem>>) dst(%dma_wait3A_762 : memref<112x32xf32, #tpu.memory_space<hbm>>)
    %scan3A_763 = arith.constant 0 : i32
    %scan3A_764 = arith.constant 112 : i32
    %scan3A_765 = arith.addi %scan3A_763, %scan3A_764 : i32
    %scan3A_766 = arith.constant 1 : i32
    %scan3A_767:4 = scf.for %scan3A_803 = %scan3A_763 to %scan3A_765 step %scan3A_766 iter_args(%scan3A_804 = %scan3A_741#0, %scan3A_805 = %scan3A_741#1, %scan3A_806 = %scan3A_741#2, %scan3A_807 = %scan3A_741#3) -> (i32, i32, i32, i32)  : i32 {
      %get3A = arith.index_cast %scan3A_803 : i32 to index
      %get3A_808 = arith.constant 0 : index
      %get3A_809 = tpu.vector_load %arg8[%get3A, %get3A_808] {strides = array<i32>} : memref<112x32xf32, #tpu.memory_space<vmem>>, vector<1x16xf32>,
      %get3A_810 = vector.shape_cast %get3A_809 : vector<1x16xf32> to vector<16xf32>
      %get3A_811 = arith.index_cast %scan3A_804 : i32 to index
      %get3A_812 = arith.constant 0 : index
      %get3A_813 = tpu.vector_load %arg5[%get3A_811, %get3A_812] {strides = array<i32>} : memref<328x32xf32, #tpu.memory_space<vmem>>, vector<1x16xf32>,
      %get3A_814 = vector.shape_cast %get3A_813 : vector<1x16xf32> to vector<16xf32>
      %add3A_815 = arith.addf %get3A_810, %get3A_814 : vector<16xf32>
      %get3A_816 = arith.index_cast %scan3A_806 : i32 to index
      %get3A_817 = arith.constant 0 : index
      %get3A_818 = tpu.vector_load %arg4[%get3A_816, %get3A_817] {strides = array<i32>} : memref<16x32xf32, #tpu.memory_space<vmem>>, vector<1x16xf32>,
      %get3A_819 = vector.shape_cast %get3A_818 : vector<1x16xf32> to vector<16xf32>
      %add3A_820 = arith.addf %add3A_815, %get3A_819 : vector<16xf32>
      %swap3A = arith.index_cast %scan3A_803 : i32 to index
      %swap3A_821 = arith.constant 0 : index
      %swap3A_822 = tpu.vector_load %arg6[%swap3A, %swap3A_821] {strides = array<i32>} : memref<112x32xf32, #tpu.memory_space<vmem>>, vector<1x16xf32>,
      %swap3A_823 = vector.shape_cast %swap3A_822 : vector<1x16xf32> to vector<16xf32>
      %swap3A_824 = vector.shape_cast %add3A_820 : vector<16xf32> to vector<1x16xf32>
      tpu.vector_store %arg6[%swap3A, %swap3A_821], %swap3A_824 {strides = array<i32>} : memref<112x32xf32, #tpu.memory_space<vmem>>, vector<1x16xf32>,
      %get3A_825 = arith.index_cast %scan3A_803 : i32 to index
      %get3A_826 = arith.constant 16 : index
      %get3A_827 = tpu.vector_load %arg8[%get3A_825, %get3A_826] {strides = array<i32>} : memref<112x32xf32, #tpu.memory_space<vmem>>, vector<1x16xf32>,
      %get3A_828 = vector.shape_cast %get3A_827 : vector<1x16xf32> to vector<16xf32>
      %get3A_829 = arith.index_cast %scan3A_804 : i32 to index
      %get3A_830 = arith.constant 16 : index
      %get3A_831 = tpu.vector_load %arg5[%get3A_829, %get3A_830] {strides = array<i32>} : memref<328x32xf32, #tpu.memory_space<vmem>>, vector<1x16xf32>,
      %get3A_832 = vector.shape_cast %get3A_831 : vector<1x16xf32> to vector<16xf32>
      %add3A_833 = arith.addf %get3A_828, %get3A_832 : vector<16xf32>
      %get3A_834 = arith.index_cast %scan3A_806 : i32 to index
      %get3A_835 = arith.constant 16 : index
      %get3A_836 = tpu.vector_load %arg4[%get3A_834, %get3A_835] {strides = array<i32>} : memref<16x32xf32, #tpu.memory_space<vmem>>, vector<1x16xf32>,
      %get3A_837 = vector.shape_cast %get3A_836 : vector<1x16xf32> to vector<16xf32>
      %add3A_838 = arith.addf %add3A_833, %get3A_837 : vector<16xf32>
      %swap3A_839 = arith.index_cast %scan3A_803 : i32 to index
      %swap3A_840 = arith.constant 16 : index
      %swap3A_841 = tpu.vector_load %arg6[%swap3A_839, %swap3A_840] {strides = array<i32>} : memref<112x32xf32, #tpu.memory_space<vmem>>, vector<1x16xf32>,
      %swap3A_842 = vector.shape_cast %swap3A_841 : vector<1x16xf32> to vector<16xf32>
      %swap3A_843 = vector.shape_cast %add3A_838 : vector<16xf32> to vector<1x16xf32>
      tpu.vector_store %arg6[%swap3A_839, %swap3A_840], %swap3A_843 {strides = array<i32>} : memref<112x32xf32, #tpu.memory_space<vmem>>, vector<1x16xf32>,
      %sub3A_844 = arith.constant 1 : i32
      %sub3A_845 = arith.subi %scan3A_805, %sub3A_844 : i32
      %eq3A = arith.constant 0 : i32
      %eq3A_846 = arith.cmpi eq, %sub3A_845, %eq3A : i32
      %convert_element_type3A_847 = arith.extui %eq3A_846 : i1 to i32
      %add3A_848 = arith.addi %scan3A_804, %convert_element_type3A_847 : i32
      %min3A_849 = arith.minsi %add3A_848, %min3A_51 : i32
      %jit3A = arith.constant 10 : i32
      %select_n3A = arith.select %eq3A_846, %jit3A, %sub3A_845 : i32
      %sub3A_850 = arith.constant 1 : i32
      %sub3A_851 = arith.subi %scan3A_807, %sub3A_850 : i32
      %eq3A_852 = arith.constant 0 : i32
      %eq3A_853 = arith.cmpi eq, %sub3A_851, %eq3A_852 : i32
      %convert_element_type3A_854 = arith.extui %eq3A_853 : i1 to i32
      %add3A_855 = arith.addi %scan3A_806, %convert_element_type3A_854 : i32
      %min3A_856 = arith.minsi %add3A_855, %min3A_55 : i32
      %jit3A_857 = arith.constant 1000 : i32
      %select_n3A_858 = arith.select %eq3A_853, %jit3A_857, %sub3A_851 : i32
      scf.yield %min3A_849, %select_n3A, %min3A_856, %select_n3A_858 : i32, i32, i32, i32
    }
    %scan3A_768 = arith.constant 112 : i32
    %add3A_769 = arith.constant 2912 : i32
    %add3A_770 = arith.addi %multiple_of3A, %add3A_769 : i32
    %dma_start3A_771 = arith.constant 0 : i32
    %dma_start3A_772 = tpu.memref_slice %arg3[%add3A_770, %dma_start3A_771] : memref<100352x32xf32, #tpu.memory_space<hbm>> -> memref<112x32xf32, #tpu.memory_space<hbm>>
    %dma_start3A_773 = arith.constant 0 : i32
    %dma_start3A_774 = tpu.memref_slice %arg3[%add3A_770, %dma_start3A_773] : memref<100352x32xf32, #tpu.memory_space<hbm>> -> memref<112x32xf32, #tpu.memory_space<hbm>>
    tpu.enqueue_dma source(%arg6 : memref<112x32xf32, #tpu.memory_space<vmem>>) target(%dma_start3A_774 : memref<112x32xf32, #tpu.memory_space<hbm>>) target_semaphore(%arg14 : memref<!tpu.dma_semaphore, #tpu.memory_space<semaphore_mem>>)
    %dma_wait3A_775 = arith.constant 0 : i32
    %dma_wait3A_776 = tpu.memref_slice %arg2[%add3A_750, %dma_wait3A_775] : memref<110100x32xf32, #tpu.memory_space<hbm>> -> memref<112x32xf32, #tpu.memory_space<hbm>>
    %dma_wait3A_777 = arith.constant 0 : i32
    %dma_wait3A_778 = tpu.memref_slice %arg2[%add3A_750, %dma_wait3A_777] : memref<110100x32xf32, #tpu.memory_space<hbm>> -> memref<112x32xf32, #tpu.memory_space<hbm>>
    tpu.wait_dma2 semaphore(%arg13 : memref<!tpu.dma_semaphore, #tpu.memory_space<semaphore_mem>>) src(%dma_wait3A_778 : memref<112x32xf32, #tpu.memory_space<hbm>>) dst(%arg9 : memref<112x32xf32, #tpu.memory_space<vmem>>)
    %dma_wait3A_779 = arith.constant 0 : i32
    %dma_wait3A_780 = tpu.memref_slice %arg3[%add3A_744, %dma_wait3A_779] : memref<100352x32xf32, #tpu.memory_space<hbm>> -> memref<112x32xf32, #tpu.memory_space<hbm>>
    %dma_wait3A_781 = arith.constant 0 : i32
    %dma_wait3A_782 = tpu.memref_slice %arg3[%add3A_744, %dma_wait3A_781] : memref<100352x32xf32, #tpu.memory_space<hbm>> -> memref<112x32xf32, #tpu.memory_space<hbm>>
    tpu.wait_dma2 semaphore(%arg15 : memref<!tpu.dma_semaphore, #tpu.memory_space<semaphore_mem>>) src(%arg7 : memref<112x32xf32, #tpu.memory_space<vmem>>) dst(%dma_wait3A_782 : memref<112x32xf32, #tpu.memory_space<hbm>>)
    %scan3A_783 = arith.constant 0 : i32
    %scan3A_784 = arith.constant 112 : i32
    %scan3A_785 = arith.addi %scan3A_783, %scan3A_784 : i32
    %scan3A_786 = arith.constant 1 : i32
    %scan3A_787:4 = scf.for %scan3A_803 = %scan3A_783 to %scan3A_785 step %scan3A_786 iter_args(%scan3A_804 = %scan3A_767#0, %scan3A_805 = %scan3A_767#1, %scan3A_806 = %scan3A_767#2, %scan3A_807 = %scan3A_767#3) -> (i32, i32, i32, i32)  : i32 {
      %get3A = arith.index_cast %scan3A_803 : i32 to index
      %get3A_808 = arith.constant 0 : index
      %get3A_809 = tpu.vector_load %arg9[%get3A, %get3A_808] {strides = array<i32>} : memref<112x32xf32, #tpu.memory_space<vmem>>, vector<1x16xf32>,
      %get3A_810 = vector.shape_cast %get3A_809 : vector<1x16xf32> to vector<16xf32>
      %get3A_811 = arith.index_cast %scan3A_804 : i32 to index
      %get3A_812 = arith.constant 0 : index
      %get3A_813 = tpu.vector_load %arg5[%get3A_811, %get3A_812] {strides = array<i32>} : memref<328x32xf32, #tpu.memory_space<vmem>>, vector<1x16xf32>,
      %get3A_814 = vector.shape_cast %get3A_813 : vector<1x16xf32> to vector<16xf32>
      %add3A_815 = arith.addf %get3A_810, %get3A_814 : vector<16xf32>
      %get3A_816 = arith.index_cast %scan3A_806 : i32 to index
      %get3A_817 = arith.constant 0 : index
      %get3A_818 = tpu.vector_load %arg4[%get3A_816, %get3A_817] {strides = array<i32>} : memref<16x32xf32, #tpu.memory_space<vmem>>, vector<1x16xf32>,
      %get3A_819 = vector.shape_cast %get3A_818 : vector<1x16xf32> to vector<16xf32>
      %add3A_820 = arith.addf %add3A_815, %get3A_819 : vector<16xf32>
      %swap3A = arith.index_cast %scan3A_803 : i32 to index
      %swap3A_821 = arith.constant 0 : index
      %swap3A_822 = tpu.vector_load %arg7[%swap3A, %swap3A_821] {strides = array<i32>} : memref<112x32xf32, #tpu.memory_space<vmem>>, vector<1x16xf32>,
      %swap3A_823 = vector.shape_cast %swap3A_822 : vector<1x16xf32> to vector<16xf32>
      %swap3A_824 = vector.shape_cast %add3A_820 : vector<16xf32> to vector<1x16xf32>
      tpu.vector_store %arg7[%swap3A, %swap3A_821], %swap3A_824 {strides = array<i32>} : memref<112x32xf32, #tpu.memory_space<vmem>>, vector<1x16xf32>,
      %get3A_825 = arith.index_cast %scan3A_803 : i32 to index
      %get3A_826 = arith.constant 16 : index
      %get3A_827 = tpu.vector_load %arg9[%get3A_825, %get3A_826] {strides = array<i32>} : memref<112x32xf32, #tpu.memory_space<vmem>>, vector<1x16xf32>,
      %get3A_828 = vector.shape_cast %get3A_827 : vector<1x16xf32> to vector<16xf32>
      %get3A_829 = arith.index_cast %scan3A_804 : i32 to index
      %get3A_830 = arith.constant 16 : index
      %get3A_831 = tpu.vector_load %arg5[%get3A_829, %get3A_830] {strides = array<i32>} : memref<328x32xf32, #tpu.memory_space<vmem>>, vector<1x16xf32>,
      %get3A_832 = vector.shape_cast %get3A_831 : vector<1x16xf32> to vector<16xf32>
      %add3A_833 = arith.addf %get3A_828, %get3A_832 : vector<16xf32>
      %get3A_834 = arith.index_cast %scan3A_806 : i32 to index
      %get3A_835 = arith.constant 16 : index
      %get3A_836 = tpu.vector_load %arg4[%get3A_834, %get3A_835] {strides = array<i32>} : memref<16x32xf32, #tpu.memory_space<vmem>>, vector<1x16xf32>,
      %get3A_837 = vector.shape_cast %get3A_836 : vector<1x16xf32> to vector<16xf32>
      %add3A_838 = arith.addf %add3A_833, %get3A_837 : vector<16xf32>
      %swap3A_839 = arith.index_cast %scan3A_803 : i32 to index
      %swap3A_840 = arith.constant 16 : index
      %swap3A_841 = tpu.vector_load %arg7[%swap3A_839, %swap3A_840] {strides = array<i32>} : memref<112x32xf32, #tpu.memory_space<vmem>>, vector<1x16xf32>,
      %swap3A_842 = vector.shape_cast %swap3A_841 : vector<1x16xf32> to vector<16xf32>
      %swap3A_843 = vector.shape_cast %add3A_838 : vector<16xf32> to vector<1x16xf32>
      tpu.vector_store %arg7[%swap3A_839, %swap3A_840], %swap3A_843 {strides = array<i32>} : memref<112x32xf32, #tpu.memory_space<vmem>>, vector<1x16xf32>,
      %sub3A_844 = arith.constant 1 : i32
      %sub3A_845 = arith.subi %scan3A_805, %sub3A_844 : i32
      %eq3A = arith.constant 0 : i32
      %eq3A_846 = arith.cmpi eq, %sub3A_845, %eq3A : i32
      %convert_element_type3A_847 = arith.extui %eq3A_846 : i1 to i32
      %add3A_848 = arith.addi %scan3A_804, %convert_element_type3A_847 : i32
      %min3A_849 = arith.minsi %add3A_848, %min3A_51 : i32
      %jit3A = arith.constant 10 : i32
      %select_n3A = arith.select %eq3A_846, %jit3A, %sub3A_845 : i32
      %sub3A_850 = arith.constant 1 : i32
      %sub3A_851 = arith.subi %scan3A_807, %sub3A_850 : i32
      %eq3A_852 = arith.constant 0 : i32
      %eq3A_853 = arith.cmpi eq, %sub3A_851, %eq3A_852 : i32
      %convert_element_type3A_854 = arith.extui %eq3A_853 : i1 to i32
      %add3A_855 = arith.addi %scan3A_806, %convert_element_type3A_854 : i32
      %min3A_856 = arith.minsi %add3A_855, %min3A_55 : i32
      %jit3A_857 = arith.constant 1000 : i32
      %select_n3A_858 = arith.select %eq3A_853, %jit3A_857, %sub3A_851 : i32
      scf.yield %min3A_849, %select_n3A, %min3A_856, %select_n3A_858 : i32, i32, i32, i32
    }
    %scan3A_788 = arith.constant 112 : i32
    %add3A_789 = arith.constant 3024 : i32
    %add3A_790 = arith.addi %multiple_of3A, %add3A_789 : i32
    %dma_start3A_791 = arith.constant 0 : i32
    %dma_start3A_792 = tpu.memref_slice %arg3[%add3A_790, %dma_start3A_791] : memref<100352x32xf32, #tpu.memory_space<hbm>> -> memref<112x32xf32, #tpu.memory_space<hbm>>
    %dma_start3A_793 = arith.constant 0 : i32
    %dma_start3A_794 = tpu.memref_slice %arg3[%add3A_790, %dma_start3A_793] : memref<100352x32xf32, #tpu.memory_space<hbm>> -> memref<112x32xf32, #tpu.memory_space<hbm>>
    tpu.enqueue_dma source(%arg7 : memref<112x32xf32, #tpu.memory_space<vmem>>) target(%dma_start3A_794 : memref<112x32xf32, #tpu.memory_space<hbm>>) target_semaphore(%arg15 : memref<!tpu.dma_semaphore, #tpu.memory_space<semaphore_mem>>)
    %dma_wait3A_795 = arith.constant 0 : i32
    %dma_wait3A_796 = tpu.memref_slice %arg3[%add3A_770, %dma_wait3A_795] : memref<100352x32xf32, #tpu.memory_space<hbm>> -> memref<112x32xf32, #tpu.memory_space<hbm>>
    %dma_wait3A_797 = arith.constant 0 : i32
    %dma_wait3A_798 = tpu.memref_slice %arg3[%add3A_770, %dma_wait3A_797] : memref<100352x32xf32, #tpu.memory_space<hbm>> -> memref<112x32xf32, #tpu.memory_space<hbm>>
    tpu.wait_dma2 semaphore(%arg14 : memref<!tpu.dma_semaphore, #tpu.memory_space<semaphore_mem>>) src(%arg6 : memref<112x32xf32, #tpu.memory_space<vmem>>) dst(%dma_wait3A_798 : memref<112x32xf32, #tpu.memory_space<hbm>>)
    %dma_wait3A_799 = arith.constant 0 : i32
    %dma_wait3A_800 = tpu.memref_slice %arg3[%add3A_790, %dma_wait3A_799] : memref<100352x32xf32, #tpu.memory_space<hbm>> -> memref<112x32xf32, #tpu.memory_space<hbm>>
    %dma_wait3A_801 = arith.constant 0 : i32
    %dma_wait3A_802 = tpu.memref_slice %arg3[%add3A_790, %dma_wait3A_801] : memref<100352x32xf32, #tpu.memory_space<hbm>> -> memref<112x32xf32, #tpu.memory_space<hbm>>
    tpu.wait_dma2 semaphore(%arg15 : memref<!tpu.dma_semaphore, #tpu.memory_space<semaphore_mem>>) src(%arg7 : memref<112x32xf32, #tpu.memory_space<vmem>>) dst(%dma_wait3A_802 : memref<112x32xf32, #tpu.memory_space<hbm>>)
    return
  }
}

module attributes {stable_mosaic.version = 14 : i64} {
  func.func @_tc_body(%arg0: i32, %arg1: memref<1024x32xf32, #tpu.memory_space<vmem>>, %arg2: memref<1024x1xi32, #tpu.memory_space<vmem>>, %arg3: memref<2048x32xf32, #tpu.memory_space<vmem>>, %arg4: memref<1024x2048xf32, #tpu.memory_space<vmem>>, %arg5: memref<2048x32xf32, #tpu.memory_space<vmem>>, %arg6: memref<1x1xf32, #tpu.memory_space<vmem>>, %arg7: memref<1024x1xf32, #tpu.memory_space<vmem>>, %arg8: memref<1024x1xf32, #tpu.memory_space<vmem>>, %arg9: memref<1024x1xf32, #tpu.memory_space<vmem>>) attributes {dimension_semantics = [#tpu.dimension_semantics<arbitrary>], iteration_bounds = array<i64: 49>, scalar_prefetch = 0 : i64, scratch_operands = 3 : i64, tpu.core_type = #tpu.core_type<tc>, window_params = [{pipeline_mode = #tpu.pipeline_mode<synchronous>, transform_indices = @transform_0, window_bounds = array<i64: 1024, 32>}, {pipeline_mode = #tpu.pipeline_mode<synchronous>, transform_indices = @transform_1, window_bounds = array<i64: 1024, 1>}, {transform_indices = @transform_2, window_bounds = array<i64: 2048, 32>}, {transform_indices = @transform_3, window_bounds = array<i64: 1024, 2048>}, {transform_indices = @transform_4, window_bounds = array<i64: 2048, 32>}, {pipeline_mode = #tpu.pipeline_mode<synchronous>, transform_indices = @transform_5, window_bounds = array<i64: 1, 1>}]} {
    %eq3A = arith.constant 0 : i32
    %eq3A_0 = arith.cmpi eq, %arg0, %eq3A : i32
    %convert_element_type3A = arith.extui %eq3A_0 : i1 to i32
    %cond3A = arith.constant 0 : i32
    %cond3A_1 = arith.cmpi ne, %convert_element_type3A, %cond3A : i32
    scf.if %cond3A_1 {
      %broadcast_in_dim3A_64 = arith.constant 0xFF800000 : f32
      %broadcast_in_dim3A_65 = vector.broadcast %broadcast_in_dim3A_64 : f32 to vector<1024x1xf32>
      %swap3A_66 = arith.constant 0 : index
      %swap3A_67 = arith.constant 0 : index
      %swap3A_68 = vector.load %arg7[%swap3A_66, %swap3A_67] : memref<1024x1xf32, #tpu.memory_space<vmem>>, vector<1024x1xf32>
      tpu.vector_store %arg7[%swap3A_66, %swap3A_67], %broadcast_in_dim3A_65 {strides = array<i32>} : memref<1024x1xf32, #tpu.memory_space<vmem>>, vector<1024x1xf32>,
      %broadcast_in_dim3A_69 = arith.constant 0.000000e+00 : f32
      %broadcast_in_dim3A_70 = vector.broadcast %broadcast_in_dim3A_69 : f32 to vector<1024x1xf32>
      %swap3A_71 = arith.constant 0 : index
      %swap3A_72 = arith.constant 0 : index
      %swap3A_73 = vector.load %arg8[%swap3A_71, %swap3A_72] : memref<1024x1xf32, #tpu.memory_space<vmem>>, vector<1024x1xf32>
      tpu.vector_store %arg8[%swap3A_71, %swap3A_72], %broadcast_in_dim3A_70 {strides = array<i32>} : memref<1024x1xf32, #tpu.memory_space<vmem>>, vector<1024x1xf32>,
      %broadcast_in_dim3A_74 = arith.constant 0.000000e+00 : f32
      %broadcast_in_dim3A_75 = vector.broadcast %broadcast_in_dim3A_74 : f32 to vector<1024x1xf32>
      %swap3A_76 = arith.constant 0 : index
      %swap3A_77 = arith.constant 0 : index
      %swap3A_78 = vector.load %arg9[%swap3A_76, %swap3A_77] : memref<1024x1xf32, #tpu.memory_space<vmem>>, vector<1024x1xf32>
      tpu.vector_store %arg9[%swap3A_76, %swap3A_77], %broadcast_in_dim3A_75 {strides = array<i32>} : memref<1024x1xf32, #tpu.memory_space<vmem>>, vector<1024x1xf32>,
    } else {
    }
    %get3A = arith.constant 0 : index
    %get3A_2 = arith.constant 0 : index
    %get3A_3 = vector.load %arg3[%get3A, %get3A_2] : memref<2048x32xf32, #tpu.memory_space<vmem>>, vector<2048x32xf32>
    %swap3A = arith.constant 0 : index
    %swap3A_4 = arith.constant 0 : index
    %swap3A_5 = vector.load %arg5[%swap3A, %swap3A_4] : memref<2048x32xf32, #tpu.memory_space<vmem>>, vector<2048x32xf32>
    tpu.vector_store %arg5[%swap3A, %swap3A_4], %get3A_3 {strides = array<i32>} : memref<2048x32xf32, #tpu.memory_space<vmem>>, vector<2048x32xf32>,
    %get3A_6 = arith.constant 0 : index
    %get3A_7 = arith.constant 0 : index
    %get3A_8 = vector.load %arg1[%get3A_6, %get3A_7] : memref<1024x32xf32, #tpu.memory_space<vmem>>, vector<1024x32xf32>
    %dot_general3A = arith.constant dense<0.000000e+00> : vector<1024x2048xf32>
    %dot_general3A_9 = tpu.matmul %get3A_8, %get3A_3, %dot_general3A {dimension_numbers = #tpu.dot_dimension_numbers<[1], [1], [0], [0], [0, 0, 1, 0], [], []>, transpose_lhs_hint = false} : vector<1024x32xf32>, vector<2048x32xf32>, vector<1024x2048xf32> -> vector<1024x2048xf32>
    %swap3A_10 = arith.constant 0 : index
    %swap3A_11 = arith.constant 0 : index
    %swap3A_12 = vector.load %arg4[%swap3A_10, %swap3A_11] : memref<1024x2048xf32, #tpu.memory_space<vmem>>, vector<1024x2048xf32>
    tpu.vector_store %arg4[%swap3A_10, %swap3A_11], %dot_general3A_9 {strides = array<i32>} : memref<1024x2048xf32, #tpu.memory_space<vmem>>, vector<1024x2048xf32>,
    %mul3A = arith.constant 2048 : i32
    %mul3A_13 = arith.muli %arg0, %mul3A : i32
    %iota3A = tpu.iota {dimensions = array<i32: 1>} : vector<1x2048xi32>
    %add3A = vector.broadcast %mul3A_13 : i32 to vector<1x2048xi32>
    %add3A_14 = arith.addi %add3A, %iota3A : vector<1x2048xi32>
    %lt3A = arith.constant 100000 : i32
    %lt3A_15 = vector.broadcast %lt3A : i32 to vector<1x2048xi32>
    %lt3A_16 = arith.cmpi slt, %add3A_14, %lt3A_15 : vector<1x2048xi32>
    %jit3A = arith.constant 0xFF800000 : f32
    %broadcast_in_dim3A = vector.shape_cast %lt3A_16 : vector<1x2048xi1> to vector<1x2048xi1>
    %broadcast_in_dim3A_17 = vector.broadcast %broadcast_in_dim3A : vector<1x2048xi1> to vector<1024x2048xi1>
    %broadcast_in_dim3A_18 = vector.broadcast %jit3A : f32 to vector<1024x2048xf32>
    %select_n3A = arith.select %broadcast_in_dim3A_17, %dot_general3A_9, %broadcast_in_dim3A_18 : vector<1024x2048xi1>, vector<1024x2048xf32>
    %reduce_max3A = arith.constant dense<0xFF800000> : vector<1024xf32>
    %reduce_max3A_19 = vector.multi_reduction <maximumf>, %select_n3A, %reduce_max3A [1] : vector<1024x2048xf32> to vector<1024xf32>
    %broadcast_in_dim3A_20 = vector.shape_cast %reduce_max3A_19 : vector<1024xf32> to vector<1024x1xf32>
    %get3A_21 = arith.constant 0 : index
    %get3A_22 = arith.constant 0 : index
    %get3A_23 = vector.load %arg7[%get3A_21, %get3A_22] : memref<1024x1xf32, #tpu.memory_space<vmem>>, vector<1024x1xf32>
    %max3A = arith.maximumf %get3A_23, %broadcast_in_dim3A_20 : vector<1024x1xf32>
    %sub3A = vector.broadcast %max3A : vector<1024x1xf32> to vector<1024x2048xf32>
    %sub3A_24 = arith.subf %select_n3A, %sub3A : vector<1024x2048xf32>
    %exp3A = math.exp %sub3A_24 : vector<1024x2048xf32>
    %get3A_25 = arith.constant 0 : index
    %get3A_26 = arith.constant 0 : index
    %get3A_27 = vector.load %arg8[%get3A_25, %get3A_26] : memref<1024x1xf32, #tpu.memory_space<vmem>>, vector<1024x1xf32>
    %sub3A_28 = arith.subf %get3A_23, %max3A : vector<1024x1xf32>
    %exp3A_29 = math.exp %sub3A_28 : vector<1024x1xf32>
    %mul3A_30 = arith.mulf %get3A_27, %exp3A_29 : vector<1024x1xf32>
    %reduce_sum3A = arith.constant dense<0.000000e+00> : vector<1024xf32>
    %reduce_sum3A_31 = vector.multi_reduction <add>, %exp3A, %reduce_sum3A [1] : vector<1024x2048xf32> to vector<1024xf32>
    %broadcast_in_dim3A_32 = vector.shape_cast %reduce_sum3A_31 : vector<1024xf32> to vector<1024x1xf32>
    %add3A_33 = arith.addf %mul3A_30, %broadcast_in_dim3A_32 : vector<1024x1xf32>
    %swap3A_34 = arith.constant 0 : index
    %swap3A_35 = arith.constant 0 : index
    %swap3A_36 = vector.load %arg8[%swap3A_34, %swap3A_35] : memref<1024x1xf32, #tpu.memory_space<vmem>>, vector<1024x1xf32>
    tpu.vector_store %arg8[%swap3A_34, %swap3A_35], %add3A_33 {strides = array<i32>} : memref<1024x1xf32, #tpu.memory_space<vmem>>, vector<1024x1xf32>,
    %swap3A_37 = arith.constant 0 : index
    %swap3A_38 = arith.constant 0 : index
    %swap3A_39 = vector.load %arg7[%swap3A_37, %swap3A_38] : memref<1024x1xf32, #tpu.memory_space<vmem>>, vector<1024x1xf32>
    tpu.vector_store %arg7[%swap3A_37, %swap3A_38], %max3A {strides = array<i32>} : memref<1024x1xf32, #tpu.memory_space<vmem>>, vector<1024x1xf32>,
    %get3A_40 = arith.constant 0 : index
    %get3A_41 = arith.constant 0 : index
    %get3A_42 = vector.load %arg2[%get3A_40, %get3A_41] : memref<1024x1xi32, #tpu.memory_space<vmem>>, vector<1024x1xi32>
    %eq3A_43 = vector.broadcast %add3A_14 : vector<1x2048xi32> to vector<1024x2048xi32>
    %eq3A_44 = vector.broadcast %get3A_42 : vector<1024x1xi32> to vector<1024x2048xi32>
    %eq3A_45 = arith.cmpi eq, %eq3A_43, %eq3A_44 : vector<1024x2048xi32>
    %get3A_46 = arith.constant 0 : index
    %get3A_47 = arith.constant 0 : index
    %get3A_48 = vector.load %arg9[%get3A_46, %get3A_47] : memref<1024x1xf32, #tpu.memory_space<vmem>>, vector<1024x1xf32>
    %jit3A_49 = arith.constant 0.000000e+00 : f32
    %broadcast_in_dim3A_50 = vector.broadcast %jit3A_49 : f32 to vector<1024x2048xf32>
    %select_n3A_51 = arith.select %eq3A_45, %dot_general3A_9, %broadcast_in_dim3A_50 : vector<1024x2048xi1>, vector<1024x2048xf32>
    %reduce_sum3A_52 = arith.constant dense<0.000000e+00> : vector<1024xf32>
    %reduce_sum3A_53 = vector.multi_reduction <add>, %select_n3A_51, %reduce_sum3A_52 [1] : vector<1024x2048xf32> to vector<1024xf32>
    %broadcast_in_dim3A_54 = vector.shape_cast %reduce_sum3A_53 : vector<1024xf32> to vector<1024x1xf32>
    %add3A_55 = arith.addf %get3A_48, %broadcast_in_dim3A_54 : vector<1024x1xf32>
    %swap3A_56 = arith.constant 0 : index
    %swap3A_57 = arith.constant 0 : index
    %swap3A_58 = vector.load %arg9[%swap3A_56, %swap3A_57] : memref<1024x1xf32, #tpu.memory_space<vmem>>, vector<1024x1xf32>
    tpu.vector_store %arg9[%swap3A_56, %swap3A_57], %add3A_55 {strides = array<i32>} : memref<1024x1xf32, #tpu.memory_space<vmem>>, vector<1024x1xf32>,
    %eq3A_59 = arith.constant 48 : i32
    %eq3A_60 = arith.cmpi eq, %arg0, %eq3A_59 : i32
    %convert_element_type3A_61 = arith.extui %eq3A_60 : i1 to i32
    %cond3A_62 = arith.constant 0 : i32
    %cond3A_63 = arith.cmpi ne, %convert_element_type3A_61, %cond3A_62 : i32
    scf.if %cond3A_63 {
      %get3A_64 = arith.constant 0 : index
      %get3A_65 = arith.constant 0 : index
      %get3A_66 = vector.load %arg7[%get3A_64, %get3A_65] : memref<1024x1xf32, #tpu.memory_space<vmem>>, vector<1024x1xf32>
      %get3A_67 = arith.constant 0 : index
      %get3A_68 = arith.constant 0 : index
      %get3A_69 = vector.load %arg8[%get3A_67, %get3A_68] : memref<1024x1xf32, #tpu.memory_space<vmem>>, vector<1024x1xf32>
      %log3A = math.log %get3A_69 : vector<1024x1xf32>
      %add3A_70 = arith.addf %get3A_66, %log3A : vector<1024x1xf32>
      %get3A_71 = arith.constant 0 : index
      %get3A_72 = arith.constant 0 : index
      %get3A_73 = vector.load %arg9[%get3A_71, %get3A_72] : memref<1024x1xf32, #tpu.memory_space<vmem>>, vector<1024x1xf32>
      %sub3A_74 = arith.subf %add3A_70, %get3A_73 : vector<1024x1xf32>
      %reduce_sum3A_75 = arith.constant dense<0.000000e+00> : vector<1xf32>
      %reduce_sum3A_76 = vector.multi_reduction <add>, %sub3A_74, %reduce_sum3A_75 [0] : vector<1024x1xf32> to vector<1xf32>
      %broadcast_in_dim3A_77 = vector.shape_cast %reduce_sum3A_76 : vector<1xf32> to vector<1x1xf32>
      %div3A = arith.constant 1.024000e+03 : f32
      %div3A_78 = vector.broadcast %div3A : f32 to vector<1x1xf32>
      %div3A_79 = arith.divf %broadcast_in_dim3A_77, %div3A_78 : vector<1x1xf32>
      %swap3A_80 = arith.constant 0 : index
      %swap3A_81 = arith.constant 0 : index
      %swap3A_82 = vector.load %arg6[%swap3A_80, %swap3A_81] : memref<1x1xf32, #tpu.memory_space<vmem>>, vector<1x1xf32>
      tpu.vector_store %arg6[%swap3A_80, %swap3A_81], %div3A_79 {strides = array<i32>} : memref<1x1xf32, #tpu.memory_space<vmem>>, vector<1x1xf32>,
    } else {
    }
    return
  }
  func.func @transform_0(%arg0: i32) -> (i32, i32) {
    %c0_i32 = arith.constant 0 : i32
    %c0_i32_0 = arith.constant 0 : i32
    %c0_i32_1 = arith.constant 0 : i32
    return %c0_i32, %c0_i32_0 : i32, i32
  }
  func.func @transform_1(%arg0: i32) -> (i32, i32) {
    %c0_i32 = arith.constant 0 : i32
    %c0_i32_0 = arith.constant 0 : i32
    %c0_i32_1 = arith.constant 0 : i32
    return %c0_i32, %c0_i32_0 : i32, i32
  }
  func.func @transform_2(%arg0: i32) -> (i32, i32) {
    %c0_i32 = arith.constant 0 : i32
    %c0_i32_0 = arith.constant 0 : i32
    return %arg0, %c0_i32 : i32, i32
  }
  func.func @transform_3(%arg0: i32) -> (i32, i32) {
    %c0_i32 = arith.constant 0 : i32
    %c0_i32_0 = arith.constant 0 : i32
    return %c0_i32, %arg0 : i32, i32
  }
  func.func @transform_4(%arg0: i32) -> (i32, i32) {
    %c0_i32 = arith.constant 0 : i32
    %c0_i32_0 = arith.constant 0 : i32
    return %arg0, %c0_i32 : i32, i32
  }
  func.func @transform_5(%arg0: i32) -> (i32, i32) {
    %c0_i32 = arith.constant 0 : i32
    %c0_i32_0 = arith.constant 0 : i32
    %c0_i32_1 = arith.constant 0 : i32
    return %c0_i32, %c0_i32_0 : i32, i32
  }
}

</mosaic_0001>

<sc_bundles>
// kernel: kernel.4.cloned.1.call-start
scs
__scs_entry_jumppad:
0x0: {  	(pc) =	sbr.rel $0x88, $3  }
0x1: {  	(tag) =	ssettag $0x0;
	lr =	simm.s32 $0x1  }
0x2: {  	[smem:$0x3F9E] =	sst lr;
	_ =	strace $0xD0000000  }
0x3: {  	_ = 	snop  }
0x4: {  	_ = 	snop  }
0x5: {  	_ = 	snop  }
0x6: {  	_ = 	snop  }
0x7: {  	_ = 	snop  }
__scs_overlays_trampoline_lowered:
0x8: {  	[smem:$0x3FAD] =	sst s0  }
0x9: {  	[smem:$0x3FAE] =	sst s1  }
0xa: {  	[smem:$0x3FAF] =	sst s2  }
0xb: {  	[smem:$0x3FB0] =	sst s3  }
0xc: {  	[smem:$0x3FB1] =	sst s4  }
0xd: {  	[smem:$0x3FB2] =	sst s5  }
0xe: {  	[smem:$0x3FB3] =	sst s6  }
0xf: {  	[smem:$0x3FB4] =	sst s7  }
0x10: {  	[smem:$0x3FB5] =	sst s8  }
0x11: {  	[smem:$0x3FB6] =	sst s9;
	s0 =	simm.s32 @!p0 $0x0  }
0x12: {  	s1 =	sld [smem:$0x3F9C];
	s0 =	simm.s32 @p0 $0x1  }
0x13: {  	[smem:$0x3FB7] =	sst s0;
	s0 =	simm.s32 @!p1 $0x0  }
0x14: {  	s2 =	sld [smem:$0x3F9B];
	s0 =	simm.s32 @p1 $0x1  }
0x15: {  	[smem:$0x3FB8] =	sst s0;
	s0 =	simm.s32 @!p2 $0x0  }
0x16: {  	s3 =	sld [smem:$0x3FDB];
	s0 =	simm.s32 @p2 $0x1  }
0x17: {  	s4 =	simm.s32 $0x1BF5;
	[smem:$0x3FBA] =	sst s0  }
0x18: {  	s0 =	sld [smem:$0x3F9D];
	_ =	swait.ge [sflag:s4], $0x0  }
0x19: {  	s7 =	sld [smem:$0x3F9E]  }
0x1a: {  	s8 =	sadd.s32 $0xFFFFE003, lr  }
0x1b: {  	s9 =	sadd.s32 $0xFFFFFEF7, lr;
	s5 =	simm.s32 $0xFFFFFFFF;
	p2 =	slt.u32 s8, $0xFFFFF086  }
0x1c: {  	p1 =	slt.u32 s9, $0xF7A;
	s5 =	simm.s32 @!p2 $0x0  }
0x1d: {  	s5 =	simm.s32 @p1 $0x1;
	p0 =	seq.s32 s7, s2  }
0x1e: {  	s7 =	smul.u32 @!p0 $0xF7A, s2;
	p2 =	seq.s32 @!p0 s5, $0x0  }
0x1f: {  	s9 =	smul.u32 $0xF7A, s1;
	s8 =	simm.s32 @!p0 $0x1BF5;
	p2 =	por !p2, p0  }
0x20: {  	[sflag:s8] =	ssyncset.s32 @!p0 $0xFFFFF086;
	s6 =	sadd.s32 @!p0 s3, s7;
	s7 =	simm.s32 @!p0 $0x108  }
0x21: {  	s3 =	sadd.s32 s3, s9;
	s6 =	sadd.s32 @!p0 $0x88, s6;
	s7 =	simm.s32 @p2 $0x1082  }
0x22: {  	[simem:s7], [sflag:s8] =	dma.local @!p0 [hbm:s6], $0xF7A  }
0x23: {  	s9 =	sor.u32 $0xD0000000, s2;
	s6 =	simm.s32 $0x108;
	_ =	swait.ge @!p0 [sflag:s8], $0x0  }
0x24: {  	s3 =	sadd.s32 $0x88, s3;
	s6 =	simm.s32 @!p1 $0x1082;
	[sflag:s4] =	ssyncset.s32 $0xFFFFF086  }
0x25: {  	[simem:s6], [sflag:s4] =	dma.local [hbm:s3], $0xF7A  }
0x26: {  	[smem:$0x3F9E] =	sst s1;
	(tag) =	ssettag s2;
	_ =	strace s9  }
0x27: {  	s1 =	sld [smem:$0x3FAE]  }
0x28: {  	s2 =	sld [smem:$0x3FAF]  }
0x29: {  	s4 =	sld [smem:$0x3FB1]  }
0x2a: {  	p0 =	seq.s32 s5, $0x0;
	s5 =	sld [smem:$0x3FB2]  }
0x2b: {  	s6 =	sld [smem:$0x3FB3]  }
0x2c: {  	s7 =	sld [smem:$0x3FB4]  }
0x2d: {  	s3 =	simm.s32 $0x108;
	s8 =	sld [smem:$0x3FB5]  }
0x2e: {  	s3 =	simm.s32 @!p0 $0x1082;
	s9 =	sld [smem:$0x3FB6]  }
0x2f: {  	lr =	sadd.s32 s0, s3;
	s0 =	sld [smem:$0x3FAD]  }
0x30: {  	s3 =	sld [smem:$0x3FB0]  }
0x31: {  	[smem:$0x3FB9] =	sst s10  }
0x32: {  	s10 =	sld [smem:$0x3FB7];
	_ =	sdelay $0x3  }
0x33: {  	p0 =	seq.s32 s10, $0x1;
	s10 =	sld [smem:$0x3FB9];
	_ =	sdelay $0x3  }
0x34: {  	[smem:$0x3FB9] =	sst s10  }
0x35: {  	s10 =	sld [smem:$0x3FB8];
	_ =	sdelay $0x3  }
0x36: {  	p1 =	seq.s32 s10, $0x1;
	s10 =	sld [smem:$0x3FB9];
	_ =	sdelay $0x3  }
0x37: {  	[smem:$0x3FB9] =	sst s10  }
0x38: {  	s10 =	sld [smem:$0x3FBA]  }
0x39: {  	_ = 	snop;
	(pc) =	sbr.ind lr, $3  }
0x3a: {  	_ = 	snop  }
0x3b: {  	_ = 	snop  }
0x3c: {  	p2 =	seq.s32 s10, $0x1;
	s10 =	sld [smem:$0x3FB9]  }
0x3d: {  	_ =	shalt  }
0x3e: {  	_ =	shalt  }
0x3f: {  	_ =	shalt  }
0x40: {  	_ =	shalt  }
0x41: {  	_ =	shalt  }
0x42: {  	_ =	shalt  }
0x43: {  	_ =	shalt  }
0x44: {  	_ =	shalt  }
0x45: {  	_ =	shalt  }
0x46: {  	_ =	shalt  }
0x47: {  	_ =	shalt  }
0x48: {  	_ =	shalt  }
0x49: {  	_ =	shalt  }
0x4a: {  	_ =	shalt  }
0x4b: {  	_ =	shalt  }
0x4c: {  	_ =	shalt  }
0x4d: {  	_ =	shalt  }
0x4e: {  	_ =	shalt  }
0x4f: {  	_ =	shalt  }
0x50: {  	_ =	shalt  }
0x51: {  	_ =	shalt  }
0x52: {  	_ =	shalt  }
0x53: {  	_ =	shalt  }
0x54: {  	_ =	shalt  }
0x55: {  	_ =	shalt  }
0x56: {  	_ =	shalt  }
0x57: {  	_ =	shalt  }
0x58: {  	_ =	shalt  }
0x59: {  	_ =	shalt  }
0x5a: {  	_ =	shalt  }
0x5b: {  	_ =	shalt  }
0x5c: {  	_ =	shalt  }
0x5d: {  	_ =	shalt  }
0x5e: {  	_ =	shalt  }
0x5f: {  	_ =	shalt  }
0x60: {  	_ =	shalt  }
0x61: {  	_ =	shalt  }
0x62: {  	_ =	shalt  }
0x63: {  	_ =	shalt  }
0x64: {  	_ =	shalt  }
0x65: {  	_ =	shalt  }
0x66: {  	_ =	shalt  }
0x67: {  	_ =	shalt  }
0x68: {  	_ =	shalt  }
0x69: {  	_ =	shalt  }
0x6a: {  	_ =	shalt  }
0x6b: {  	_ =	shalt  }
0x6c: {  	_ =	shalt  }
0x6d: {  	_ =	shalt  }
0x6e: {  	_ =	shalt  }
0x6f: {  	_ =	shalt  }
0x70: {  	_ =	shalt  }
0x71: {  	_ =	shalt  }
0x72: {  	_ =	shalt  }
0x73: {  	_ =	shalt  }
0x74: {  	_ =	shalt  }
0x75: {  	_ =	shalt  }
0x76: {  	_ =	shalt  }
0x77: {  	_ =	shalt  }
0x78: {  	_ =	shalt  }
0x79: {  	_ =	shalt  }
0x7a: {  	_ =	shalt  }
0x7b: {  	_ =	shalt  }
0x7c: {  	_ =	shalt  }
0x7d: {  	_ =	shalt  }
0x7e: {  	_ =	shalt  }
0x7f: {  	_ =	shalt  }
0x80: {  	_ =	shalt  }
0x81: {  	_ =	shalt  }
0x82: {  	_ =	shalt  }
0x83: {  	_ =	shalt  }
0x84: {  	_ =	shalt  }
0x85: {  	_ =	shalt  }
0x86: {  	_ =	shalt  }
0x87: {  	_ =	shalt  }
.Lfunc_end0:
.L_simem_size_0:
called_computation_lowered:
.L_overlay_start_0:
0x88: {  	s2 =	sld [smem:$0x3FD9]  }
0x89: {  	s3 =	sld [smem:$0x3FFE];
	_ =	sdelay $0x1  }
0x8a: {  	s1 =	srdreg.scid  }
0x8b: {  	s0 =	sand.u32 $0x1, s1  }
0x8c: {  	s14 =	sshll.u32 s0, $0xA;
	s2 =	sadd.s32 s3, s2  }
0x8d: {  	s2 =	sadd.s32 s2, s14  }
0x8e: {  	[smem:$0x3FC5] =	sst s2  }
0x8f: {  	_ = 	snop  }
0x90: {  	s2 =	sld [smem:$0x3FD0];
	_ =	sdelay $0x2  }
0x91: {  	s15 =	simm.s32 $0xA;
	s4 =	simm.s32 $0x10  }
0x92: {  	[smem:s4], [sflag:s15] =	dma.local [hbm:s2], $0x1  }
0x93: {  	_ =	swait.eq [sflag:s15], $0x1  }
0x94: {  	[sflag:s15] =	ssyncset.done $0x0  }
0x95: {  	[sflag:s15] =	ssyncadd.s32 $0xFFFFFFFF  }
0x96: {  	s16 =	sld [smem:$0x11];
	(tm) =	ssettm $0x1  }
0x97: {  	s17 =	sld [smem:$0x3FFB];
	_ =	sdelay $0x3  }
0x98: {  	_ =	strace s17  }
0x99: {  	s3 =	sld [smem:$0x3FFC];
	_ =	sdelay $0x3  }
0x9a: {  	_ =	strace s3  }
0x9b: {  	s3 =	sld [smem:$0x3FFD];
	_ =	sdelay $0x3  }
0x9c: {  	_ =	strace s3  }
0x9d: {  	_ =	strace $0x8FFFFFFF  }
0x9e: {  	s18 =	sld [smem:$0x3FDB];
	_ =	sdelay $0x1  }
0x9f: {  	s19 =	simm.s32 $_scs_section_size  }
0xa0: {  	s5 =	simm.s32 $_size__tile_overlayer_lowered;
	s6 =	simm.s32 $_tile_overlayer_lowered  }
0xa1: {  	s22 =	simm.s32 $0x1BFF;
	s21 =	sshll.u32 s6, $0x1;
	s3 =	sadd.s32 s19, s18  }
0xa2: {  	s7 =	simm.s32 $0x0;
	s20 =	sshll.u32 s5, $0x1;
	s5 =	sadd.s32 s21, s3  }
0xa3: {  	[timem:s7], [sflag:s22] =	dma.local [hbm:s5], s20  }
0xa4: {  	_ =	swait.ge [sflag:s22], s20  }
0xa5: {  	s4 =	ssub.s32 $0x0, s20;
	[sflag:s22] =	ssyncset.done $0x0  }
0xa6: {  	[sflag:s22] =	ssyncadd.s32 s4;
	_ =	sdelay $0x1  }
0xa7: {  	s23 =	simm.s32 $0x1B8B  }
0xa8: {  	_ =	swait.ge [sflag:s23], $0x1  }
0xa9: {  	[sflag:s23] =	ssyncset.done $0x0  }
0xaa: {  	s25 =	simm.s32 $0x1B8E;
	s24 =	sld [smem:$0x3FFE];
	[sflag:s23] =	ssyncadd.s32 $0xFFFFFFFF  }
0xab: {  	s26 =	simm.s32 $execute0_lowered;
	[smem:$0x3FD2] =	sst s25  }
0xac: {  	s5 =	sshll.u32 s26, $0x1;
	_ =	strace $0x80000046;
	[dreg:$0x1] =	wrdreg $0xFFFFFFFF  }
0xad: {  	s28 =	simm.s32 $_size_execute0_lowered;
	s3 =	sadd.s32 s3, s5;
	[dreg:$0x0] =	wrdreg $0x0  }
0xae: {  	s5 =	sshll.u32 s28, $0x1;
	[dreg:$0x2] =	wrdreg s3  }
0xaf: {  	[dreg:$0x3] =	wrdreg s5  }
0xb0: {  	[dreg:$0x4] =	wrdreg $0xC0  }
0xb1: {  	_ =	task [dreg:s7], $0x5FFFF  }
0xb2: {  	[dreg:$0x1] =	wrdreg $0xFFFFFFFF  }
0xb3: {  	[dreg:$0x0] =	wrdreg $0x60  }
0xb4: {  	[dreg:$0x2] =	wrdreg s16  }
0xb5: {  	[dreg:$0x3] =	wrdreg s24  }
0xb6: {  	[dreg:$0x4] =	wrdreg $0x9  }
0xb7: {  	_ =	task.clear_ibuf [dreg:s7], $0x5FFFF;
	_ =	strace $0x90000046  }
0xb8: {  	s29 =	simm.s32 $0x9;
	_ =	strace $0x80000048  }
0xb9: {  	_ =	swait.ge [sflag:s29], $0x1  }
0xba: {  	[sflag:s29] =	ssyncadd.s32 $0xFFFFFFFF  }
0xbb: {  	_ =	strace $0x90000048  }
0xbc: {  	_ =	sfence  }
0xbd: {  	s30 =	sld [smem:$0x0];
	_ =	sdelay $0x2  }
0xbe: {  	s31 =	sshll.u32 s1, $0xD;
	s1 =	sshrl.u32 s1, $0x2  }
0xbf: {  	s3 =	sand.u32 $0x4000, s31;
	s1 =	sadd.s32 s1, s30  }
0xc0: {  	s0 =	sor.u32 s3, s0;
	s1 =	sshll.u32 s1, $0x11  }
0xc1: {  	s0 =	sor.u32 s1, s0  }
0xc2: {  	s0 =	sadd.s32 $0x8F2B, s0  }
0xc3: {  	[sflag:s0] =	ssyncadd.remote.s32 $0x1  }
0xc4: {  	_ =	sfence.sel $0xFFFF  }
0xc5: {  	[dreg:$0x0] =	wrdreg $0xFFFFFFFF;
	(pc) =	sbr.abs _section_cstart, $3  }
0xc6: {  	[dreg:$0x1] =	wrdreg $0xFFFFFFFF  }
0xc7: {  	_ =	task.clear_ibuf [dreg:s7], $0x2FFFF;
	_ =	strace $0x9FFFFFFF  }
0xc8: {  	(tm) =	ssettm $0x7FFFFFFF  }
0xc9: {  	_ =	shalt  }
tec
execute0_lowered:
.L_overlay_start_1:
0x0: {  	(tag) =	ssettag $0x1  }
0x1: {  	s0 =	rddreg [dreg:$0x0]  }
0x2: {  	s1 =	srdreg.scid;
	s10 =	stileid.u32  }
0x3: {  	s2 =	rddreg [dreg:$0x1];
	s7 =	simm.s32 $0x1;
	s11 =	simm.s32 $0x1  }
0x4: {  	s3 =	sand.u32 $0x1, s1;
	s4 =	sshll.u32 s10, $0x1;
	s1 =	simm.s32 $0x0  }
0x5: {  	s2 =	sadd.s32 $0xA00, s2;
	s5 =	ssub.s32 $0x2, s3;
	s8 =	sor.u32 s3, s4  }
0x6: {  	p0 =	sgt.u32 s10, $0x3;
	s22 =	sshrl.u32 s5, $0x1;
	s9 =	smul.u32 $0xFFFFFFFA, s8  }
0x7: {  	s23 =	smul.u32 $0x4CCCE, s8;
	s6 =	ssub.s32 s5, s22;
	s5 =	simm.s32 $0x1  }
0x8: {  	s4 =	smul.u32 $0x139, s8;
	s5 =	simm.s32 @!p0 $0x0;
	p0 =	sgt.u32 s8, $0xE  }
0x9: {  	s7 =	simm.s32 @!p0 $0x0;
	p0 =	seq.s32 s10, $0xF;
	s10 =	simm.s32 $0x1  }
0xa: {  	[smem:$0x7FF] =	sst s1;
	s24 =	smul.u32 $0x3, s8;
	s10 =	simm.s32 @!p0 $0x0  }
0xb: {  	s3 =	sshrl.u32 s23, $0x13;
	p0 =	sgt.u32 s8, $0x16;
	s5 =	sadd.s32 s5, s10  }
0xc: {  	s4 =	sadd.s32 s3, s4;
	s11 =	simm.s32 @!p0 $0x0;
	s5 =	sadd.s32 s7, s5  }
0xd: {  	s12 =	smul.u32 $0xA, s3;
	s3 =	sadd.s32 $0x18704, s4;
	s25 =	sadd.s32 s11, s5  }
0xe: {  	s13 =	smul.u32 $0xC400, s8;
	s4 =	sand.u32 $0x3FFF8, s3;
	s5 =	sadd.s32 s24, s25  }
0xf: {  	s26 =	smul.u32 $0xFFFFFF78, s8;
	s4 =	smin.u32 s4, $0x1ACD0;
	s7 =	sadd.s32 $0x186A0, s5  }
0x10: {  	s19 =	sadd.s32 s2, s13;
	s14 =	sshll.u32 s4, $0x4;
	s15 =	sshll.u32 s7, $0x4  }
0x11: {  	s8 =	smul.u32 $0x62000, s8;
	s28 =	sadd.s32 s0, s14;
	s14 =	sand.u32 $0xFFFFF80, s15  }
0x12: {  	[dreg:$0x7] =	wrdreg s19;
	s10 =	sadd.s32 s0, s14  }
0x13: {  	s9 =	sadd.s32 s12, s9;
	[dreg:$0x4] =	wrdreg s10;
	s10 =	sshrl.u32 s8, $0x3  }
0x14: {  	[dreg:$0x3] =	wrdreg s28;
	s15 =	sadd.s32 s0, s13;
	s17 =	sadd.s32 $0x700, s10  }
0x15: {  	[dreg:$0x5] =	wrdreg s15;
	s20 =	sadd.s32 $0xE00, s10;
	s18 =	sadd.s32 s0, s17  }
0x16: {  	s16 =	smul.u32 $0x3E8, s25;
	s21 =	sadd.s32 s0, s20;
	[dreg:$0x6] =	wrdreg s18  }
0x17: {  	s22 =	sadd.s32 $0x1500, s10;
	s11 =	sadd.s32 s2, s17;
	[dreg:$0x8] =	wrdreg s21  }
0x18: {  	s8 =	sadd.s32 s16, s26;
	s23 =	sadd.s32 s0, s22;
	[dreg:$0x9] =	wrdreg s11  }
0x19: {  	s24 =	sadd.s32 $0x1C00, s10;
	s12 =	sadd.s32 s2, s20;
	[dreg:$0xa] =	wrdreg s23  }
0x1a: {  	s26 =	sadd.s32 $0x2300, s10;
	s25 =	sadd.s32 s0, s24;
	[dreg:$0xb] =	wrdreg s12  }
0x1b: {  	s14 =	sadd.s32 $0x2A00, s10;
	s28 =	sadd.s32 s0, s26;
	[dreg:$0xc] =	wrdreg s25  }
0x1c: {  	s16 =	sadd.s32 $0x3100, s10;
	s15 =	sadd.s32 s0, s14;
	[dreg:$0xe] =	wrdreg s28  }
0x1d: {  	s17 =	sadd.s32 s0, s16;
	[dreg:$0x11] =	wrdreg s15  }
0x1e: {  	s11 =	sadd.s32 s2, s22;
	[dreg:$0x13] =	wrdreg s17  }
0x1f: {  	s20 =	sadd.s32 $0x3F00, s10;
	s12 =	sadd.s32 s2, s24;
	[dreg:$0xd] =	wrdreg s11  }
0x20: {  	s21 =	sadd.s32 s0, s20;
	[dreg:$0xf] =	wrdreg s12  }
0x21: {  	s11 =	sadd.s32 s2, s26;
	[dreg:$0x17] =	wrdreg s21  }
0x22: {  	s18 =	sadd.s32 $0x3800, s10;
	s12 =	sadd.s32 s2, s14;
	[dreg:$0x10] =	wrdreg s11  }
0x23: {  	s22 =	sadd.s32 $0x4600, s10;
	s19 =	sadd.s32 s0, s18;
	[dreg:$0x12] =	wrdreg s12  }
0x24: {  	s24 =	sadd.s32 $0x4D00, s10;
	s23 =	sadd.s32 s0, s22;
	[dreg:$0x15] =	wrdreg s19  }
0x25: {  	s13 =	sadd.s32 $0x5B00, s10;
	s25 =	sadd.s32 s0, s24;
	[dreg:$0x19] =	wrdreg s23  }
0x26: {  	s14 =	sadd.s32 s0, s13;
	[dreg:$0x1b] =	wrdreg s25  }
0x27: {  	s6 =	smax.u32 s6, $0x1;
	s11 =	sadd.s32 s2, s16;
	[dreg:$0x1f] =	wrdreg s14  }
0x28: {  	s26 =	sadd.s32 $0x5400, s10;
	s12 =	sadd.s32 s2, s18;
	[dreg:$0x14] =	wrdreg s11  }
0x29: {  	s15 =	sadd.s32 $0x6200, s10;
	s28 =	sadd.s32 s0, s26;
	[dreg:$0x16] =	wrdreg s12  }
0x2a: {  	s17 =	sadd.s32 $0x6900, s10;
	s16 =	sadd.s32 s0, s15;
	[dreg:$0x1d] =	wrdreg s28  }
0x2b: {  	s31 =	ssub.s32 s3, s4;
	s18 =	sadd.s32 s0, s17;
	[smem:$0x7E4] =	sst s16  }
0x2c: {  	s5 =	sand.u32 $0x7, s5;
	s11 =	sadd.s32 s2, s20;
	[smem:$0x7E6] =	sst s18  }
0x2d: {  	s19 =	sadd.s32 $0x7000, s10;
	s12 =	sadd.s32 s2, s22;
	[dreg:$0x18] =	wrdreg s11  }
0x2e: {  	s21 =	sadd.s32 $0x7700, s10;
	s20 =	sadd.s32 s0, s19;
	[dreg:$0x1a] =	wrdreg s12  }
0x2f: {  	s3 =	sadd.s32 $0x3E8, s8;
	s22 =	sadd.s32 s0, s21;
	[smem:$0x7E8] =	sst s20  }
0x30: {  	s8 =	simm.s32 $0x11C00;
	s11 =	sadd.s32 s2, s24;
	[smem:$0x7EA] =	sst s22  }
0x31: {  	s23 =	sadd.s32 $0x7E00, s10;
	s12 =	sadd.s32 s2, s26;
	[dreg:$0x1c] =	wrdreg s11  }
0x32: {  	s25 =	sadd.s32 $0x8500, s10;
	s24 =	sadd.s32 s0, s23;
	[dreg:$0x1e] =	wrdreg s12  }
0x33: {  	s14 =	sadd.s32 $0x9300, s10;
	s26 =	sadd.s32 s0, s25;
	[smem:$0x7EC] =	sst s24  }
0x34: {  	s28 =	sadd.s32 $0x8C00, s10;
	s11 =	sadd.s32 s2, s13;
	[smem:$0x7EE] =	sst s26  }
0x35: {  	s16 =	sadd.s32 $0x9A00, s10;
	s12 =	sadd.s32 s2, s15;
	[smem:$0x7E3] =	sst s11  }
0x36: {  	s18 =	sadd.s32 $0xA100, s10;
	s13 =	sadd.s32 s0, s28;
	[smem:$0x7E5] =	sst s12  }
0x37: {  	s20 =	sadd.s32 $0xA800, s10;
	s15 =	sadd.s32 s0, s14;
	[smem:$0x7F0] =	sst s13  }
0x38: {  	s22 =	sadd.s32 $0xAF00, s10;
	s11 =	sadd.s32 s2, s17;
	[smem:$0x7F2] =	sst s15  }
0x39: {  	s24 =	sadd.s32 $0xB600, s10;
	s12 =	sadd.s32 s2, s19;
	[smem:$0x7E7] =	sst s11  }
0x3a: {  	s10 =	sadd.s32 $0xBD00, s10;
	s17 =	sadd.s32 s0, s16;
	[smem:$0x7E9] =	sst s12  }
0x3b: {  	s26 =	sand.u32 $0x187F8, s7;
	s19 =	sadd.s32 s0, s18;
	[smem:$0x7F4] =	sst s17  }
0x3c: {  	s7 =	simm.s32 $0x1;
	s11 =	sadd.s32 s2, s21;
	[smem:$0x7F6] =	sst s19  }
0x3d: {  	s29 =	sadd.s32 s2, s24;
	s12 =	sadd.s32 s2, s23;
	[smem:$0x7EB] =	sst s11  }
0x3e: {  	s30 =	sadd.s32 s2, s10;
	s21 =	sadd.s32 s0, s20;
	[smem:$0x7ED] =	sst s12  }
0x3f: {  	s13 =	simm.s32 $0x4;
	s23 =	sadd.s32 s0, s22;
	[smem:$0x7F8] =	sst s21  }
0x40: {  	s15 =	simm.s32 $0x5;
	s11 =	sadd.s32 s2, s25;
	[smem:$0x7FA] =	sst s23  }
0x41: {  	s17 =	simm.s32 $0x0;
	s12 =	sadd.s32 s2, s28;
	[smem:$0x7EF] =	sst s11  }
0x42: {  	s25 =	sadd.s32 s0, s24;
	s0 =	sadd.s32 s0, s10;
	[smem:$0x7F1] =	sst s12  }
0x43: {  	s28 =	ssub.s32 $0x1AE13, s4;
	s4 =	sadd.s32 $0xA, s9;
	[smem:$0x7FC] =	sst s25  }
0x44: {  	s9 =	simm.s32 $0x2;
	s11 =	sadd.s32 s2, s14;
	[smem:$0x7FD] =	sst s0  }
0x45: {  	s10 =	simm.s32 $0x15400;
	s12 =	sadd.s32 s2, s16;
	[smem:$0x7F3] =	sst s11  }
0x46: {  	s0 =	ssub.s32 $0x18703, s26;
	[smem:$0x7F5] =	sst s12;
	s11 =	sadd.s32 s2, s18  }
0x47: {  	s14 =	simm.s32 $0xE400;
	s12 =	sadd.s32 s2, s20;
	[smem:$0x7F7] =	sst s11  }
0x48: {  	s16 =	simm.s32 $0x6;
	[smem:$0x7F9] =	sst s12;
	s11 =	sadd.s32 s2, s22  }
0x49: {  	s22 =	smin.u32 s28, $0x147;
	s2 =	smin.u32 s0, $0xF;
	[smem:$0x7FB] =	sst s11  }
0x4a: {  	s12 =	simm.s32 $0xAC00;
	s11 =	simm.s32 $0x3;
	_ =	strace $0x80000047  }
.LBB2_1:
0x4b: {  	s0 =	rddreg [dreg:$0x3];
	s18 =	simm.s32 $0x800  }
0x4c: {  	[tilespmem:s18], [sflag:$0x1] =	stream.linear.gather [hbm4b:s0+s1], $0xA400, $0x38;
	[tilespmem:$0x18C00] =	vst v63  }
0x4d: {  	s23 =	rddreg [dreg:$0x4]  }
0x4e: {  	[tilespmem:s1], [sflag:$0x2] =	stream.linear.gather [hbm4b:s23+s1], $0x800, $0x38;
	[tilespmem:$0x18C00] =	vst v63  }
0x4f: {  	s24 =	rddreg [dreg:$0x5]  }
0x50: {  	[tilespmem:s8], [sflag:$0x3] =	stream.linear.gather [hbm4b:s24+s1], $0x3800, $0x38;
	[tilespmem:$0x18C00] =	vst v63  }
0x51: {  	_ =	swait.ge [sflag:s7], $0xA400  }
0x52: {  	[sflag:s7] =	ssyncset.done $0x0  }
0x53: {  	[sflag:s7] =	ssyncadd.s32 $0xFFFF5C00  }
0x54: {  	_ =	swait.ge [sflag:s9], $0x800  }
0x55: {  	[sflag:s9] =	ssyncset.done $0x0  }
0x56: {  	s25 =	rddreg [dreg:$0x6];
	[sflag:s9] =	ssyncadd.s32 $0xFFFFF800  }
0x57: {  	[tilespmem:s10], [sflag:$0x4] =	stream.linear.gather [hbm4b:s25+s1], $0x3800, $0x38;
	[tilespmem:$0x18C00] =	vst v63  }
0x58: {  	_ =	swait.ge [sflag:s11], $0x3800  }
0x59: {  	[sflag:s11] =	ssyncset.done $0x0  }
0x5a: {  	s21 =	simm.s32 $0x0;
	s26 =	sshll.u32 s31, $0x9;
	[sflag:s11] =	ssyncadd.s32 $0xFFFFC800  }
0x5b: {  	s0 =	sshra.s32 s26, $0x2;
	v0 =	vld [tilespmem:s21+$0x11C00]  }
0x5c: {  	s28 =	sshll.u32 s5, $0x9;
	v1 =	vld [tilespmem:s0+$0x800]  }
0x5d: {  	s18 =	sshra.s32 s28, $0x2  }
0x5e: {  	v2 =	vld [tilespmem:s18+$0x0];
	_ =	sdelay $0x2  }
0x5f: {  	v0 =	vadd.f32 v1, v0;
	_ =	sdelay $0x1  }
0x60: {  	v0 =	vadd.f32 v2, v0;
	_ =	sdelay $0x1  }
0x61: {  	v1 =	vld [tilespmem:s21+$0x11C10];
	[tilespmem:s21+$0xAC00] =	vst v0  }
0x62: {  	v0 =	vld [tilespmem:s0+$0x810]  }
0x63: {  	s19 =	sadd.s32 $0xFFFFFFFF, s4  }
0x64: {  	s20 =	sadd.s32 $0xFFFFFFFF, s3;
	p0 =	seq.s32 s19, $0x0;
	v2 =	vld [tilespmem:s18+$0x10];
	s0 =	simm.s32 $0x1  }
0x65: {  	p1 =	seq.s32 s20, $0x0;
	s19 =	simm.s32 @p0 $0xA;
	s0 =	simm.s32 @!p0 $0x0  }
0x66: {  	s20 =	simm.s32 @p1 $0x3E8;
	s25 =	simm.s32 $0x1;
	s23 =	sadd.s32 s0, s31  }
0x67: {  	s25 =	simm.s32 @!p1 $0x0;
	s0 =	smov.u32 s22;
	p0 =	slt.s32 s23, s22;
	v0 =	vadd.f32 v0, v1  }
0x68: {  	s24 =	simm.s32 $0x400;
	s0 =	smov.u32 @p0 s23;
	s23 =	sadd.s32 s25, s5  }
0x69: {  	s18 =	simm.s32 $0x80;
	s25 =	sshll.u32 s0, $0x9;
	p1 =	slt.s32 s23, s2;
	v0 =	vadd.f32 v2, v0  }
.LBB2_2:
0x6a: {  	s26 =	sshra.s32 s24, $0x2;
	s25 =	sshra.s32 s25, $0x2;
	s28 =	smov.u32 s24  }
0x6b: {  	v1 =	vld [tilespmem:s18+$0x11C00];
	p0 =	sne.s32 s24, $0xDE00;
	s28 =	sadd.s32 $0x200, s24;
	s24 =	smov.u32 s2  }
0x6c: {  	[tilespmem:s21+$0xAC10] =	vst v0;
	s24 =	smov.u32 @p1 s23;
	s21 =	smov.u32 s18  }
0x6d: {  	s18 =	smov.u32 s26;
	v0 =	vld [tilespmem:s25+$0x800];
	s23 =	sshll.u32 s24, $0x9  }
0x6e: {  	s23 =	sshra.s32 s23, $0x2  }
0x6f: {  	v2 =	vld [tilespmem:s23+$0x0];
	_ =	sdelay $0x2  }
0x70: {  	v0 =	vadd.f32 v0, v1;
	_ =	sdelay $0x1  }
0x71: {  	v0 =	vadd.f32 v2, v0  }
0x72: {  	v1 =	vld [tilespmem:s21+$0x11C10]  }
0x73: {  	[tilespmem:s21+$0xAC00] =	vst v0  }
0x74: {  	s19 =	sadd.s32 $0xFFFFFFFF, s19;
	v0 =	vld [tilespmem:s25+$0x810]  }
0x75: {  	s20 =	sadd.s32 $0xFFFFFFFF, s20;
	p1 =	seq.s32 s19, $0x0;
	v2 =	vld [tilespmem:s23+$0x10]  }
0x76: {  	s19 =	simm.s32 @p1 $0xA;
	s25 =	simm.s32 $0x1;
	s23 =	simm.s32 $0x1  }
.Ltmp0:
0x77: {  	s23 =	simm.s32 @!p1 $0x0;
	p1 =	seq.s32 s20, $0x0;
	(pc) =	sbr.rel @p0 .LBB2_2-.Ltmp0, $4  }
0x78: {  	s23 =	sadd.s32 s23, s0;
	s25 =	simm.s32 @!p1 $0x0  }
0x79: {  	s20 =	simm.s32 @p1 $0x3E8;
	s0 =	smov.u32 s22;
	p2 =	slt.s32 s23, s22;
	v0 =	vadd.f32 v0, v1  }
0x7a: {  	s0 =	smov.u32 @p2 s23;
	s23 =	sadd.s32 s25, s24  }
0x7b: {  	s24 =	smov.u32 s28;
	s25 =	sshll.u32 s0, $0x9;
	p1 =	slt.s32 s23, s2;
	v0 =	vadd.f32 v2, v0  }
0x7c: {  	s24 =	smov.u32 s2  }
0x7d: {  	v1 =	vld [tilespmem:s18+$0x11C00];
	s25 =	sshra.s32 s25, $0x2;
	[tilespmem:s21+$0xAC10] =	vst v0;
	s24 =	smov.u32 @p1 s23  }
0x7e: {  	v0 =	vld [tilespmem:s25+$0x800];
	s23 =	sshll.u32 s24, $0x9  }
0x7f: {  	s21 =	sshra.s32 s23, $0x2  }
0x80: {  	v2 =	vld [tilespmem:s21+$0x0];
	_ =	sdelay $0x2  }
0x81: {  	v0 =	vadd.f32 v0, v1;
	_ =	sdelay $0x1  }
0x82: {  	v0 =	vadd.f32 v2, v0;
	_ =	sdelay $0x1  }
0x83: {  	v1 =	vld [tilespmem:s18+$0x11C10];
	[tilespmem:s18+$0xAC00] =	vst v0  }
0x84: {  	v0 =	vld [tilespmem:s25+$0x810];
	_ =	sdelay $0x1  }
0x85: {  	v2 =	vld [tilespmem:s21+$0x10];
	_ =	sdelay $0x2  }
0x86: {  	s19 =	sadd.s32 $0xFFFFFFFF, s19;
	v0 =	vadd.f32 v0, v1  }
0x87: {  	p0 =	seq.s32 s19, $0x0;
	s21 =	simm.s32 $0x1  }
0x88: {  	s26 =	rddreg [dreg:$0x7];
	s21 =	simm.s32 @!p0 $0x0;
	v0 =	vadd.f32 v2, v0  }
0x89: {  	s28 =	rddreg [dreg:$0x8];
	s23 =	sadd.s32 $0xFFFFFFFF, s20;
	s0 =	sadd.s32 s21, s0  }
0x8a: {  	s25 =	smov.u32 s22;
	p2 =	slt.s32 s0, s22;
	[tilespmem:s18+$0xAC10] =	vst v0;
	s18 =	simm.s32 $0x0  }
0x8b: {  	[hbm4b:s26+s18] =	stream.linear.scatter [tilespmem:s12], [sflag:$0x5], $0x3800, $0x38;
	[tilespmem:$0x18C00] =	vst v63  }
0x8c: {  	s20 =	simm.s32 $0x1;
	p1 =	seq.s32 s23, $0x0;
	s25 =	smov.u32 @p2 s0  }
0x8d: {  	[tilespmem:s8], [sflag:$0x3] =	stream.linear.gather [hbm4b:s28+s18], $0x3800, $0x38;
	[tilespmem:$0x18C00] =	vst v63  }
0x8e: {  	s20 =	simm.s32 @!p1 $0x0;
	s0 =	sshll.u32 s25, $0x9;
	_ =	swait.ge [sflag:s13], $0x3800  }
0x8f: {  	s26 =	smov.u32 s2;
	s18 =	sadd.s32 s20, s24;
	[sflag:s13] =	ssyncset.done $0x0  }
0x90: {  	s20 =	simm.s32 $0x0;
	p2 =	slt.s32 s18, s2;
	[sflag:s13] =	ssyncadd.s32 $0xFFFFC800  }
0x91: {  	s0 =	sshra.s32 s0, $0x2;
	s26 =	smov.u32 @p2 s18;
	v0 =	vld [tilespmem:s20+$0x15400]  }
0x92: {  	s18 =	sshll.u32 s26, $0x9;
	v1 =	vld [tilespmem:s0+$0x800]  }
0x93: {  	s18 =	sshra.s32 s18, $0x2  }
0x94: {  	v2 =	vld [tilespmem:s18+$0x0];
	_ =	sdelay $0x2  }
0x95: {  	v0 =	vadd.f32 v1, v0;
	_ =	sdelay $0x1  }
0x96: {  	v0 =	vadd.f32 v2, v0;
	_ =	sdelay $0x1  }
0x97: {  	v1 =	vld [tilespmem:s20+$0x15410];
	[tilespmem:s20+$0xE400] =	vst v0  }
0x98: {  	s19 =	simm.s32 @p0 $0xA;
	v0 =	vld [tilespmem:s0+$0x810]  }
0x99: {  	s19 =	sadd.s32 $0xFFFFFFFF, s19;
	s23 =	simm.s32 @p1 $0x3E8  }
0x9a: {  	p0 =	seq.s32 s19, $0x0;
	s21 =	simm.s32 $0x80;
	v2 =	vld [tilespmem:s18+$0x10];
	s0 =	simm.s32 $0x1  }
0x9b: {  	s19 =	simm.s32 @p0 $0xA;
	s18 =	sadd.s32 $0xFFFFFFFF, s23;
	s0 =	simm.s32 @!p0 $0x0  }
0x9c: {  	p1 =	seq.s32 s18, $0x0;
	s23 =	sadd.s32 s0, s25;
	s25 =	simm.s32 $0x1  }
0x9d: {  	s0 =	smov.u32 s22;
	p0 =	slt.s32 s23, s22;
	s25 =	simm.s32 @!p1 $0x0;
	v0 =	vadd.f32 v0, v1  }
0x9e: {  	s24 =	simm.s32 $0x400;
	s0 =	smov.u32 @p0 s23;
	s23 =	sadd.s32 s25, s26  }
0x9f: {  	s18 =	simm.s32 @p1 $0x3E8;
	s25 =	sshll.u32 s0, $0x9;
	p1 =	slt.s32 s23, s2;
	v0 =	vadd.f32 v2, v0  }
.LBB2_4:
0xa0: {  	s26 =	sshra.s32 s24, $0x2;
	s25 =	sshra.s32 s25, $0x2;
	s28 =	smov.u32 s24  }
0xa1: {  	v1 =	vld [tilespmem:s21+$0x15400];
	p0 =	sne.s32 s24, $0xDE00;
	s28 =	sadd.s32 $0x200, s24;
	s24 =	smov.u32 s2  }
0xa2: {  	[tilespmem:s20+$0xE410] =	vst v0;
	s24 =	smov.u32 @p1 s23;
	s20 =	smov.u32 s21  }
0xa3: {  	s21 =	smov.u32 s26;
	v0 =	vld [tilespmem:s25+$0x800];
	s23 =	sshll.u32 s24, $0x9  }
0xa4: {  	s23 =	sshra.s32 s23, $0x2  }
0xa5: {  	v2 =	vld [tilespmem:s23+$0x0];
	_ =	sdelay $0x2  }
0xa6: {  	v0 =	vadd.f32 v0, v1;
	_ =	sdelay $0x1  }
0xa7: {  	v0 =	vadd.f32 v2, v0  }
0xa8: {  	v1 =	vld [tilespmem:s20+$0x15410]  }
0xa9: {  	[tilespmem:s20+$0xE400] =	vst v0  }
0xaa: {  	s19 =	sadd.s32 $0xFFFFFFFF, s19;
	v0 =	vld [tilespmem:s25+$0x810]  }
0xab: {  	s18 =	sadd.s32 $0xFFFFFFFF, s18;
	p1 =	seq.s32 s19, $0x0;
	v2 =	vld [tilespmem:s23+$0x10]  }
0xac: {  	s19 =	simm.s32 @p1 $0xA;
	s25 =	simm.s32 $0x1;
	s23 =	simm.s32 $0x1  }
.Ltmp1:
0xad: {  	s23 =	simm.s32 @!p1 $0x0;
	p1 =	seq.s32 s18, $0x0;
	(pc) =	sbr.rel @p0 .LBB2_4-.Ltmp1, $4  }
0xae: {  	s23 =	sadd.s32 s23, s0;
	s25 =	simm.s32 @!p1 $0x0  }
0xaf: {  	s18 =	simm.s32 @p1 $0x3E8;
	s0 =	smov.u32 s22;
	p2 =	slt.s32 s23, s22;
	v0 =	vadd.f32 v0, v1  }
0xb0: {  	s0 =	smov.u32 @p2 s23;
	s23 =	sadd.s32 s25, s24  }
0xb1: {  	s24 =	smov.u32 s28;
	s25 =	sshll.u32 s0, $0x9;
	p1 =	slt.s32 s23, s2;
	v0 =	vadd.f32 v2, v0  }
0xb2: {  	s24 =	smov.u32 s2  }
0xb3: {  	v1 =	vld [tilespmem:s21+$0x15400];
	s25 =	sshra.s32 s25, $0x2;
	[tilespmem:s20+$0xE410] =	vst v0;
	s24 =	smov.u32 @p1 s23  }
0xb4: {  	v0 =	vld [tilespmem:s25+$0x800];
	s23 =	sshll.u32 s24, $0x9  }
0xb5: {  	s20 =	sshra.s32 s23, $0x2  }
0xb6: {  	v2 =	vld [tilespmem:s20+$0x0];
	_ =	sdelay $0x2  }
0xb7: {  	v0 =	vadd.f32 v0, v1;
	_ =	sdelay $0x1  }
0xb8: {  	v0 =	vadd.f32 v2, v0;
	_ =	sdelay $0x1  }
0xb9: {  	v1 =	vld [tilespmem:s21+$0x15410];
	[tilespmem:s21+$0xE400] =	vst v0  }
0xba: {  	v0 =	vld [tilespmem:s25+$0x810];
	_ =	sdelay $0x1  }
0xbb: {  	v2 =	vld [tilespmem:s20+$0x10];
	_ =	sdelay $0x2  }
0xbc: {  	v0 =	vadd.f32 v0, v1;
	_ =	sdelay $0x1  }
0xbd: {  	v0 =	vadd.f32 v2, v0  }
0xbe: {  	s19 =	sadd.s32 $0xFFFFFFFF, s19;
	s26 =	rddreg [dreg:$0x9]  }
0xbf: {  	s28 =	rddreg [dreg:$0xa];
	s18 =	sadd.s32 $0xFFFFFFFF, s18;
	s25 =	simm.s32 $0x0;
	[tilespmem:s21+$0xE410] =	vst v0  }
0xc0: {  	[hbm4b:s26+s25] =	stream.linear.scatter [tilespmem:s14], [sflag:$0x6], $0x3800, $0x38;
	[tilespmem:$0x18C00] =	vst v63  }
0xc1: {  	p0 =	seq.s32 s19, $0x0;
	p1 =	seq.s32 s18, $0x0;
	s23 =	smov.u32 s22  }
0xc2: {  	[tilespmem:s10], [sflag:$0x4] =	stream.linear.gather [hbm4b:s28+s25], $0x3800, $0x38;
	[tilespmem:$0x18C00] =	vst v63  }
0xc3: {  	s20 =	simm.s32 $0x1;
	s21 =	simm.s32 $0x1;
	_ =	swait.ge [sflag:s11], $0x3800  }
0xc4: {  	s20 =	simm.s32 @!p1 $0x0;
	s21 =	simm.s32 @!p0 $0x0;
	[sflag:s11] =	ssyncset.done $0x0  }
0xc5: {  	s0 =	sadd.s32 s21, s0;
	s21 =	sadd.s32 s20, s24;
	[sflag:s11] =	ssyncadd.s32 $0xFFFFC800  }
0xc6: {  	s20 =	simm.s32 $0x0;
	p2 =	slt.s32 s0, s22;
	_ =	swait.ge [sflag:s15], $0x3800  }
0xc7: {  	s25 =	smov.u32 s2;
	s23 =	smov.u32 @p2 s0;
	[sflag:s15] =	ssyncset.done $0x0  }
0xc8: {  	p2 =	slt.s32 s21, s2;
	s0 =	sshll.u32 s23, $0x9;
	[sflag:s15] =	ssyncadd.s32 $0xFFFFC800  }
0xc9: {  	s25 =	smov.u32 @p2 s21;
	s0 =	sshra.s32 s0, $0x2;
	v0 =	vld [tilespmem:s20+$0x11C00]  }
0xca: {  	s21 =	sshll.u32 s25, $0x9;
	v1 =	vld [tilespmem:s0+$0x800]  }
0xcb: {  	s21 =	sshra.s32 s21, $0x2  }
0xcc: {  	v2 =	vld [tilespmem:s21+$0x0];
	_ =	sdelay $0x2  }
0xcd: {  	v0 =	vadd.f32 v1, v0;
	_ =	sdelay $0x1  }
0xce: {  	v0 =	vadd.f32 v2, v0;
	_ =	sdelay $0x1  }
0xcf: {  	v1 =	vld [tilespmem:s20+$0x11C10];
	[tilespmem:s20+$0xAC00] =	vst v0  }
0xd0: {  	s19 =	simm.s32 @p0 $0xA;
	s18 =	simm.s32 @p1 $0x3E8;
	v0 =	vld [tilespmem:s0+$0x810]  }
0xd1: {  	s19 =	sadd.s32 $0xFFFFFFFF, s19;
	s18 =	sadd.s32 $0xFFFFFFFF, s18  }
0xd2: {  	p1 =	seq.s32 s18, $0x0;
	p0 =	seq.s32 s19, $0x0;
	v2 =	vld [tilespmem:s21+$0x10];
	s0 =	simm.s32 $0x1  }
0xd3: {  	s18 =	simm.s32 @p1 $0x3E8;
	s0 =	simm.s32 @!p0 $0x0  }
0xd4: {  	s26 =	simm.s32 $0x1;
	s19 =	simm.s32 @p0 $0xA;
	s23 =	sadd.s32 s0, s23  }
0xd5: {  	s26 =	simm.s32 @!p1 $0x0;
	s0 =	smov.u32 s22;
	p0 =	slt.s32 s23, s22;
	v0 =	vadd.f32 v0, v1  }
0xd6: {  	s24 =	simm.s32 $0x400;
	s0 =	smov.u32 @p0 s23;
	s23 =	sadd.s32 s26, s25  }
0xd7: {  	s21 =	simm.s32 $0x80;
	s25 =	sshll.u32 s0, $0x9;
	p1 =	slt.s32 s23, s2;
	v0 =	vadd.f32 v2, v0  }
.LBB2_6:
0xd8: {  	s26 =	sshra.s32 s24, $0x2;
	s25 =	sshra.s32 s25, $0x2;
	s28 =	smov.u32 s24  }
0xd9: {  	v1 =	vld [tilespmem:s21+$0x11C00];
	p0 =	sne.s32 s24, $0xDE00;
	s28 =	sadd.s32 $0x200, s24;
	s24 =	smov.u32 s2  }
0xda: {  	[tilespmem:s20+$0xAC10] =	vst v0;
	s24 =	smov.u32 @p1 s23;
	s20 =	smov.u32 s21  }
0xdb: {  	s21 =	smov.u32 s26;
	v0 =	vld [tilespmem:s25+$0x800];
	s23 =	sshll.u32 s24, $0x9  }
0xdc: {  	s23 =	sshra.s32 s23, $0x2  }
0xdd: {  	v2 =	vld [tilespmem:s23+$0x0];
	_ =	sdelay $0x2  }
0xde: {  	v0 =	vadd.f32 v0, v1;
	_ =	sdelay $0x1  }
0xdf: {  	v0 =	vadd.f32 v2, v0  }
0xe0: {  	v1 =	vld [tilespmem:s20+$0x11C10]  }
0xe1: {  	[tilespmem:s20+$0xAC00] =	vst v0  }
0xe2: {  	s19 =	sadd.s32 $0xFFFFFFFF, s19;
	v0 =	vld [tilespmem:s25+$0x810]  }
0xe3: {  	s18 =	sadd.s32 $0xFFFFFFFF, s18;
	p1 =	seq.s32 s19, $0x0;
	v2 =	vld [tilespmem:s23+$0x10]  }
0xe4: {  	s19 =	simm.s32 @p1 $0xA;
	s25 =	simm.s32 $0x1;
	s23 =	simm.s32 $0x1  }
.Ltmp2:
0xe5: {  	s23 =	simm.s32 @!p1 $0x0;
	p1 =	seq.s32 s18, $0x0;
	(pc) =	sbr.rel @p0 .LBB2_6-.Ltmp2, $4  }
0xe6: {  	s23 =	sadd.s32 s23, s0;
	s25 =	simm.s32 @!p1 $0x0  }
0xe7: {  	s18 =	simm.s32 @p1 $0x3E8;
	s0 =	smov.u32 s22;
	p2 =	slt.s32 s23, s22;
	v0 =	vadd.f32 v0, v1  }
0xe8: {  	s0 =	smov.u32 @p2 s23;
	s23 =	sadd.s32 s25, s24  }
0xe9: {  	s24 =	smov.u32 s28;
	s25 =	sshll.u32 s0, $0x9;
	p1 =	slt.s32 s23, s2;
	v0 =	vadd.f32 v2, v0  }
0xea: {  	s24 =	smov.u32 s2  }
0xeb: {  	v1 =	vld [tilespmem:s21+$0x11C00];
	s25 =	sshra.s32 s25, $0x2;
	[tilespmem:s20+$0xAC10] =	vst v0;
	s24 =	smov.u32 @p1 s23  }
0xec: {  	v0 =	vld [tilespmem:s25+$0x800];
	s23 =	sshll.u32 s24, $0x9  }
0xed: {  	s20 =	sshra.s32 s23, $0x2  }
0xee: {  	v2 =	vld [tilespmem:s20+$0x0];
	_ =	sdelay $0x2  }
0xef: {  	v0 =	vadd.f32 v0, v1;
	_ =	sdelay $0x1  }
0xf0: {  	v0 =	vadd.f32 v2, v0;
	_ =	sdelay $0x1  }
0xf1: {  	v1 =	vld [tilespmem:s21+$0x11C10];
	[tilespmem:s21+$0xAC00] =	vst v0  }
0xf2: {  	v0 =	vld [tilespmem:s25+$0x810];
	_ =	sdelay $0x1  }
0xf3: {  	v2 =	vld [tilespmem:s20+$0x10];
	_ =	sdelay $0x2  }
0xf4: {  	v0 =	vadd.f32 v0, v1;
	_ =	sdelay $0x1  }
0xf5: {  	v0 =	vadd.f32 v2, v0  }
0xf6: {  	s19 =	sadd.s32 $0xFFFFFFFF, s19;
	s26 =	rddreg [dreg:$0xb]  }
0xf7: {  	s28 =	rddreg [dreg:$0xc];
	s18 =	sadd.s32 $0xFFFFFFFF, s18;
	s25 =	simm.s32 $0x0;
	[tilespmem:s21+$0xAC10] =	vst v0  }
0xf8: {  	[hbm4b:s26+s25] =	stream.linear.scatter [tilespmem:s12], [sflag:$0x5], $0x3800, $0x38;
	[tilespmem:$0x18C00] =	vst v63  }
0xf9: {  	p0 =	seq.s32 s19, $0x0;
	p1 =	seq.s32 s18, $0x0;
	s23 =	smov.u32 s22  }
0xfa: {  	[tilespmem:s8], [sflag:$0x3] =	stream.linear.gather [hbm4b:s28+s25], $0x3800, $0x38;
	[tilespmem:$0x18C00] =	vst v63  }
0xfb: {  	s20 =	simm.s32 $0x1;
	s21 =	simm.s32 $0x1;
	_ =	swait.ge [sflag:s13], $0x3800  }
0xfc: {  	s20 =	simm.s32 @!p1 $0x0;
	s21 =	simm.s32 @!p0 $0x0;
	[sflag:s13] =	ssyncset.done $0x0  }
0xfd: {  	s0 =	sadd.s32 s21, s0;
	s21 =	sadd.s32 s20, s24;
	[sflag:s13] =	ssyncadd.s32 $0xFFFFC800  }
0xfe: {  	s20 =	simm.s32 $0x0;
	p2 =	slt.s32 s0, s22;
	_ =	swait.ge [sflag:s16], $0x3800  }
0xff: {  	s25 =	smov.u32 s2;
	s23 =	smov.u32 @p2 s0;
	[sflag:s16] =	ssyncset.done $0x0  }
0x100: {  	p2 =	slt.s32 s21, s2;
	s0 =	sshll.u32 s23, $0x9;
	[sflag:s16] =	ssyncadd.s32 $0xFFFFC800  }
0x101: {  	s25 =	smov.u32 @p2 s21;
	s0 =	sshra.s32 s0, $0x2;
	v0 =	vld [tilespmem:s20+$0x15400]  }
0x102: {  	s21 =	sshll.u32 s25, $0x9;
	v1 =	vld [tilespmem:s0+$0x800]  }
0x103: {  	s21 =	sshra.s32 s21, $0x2  }
0x104: {  	v2 =	vld [tilespmem:s21+$0x0];
	_ =	sdelay $0x2  }
0x105: {  	v0 =	vadd.f32 v1, v0;
	_ =	sdelay $0x1  }
0x106: {  	v0 =	vadd.f32 v2, v0;
	_ =	sdelay $0x1  }
0x107: {  	v1 =	vld [tilespmem:s20+$0x15410];
	[tilespmem:s20+$0xE400] =	vst v0  }
0x108: {  	s19 =	simm.s32 @p0 $0xA;
	s18 =	simm.s32 @p1 $0x3E8;
	v0 =	vld [tilespmem:s0+$0x810]  }
0x109: {  	s19 =	sadd.s32 $0xFFFFFFFF, s19;
	s18 =	sadd.s32 $0xFFFFFFFF, s18  }
0x10a: {  	p1 =	seq.s32 s18, $0x0;
	p0 =	seq.s32 s19, $0x0;
	v2 =	vld [tilespmem:s21+$0x10];
	s0 =	simm.s32 $0x1  }
0x10b: {  	s18 =	simm.s32 @p1 $0x3E8;
	s0 =	simm.s32 @!p0 $0x0  }
0x10c: {  	s26 =	simm.s32 $0x1;
	s19 =	simm.s32 @p0 $0xA;
	s23 =	sadd.s32 s0, s23  }
0x10d: {  	s26 =	simm.s32 @!p1 $0x0;
	s0 =	smov.u32 s22;
	p0 =	slt.s32 s23, s22;
	v0 =	vadd.f32 v0, v1  }
0x10e: {  	s24 =	simm.s32 $0x400;
	s0 =	smov.u32 @p0 s23;
	s23 =	sadd.s32 s26, s25  }
0x10f: {  	s21 =	simm.s32 $0x80;
	s25 =	sshll.u32 s0, $0x9;
	p1 =	slt.s32 s23, s2;
	v0 =	vadd.f32 v2, v0  }
.LBB2_8:
0x110: {  	s26 =	sshra.s32 s24, $0x2;
	s25 =	sshra.s32 s25, $0x2;
	s28 =	smov.u32 s24  }
0x111: {  	v1 =	vld [tilespmem:s21+$0x15400];
	p0 =	sne.s32 s24, $0xDE00;
	s28 =	sadd.s32 $0x200, s24;
	s24 =	smov.u32 s2  }
0x112: {  	[tilespmem:s20+$0xE410] =	vst v0;
	s24 =	smov.u32 @p1 s23;
	s20 =	smov.u32 s21  }
0x113: {  	s21 =	smov.u32 s26;
	v0 =	vld [tilespmem:s25+$0x800];
	s23 =	sshll.u32 s24, $0x9  }
0x114: {  	s23 =	sshra.s32 s23, $0x2  }
0x115: {  	v2 =	vld [tilespmem:s23+$0x0];
	_ =	sdelay $0x2  }
0x116: {  	v0 =	vadd.f32 v0, v1;
	_ =	sdelay $0x1  }
0x117: {  	v0 =	vadd.f32 v2, v0  }
0x118: {  	v1 =	vld [tilespmem:s20+$0x15410]  }
0x119: {  	[tilespmem:s20+$0xE400] =	vst v0  }
0x11a: {  	s19 =	sadd.s32 $0xFFFFFFFF, s19;
	v0 =	vld [tilespmem:s25+$0x810]  }
0x11b: {  	s18 =	sadd.s32 $0xFFFFFFFF, s18;
	p1 =	seq.s32 s19, $0x0;
	v2 =	vld [tilespmem:s23+$0x10]  }
0x11c: {  	s19 =	simm.s32 @p1 $0xA;
	s25 =	simm.s32 $0x1;
	s23 =	simm.s32 $0x1  }
.Ltmp3:
0x11d: {  	s23 =	simm.s32 @!p1 $0x0;
	p1 =	seq.s32 s18, $0x0;
	(pc) =	sbr.rel @p0 .LBB2_8-.Ltmp3, $4  }
0x11e: {  	s23 =	sadd.s32 s23, s0;
	s25 =	simm.s32 @!p1 $0x0  }
0x11f: {  	s18 =	simm.s32 @p1 $0x3E8;
	s0 =	smov.u32 s22;
	p2 =	slt.s32 s23, s22;
	v0 =	vadd.f32 v0, v1  }
0x120: {  	s0 =	smov.u32 @p2 s23;
	s23 =	sadd.s32 s25, s24  }
0x121: {  	s24 =	smov.u32 s28;
	s25 =	sshll.u32 s0, $0x9;
	p1 =	slt.s32 s23, s2;
	v0 =	vadd.f32 v2, v0  }
0x122: {  	s24 =	smov.u32 s2  }
0x123: {  	v1 =	vld [tilespmem:s21+$0x15400];
	s25 =	sshra.s32 s25, $0x2;
	[tilespmem:s20+$0xE410] =	vst v0;
	s24 =	smov.u32 @p1 s23  }
0x124: {  	v0 =	vld [tilespmem:s25+$0x800];
	s23 =	sshll.u32 s24, $0x9  }
0x125: {  	s20 =	sshra.s32 s23, $0x2  }
0x126: {  	v2 =	vld [tilespmem:s20+$0x0];
	_ =	sdelay $0x2  }
0x127: {  	v0 =	vadd.f32 v0, v1;
	_ =	sdelay $0x1  }
0x128: {  	v0 =	vadd.f32 v2, v0;
	_ =	sdelay $0x1  }
0x129: {  	v1 =	vld [tilespmem:s21+$0x15410];
	[tilespmem:s21+$0xE400] =	vst v0  }
0x12a: {  	v0 =	vld [tilespmem:s25+$0x810];
	_ =	sdelay $0x1  }
0x12b: {  	v2 =	vld [tilespmem:s20+$0x10];
	_ =	sdelay $0x2  }
0x12c: {  	v0 =	vadd.f32 v0, v1;
	_ =	sdelay $0x1  }
0x12d: {  	v0 =	vadd.f32 v2, v0  }
0x12e: {  	s19 =	sadd.s32 $0xFFFFFFFF, s19;
	s26 =	rddreg [dreg:$0xd]  }
0x12f: {  	s28 =	rddreg [dreg:$0xe];
	s18 =	sadd.s32 $0xFFFFFFFF, s18;
	s25 =	simm.s32 $0x0;
	[tilespmem:s21+$0xE410] =	vst v0  }
0x130: {  	[hbm4b:s26+s25] =	stream.linear.scatter [tilespmem:s14], [sflag:$0x6], $0x3800, $0x38;
	[tilespmem:$0x18C00] =	vst v63  }
0x131: {  	p0 =	seq.s32 s19, $0x0;
	p1 =	seq.s32 s18, $0x0;
	s23 =	smov.u32 s22  }
0x132: {  	[tilespmem:s10], [sflag:$0x4] =	stream.linear.gather [hbm4b:s28+s25], $0x3800, $0x38;
	[tilespmem:$0x18C00] =	vst v63  }
0x133: {  	s20 =	simm.s32 $0x1;
	s21 =	simm.s32 $0x1;
	_ =	swait.ge [sflag:s11], $0x3800  }
0x134: {  	s20 =	simm.s32 @!p1 $0x0;
	s21 =	simm.s32 @!p0 $0x0;
	[sflag:s11] =	ssyncset.done $0x0  }
0x135: {  	s0 =	sadd.s32 s21, s0;
	s21 =	sadd.s32 s20, s24;
	[sflag:s11] =	ssyncadd.s32 $0xFFFFC800  }
0x136: {  	s20 =	simm.s32 $0x0;
	p2 =	slt.s32 s0, s22;
	_ =	swait.ge [sflag:s15], $0x3800  }
0x137: {  	s25 =	smov.u32 s2;
	s23 =	smov.u32 @p2 s0;
	[sflag:s15] =	ssyncset.done $0x0  }
0x138: {  	p2 =	slt.s32 s21, s2;
	s0 =	sshll.u32 s23, $0x9;
	[sflag:s15] =	ssyncadd.s32 $0xFFFFC800  }
0x139: {  	s25 =	smov.u32 @p2 s21;
	s0 =	sshra.s32 s0, $0x2;
	v0 =	vld [tilespmem:s20+$0x11C00]  }
0x13a: {  	s21 =	sshll.u32 s25, $0x9;
	v1 =	vld [tilespmem:s0+$0x800]  }
0x13b: {  	s21 =	sshra.s32 s21, $0x2  }
0x13c: {  	v2 =	vld [tilespmem:s21+$0x0];
	_ =	sdelay $0x2  }
0x13d: {  	v0 =	vadd.f32 v1, v0;
	_ =	sdelay $0x1  }
0x13e: {  	v0 =	vadd.f32 v2, v0;
	_ =	sdelay $0x1  }
0x13f: {  	v1 =	vld [tilespmem:s20+$0x11C10];
	[tilespmem:s20+$0xAC00] =	vst v0  }
0x140: {  	s19 =	simm.s32 @p0 $0xA;
	s18 =	simm.s32 @p1 $0x3E8;
	v0 =	vld [tilespmem:s0+$0x810]  }
0x141: {  	s19 =	sadd.s32 $0xFFFFFFFF, s19;
	s18 =	sadd.s32 $0xFFFFFFFF, s18  }
0x142: {  	p1 =	seq.s32 s18, $0x0;
	p0 =	seq.s32 s19, $0x0;
	v2 =	vld [tilespmem:s21+$0x10];
	s0 =	simm.s32 $0x1  }
0x143: {  	s18 =	simm.s32 @p1 $0x3E8;
	s0 =	simm.s32 @!p0 $0x0  }
0x144: {  	s26 =	simm.s32 $0x1;
	s19 =	simm.s32 @p0 $0xA;
	s23 =	sadd.s32 s0, s23  }
0x145: {  	s26 =	simm.s32 @!p1 $0x0;
	s0 =	smov.u32 s22;
	p0 =	slt.s32 s23, s22;
	v0 =	vadd.f32 v0, v1  }
0x146: {  	s24 =	simm.s32 $0x400;
	s0 =	smov.u32 @p0 s23;
	s23 =	sadd.s32 s26, s25  }
0x147: {  	s21 =	simm.s32 $0x80;
	s25 =	sshll.u32 s0, $0x9;
	p1 =	slt.s32 s23, s2;
	v0 =	vadd.f32 v2, v0  }
.LBB2_10:
0x148: {  	s26 =	sshra.s32 s24, $0x2;
	s25 =	sshra.s32 s25, $0x2;
	s28 =	smov.u32 s24  }
0x149: {  	v1 =	vld [tilespmem:s21+$0x11C00];
	p0 =	sne.s32 s24, $0xDE00;
	s28 =	sadd.s32 $0x200, s24;
	s24 =	smov.u32 s2  }
0x14a: {  	[tilespmem:s20+$0xAC10] =	vst v0;
	s24 =	smov.u32 @p1 s23;
	s20 =	smov.u32 s21  }
0x14b: {  	s21 =	smov.u32 s26;
	v0 =	vld [tilespmem:s25+$0x800];
	s23 =	sshll.u32 s24, $0x9  }
0x14c: {  	s23 =	sshra.s32 s23, $0x2  }
0x14d: {  	v2 =	vld [tilespmem:s23+$0x0];
	_ =	sdelay $0x2  }
0x14e: {  	v0 =	vadd.f32 v0, v1;
	_ =	sdelay $0x1  }
0x14f: {  	v0 =	vadd.f32 v2, v0  }
0x150: {  	v1 =	vld [tilespmem:s20+$0x11C10]  }
0x151: {  	[tilespmem:s20+$0xAC00] =	vst v0  }
0x152: {  	s19 =	sadd.s32 $0xFFFFFFFF, s19;
	v0 =	vld [tilespmem:s25+$0x810]  }
0x153: {  	s18 =	sadd.s32 $0xFFFFFFFF, s18;
	p1 =	seq.s32 s19, $0x0;
	v2 =	vld [tilespmem:s23+$0x10]  }
0x154: {  	s19 =	simm.s32 @p1 $0xA;
	s25 =	simm.s32 $0x1;
	s23 =	simm.s32 $0x1  }
.Ltmp4:
0x155: {  	s23 =	simm.s32 @!p1 $0x0;
	p1 =	seq.s32 s18, $0x0;
	(pc) =	sbr.rel @p0 .LBB2_10-.Ltmp4, $4  }
0x156: {  	s23 =	sadd.s32 s23, s0;
	s25 =	simm.s32 @!p1 $0x0  }
0x157: {  	s18 =	simm.s32 @p1 $0x3E8;
	s0 =	smov.u32 s22;
	p2 =	slt.s32 s23, s22;
	v0 =	vadd.f32 v0, v1  }
0x158: {  	s0 =	smov.u32 @p2 s23;
	s23 =	sadd.s32 s25, s24  }
0x159: {  	s24 =	smov.u32 s28;
	s25 =	sshll.u32 s0, $0x9;
	p1 =	slt.s32 s23, s2;
	v0 =	vadd.f32 v2, v0  }
0x15a: {  	s24 =	smov.u32 s2  }
0x15b: {  	v1 =	vld [tilespmem:s21+$0x11C00];
	s25 =	sshra.s32 s25, $0x2;
	[tilespmem:s20+$0xAC10] =	vst v0;
	s24 =	smov.u32 @p1 s23  }
0x15c: {  	v0 =	vld [tilespmem:s25+$0x800];
	s23 =	sshll.u32 s24, $0x9  }
0x15d: {  	s20 =	sshra.s32 s23, $0x2  }
0x15e: {  	v2 =	vld [tilespmem:s20+$0x0];
	_ =	sdelay $0x2  }
0x15f: {  	v0 =	vadd.f32 v0, v1;
	_ =	sdelay $0x1  }
0x160: {  	v0 =	vadd.f32 v2, v0;
	_ =	sdelay $0x1  }
0x161: {  	v1 =	vld [tilespmem:s21+$0x11C10];
	[tilespmem:s21+$0xAC00] =	vst v0  }
0x162: {  	v0 =	vld [tilespmem:s25+$0x810];
	_ =	sdelay $0x1  }
0x163: {  	v2 =	vld [tilespmem:s20+$0x10];
	_ =	sdelay $0x2  }
0x164: {  	v0 =	vadd.f32 v0, v1;
	_ =	sdelay $0x1  }
0x165: {  	v0 =	vadd.f32 v2, v0  }
0x166: {  	s19 =	sadd.s32 $0xFFFFFFFF, s19;
	s26 =	rddreg [dreg:$0xf]  }
0x167: {  	s28 =	rddreg [dreg:$0x11];
	s18 =	sadd.s32 $0xFFFFFFFF, s18;
	s25 =	simm.s32 $0x0;
	[tilespmem:s21+$0xAC10] =	vst v0  }
0x168: {  	[hbm4b:s26+s25] =	stream.linear.scatter [tilespmem:s12], [sflag:$0x5], $0x3800, $0x38;
	[tilespmem:$0x18C00] =	vst v63  }
0x169: {  	p0 =	seq.s32 s19, $0x0;
	p1 =	seq.s32 s18, $0x0;
	s23 =	smov.u32 s22  }
0x16a: {  	[tilespmem:s8], [sflag:$0x3] =	stream.linear.gather [hbm4b:s28+s25], $0x3800, $0x38;
	[tilespmem:$0x18C00] =	vst v63  }
0x16b: {  	s20 =	simm.s32 $0x1;
	s21 =	simm.s32 $0x1;
	_ =	swait.ge [sflag:s13], $0x3800  }
0x16c: {  	s20 =	simm.s32 @!p1 $0x0;
	s21 =	simm.s32 @!p0 $0x0;
	[sflag:s13] =	ssyncset.done $0x0  }
0x16d: {  	s0 =	sadd.s32 s21, s0;
	s21 =	sadd.s32 s20, s24;
	[sflag:s13] =	ssyncadd.s32 $0xFFFFC800  }
0x16e: {  	s20 =	simm.s32 $0x0;
	p2 =	slt.s32 s0, s22;
	_ =	swait.ge [sflag:s16], $0x3800  }
0x16f: {  	s25 =	smov.u32 s2;
	s23 =	smov.u32 @p2 s0;
	[sflag:s16] =	ssyncset.done $0x0  }
0x170: {  	p2 =	slt.s32 s21, s2;
	s0 =	sshll.u32 s23, $0x9;
	[sflag:s16] =	ssyncadd.s32 $0xFFFFC800  }
0x171: {  	s25 =	smov.u32 @p2 s21;
	s0 =	sshra.s32 s0, $0x2;
	v0 =	vld [tilespmem:s20+$0x15400]  }
0x172: {  	s21 =	sshll.u32 s25, $0x9;
	v1 =	vld [tilespmem:s0+$0x800]  }
0x173: {  	s21 =	sshra.s32 s21, $0x2  }
0x174: {  	v2 =	vld [tilespmem:s21+$0x0];
	_ =	sdelay $0x2  }
0x175: {  	v0 =	vadd.f32 v1, v0;
	_ =	sdelay $0x1  }
0x176: {  	v0 =	vadd.f32 v2, v0;
	_ =	sdelay $0x1  }
0x177: {  	v1 =	vld [tilespmem:s20+$0x15410];
	[tilespmem:s20+$0xE400] =	vst v0  }
0x178: {  	s19 =	simm.s32 @p0 $0xA;
	s18 =	simm.s32 @p1 $0x3E8;
	v0 =	vld [tilespmem:s0+$0x810]  }
0x179: {  	s19 =	sadd.s32 $0xFFFFFFFF, s19;
	s18 =	sadd.s32 $0xFFFFFFFF, s18  }
0x17a: {  	p1 =	seq.s32 s18, $0x0;
	p0 =	seq.s32 s19, $0x0;
	v2 =	vld [tilespmem:s21+$0x10];
	s0 =	simm.s32 $0x1  }
0x17b: {  	s18 =	simm.s32 @p1 $0x3E8;
	s0 =	simm.s32 @!p0 $0x0  }
0x17c: {  	s26 =	simm.s32 $0x1;
	s19 =	simm.s32 @p0 $0xA;
	s23 =	sadd.s32 s0, s23  }
0x17d: {  	s26 =	simm.s32 @!p1 $0x0;
	s0 =	smov.u32 s22;
	p0 =	slt.s32 s23, s22;
	v0 =	vadd.f32 v0, v1  }
0x17e: {  	s24 =	simm.s32 $0x400;
	s0 =	smov.u32 @p0 s23;
	s23 =	sadd.s32 s26, s25  }
0x17f: {  	s21 =	simm.s32 $0x80;
	s25 =	sshll.u32 s0, $0x9;
	p1 =	slt.s32 s23, s2;
	v0 =	vadd.f32 v2, v0  }
.LBB2_12:
0x180: {  	s26 =	sshra.s32 s24, $0x2;
	s25 =	sshra.s32 s25, $0x2;
	s28 =	smov.u32 s24  }
0x181: {  	v1 =	vld [tilespmem:s21+$0x15400];
	p0 =	sne.s32 s24, $0xDE00;
	s28 =	sadd.s32 $0x200, s24;
	s24 =	smov.u32 s2  }
0x182: {  	[tilespmem:s20+$0xE410] =	vst v0;
	s24 =	smov.u32 @p1 s23;
	s20 =	smov.u32 s21  }
0x183: {  	s21 =	smov.u32 s26;
	v0 =	vld [tilespmem:s25+$0x800];
	s23 =	sshll.u32 s24, $0x9  }
0x184: {  	s23 =	sshra.s32 s23, $0x2  }
0x185: {  	v2 =	vld [tilespmem:s23+$0x0];
	_ =	sdelay $0x2  }
0x186: {  	v0 =	vadd.f32 v0, v1;
	_ =	sdelay $0x1  }
0x187: {  	v0 =	vadd.f32 v2, v0  }
0x188: {  	v1 =	vld [tilespmem:s20+$0x15410]  }
0x189: {  	[tilespmem:s20+$0xE400] =	vst v0  }
0x18a: {  	s19 =	sadd.s32 $0xFFFFFFFF, s19;
	v0 =	vld [tilespmem:s25+$0x810]  }
0x18b: {  	s18 =	sadd.s32 $0xFFFFFFFF, s18;
	p1 =	seq.s32 s19, $0x0;
	v2 =	vld [tilespmem:s23+$0x10]  }
0x18c: {  	s19 =	simm.s32 @p1 $0xA;
	s25 =	simm.s32 $0x1;
	s23 =	simm.s32 $0x1  }
.Ltmp5:
0x18d: {  	s23 =	simm.s32 @!p1 $0x0;
	p1 =	seq.s32 s18, $0x0;
	(pc) =	sbr.rel @p0 .LBB2_12-.Ltmp5, $4  }
0x18e: {  	s23 =	sadd.s32 s23, s0;
	s25 =	simm.s32 @!p1 $0x0  }
0x18f: {  	s18 =	simm.s32 @p1 $0x3E8;
	s0 =	smov.u32 s22;
	p2 =	slt.s32 s23, s22;
	v0 =	vadd.f32 v0, v1  }
0x190: {  	s0 =	smov.u32 @p2 s23;
	s23 =	sadd.s32 s25, s24  }
0x191: {  	s24 =	smov.u32 s28;
	s25 =	sshll.u32 s0, $0x9;
	p1 =	slt.s32 s23, s2;
	v0 =	vadd.f32 v2, v0  }
0x192: {  	s24 =	smov.u32 s2  }
0x193: {  	v1 =	vld [tilespmem:s21+$0x15400];
	s25 =	sshra.s32 s25, $0x2;
	[tilespmem:s20+$0xE410] =	vst v0;
	s24 =	smov.u32 @p1 s23  }
0x194: {  	v0 =	vld [tilespmem:s25+$0x800];
	s23 =	sshll.u32 s24, $0x9  }
0x195: {  	s20 =	sshra.s32 s23, $0x2  }
0x196: {  	v2 =	vld [tilespmem:s20+$0x0];
	_ =	sdelay $0x2  }
0x197: {  	v0 =	vadd.f32 v0, v1;
	_ =	sdelay $0x1  }
0x198: {  	v0 =	vadd.f32 v2, v0;
	_ =	sdelay $0x1  }
0x199: {  	v1 =	vld [tilespmem:s21+$0x15410];
	[tilespmem:s21+$0xE400] =	vst v0  }
0x19a: {  	v0 =	vld [tilespmem:s25+$0x810];
	_ =	sdelay $0x1  }
0x19b: {  	v2 =	vld [tilespmem:s20+$0x10];
	_ =	sdelay $0x2  }
0x19c: {  	v0 =	vadd.f32 v0, v1;
	_ =	sdelay $0x1  }
0x19d: {  	v0 =	vadd.f32 v2, v0  }
0x19e: {  	s19 =	sadd.s32 $0xFFFFFFFF, s19;
	s26 =	rddreg [dreg:$0x10]  }
0x19f: {  	s28 =	rddreg [dreg:$0x13];
	s18 =	sadd.s32 $0xFFFFFFFF, s18;
	s25 =	simm.s32 $0x0;
	[tilespmem:s21+$0xE410] =	vst v0  }
0x1a0: {  	[hbm4b:s26+s25] =	stream.linear.scatter [tilespmem:s14], [sflag:$0x6], $0x3800, $0x38;
	[tilespmem:$0x18C00] =	vst v63  }
0x1a1: {  	p0 =	seq.s32 s19, $0x0;
	p1 =	seq.s32 s18, $0x0;
	s23 =	smov.u32 s22  }
0x1a2: {  	[tilespmem:s10], [sflag:$0x4] =	stream.linear.gather [hbm4b:s28+s25], $0x3800, $0x38;
	[tilespmem:$0x18C00] =	vst v63  }
0x1a3: {  	s20 =	simm.s32 $0x1;
	s21 =	simm.s32 $0x1;
	_ =	swait.ge [sflag:s11], $0x3800  }
0x1a4: {  	s20 =	simm.s32 @!p1 $0x0;
	s21 =	simm.s32 @!p0 $0x0;
	[sflag:s11] =	ssyncset.done $0x0  }
0x1a5: {  	s0 =	sadd.s32 s21, s0;
	s21 =	sadd.s32 s20, s24;
	[sflag:s11] =	ssyncadd.s32 $0xFFFFC800  }
0x1a6: {  	s20 =	simm.s32 $0x0;
	p2 =	slt.s32 s0, s22;
	_ =	swait.ge [sflag:s15], $0x3800  }
0x1a7: {  	s25 =	smov.u32 s2;
	s23 =	smov.u32 @p2 s0;
	[sflag:s15] =	ssyncset.done $0x0  }
0x1a8: {  	p2 =	slt.s32 s21, s2;
	s0 =	sshll.u32 s23, $0x9;
	[sflag:s15] =	ssyncadd.s32 $0xFFFFC800  }
0x1a9: {  	s25 =	smov.u32 @p2 s21;
	s0 =	sshra.s32 s0, $0x2;
	v0 =	vld [tilespmem:s20+$0x11C00]  }
0x1aa: {  	s21 =	sshll.u32 s25, $0x9;
	v1 =	vld [tilespmem:s0+$0x800]  }
0x1ab: {  	s21 =	sshra.s32 s21, $0x2  }
0x1ac: {  	v2 =	vld [tilespmem:s21+$0x0];
	_ =	sdelay $0x2  }
0x1ad: {  	v0 =	vadd.f32 v1, v0;
	_ =	sdelay $0x1  }
0x1ae: {  	v0 =	vadd.f32 v2, v0;
	_ =	sdelay $0x1  }
0x1af: {  	v1 =	vld [tilespmem:s20+$0x11C10];
	[tilespmem:s20+$0xAC00] =	vst v0  }
0x1b0: {  	s19 =	simm.s32 @p0 $0xA;
	s18 =	simm.s32 @p1 $0x3E8;
	v0 =	vld [tilespmem:s0+$0x810]  }
0x1b1: {  	s19 =	sadd.s32 $0xFFFFFFFF, s19;
	s18 =	sadd.s32 $0xFFFFFFFF, s18  }
0x1b2: {  	p1 =	seq.s32 s18, $0x0;
	p0 =	seq.s32 s19, $0x0;
	v2 =	vld [tilespmem:s21+$0x10];
	s0 =	simm.s32 $0x1  }
0x1b3: {  	s18 =	simm.s32 @p1 $0x3E8;
	s0 =	simm.s32 @!p0 $0x0  }
0x1b4: {  	s26 =	simm.s32 $0x1;
	s19 =	simm.s32 @p0 $0xA;
	s23 =	sadd.s32 s0, s23  }
0x1b5: {  	s26 =	simm.s32 @!p1 $0x0;
	s0 =	smov.u32 s22;
	p0 =	slt.s32 s23, s22;
	v0 =	vadd.f32 v0, v1  }
0x1b6: {  	s24 =	simm.s32 $0x400;
	s0 =	smov.u32 @p0 s23;
	s23 =	sadd.s32 s26, s25  }
0x1b7: {  	s21 =	simm.s32 $0x80;
	s25 =	sshll.u32 s0, $0x9;
	p1 =	slt.s32 s23, s2;
	v0 =	vadd.f32 v2, v0  }
.LBB2_14:
0x1b8: {  	s26 =	sshra.s32 s24, $0x2;
	s25 =	sshra.s32 s25, $0x2;
	s28 =	smov.u32 s24  }
0x1b9: {  	v1 =	vld [tilespmem:s21+$0x11C00];
	p0 =	sne.s32 s24, $0xDE00;
	s28 =	sadd.s32 $0x200, s24;
	s24 =	smov.u32 s2  }
0x1ba: {  	[tilespmem:s20+$0xAC10] =	vst v0;
	s24 =	smov.u32 @p1 s23;
	s20 =	smov.u32 s21  }
0x1bb: {  	s21 =	smov.u32 s26;
	v0 =	vld [tilespmem:s25+$0x800];
	s23 =	sshll.u32 s24, $0x9  }
0x1bc: {  	s23 =	sshra.s32 s23, $0x2  }
0x1bd: {  	v2 =	vld [tilespmem:s23+$0x0];
	_ =	sdelay $0x2  }
0x1be: {  	v0 =	vadd.f32 v0, v1;
	_ =	sdelay $0x1  }
0x1bf: {  	v0 =	vadd.f32 v2, v0  }
0x1c0: {  	v1 =	vld [tilespmem:s20+$0x11C10]  }
0x1c1: {  	[tilespmem:s20+$0xAC00] =	vst v0  }
0x1c2: {  	s19 =	sadd.s32 $0xFFFFFFFF, s19;
	v0 =	vld [tilespmem:s25+$0x810]  }
0x1c3: {  	s18 =	sadd.s32 $0xFFFFFFFF, s18;
	p1 =	seq.s32 s19, $0x0;
	v2 =	vld [tilespmem:s23+$0x10]  }
0x1c4: {  	s19 =	simm.s32 @p1 $0xA;
	s25 =	simm.s32 $0x1;
	s23 =	simm.s32 $0x1  }
.Ltmp6:
0x1c5: {  	s23 =	simm.s32 @!p1 $0x0;
	p1 =	seq.s32 s18, $0x0;
	(pc) =	sbr.rel @p0 .LBB2_14-.Ltmp6, $4  }
0x1c6: {  	s23 =	sadd.s32 s23, s0;
	s25 =	simm.s32 @!p1 $0x0  }
0x1c7: {  	s18 =	simm.s32 @p1 $0x3E8;
	s0 =	smov.u32 s22;
	p2 =	slt.s32 s23, s22;
	v0 =	vadd.f32 v0, v1  }
0x1c8: {  	s0 =	smov.u32 @p2 s23;
	s23 =	sadd.s32 s25, s24  }
0x1c9: {  	s24 =	smov.u32 s28;
	s25 =	sshll.u32 s0, $0x9;
	p1 =	slt.s32 s23, s2;
	v0 =	vadd.f32 v2, v0  }
0x1ca: {  	s24 =	smov.u32 s2  }
0x1cb: {  	v1 =	vld [tilespmem:s21+$0x11C00];
	s25 =	sshra.s32 s25, $0x2;
	[tilespmem:s20+$0xAC10] =	vst v0;
	s24 =	smov.u32 @p1 s23  }
0x1cc: {  	v0 =	vld [tilespmem:s25+$0x800];
	s23 =	sshll.u32 s24, $0x9  }
0x1cd: {  	s20 =	sshra.s32 s23, $0x2  }
0x1ce: {  	v2 =	vld [tilespmem:s20+$0x0];
	_ =	sdelay $0x2  }
0x1cf: {  	v0 =	vadd.f32 v0, v1;
	_ =	sdelay $0x1  }
0x1d0: {  	v0 =	vadd.f32 v2, v0;
	_ =	sdelay $0x1  }
0x1d1: {  	v1 =	vld [tilespmem:s21+$0x11C10];
	[tilespmem:s21+$0xAC00] =	vst v0  }
0x1d2: {  	v0 =	vld [tilespmem:s25+$0x810];
	_ =	sdelay $0x1  }
0x1d3: {  	v2 =	vld [tilespmem:s20+$0x10];
	_ =	sdelay $0x2  }
0x1d4: {  	v0 =	vadd.f32 v0, v1;
	_ =	sdelay $0x1  }
0x1d5: {  	v0 =	vadd.f32 v2, v0  }
0x1d6: {  	s19 =	sadd.s32 $0xFFFFFFFF, s19;
	s26 =	rddreg [dreg:$0x12]  }
0x1d7: {  	s28 =	rddreg [dreg:$0x15];
	s18 =	sadd.s32 $0xFFFFFFFF, s18;
	s25 =	simm.s32 $0x0;
	[tilespmem:s21+$0xAC10] =	vst v0  }
0x1d8: {  	[hbm4b:s26+s25] =	stream.linear.scatter [tilespmem:s12], [sflag:$0x5], $0x3800, $0x38;
	[tilespmem:$0x18C00] =	vst v63  }
0x1d9: {  	p0 =	seq.s32 s19, $0x0;
	p1 =	seq.s32 s18, $0x0;
	s23 =	smov.u32 s22  }
0x1da: {  	[tilespmem:s8], [sflag:$0x3] =	stream.linear.gather [hbm4b:s28+s25], $0x3800, $0x38;
	[tilespmem:$0x18C00] =	vst v63  }
0x1db: {  	s20 =	simm.s32 $0x1;
	s21 =	simm.s32 $0x1;
	_ =	swait.ge [sflag:s13], $0x3800  }
0x1dc: {  	s20 =	simm.s32 @!p1 $0x0;
	s21 =	simm.s32 @!p0 $0x0;
	[sflag:s13] =	ssyncset.done $0x0  }
0x1dd: {  	s0 =	sadd.s32 s21, s0;
	s21 =	sadd.s32 s20, s24;
	[sflag:s13] =	ssyncadd.s32 $0xFFFFC800  }
0x1de: {  	s20 =	simm.s32 $0x0;
	p2 =	slt.s32 s0, s22;
	_ =	swait.ge [sflag:s16], $0x3800  }
0x1df: {  	s25 =	smov.u32 s2;
	s23 =	smov.u32 @p2 s0;
	[sflag:s16] =	ssyncset.done $0x0  }
0x1e0: {  	p2 =	slt.s32 s21, s2;
	s0 =	sshll.u32 s23, $0x9;
	[sflag:s16] =	ssyncadd.s32 $0xFFFFC800  }
0x1e1: {  	s25 =	smov.u32 @p2 s21;
	s0 =	sshra.s32 s0, $0x2;
	v0 =	vld [tilespmem:s20+$0x15400]  }
0x1e2: {  	s21 =	sshll.u32 s25, $0x9;
	v1 =	vld [tilespmem:s0+$0x800]  }
0x1e3: {  	s21 =	sshra.s32 s21, $0x2  }
0x1e4: {  	v2 =	vld [tilespmem:s21+$0x0];
	_ =	sdelay $0x2  }
0x1e5: {  	v0 =	vadd.f32 v1, v0;
	_ =	sdelay $0x1  }
0x1e6: {  	v0 =	vadd.f32 v2, v0;
	_ =	sdelay $0x1  }
0x1e7: {  	v1 =	vld [tilespmem:s20+$0x15410];
	[tilespmem:s20+$0xE400] =	vst v0  }
0x1e8: {  	s19 =	simm.s32 @p0 $0xA;
	s18 =	simm.s32 @p1 $0x3E8;
	v0 =	vld [tilespmem:s0+$0x810]  }
0x1e9: {  	s19 =	sadd.s32 $0xFFFFFFFF, s19;
	s18 =	sadd.s32 $0xFFFFFFFF, s18  }
0x1ea: {  	p1 =	seq.s32 s18, $0x0;
	p0 =	seq.s32 s19, $0x0;
	v2 =	vld [tilespmem:s21+$0x10];
	s0 =	simm.s32 $0x1  }
0x1eb: {  	s18 =	simm.s32 @p1 $0x3E8;
	s0 =	simm.s32 @!p0 $0x0  }
0x1ec: {  	s26 =	simm.s32 $0x1;
	s19 =	simm.s32 @p0 $0xA;
	s23 =	sadd.s32 s0, s23  }
0x1ed: {  	s26 =	simm.s32 @!p1 $0x0;
	s0 =	smov.u32 s22;
	p0 =	slt.s32 s23, s22;
	v0 =	vadd.f32 v0, v1  }
0x1ee: {  	s24 =	simm.s32 $0x400;
	s0 =	smov.u32 @p0 s23;
	s23 =	sadd.s32 s26, s25  }
0x1ef: {  	s21 =	simm.s32 $0x80;
	s25 =	sshll.u32 s0, $0x9;
	p1 =	slt.s32 s23, s2;
	v0 =	vadd.f32 v2, v0  }
.LBB2_16:
0x1f0: {  	s26 =	sshra.s32 s24, $0x2;
	s25 =	sshra.s32 s25, $0x2;
	s28 =	smov.u32 s24  }
0x1f1: {  	v1 =	vld [tilespmem:s21+$0x15400];
	p0 =	sne.s32 s24, $0xDE00;
	s28 =	sadd.s32 $0x200, s24;
	s24 =	smov.u32 s2  }
0x1f2: {  	[tilespmem:s20+$0xE410] =	vst v0;
	s24 =	smov.u32 @p1 s23;
	s20 =	smov.u32 s21  }
0x1f3: {  	s21 =	smov.u32 s26;
	v0 =	vld [tilespmem:s25+$0x800];
	s23 =	sshll.u32 s24, $0x9  }
0x1f4: {  	s23 =	sshra.s32 s23, $0x2  }
0x1f5: {  	v2 =	vld [tilespmem:s23+$0x0];
	_ =	sdelay $0x2  }
0x1f6: {  	v0 =	vadd.f32 v0, v1;
	_ =	sdelay $0x1  }
0x1f7: {  	v0 =	vadd.f32 v2, v0  }
0x1f8: {  	v1 =	vld [tilespmem:s20+$0x15410]  }
0x1f9: {  	[tilespmem:s20+$0xE400] =	vst v0  }
0x1fa: {  	s19 =	sadd.s32 $0xFFFFFFFF, s19;
	v0 =	vld [tilespmem:s25+$0x810]  }
0x1fb: {  	s18 =	sadd.s32 $0xFFFFFFFF, s18;
	p1 =	seq.s32 s19, $0x0;
	v2 =	vld [tilespmem:s23+$0x10]  }
0x1fc: {  	s19 =	simm.s32 @p1 $0xA;
	s25 =	simm.s32 $0x1;
	s23 =	simm.s32 $0x1  }
.Ltmp7:
0x1fd: {  	s23 =	simm.s32 @!p1 $0x0;
	p1 =	seq.s32 s18, $0x0;
	(pc) =	sbr.rel @p0 .LBB2_16-.Ltmp7, $4  }
0x1fe: {  	s23 =	sadd.s32 s23, s0;
	s25 =	simm.s32 @!p1 $0x0  }
0x1ff: {  	s18 =	simm.s32 @p1 $0x3E8;
	s0 =	smov.u32 s22;
	p2 =	slt.s32 s23, s22;
	v0 =	vadd.f32 v0, v1  }
0x200: {  	s0 =	smov.u32 @p2 s23;
	s23 =	sadd.s32 s25, s24  }
0x201: {  	s24 =	smov.u32 s28;
	s25 =	sshll.u32 s0, $0x9;
	p1 =	slt.s32 s23, s2;
	v0 =	vadd.f32 v2, v0  }
0x202: {  	s24 =	smov.u32 s2  }
0x203: {  	v1 =	vld [tilespmem:s21+$0x15400];
	s25 =	sshra.s32 s25, $0x2;
	[tilespmem:s20+$0xE410] =	vst v0;
	s24 =	smov.u32 @p1 s23  }
0x204: {  	v0 =	vld [tilespmem:s25+$0x800];
	s23 =	sshll.u32 s24, $0x9  }
0x205: {  	s20 =	sshra.s32 s23, $0x2  }
0x206: {  	v2 =	vld [tilespmem:s20+$0x0];
	_ =	sdelay $0x2  }
0x207: {  	v0 =	vadd.f32 v0, v1;
	_ =	sdelay $0x1  }
0x208: {  	v0 =	vadd.f32 v2, v0;
	_ =	sdelay $0x1  }
0x209: {  	v1 =	vld [tilespmem:s21+$0x15410];
	[tilespmem:s21+$0xE400] =	vst v0  }
0x20a: {  	v0 =	vld [tilespmem:s25+$0x810];
	_ =	sdelay $0x1  }
0x20b: {  	v2 =	vld [tilespmem:s20+$0x10];
	_ =	sdelay $0x2  }
0x20c: {  	v0 =	vadd.f32 v0, v1;
	_ =	sdelay $0x1  }
0x20d: {  	v0 =	vadd.f32 v2, v0  }
0x20e: {  	s19 =	sadd.s32 $0xFFFFFFFF, s19;
	s26 =	rddreg [dreg:$0x14]  }
0x20f: {  	s28 =	rddreg [dreg:$0x17];
	s18 =	sadd.s32 $0xFFFFFFFF, s18;
	s25 =	simm.s32 $0x0;
	[tilespmem:s21+$0xE410] =	vst v0  }
0x210: {  	[hbm4b:s26+s25] =	stream.linear.scatter [tilespmem:s14], [sflag:$0x6], $0x3800, $0x38;
	[tilespmem:$0x18C00] =	vst v63  }
0x211: {  	p0 =	seq.s32 s19, $0x0;
	p1 =	seq.s32 s18, $0x0;
	s23 =	smov.u32 s22  }
0x212: {  	[tilespmem:s10], [sflag:$0x4] =	stream.linear.gather [hbm4b:s28+s25], $0x3800, $0x38;
	[tilespmem:$0x18C00] =	vst v63  }
0x213: {  	s20 =	simm.s32 $0x1;
	s21 =	simm.s32 $0x1;
	_ =	swait.ge [sflag:s11], $0x3800  }
0x214: {  	s20 =	simm.s32 @!p1 $0x0;
	s21 =	simm.s32 @!p0 $0x0;
	[sflag:s11] =	ssyncset.done $0x0  }
0x215: {  	s0 =	sadd.s32 s21, s0;
	s21 =	sadd.s32 s20, s24;
	[sflag:s11] =	ssyncadd.s32 $0xFFFFC800  }
0x216: {  	s20 =	simm.s32 $0x0;
	p2 =	slt.s32 s0, s22;
	_ =	swait.ge [sflag:s15], $0x3800  }
0x217: {  	s25 =	smov.u32 s2;
	s23 =	smov.u32 @p2 s0;
	[sflag:s15] =	ssyncset.done $0x0  }
0x218: {  	p2 =	slt.s32 s21, s2;
	s0 =	sshll.u32 s23, $0x9;
	[sflag:s15] =	ssyncadd.s32 $0xFFFFC800  }
0x219: {  	s25 =	smov.u32 @p2 s21;
	s0 =	sshra.s32 s0, $0x2;
	v0 =	vld [tilespmem:s20+$0x11C00]  }
0x21a: {  	s21 =	sshll.u32 s25, $0x9;
	v1 =	vld [tilespmem:s0+$0x800]  }
0x21b: {  	s21 =	sshra.s32 s21, $0x2  }
0x21c: {  	v2 =	vld [tilespmem:s21+$0x0];
	_ =	sdelay $0x2  }
0x21d: {  	v0 =	vadd.f32 v1, v0;
	_ =	sdelay $0x1  }
0x21e: {  	v0 =	vadd.f32 v2, v0;
	_ =	sdelay $0x1  }
0x21f: {  	v1 =	vld [tilespmem:s20+$0x11C10];
	[tilespmem:s20+$0xAC00] =	vst v0  }
0x220: {  	s19 =	simm.s32 @p0 $0xA;
	s18 =	simm.s32 @p1 $0x3E8;
	v0 =	vld [tilespmem:s0+$0x810]  }
0x221: {  	s19 =	sadd.s32 $0xFFFFFFFF, s19;
	s18 =	sadd.s32 $0xFFFFFFFF, s18  }
0x222: {  	p1 =	seq.s32 s18, $0x0;
	p0 =	seq.s32 s19, $0x0;
	v2 =	vld [tilespmem:s21+$0x10];
	s0 =	simm.s32 $0x1  }
0x223: {  	s18 =	simm.s32 @p1 $0x3E8;
	s0 =	simm.s32 @!p0 $0x0  }
0x224: {  	s26 =	simm.s32 $0x1;
	s19 =	simm.s32 @p0 $0xA;
	s23 =	sadd.s32 s0, s23  }
0x225: {  	s26 =	simm.s32 @!p1 $0x0;
	s0 =	smov.u32 s22;
	p0 =	slt.s32 s23, s22;
	v0 =	vadd.f32 v0, v1  }
0x226: {  	s24 =	simm.s32 $0x400;
	s0 =	smov.u32 @p0 s23;
	s23 =	sadd.s32 s26, s25  }
0x227: {  	s21 =	simm.s32 $0x80;
	s25 =	sshll.u32 s0, $0x9;
	p1 =	slt.s32 s23, s2;
	v0 =	vadd.f32 v2, v0  }
.LBB2_18:
0x228: {  	s26 =	sshra.s32 s24, $0x2;
	s25 =	sshra.s32 s25, $0x2;
	s28 =	smov.u32 s24  }
0x229: {  	v1 =	vld [tilespmem:s21+$0x11C00];
	p0 =	sne.s32 s24, $0xDE00;
	s28 =	sadd.s32 $0x200, s24;
	s24 =	smov.u32 s2  }
0x22a: {  	[tilespmem:s20+$0xAC10] =	vst v0;
	s24 =	smov.u32 @p1 s23;
	s20 =	smov.u32 s21  }
0x22b: {  	s21 =	smov.u32 s26;
	v0 =	vld [tilespmem:s25+$0x800];
	s23 =	sshll.u32 s24, $0x9  }
0x22c: {  	s23 =	sshra.s32 s23, $0x2  }
0x22d: {  	v2 =	vld [tilespmem:s23+$0x0];
	_ =	sdelay $0x2  }
0x22e: {  	v0 =	vadd.f32 v0, v1;
	_ =	sdelay $0x1  }
0x22f: {  	v0 =	vadd.f32 v2, v0  }
0x230: {  	v1 =	vld [tilespmem:s20+$0x11C10]  }
0x231: {  	[tilespmem:s20+$0xAC00] =	vst v0  }
0x232: {  	s19 =	sadd.s32 $0xFFFFFFFF, s19;
	v0 =	vld [tilespmem:s25+$0x810]  }
0x233: {  	s18 =	sadd.s32 $0xFFFFFFFF, s18;
	p1 =	seq.s32 s19, $0x0;
	v2 =	vld [tilespmem:s23+$0x10]  }
0x234: {  	s19 =	simm.s32 @p1 $0xA;
	s25 =	simm.s32 $0x1;
	s23 =	simm.s32 $0x1  }
.Ltmp8:
0x235: {  	s23 =	simm.s32 @!p1 $0x0;
	p1 =	seq.s32 s18, $0x0;
	(pc) =	sbr.rel @p0 .LBB2_18-.Ltmp8, $4  }
0x236: {  	s23 =	sadd.s32 s23, s0;
	s25 =	simm.s32 @!p1 $0x0  }
0x237: {  	s18 =	simm.s32 @p1 $0x3E8;
	s0 =	smov.u32 s22;
	p2 =	slt.s32 s23, s22;
	v0 =	vadd.f32 v0, v1  }
0x238: {  	s0 =	smov.u32 @p2 s23;
	s23 =	sadd.s32 s25, s24  }
0x239: {  	s24 =	smov.u32 s28;
	s25 =	sshll.u32 s0, $0x9;
	p1 =	slt.s32 s23, s2;
	v0 =	vadd.f32 v2, v0  }
0x23a: {  	s24 =	smov.u32 s2  }
0x23b: {  	v1 =	vld [tilespmem:s21+$0x11C00];
	s25 =	sshra.s32 s25, $0x2;
	[tilespmem:s20+$0xAC10] =	vst v0;
	s24 =	smov.u32 @p1 s23  }
0x23c: {  	v0 =	vld [tilespmem:s25+$0x800];
	s23 =	sshll.u32 s24, $0x9  }
0x23d: {  	s20 =	sshra.s32 s23, $0x2  }
0x23e: {  	v2 =	vld [tilespmem:s20+$0x0];
	_ =	sdelay $0x2  }
0x23f: {  	v0 =	vadd.f32 v0, v1;
	_ =	sdelay $0x1  }
0x240: {  	v0 =	vadd.f32 v2, v0;
	_ =	sdelay $0x1  }
0x241: {  	v1 =	vld [tilespmem:s21+$0x11C10];
	[tilespmem:s21+$0xAC00] =	vst v0  }
0x242: {  	v0 =	vld [tilespmem:s25+$0x810];
	_ =	sdelay $0x1  }
0x243: {  	v2 =	vld [tilespmem:s20+$0x10];
	_ =	sdelay $0x2  }
0x244: {  	v0 =	vadd.f32 v0, v1;
	_ =	sdelay $0x1  }
0x245: {  	v0 =	vadd.f32 v2, v0  }
0x246: {  	s19 =	sadd.s32 $0xFFFFFFFF, s19;
	s26 =	rddreg [dreg:$0x16]  }
0x247: {  	s28 =	rddreg [dreg:$0x19];
	s18 =	sadd.s32 $0xFFFFFFFF, s18;
	s25 =	simm.s32 $0x0;
	[tilespmem:s21+$0xAC10] =	vst v0  }
0x248: {  	[hbm4b:s26+s25] =	stream.linear.scatter [tilespmem:s12], [sflag:$0x5], $0x3800, $0x38;
	[tilespmem:$0x18C00] =	vst v63  }
0x249: {  	p0 =	seq.s32 s19, $0x0;
	p1 =	seq.s32 s18, $0x0;
	s23 =	smov.u32 s22  }
0x24a: {  	[tilespmem:s8], [sflag:$0x3] =	stream.linear.gather [hbm4b:s28+s25], $0x3800, $0x38;
	[tilespmem:$0x18C00] =	vst v63  }
0x24b: {  	s20 =	simm.s32 $0x1;
	s21 =	simm.s32 $0x1;
	_ =	swait.ge [sflag:s13], $0x3800  }
0x24c: {  	s20 =	simm.s32 @!p1 $0x0;
	s21 =	simm.s32 @!p0 $0x0;
	[sflag:s13] =	ssyncset.done $0x0  }
0x24d: {  	s0 =	sadd.s32 s21, s0;
	s21 =	sadd.s32 s20, s24;
	[sflag:s13] =	ssyncadd.s32 $0xFFFFC800  }
0x24e: {  	s20 =	simm.s32 $0x0;
	p2 =	slt.s32 s0, s22;
	_ =	swait.ge [sflag:s16], $0x3800  }
0x24f: {  	s25 =	smov.u32 s2;
	s23 =	smov.u32 @p2 s0;
	[sflag:s16] =	ssyncset.done $0x0  }
0x250: {  	p2 =	slt.s32 s21, s2;
	s0 =	sshll.u32 s23, $0x9;
	[sflag:s16] =	ssyncadd.s32 $0xFFFFC800  }
0x251: {  	s25 =	smov.u32 @p2 s21;
	s0 =	sshra.s32 s0, $0x2;
	v0 =	vld [tilespmem:s20+$0x15400]  }
0x252: {  	s21 =	sshll.u32 s25, $0x9;
	v1 =	vld [tilespmem:s0+$0x800]  }
0x253: {  	s21 =	sshra.s32 s21, $0x2  }
0x254: {  	v2 =	vld [tilespmem:s21+$0x0];
	_ =	sdelay $0x2  }
0x255: {  	v0 =	vadd.f32 v1, v0;
	_ =	sdelay $0x1  }
0x256: {  	v0 =	vadd.f32 v2, v0;
	_ =	sdelay $0x1  }
0x257: {  	v1 =	vld [tilespmem:s20+$0x15410];
	[tilespmem:s20+$0xE400] =	vst v0  }
0x258: {  	s19 =	simm.s32 @p0 $0xA;
	s18 =	simm.s32 @p1 $0x3E8;
	v0 =	vld [tilespmem:s0+$0x810]  }
0x259: {  	s19 =	sadd.s32 $0xFFFFFFFF, s19;
	s18 =	sadd.s32 $0xFFFFFFFF, s18  }
0x25a: {  	p1 =	seq.s32 s18, $0x0;
	p0 =	seq.s32 s19, $0x0;
	v2 =	vld [tilespmem:s21+$0x10];
	s0 =	simm.s32 $0x1  }
0x25b: {  	s18 =	simm.s32 @p1 $0x3E8;
	s0 =	simm.s32 @!p0 $0x0  }
0x25c: {  	s26 =	simm.s32 $0x1;
	s19 =	simm.s32 @p0 $0xA;
	s23 =	sadd.s32 s0, s23  }
0x25d: {  	s26 =	simm.s32 @!p1 $0x0;
	s0 =	smov.u32 s22;
	p0 =	slt.s32 s23, s22;
	v0 =	vadd.f32 v0, v1  }
0x25e: {  	s24 =	simm.s32 $0x400;
	s0 =	smov.u32 @p0 s23;
	s23 =	sadd.s32 s26, s25  }
0x25f: {  	s21 =	simm.s32 $0x80;
	s25 =	sshll.u32 s0, $0x9;
	p1 =	slt.s32 s23, s2;
	v0 =	vadd.f32 v2, v0  }
.LBB2_20:
0x260: {  	s26 =	sshra.s32 s24, $0x2;
	s25 =	sshra.s32 s25, $0x2;
	s28 =	smov.u32 s24  }
0x261: {  	v1 =	vld [tilespmem:s21+$0x15400];
	p0 =	sne.s32 s24, $0xDE00;
	s28 =	sadd.s32 $0x200, s24;
	s24 =	smov.u32 s2  }
0x262: {  	[tilespmem:s20+$0xE410] =	vst v0;
	s24 =	smov.u32 @p1 s23;
	s20 =	smov.u32 s21  }
0x263: {  	s21 =	smov.u32 s26;
	v0 =	vld [tilespmem:s25+$0x800];
	s23 =	sshll.u32 s24, $0x9  }
0x264: {  	s23 =	sshra.s32 s23, $0x2  }
0x265: {  	v2 =	vld [tilespmem:s23+$0x0];
	_ =	sdelay $0x2  }
0x266: {  	v0 =	vadd.f32 v0, v1;
	_ =	sdelay $0x1  }
0x267: {  	v0 =	vadd.f32 v2, v0  }
0x268: {  	v1 =	vld [tilespmem:s20+$0x15410]  }
0x269: {  	[tilespmem:s20+$0xE400] =	vst v0  }
0x26a: {  	s19 =	sadd.s32 $0xFFFFFFFF, s19;
	v0 =	vld [tilespmem:s25+$0x810]  }
0x26b: {  	s18 =	sadd.s32 $0xFFFFFFFF, s18;
	p1 =	seq.s32 s19, $0x0;
	v2 =	vld [tilespmem:s23+$0x10]  }
0x26c: {  	s19 =	simm.s32 @p1 $0xA;
	s25 =	simm.s32 $0x1;
	s23 =	simm.s32 $0x1  }
.Ltmp9:
0x26d: {  	s23 =	simm.s32 @!p1 $0x0;
	p1 =	seq.s32 s18, $0x0;
	(pc) =	sbr.rel @p0 .LBB2_20-.Ltmp9, $4  }
0x26e: {  	s23 =	sadd.s32 s23, s0;
	s25 =	simm.s32 @!p1 $0x0  }
0x26f: {  	s18 =	simm.s32 @p1 $0x3E8;
	s0 =	smov.u32 s22;
	p2 =	slt.s32 s23, s22;
	v0 =	vadd.f32 v0, v1  }
0x270: {  	s0 =	smov.u32 @p2 s23;
	s23 =	sadd.s32 s25, s24  }
0x271: {  	s24 =	smov.u32 s28;
	s25 =	sshll.u32 s0, $0x9;
	p1 =	slt.s32 s23, s2;
	v0 =	vadd.f32 v2, v0  }
0x272: {  	s24 =	smov.u32 s2  }
0x273: {  	v1 =	vld [tilespmem:s21+$0x15400];
	s25 =	sshra.s32 s25, $0x2;
	[tilespmem:s20+$0xE410] =	vst v0;
	s24 =	smov.u32 @p1 s23  }
0x274: {  	v0 =	vld [tilespmem:s25+$0x800];
	s23 =	sshll.u32 s24, $0x9  }
0x275: {  	s20 =	sshra.s32 s23, $0x2  }
0x276: {  	v2 =	vld [tilespmem:s20+$0x0];
	_ =	sdelay $0x2  }
0x277: {  	v0 =	vadd.f32 v0, v1;
	_ =	sdelay $0x1  }
0x278: {  	v0 =	vadd.f32 v2, v0;
	_ =	sdelay $0x1  }
0x279: {  	v1 =	vld [tilespmem:s21+$0x15410];
	[tilespmem:s21+$0xE400] =	vst v0  }
0x27a: {  	v0 =	vld [tilespmem:s25+$0x810];
	_ =	sdelay $0x1  }
0x27b: {  	v2 =	vld [tilespmem:s20+$0x10];
	_ =	sdelay $0x2  }
0x27c: {  	v0 =	vadd.f32 v0, v1;
	_ =	sdelay $0x1  }
0x27d: {  	v0 =	vadd.f32 v2, v0  }
0x27e: {  	s19 =	sadd.s32 $0xFFFFFFFF, s19;
	s26 =	rddreg [dreg:$0x18]  }
0x27f: {  	s28 =	rddreg [dreg:$0x1b];
	s18 =	sadd.s32 $0xFFFFFFFF, s18;
	s25 =	simm.s32 $0x0;
	[tilespmem:s21+$0xE410] =	vst v0  }
0x280: {  	[hbm4b:s26+s25] =	stream.linear.scatter [tilespmem:s14], [sflag:$0x6], $0x3800, $0x38;
	[tilespmem:$0x18C00] =	vst v63  }
0x281: {  	p0 =	seq.s32 s19, $0x0;
	p1 =	seq.s32 s18, $0x0;
	s23 =	smov.u32 s22  }
0x282: {  	[tilespmem:s10], [sflag:$0x4] =	stream.linear.gather [hbm4b:s28+s25], $0x3800, $0x38;
	[tilespmem:$0x18C00] =	vst v63  }
0x283: {  	s20 =	simm.s32 $0x1;
	s21 =	simm.s32 $0x1;
	_ =	swait.ge [sflag:s11], $0x3800  }
0x284: {  	s20 =	simm.s32 @!p1 $0x0;
	s21 =	simm.s32 @!p0 $0x0;
	[sflag:s11] =	ssyncset.done $0x0  }
0x285: {  	s0 =	sadd.s32 s21, s0;
	s21 =	sadd.s32 s20, s24;
	[sflag:s11] =	ssyncadd.s32 $0xFFFFC800  }
0x286: {  	s20 =	simm.s32 $0x0;
	p2 =	slt.s32 s0, s22;
	_ =	swait.ge [sflag:s15], $0x3800  }
0x287: {  	s25 =	smov.u32 s2;
	s23 =	smov.u32 @p2 s0;
	[sflag:s15] =	ssyncset.done $0x0  }
0x288: {  	p2 =	slt.s32 s21, s2;
	s0 =	sshll.u32 s23, $0x9;
	[sflag:s15] =	ssyncadd.s32 $0xFFFFC800  }
0x289: {  	s25 =	smov.u32 @p2 s21;
	s0 =	sshra.s32 s0, $0x2;
	v0 =	vld [tilespmem:s20+$0x11C00]  }
0x28a: {  	s21 =	sshll.u32 s25, $0x9;
	v1 =	vld [tilespmem:s0+$0x800]  }
0x28b: {  	s21 =	sshra.s32 s21, $0x2  }
0x28c: {  	v2 =	vld [tilespmem:s21+$0x0];
	_ =	sdelay $0x2  }
0x28d: {  	v0 =	vadd.f32 v1, v0;
	_ =	sdelay $0x1  }
0x28e: {  	v0 =	vadd.f32 v2, v0;
	_ =	sdelay $0x1  }
0x28f: {  	v1 =	vld [tilespmem:s20+$0x11C10];
	[tilespmem:s20+$0xAC00] =	vst v0  }
0x290: {  	s19 =	simm.s32 @p0 $0xA;
	s18 =	simm.s32 @p1 $0x3E8;
	v0 =	vld [tilespmem:s0+$0x810]  }
0x291: {  	s19 =	sadd.s32 $0xFFFFFFFF, s19;
	s18 =	sadd.s32 $0xFFFFFFFF, s18  }
0x292: {  	p1 =	seq.s32 s18, $0x0;
	p0 =	seq.s32 s19, $0x0;
	v2 =	vld [tilespmem:s21+$0x10];
	s0 =	simm.s32 $0x1  }
0x293: {  	s18 =	simm.s32 @p1 $0x3E8;
	s0 =	simm.s32 @!p0 $0x0  }
0x294: {  	s26 =	simm.s32 $0x1;
	s19 =	simm.s32 @p0 $0xA;
	s23 =	sadd.s32 s0, s23  }
0x295: {  	s26 =	simm.s32 @!p1 $0x0;
	s0 =	smov.u32 s22;
	p0 =	slt.s32 s23, s22;
	v0 =	vadd.f32 v0, v1  }
0x296: {  	s24 =	simm.s32 $0x400;
	s0 =	smov.u32 @p0 s23;
	s23 =	sadd.s32 s26, s25  }
0x297: {  	s21 =	simm.s32 $0x80;
	s25 =	sshll.u32 s0, $0x9;
	p1 =	slt.s32 s23, s2;
	v0 =	vadd.f32 v2, v0  }
.LBB2_22:
0x298: {  	s26 =	sshra.s32 s24, $0x2;
	s25 =	sshra.s32 s25, $0x2;
	s28 =	smov.u32 s24  }
0x299: {  	v1 =	vld [tilespmem:s21+$0x11C00];
	p0 =	sne.s32 s24, $0xDE00;
	s28 =	sadd.s32 $0x200, s24;
	s24 =	smov.u32 s2  }
0x29a: {  	[tilespmem:s20+$0xAC10] =	vst v0;
	s24 =	smov.u32 @p1 s23;
	s20 =	smov.u32 s21  }
0x29b: {  	s21 =	smov.u32 s26;
	v0 =	vld [tilespmem:s25+$0x800];
	s23 =	sshll.u32 s24, $0x9  }
0x29c: {  	s23 =	sshra.s32 s23, $0x2  }
0x29d: {  	v2 =	vld [tilespmem:s23+$0x0];
	_ =	sdelay $0x2  }
0x29e: {  	v0 =	vadd.f32 v0, v1;
	_ =	sdelay $0x1  }
0x29f: {  	v0 =	vadd.f32 v2, v0  }
0x2a0: {  	v1 =	vld [tilespmem:s20+$0x11C10]  }
0x2a1: {  	[tilespmem:s20+$0xAC00] =	vst v0  }
0x2a2: {  	s19 =	sadd.s32 $0xFFFFFFFF, s19;
	v0 =	vld [tilespmem:s25+$0x810]  }
0x2a3: {  	s18 =	sadd.s32 $0xFFFFFFFF, s18;
	p1 =	seq.s32 s19, $0x0;
	v2 =	vld [tilespmem:s23+$0x10]  }
0x2a4: {  	s19 =	simm.s32 @p1 $0xA;
	s25 =	simm.s32 $0x1;
	s23 =	simm.s32 $0x1  }
.Ltmp10:
0x2a5: {  	s23 =	simm.s32 @!p1 $0x0;
	p1 =	seq.s32 s18, $0x0;
	(pc) =	sbr.rel @p0 .LBB2_22-.Ltmp10, $4  }
0x2a6: {  	s23 =	sadd.s32 s23, s0;
	s25 =	simm.s32 @!p1 $0x0  }
0x2a7: {  	s18 =	simm.s32 @p1 $0x3E8;
	s0 =	smov.u32 s22;
	p2 =	slt.s32 s23, s22;
	v0 =	vadd.f32 v0, v1  }
0x2a8: {  	s0 =	smov.u32 @p2 s23;
	s23 =	sadd.s32 s25, s24  }
0x2a9: {  	s24 =	smov.u32 s28;
	s25 =	sshll.u32 s0, $0x9;
	p1 =	slt.s32 s23, s2;
	v0 =	vadd.f32 v2, v0  }
0x2aa: {  	s24 =	smov.u32 s2  }
0x2ab: {  	v1 =	vld [tilespmem:s21+$0x11C00];
	s25 =	sshra.s32 s25, $0x2;
	[tilespmem:s20+$0xAC10] =	vst v0;
	s24 =	smov.u32 @p1 s23  }
0x2ac: {  	v0 =	vld [tilespmem:s25+$0x800];
	s23 =	sshll.u32 s24, $0x9  }
0x2ad: {  	s20 =	sshra.s32 s23, $0x2  }
0x2ae: {  	v2 =	vld [tilespmem:s20+$0x0];
	_ =	sdelay $0x2  }
0x2af: {  	v0 =	vadd.f32 v0, v1;
	_ =	sdelay $0x1  }
0x2b0: {  	v0 =	vadd.f32 v2, v0;
	_ =	sdelay $0x1  }
0x2b1: {  	v1 =	vld [tilespmem:s21+$0x11C10];
	[tilespmem:s21+$0xAC00] =	vst v0  }
0x2b2: {  	v0 =	vld [tilespmem:s25+$0x810];
	_ =	sdelay $0x1  }
0x2b3: {  	v2 =	vld [tilespmem:s20+$0x10];
	_ =	sdelay $0x2  }
0x2b4: {  	v0 =	vadd.f32 v0, v1;
	_ =	sdelay $0x1  }
0x2b5: {  	v0 =	vadd.f32 v2, v0  }
0x2b6: {  	s19 =	sadd.s32 $0xFFFFFFFF, s19;
	s26 =	rddreg [dreg:$0x1a]  }
0x2b7: {  	s28 =	rddreg [dreg:$0x1d];
	s18 =	sadd.s32 $0xFFFFFFFF, s18;
	s25 =	simm.s32 $0x0;
	[tilespmem:s21+$0xAC10] =	vst v0  }
0x2b8: {  	[hbm4b:s26+s25] =	stream.linear.scatter [tilespmem:s12], [sflag:$0x5], $0x3800, $0x38;
	[tilespmem:$0x18C00] =	vst v63  }
0x2b9: {  	p0 =	seq.s32 s19, $0x0;
	p1 =	seq.s32 s18, $0x0;
	s23 =	smov.u32 s22  }
0x2ba: {  	[tilespmem:s8], [sflag:$0x3] =	stream.linear.gather [hbm4b:s28+s25], $0x3800, $0x38;
	[tilespmem:$0x18C00] =	vst v63  }
0x2bb: {  	s20 =	simm.s32 $0x1;
	s21 =	simm.s32 $0x1;
	_ =	swait.ge [sflag:s13], $0x3800  }
0x2bc: {  	s20 =	simm.s32 @!p1 $0x0;
	s21 =	simm.s32 @!p0 $0x0;
	[sflag:s13] =	ssyncset.done $0x0  }
0x2bd: {  	s0 =	sadd.s32 s21, s0;
	s21 =	sadd.s32 s20, s24;
	[sflag:s13] =	ssyncadd.s32 $0xFFFFC800  }
0x2be: {  	s20 =	simm.s32 $0x0;
	p2 =	slt.s32 s0, s22;
	_ =	swait.ge [sflag:s16], $0x3800  }
0x2bf: {  	s25 =	smov.u32 s2;
	s23 =	smov.u32 @p2 s0;
	[sflag:s16] =	ssyncset.done $0x0  }
0x2c0: {  	p2 =	slt.s32 s21, s2;
	s0 =	sshll.u32 s23, $0x9;
	[sflag:s16] =	ssyncadd.s32 $0xFFFFC800  }
0x2c1: {  	s25 =	smov.u32 @p2 s21;
	s0 =	sshra.s32 s0, $0x2;
	v0 =	vld [tilespmem:s20+$0x15400]  }
0x2c2: {  	s21 =	sshll.u32 s25, $0x9;
	v1 =	vld [tilespmem:s0+$0x800]  }
0x2c3: {  	s21 =	sshra.s32 s21, $0x2  }
0x2c4: {  	v2 =	vld [tilespmem:s21+$0x0];
	_ =	sdelay $0x2  }
0x2c5: {  	v0 =	vadd.f32 v1, v0;
	_ =	sdelay $0x1  }
0x2c6: {  	v0 =	vadd.f32 v2, v0;
	_ =	sdelay $0x1  }
0x2c7: {  	v1 =	vld [tilespmem:s20+$0x15410];
	[tilespmem:s20+$0xE400] =	vst v0  }
0x2c8: {  	s19 =	simm.s32 @p0 $0xA;
	s18 =	simm.s32 @p1 $0x3E8;
	v0 =	vld [tilespmem:s0+$0x810]  }
0x2c9: {  	s19 =	sadd.s32 $0xFFFFFFFF, s19;
	s18 =	sadd.s32 $0xFFFFFFFF, s18  }
0x2ca: {  	p1 =	seq.s32 s18, $0x0;
	p0 =	seq.s32 s19, $0x0;
	v2 =	vld [tilespmem:s21+$0x10];
	s0 =	simm.s32 $0x1  }
0x2cb: {  	s18 =	simm.s32 @p1 $0x3E8;
	s0 =	simm.s32 @!p0 $0x0  }
0x2cc: {  	s26 =	simm.s32 $0x1;
	s19 =	simm.s32 @p0 $0xA;
	s23 =	sadd.s32 s0, s23  }
0x2cd: {  	s26 =	simm.s32 @!p1 $0x0;
	s0 =	smov.u32 s22;
	p0 =	slt.s32 s23, s22;
	v0 =	vadd.f32 v0, v1  }
0x2ce: {  	s24 =	simm.s32 $0x400;
	s0 =	smov.u32 @p0 s23;
	s23 =	sadd.s32 s26, s25  }
0x2cf: {  	s21 =	simm.s32 $0x80;
	s25 =	sshll.u32 s0, $0x9;
	p1 =	slt.s32 s23, s2;
	v0 =	vadd.f32 v2, v0  }
.LBB2_24:
0x2d0: {  	s26 =	sshra.s32 s24, $0x2;
	s25 =	sshra.s32 s25, $0x2;
	s28 =	smov.u32 s24  }
0x2d1: {  	v1 =	vld [tilespmem:s21+$0x15400];
	p0 =	sne.s32 s24, $0xDE00;
	s28 =	sadd.s32 $0x200, s24;
	s24 =	smov.u32 s2  }
0x2d2: {  	[tilespmem:s20+$0xE410] =	vst v0;
	s24 =	smov.u32 @p1 s23;
	s20 =	smov.u32 s21  }
0x2d3: {  	s21 =	smov.u32 s26;
	v0 =	vld [tilespmem:s25+$0x800];
	s23 =	sshll.u32 s24, $0x9  }
0x2d4: {  	s23 =	sshra.s32 s23, $0x2  }
0x2d5: {  	v2 =	vld [tilespmem:s23+$0x0];
	_ =	sdelay $0x2  }
0x2d6: {  	v0 =	vadd.f32 v0, v1;
	_ =	sdelay $0x1  }
0x2d7: {  	v0 =	vadd.f32 v2, v0  }
0x2d8: {  	v1 =	vld [tilespmem:s20+$0x15410]  }
0x2d9: {  	[tilespmem:s20+$0xE400] =	vst v0  }
0x2da: {  	s19 =	sadd.s32 $0xFFFFFFFF, s19;
	v0 =	vld [tilespmem:s25+$0x810]  }
0x2db: {  	s18 =	sadd.s32 $0xFFFFFFFF, s18;
	p1 =	seq.s32 s19, $0x0;
	v2 =	vld [tilespmem:s23+$0x10]  }
0x2dc: {  	s19 =	simm.s32 @p1 $0xA;
	s25 =	simm.s32 $0x1;
	s23 =	simm.s32 $0x1  }
.Ltmp11:
0x2dd: {  	s23 =	simm.s32 @!p1 $0x0;
	p1 =	seq.s32 s18, $0x0;
	(pc) =	sbr.rel @p0 .LBB2_24-.Ltmp11, $4  }
0x2de: {  	s23 =	sadd.s32 s23, s0;
	s25 =	simm.s32 @!p1 $0x0  }
0x2df: {  	s18 =	simm.s32 @p1 $0x3E8;
	s0 =	smov.u32 s22;
	p2 =	slt.s32 s23, s22;
	v0 =	vadd.f32 v0, v1  }
0x2e0: {  	s0 =	smov.u32 @p2 s23;
	s23 =	sadd.s32 s25, s24  }
0x2e1: {  	s24 =	smov.u32 s28;
	s25 =	sshll.u32 s0, $0x9;
	p1 =	slt.s32 s23, s2;
	v0 =	vadd.f32 v2, v0  }
0x2e2: {  	s24 =	smov.u32 s2  }
0x2e3: {  	v1 =	vld [tilespmem:s21+$0x15400];
	s25 =	sshra.s32 s25, $0x2;
	[tilespmem:s20+$0xE410] =	vst v0;
	s24 =	smov.u32 @p1 s23  }
0x2e4: {  	v0 =	vld [tilespmem:s25+$0x800];
	s23 =	sshll.u32 s24, $0x9  }
0x2e5: {  	s20 =	sshra.s32 s23, $0x2  }
0x2e6: {  	v2 =	vld [tilespmem:s20+$0x0];
	_ =	sdelay $0x2  }
0x2e7: {  	v0 =	vadd.f32 v0, v1;
	_ =	sdelay $0x1  }
0x2e8: {  	v0 =	vadd.f32 v2, v0;
	_ =	sdelay $0x1  }
0x2e9: {  	v1 =	vld [tilespmem:s21+$0x15410];
	[tilespmem:s21+$0xE400] =	vst v0  }
0x2ea: {  	v0 =	vld [tilespmem:s25+$0x810];
	_ =	sdelay $0x1  }
0x2eb: {  	v2 =	vld [tilespmem:s20+$0x10];
	_ =	sdelay $0x2  }
0x2ec: {  	v0 =	vadd.f32 v0, v1;
	_ =	sdelay $0x1  }
0x2ed: {  	v0 =	vadd.f32 v2, v0  }
0x2ee: {  	s19 =	sadd.s32 $0xFFFFFFFF, s19;
	s26 =	rddreg [dreg:$0x1c]  }
0x2ef: {  	s28 =	rddreg [dreg:$0x1f];
	s18 =	sadd.s32 $0xFFFFFFFF, s18;
	s25 =	simm.s32 $0x0;
	[tilespmem:s21+$0xE410] =	vst v0  }
0x2f0: {  	[hbm4b:s26+s25] =	stream.linear.scatter [tilespmem:s14], [sflag:$0x6], $0x3800, $0x38;
	[tilespmem:$0x18C00] =	vst v63  }
0x2f1: {  	p0 =	seq.s32 s19, $0x0;
	p1 =	seq.s32 s18, $0x0;
	s23 =	smov.u32 s22  }
0x2f2: {  	[tilespmem:s10], [sflag:$0x4] =	stream.linear.gather [hbm4b:s28+s25], $0x3800, $0x38;
	[tilespmem:$0x18C00] =	vst v63  }
0x2f3: {  	s20 =	simm.s32 $0x1;
	s21 =	simm.s32 $0x1;
	_ =	swait.ge [sflag:s11], $0x3800  }
0x2f4: {  	s20 =	simm.s32 @!p1 $0x0;
	s21 =	simm.s32 @!p0 $0x0;
	[sflag:s11] =	ssyncset.done $0x0  }
0x2f5: {  	s0 =	sadd.s32 s21, s0;
	s21 =	sadd.s32 s20, s24;
	[sflag:s11] =	ssyncadd.s32 $0xFFFFC800  }
0x2f6: {  	s20 =	simm.s32 $0x0;
	p2 =	slt.s32 s0, s22;
	_ =	swait.ge [sflag:s15], $0x3800  }
0x2f7: {  	s25 =	smov.u32 s2;
	s23 =	smov.u32 @p2 s0;
	[sflag:s15] =	ssyncset.done $0x0  }
0x2f8: {  	p2 =	slt.s32 s21, s2;
	s0 =	sshll.u32 s23, $0x9;
	[sflag:s15] =	ssyncadd.s32 $0xFFFFC800  }
0x2f9: {  	s25 =	smov.u32 @p2 s21;
	s0 =	sshra.s32 s0, $0x2;
	v0 =	vld [tilespmem:s20+$0x11C00]  }
0x2fa: {  	s21 =	sshll.u32 s25, $0x9;
	v1 =	vld [tilespmem:s0+$0x800]  }
0x2fb: {  	s21 =	sshra.s32 s21, $0x2  }
0x2fc: {  	v2 =	vld [tilespmem:s21+$0x0];
	_ =	sdelay $0x2  }
0x2fd: {  	v0 =	vadd.f32 v1, v0;
	_ =	sdelay $0x1  }
0x2fe: {  	v0 =	vadd.f32 v2, v0;
	_ =	sdelay $0x1  }
0x2ff: {  	v1 =	vld [tilespmem:s20+$0x11C10];
	[tilespmem:s20+$0xAC00] =	vst v0  }
0x300: {  	s19 =	simm.s32 @p0 $0xA;
	s18 =	simm.s32 @p1 $0x3E8;
	v0 =	vld [tilespmem:s0+$0x810]  }
0x301: {  	s19 =	sadd.s32 $0xFFFFFFFF, s19;
	s18 =	sadd.s32 $0xFFFFFFFF, s18  }
0x302: {  	p1 =	seq.s32 s18, $0x0;
	p0 =	seq.s32 s19, $0x0;
	v2 =	vld [tilespmem:s21+$0x10];
	s0 =	simm.s32 $0x1  }
0x303: {  	s18 =	simm.s32 @p1 $0x3E8;
	s0 =	simm.s32 @!p0 $0x0  }
0x304: {  	s26 =	simm.s32 $0x1;
	s19 =	simm.s32 @p0 $0xA;
	s23 =	sadd.s32 s0, s23  }
0x305: {  	s26 =	simm.s32 @!p1 $0x0;
	s0 =	smov.u32 s22;
	p0 =	slt.s32 s23, s22;
	v0 =	vadd.f32 v0, v1  }
0x306: {  	s24 =	simm.s32 $0x400;
	s0 =	smov.u32 @p0 s23;
	s23 =	sadd.s32 s26, s25  }
0x307: {  	s21 =	simm.s32 $0x80;
	s25 =	sshll.u32 s0, $0x9;
	p1 =	slt.s32 s23, s2;
	v0 =	vadd.f32 v2, v0  }
.LBB2_26:
0x308: {  	s26 =	sshra.s32 s24, $0x2;
	s25 =	sshra.s32 s25, $0x2;
	s28 =	smov.u32 s24  }
0x309: {  	v1 =	vld [tilespmem:s21+$0x11C00];
	p0 =	sne.s32 s24, $0xDE00;
	s28 =	sadd.s32 $0x200, s24;
	s24 =	smov.u32 s2  }
0x30a: {  	[tilespmem:s20+$0xAC10] =	vst v0;
	s24 =	smov.u32 @p1 s23;
	s20 =	smov.u32 s21  }
0x30b: {  	s21 =	smov.u32 s26;
	v0 =	vld [tilespmem:s25+$0x800];
	s23 =	sshll.u32 s24, $0x9  }
0x30c: {  	s23 =	sshra.s32 s23, $0x2  }
0x30d: {  	v2 =	vld [tilespmem:s23+$0x0];
	_ =	sdelay $0x2  }
0x30e: {  	v0 =	vadd.f32 v0, v1;
	_ =	sdelay $0x1  }
0x30f: {  	v0 =	vadd.f32 v2, v0  }
0x310: {  	v1 =	vld [tilespmem:s20+$0x11C10]  }
0x311: {  	[tilespmem:s20+$0xAC00] =	vst v0  }
0x312: {  	s19 =	sadd.s32 $0xFFFFFFFF, s19;
	v0 =	vld [tilespmem:s25+$0x810]  }
0x313: {  	s18 =	sadd.s32 $0xFFFFFFFF, s18;
	p1 =	seq.s32 s19, $0x0;
	v2 =	vld [tilespmem:s23+$0x10]  }
0x314: {  	s19 =	simm.s32 @p1 $0xA;
	s25 =	simm.s32 $0x1;
	s23 =	simm.s32 $0x1  }
.Ltmp12:
0x315: {  	s23 =	simm.s32 @!p1 $0x0;
	p1 =	seq.s32 s18, $0x0;
	(pc) =	sbr.rel @p0 .LBB2_26-.Ltmp12, $4  }
0x316: {  	s23 =	sadd.s32 s23, s0;
	s25 =	simm.s32 @!p1 $0x0  }
0x317: {  	s18 =	simm.s32 @p1 $0x3E8;
	s0 =	smov.u32 s22;
	p2 =	slt.s32 s23, s22;
	v0 =	vadd.f32 v0, v1  }
0x318: {  	s0 =	smov.u32 @p2 s23;
	s23 =	sadd.s32 s25, s24  }
0x319: {  	s24 =	smov.u32 s28;
	s25 =	sshll.u32 s0, $0x9;
	p1 =	slt.s32 s23, s2;
	v0 =	vadd.f32 v2, v0  }
0x31a: {  	s24 =	smov.u32 s2  }
0x31b: {  	v1 =	vld [tilespmem:s21+$0x11C00];
	s25 =	sshra.s32 s25, $0x2;
	[tilespmem:s20+$0xAC10] =	vst v0;
	s24 =	smov.u32 @p1 s23  }
0x31c: {  	v0 =	vld [tilespmem:s25+$0x800];
	s23 =	sshll.u32 s24, $0x9  }
0x31d: {  	s20 =	sshra.s32 s23, $0x2  }
0x31e: {  	v2 =	vld [tilespmem:s20+$0x0];
	_ =	sdelay $0x2  }
0x31f: {  	v0 =	vadd.f32 v0, v1;
	_ =	sdelay $0x1  }
0x320: {  	v0 =	vadd.f32 v2, v0;
	_ =	sdelay $0x1  }
0x321: {  	v1 =	vld [tilespmem:s21+$0x11C10];
	[tilespmem:s21+$0xAC00] =	vst v0  }
0x322: {  	v0 =	vld [tilespmem:s25+$0x810];
	_ =	sdelay $0x1  }
0x323: {  	v2 =	vld [tilespmem:s20+$0x10];
	_ =	sdelay $0x2  }
0x324: {  	v0 =	vadd.f32 v0, v1;
	_ =	sdelay $0x1  }
0x325: {  	v0 =	vadd.f32 v2, v0  }
0x326: {  	s19 =	sadd.s32 $0xFFFFFFFF, s19;
	s26 =	rddreg [dreg:$0x1e]  }
0x327: {  	s28 =	sld [smem:$0x7E4];
	s18 =	sadd.s32 $0xFFFFFFFF, s18;
	s25 =	simm.s32 $0x0;
	[tilespmem:s21+$0xAC10] =	vst v0  }
0x328: {  	[hbm4b:s26+s25] =	stream.linear.scatter [tilespmem:s12], [sflag:$0x5], $0x3800, $0x38;
	[tilespmem:$0x18C00] =	vst v63  }
0x329: {  	p0 =	seq.s32 s19, $0x0;
	p1 =	seq.s32 s18, $0x0;
	s23 =	smov.u32 s22  }
0x32a: {  	[tilespmem:s8], [sflag:$0x3] =	stream.linear.gather [hbm4b:s28+s25], $0x3800, $0x38;
	[tilespmem:$0x18C00] =	vst v63  }
0x32b: {  	s20 =	simm.s32 $0x1;
	s21 =	simm.s32 $0x1;
	_ =	swait.ge [sflag:s13], $0x3800  }
0x32c: {  	s20 =	simm.s32 @!p1 $0x0;
	s21 =	simm.s32 @!p0 $0x0;
	[sflag:s13] =	ssyncset.done $0x0  }
0x32d: {  	s0 =	sadd.s32 s21, s0;
	s21 =	sadd.s32 s20, s24;
	[sflag:s13] =	ssyncadd.s32 $0xFFFFC800  }
0x32e: {  	s20 =	simm.s32 $0x0;
	p2 =	slt.s32 s0, s22;
	_ =	swait.ge [sflag:s16], $0x3800  }
0x32f: {  	s25 =	smov.u32 s2;
	s23 =	smov.u32 @p2 s0;
	[sflag:s16] =	ssyncset.done $0x0  }
0x330: {  	p2 =	slt.s32 s21, s2;
	s0 =	sshll.u32 s23, $0x9;
	[sflag:s16] =	ssyncadd.s32 $0xFFFFC800  }
0x331: {  	s25 =	smov.u32 @p2 s21;
	s0 =	sshra.s32 s0, $0x2;
	v0 =	vld [tilespmem:s20+$0x15400]  }
0x332: {  	s21 =	sshll.u32 s25, $0x9;
	v1 =	vld [tilespmem:s0+$0x800]  }
0x333: {  	s21 =	sshra.s32 s21, $0x2  }
0x334: {  	v2 =	vld [tilespmem:s21+$0x0];
	_ =	sdelay $0x2  }
0x335: {  	v0 =	vadd.f32 v1, v0;
	_ =	sdelay $0x1  }
0x336: {  	v0 =	vadd.f32 v2, v0;
	_ =	sdelay $0x1  }
0x337: {  	v1 =	vld [tilespmem:s20+$0x15410];
	[tilespmem:s20+$0xE400] =	vst v0  }
0x338: {  	s19 =	simm.s32 @p0 $0xA;
	s18 =	simm.s32 @p1 $0x3E8;
	v0 =	vld [tilespmem:s0+$0x810]  }
0x339: {  	s19 =	sadd.s32 $0xFFFFFFFF, s19;
	s18 =	sadd.s32 $0xFFFFFFFF, s18  }
0x33a: {  	p1 =	seq.s32 s18, $0x0;
	p0 =	seq.s32 s19, $0x0;
	v2 =	vld [tilespmem:s21+$0x10];
	s0 =	simm.s32 $0x1  }
0x33b: {  	s18 =	simm.s32 @p1 $0x3E8;
	s0 =	simm.s32 @!p0 $0x0  }
0x33c: {  	s26 =	simm.s32 $0x1;
	s19 =	simm.s32 @p0 $0xA;
	s23 =	sadd.s32 s0, s23  }
0x33d: {  	s26 =	simm.s32 @!p1 $0x0;
	s0 =	smov.u32 s22;
	p0 =	slt.s32 s23, s22;
	v0 =	vadd.f32 v0, v1  }
0x33e: {  	s24 =	simm.s32 $0x400;
	s0 =	smov.u32 @p0 s23;
	s23 =	sadd.s32 s26, s25  }
0x33f: {  	s21 =	simm.s32 $0x80;
	s25 =	sshll.u32 s0, $0x9;
	p1 =	slt.s32 s23, s2;
	v0 =	vadd.f32 v2, v0  }
.LBB2_28:
0x340: {  	s26 =	sshra.s32 s24, $0x2;
	s25 =	sshra.s32 s25, $0x2;
	s28 =	smov.u32 s24  }
0x341: {  	v1 =	vld [tilespmem:s21+$0x15400];
	p0 =	sne.s32 s24, $0xDE00;
	s28 =	sadd.s32 $0x200, s24;
	s24 =	smov.u32 s2  }
0x342: {  	[tilespmem:s20+$0xE410] =	vst v0;
	s24 =	smov.u32 @p1 s23;
	s20 =	smov.u32 s21  }
0x343: {  	s21 =	smov.u32 s26;
	v0 =	vld [tilespmem:s25+$0x800];
	s23 =	sshll.u32 s24, $0x9  }
0x344: {  	s23 =	sshra.s32 s23, $0x2  }
0x345: {  	v2 =	vld [tilespmem:s23+$0x0];
	_ =	sdelay $0x2  }
0x346: {  	v0 =	vadd.f32 v0, v1;
	_ =	sdelay $0x1  }
0x347: {  	v0 =	vadd.f32 v2, v0  }
0x348: {  	v1 =	vld [tilespmem:s20+$0x15410]  }
0x349: {  	[tilespmem:s20+$0xE400] =	vst v0  }
0x34a: {  	s19 =	sadd.s32 $0xFFFFFFFF, s19;
	v0 =	vld [tilespmem:s25+$0x810]  }
0x34b: {  	s18 =	sadd.s32 $0xFFFFFFFF, s18;
	p1 =	seq.s32 s19, $0x0;
	v2 =	vld [tilespmem:s23+$0x10]  }
0x34c: {  	s19 =	simm.s32 @p1 $0xA;
	s25 =	simm.s32 $0x1;
	s23 =	simm.s32 $0x1  }
.Ltmp13:
0x34d: {  	s23 =	simm.s32 @!p1 $0x0;
	p1 =	seq.s32 s18, $0x0;
	(pc) =	sbr.rel @p0 .LBB2_28-.Ltmp13, $4  }
0x34e: {  	s23 =	sadd.s32 s23, s0;
	s25 =	simm.s32 @!p1 $0x0  }
0x34f: {  	s18 =	simm.s32 @p1 $0x3E8;
	s0 =	smov.u32 s22;
	p2 =	slt.s32 s23, s22;
	v0 =	vadd.f32 v0, v1  }
0x350: {  	s0 =	smov.u32 @p2 s23;
	s23 =	sadd.s32 s25, s24  }
0x351: {  	s24 =	smov.u32 s28;
	s25 =	sshll.u32 s0, $0x9;
	p1 =	slt.s32 s23, s2;
	v0 =	vadd.f32 v2, v0  }
0x352: {  	s24 =	smov.u32 s2  }
0x353: {  	v1 =	vld [tilespmem:s21+$0x15400];
	s25 =	sshra.s32 s25, $0x2;
	[tilespmem:s20+$0xE410] =	vst v0;
	s24 =	smov.u32 @p1 s23  }
0x354: {  	v0 =	vld [tilespmem:s25+$0x800];
	s23 =	sshll.u32 s24, $0x9  }
0x355: {  	s20 =	sshra.s32 s23, $0x2  }
0x356: {  	v2 =	vld [tilespmem:s20+$0x0];
	_ =	sdelay $0x2  }
0x357: {  	v0 =	vadd.f32 v0, v1;
	_ =	sdelay $0x1  }
0x358: {  	v0 =	vadd.f32 v2, v0;
	_ =	sdelay $0x1  }
0x359: {  	v1 =	vld [tilespmem:s21+$0x15410];
	[tilespmem:s21+$0xE400] =	vst v0  }
0x35a: {  	v0 =	vld [tilespmem:s25+$0x810];
	_ =	sdelay $0x1  }
0x35b: {  	v2 =	vld [tilespmem:s20+$0x10];
	_ =	sdelay $0x2  }
0x35c: {  	v0 =	vadd.f32 v0, v1;
	_ =	sdelay $0x1  }
0x35d: {  	s26 =	sld [smem:$0x7E3];
	v0 =	vadd.f32 v2, v0  }
0x35e: {  	s19 =	sadd.s32 $0xFFFFFFFF, s19  }
0x35f: {  	s28 =	sld [smem:$0x7E6];
	s18 =	sadd.s32 $0xFFFFFFFF, s18;
	s25 =	simm.s32 $0x0;
	[tilespmem:s21+$0xE410] =	vst v0  }
0x360: {  	[hbm4b:s26+s25] =	stream.linear.scatter [tilespmem:s14], [sflag:$0x6], $0x3800, $0x38;
	[tilespmem:$0x18C00] =	vst v63  }
0x361: {  	p0 =	seq.s32 s19, $0x0;
	p1 =	seq.s32 s18, $0x0;
	s23 =	smov.u32 s22  }
0x362: {  	[tilespmem:s10], [sflag:$0x4] =	stream.linear.gather [hbm4b:s28+s25], $0x3800, $0x38;
	[tilespmem:$0x18C00] =	vst v63  }
0x363: {  	s20 =	simm.s32 $0x1;
	s21 =	simm.s32 $0x1;
	_ =	swait.ge [sflag:s11], $0x3800  }
0x364: {  	s20 =	simm.s32 @!p1 $0x0;
	s21 =	simm.s32 @!p0 $0x0;
	[sflag:s11] =	ssyncset.done $0x0  }
0x365: {  	s0 =	sadd.s32 s21, s0;
	s21 =	sadd.s32 s20, s24;
	[sflag:s11] =	ssyncadd.s32 $0xFFFFC800  }
0x366: {  	s20 =	simm.s32 $0x0;
	p2 =	slt.s32 s0, s22;
	_ =	swait.ge [sflag:s15], $0x3800  }
0x367: {  	s25 =	smov.u32 s2;
	s23 =	smov.u32 @p2 s0;
	[sflag:s15] =	ssyncset.done $0x0  }
0x368: {  	p2 =	slt.s32 s21, s2;
	s0 =	sshll.u32 s23, $0x9;
	[sflag:s15] =	ssyncadd.s32 $0xFFFFC800  }
0x369: {  	s25 =	smov.u32 @p2 s21;
	s0 =	sshra.s32 s0, $0x2;
	v0 =	vld [tilespmem:s20+$0x11C00]  }
0x36a: {  	s21 =	sshll.u32 s25, $0x9;
	v1 =	vld [tilespmem:s0+$0x800]  }
0x36b: {  	s21 =	sshra.s32 s21, $0x2  }
0x36c: {  	v2 =	vld [tilespmem:s21+$0x0];
	_ =	sdelay $0x2  }
0x36d: {  	v0 =	vadd.f32 v1, v0;
	_ =	sdelay $0x1  }
0x36e: {  	v0 =	vadd.f32 v2, v0;
	_ =	sdelay $0x1  }
0x36f: {  	v1 =	vld [tilespmem:s20+$0x11C10];
	[tilespmem:s20+$0xAC00] =	vst v0  }
0x370: {  	s19 =	simm.s32 @p0 $0xA;
	s18 =	simm.s32 @p1 $0x3E8;
	v0 =	vld [tilespmem:s0+$0x810]  }
0x371: {  	s19 =	sadd.s32 $0xFFFFFFFF, s19;
	s18 =	sadd.s32 $0xFFFFFFFF, s18  }
0x372: {  	p1 =	seq.s32 s18, $0x0;
	p0 =	seq.s32 s19, $0x0;
	v2 =	vld [tilespmem:s21+$0x10];
	s0 =	simm.s32 $0x1  }
0x373: {  	s18 =	simm.s32 @p1 $0x3E8;
	s0 =	simm.s32 @!p0 $0x0  }
0x374: {  	s26 =	simm.s32 $0x1;
	s19 =	simm.s32 @p0 $0xA;
	s23 =	sadd.s32 s0, s23  }
0x375: {  	s26 =	simm.s32 @!p1 $0x0;
	s0 =	smov.u32 s22;
	p0 =	slt.s32 s23, s22;
	v0 =	vadd.f32 v0, v1  }
0x376: {  	s24 =	simm.s32 $0x400;
	s0 =	smov.u32 @p0 s23;
	s23 =	sadd.s32 s26, s25  }
0x377: {  	s21 =	simm.s32 $0x80;
	s25 =	sshll.u32 s0, $0x9;
	p1 =	slt.s32 s23, s2;
	v0 =	vadd.f32 v2, v0  }
.LBB2_30:
0x378: {  	s26 =	sshra.s32 s24, $0x2;
	s25 =	sshra.s32 s25, $0x2;
	s28 =	smov.u32 s24  }
0x379: {  	v1 =	vld [tilespmem:s21+$0x11C00];
	p0 =	sne.s32 s24, $0xDE00;
	s28 =	sadd.s32 $0x200, s24;
	s24 =	smov.u32 s2  }
0x37a: {  	[tilespmem:s20+$0xAC10] =	vst v0;
	s24 =	smov.u32 @p1 s23;
	s20 =	smov.u32 s21  }
0x37b: {  	s21 =	smov.u32 s26;
	v0 =	vld [tilespmem:s25+$0x800];
	s23 =	sshll.u32 s24, $0x9  }
0x37c: {  	s23 =	sshra.s32 s23, $0x2  }
0x37d: {  	v2 =	vld [tilespmem:s23+$0x0];
	_ =	sdelay $0x2  }
0x37e: {  	v0 =	vadd.f32 v0, v1;
	_ =	sdelay $0x1  }
0x37f: {  	v0 =	vadd.f32 v2, v0  }
0x380: {  	v1 =	vld [tilespmem:s20+$0x11C10]  }
0x381: {  	[tilespmem:s20+$0xAC00] =	vst v0  }
0x382: {  	s19 =	sadd.s32 $0xFFFFFFFF, s19;
	v0 =	vld [tilespmem:s25+$0x810]  }
0x383: {  	s18 =	sadd.s32 $0xFFFFFFFF, s18;
	p1 =	seq.s32 s19, $0x0;
	v2 =	vld [tilespmem:s23+$0x10]  }
0x384: {  	s19 =	simm.s32 @p1 $0xA;
	s25 =	simm.s32 $0x1;
	s23 =	simm.s32 $0x1  }
.Ltmp14:
0x385: {  	s23 =	simm.s32 @!p1 $0x0;
	p1 =	seq.s32 s18, $0x0;
	(pc) =	sbr.rel @p0 .LBB2_30-.Ltmp14, $4  }
0x386: {  	s23 =	sadd.s32 s23, s0;
	s25 =	simm.s32 @!p1 $0x0  }
0x387: {  	s18 =	simm.s32 @p1 $0x3E8;
	s0 =	smov.u32 s22;
	p2 =	slt.s32 s23, s22;
	v0 =	vadd.f32 v0, v1  }
0x388: {  	s0 =	smov.u32 @p2 s23;
	s23 =	sadd.s32 s25, s24  }
0x389: {  	s24 =	smov.u32 s28;
	s25 =	sshll.u32 s0, $0x9;
	p1 =	slt.s32 s23, s2;
	v0 =	vadd.f32 v2, v0  }
0x38a: {  	s24 =	smov.u32 s2  }
0x38b: {  	v1 =	vld [tilespmem:s21+$0x11C00];
	s25 =	sshra.s32 s25, $0x2;
	[tilespmem:s20+$0xAC10] =	vst v0;
	s24 =	smov.u32 @p1 s23  }
0x38c: {  	v0 =	vld [tilespmem:s25+$0x800];
	s23 =	sshll.u32 s24, $0x9  }
0x38d: {  	s20 =	sshra.s32 s23, $0x2  }
0x38e: {  	v2 =	vld [tilespmem:s20+$0x0];
	_ =	sdelay $0x2  }
0x38f: {  	v0 =	vadd.f32 v0, v1;
	_ =	sdelay $0x1  }
0x390: {  	v0 =	vadd.f32 v2, v0;
	_ =	sdelay $0x1  }
0x391: {  	v1 =	vld [tilespmem:s21+$0x11C10];
	[tilespmem:s21+$0xAC00] =	vst v0  }
0x392: {  	v0 =	vld [tilespmem:s25+$0x810];
	_ =	sdelay $0x1  }
0x393: {  	v2 =	vld [tilespmem:s20+$0x10];
	_ =	sdelay $0x2  }
0x394: {  	v0 =	vadd.f32 v0, v1;
	_ =	sdelay $0x1  }
0x395: {  	s26 =	sld [smem:$0x7E5];
	v0 =	vadd.f32 v2, v0  }
0x396: {  	s19 =	sadd.s32 $0xFFFFFFFF, s19  }
0x397: {  	s28 =	sld [smem:$0x7E8];
	s18 =	sadd.s32 $0xFFFFFFFF, s18;
	s25 =	simm.s32 $0x0;
	[tilespmem:s21+$0xAC10] =	vst v0  }
0x398: {  	[hbm4b:s26+s25] =	stream.linear.scatter [tilespmem:s12], [sflag:$0x5], $0x3800, $0x38;
	[tilespmem:$0x18C00] =	vst v63  }
0x399: {  	p0 =	seq.s32 s19, $0x0;
	p1 =	seq.s32 s18, $0x0;
	s23 =	smov.u32 s22  }
0x39a: {  	[tilespmem:s8], [sflag:$0x3] =	stream.linear.gather [hbm4b:s28+s25], $0x3800, $0x38;
	[tilespmem:$0x18C00] =	vst v63  }
0x39b: {  	s20 =	simm.s32 $0x1;
	s21 =	simm.s32 $0x1;
	_ =	swait.ge [sflag:s13], $0x3800  }
0x39c: {  	s20 =	simm.s32 @!p1 $0x0;
	s21 =	simm.s32 @!p0 $0x0;
	[sflag:s13] =	ssyncset.done $0x0  }
0x39d: {  	s0 =	sadd.s32 s21, s0;
	s21 =	sadd.s32 s20, s24;
	[sflag:s13] =	ssyncadd.s32 $0xFFFFC800  }
0x39e: {  	s20 =	simm.s32 $0x0;
	p2 =	slt.s32 s0, s22;
	_ =	swait.ge [sflag:s16], $0x3800  }
0x39f: {  	s25 =	smov.u32 s2;
	s23 =	smov.u32 @p2 s0;
	[sflag:s16] =	ssyncset.done $0x0  }
0x3a0: {  	p2 =	slt.s32 s21, s2;
	s0 =	sshll.u32 s23, $0x9;
	[sflag:s16] =	ssyncadd.s32 $0xFFFFC800  }
0x3a1: {  	s25 =	smov.u32 @p2 s21;
	s0 =	sshra.s32 s0, $0x2;
	v0 =	vld [tilespmem:s20+$0x15400]  }
0x3a2: {  	s21 =	sshll.u32 s25, $0x9;
	v1 =	vld [tilespmem:s0+$0x800]  }
0x3a3: {  	s21 =	sshra.s32 s21, $0x2  }
0x3a4: {  	v2 =	vld [tilespmem:s21+$0x0];
	_ =	sdelay $0x2  }
0x3a5: {  	v0 =	vadd.f32 v1, v0;
	_ =	sdelay $0x1  }
0x3a6: {  	v0 =	vadd.f32 v2, v0;
	_ =	sdelay $0x1  }
0x3a7: {  	v1 =	vld [tilespmem:s20+$0x15410];
	[tilespmem:s20+$0xE400] =	vst v0  }
0x3a8: {  	s19 =	simm.s32 @p0 $0xA;
	s18 =	simm.s32 @p1 $0x3E8;
	v0 =	vld [tilespmem:s0+$0x810]  }
0x3a9: {  	s19 =	sadd.s32 $0xFFFFFFFF, s19;
	s18 =	sadd.s32 $0xFFFFFFFF, s18  }
0x3aa: {  	p1 =	seq.s32 s18, $0x0;
	p0 =	seq.s32 s19, $0x0;
	v2 =	vld [tilespmem:s21+$0x10];
	s0 =	simm.s32 $0x1  }
0x3ab: {  	s18 =	simm.s32 @p1 $0x3E8;
	s0 =	simm.s32 @!p0 $0x0  }
0x3ac: {  	s26 =	simm.s32 $0x1;
	s19 =	simm.s32 @p0 $0xA;
	s23 =	sadd.s32 s0, s23  }
0x3ad: {  	s26 =	simm.s32 @!p1 $0x0;
	s0 =	smov.u32 s22;
	p0 =	slt.s32 s23, s22;
	v0 =	vadd.f32 v0, v1  }
0x3ae: {  	s24 =	simm.s32 $0x400;
	s0 =	smov.u32 @p0 s23;
	s23 =	sadd.s32 s26, s25  }
0x3af: {  	s21 =	simm.s32 $0x80;
	s25 =	sshll.u32 s0, $0x9;
	p1 =	slt.s32 s23, s2;
	v0 =	vadd.f32 v2, v0  }
.LBB2_32:
0x3b0: {  	s26 =	sshra.s32 s24, $0x2;
	s25 =	sshra.s32 s25, $0x2;
	s28 =	smov.u32 s24  }
0x3b1: {  	v1 =	vld [tilespmem:s21+$0x15400];
	p0 =	sne.s32 s24, $0xDE00;
	s28 =	sadd.s32 $0x200, s24;
	s24 =	smov.u32 s2  }
0x3b2: {  	[tilespmem:s20+$0xE410] =	vst v0;
	s24 =	smov.u32 @p1 s23;
	s20 =	smov.u32 s21  }
0x3b3: {  	s21 =	smov.u32 s26;
	v0 =	vld [tilespmem:s25+$0x800];
	s23 =	sshll.u32 s24, $0x9  }
0x3b4: {  	s23 =	sshra.s32 s23, $0x2  }
0x3b5: {  	v2 =	vld [tilespmem:s23+$0x0];
	_ =	sdelay $0x2  }
0x3b6: {  	v0 =	vadd.f32 v0, v1;
	_ =	sdelay $0x1  }
0x3b7: {  	v0 =	vadd.f32 v2, v0  }
0x3b8: {  	v1 =	vld [tilespmem:s20+$0x15410]  }
0x3b9: {  	[tilespmem:s20+$0xE400] =	vst v0  }
0x3ba: {  	s19 =	sadd.s32 $0xFFFFFFFF, s19;
	v0 =	vld [tilespmem:s25+$0x810]  }
0x3bb: {  	s18 =	sadd.s32 $0xFFFFFFFF, s18;
	p1 =	seq.s32 s19, $0x0;
	v2 =	vld [tilespmem:s23+$0x10]  }
0x3bc: {  	s19 =	simm.s32 @p1 $0xA;
	s25 =	simm.s32 $0x1;
	s23 =	simm.s32 $0x1  }
.Ltmp15:
0x3bd: {  	s23 =	simm.s32 @!p1 $0x0;
	p1 =	seq.s32 s18, $0x0;
	(pc) =	sbr.rel @p0 .LBB2_32-.Ltmp15, $4  }
0x3be: {  	s23 =	sadd.s32 s23, s0;
	s25 =	simm.s32 @!p1 $0x0  }
0x3bf: {  	s18 =	simm.s32 @p1 $0x3E8;
	s0 =	smov.u32 s22;
	p2 =	slt.s32 s23, s22;
	v0 =	vadd.f32 v0, v1  }
0x3c0: {  	s0 =	smov.u32 @p2 s23;
	s23 =	sadd.s32 s25, s24  }
0x3c1: {  	s24 =	smov.u32 s28;
	s25 =	sshll.u32 s0, $0x9;
	p1 =	slt.s32 s23, s2;
	v0 =	vadd.f32 v2, v0  }
0x3c2: {  	s24 =	smov.u32 s2  }
0x3c3: {  	v1 =	vld [tilespmem:s21+$0x15400];
	s25 =	sshra.s32 s25, $0x2;
	[tilespmem:s20+$0xE410] =	vst v0;
	s24 =	smov.u32 @p1 s23  }
0x3c4: {  	v0 =	vld [tilespmem:s25+$0x800];
	s23 =	sshll.u32 s24, $0x9  }
0x3c5: {  	s20 =	sshra.s32 s23, $0x2  }
0x3c6: {  	v2 =	vld [tilespmem:s20+$0x0];
	_ =	sdelay $0x2  }
0x3c7: {  	v0 =	vadd.f32 v0, v1;
	_ =	sdelay $0x1  }
0x3c8: {  	v0 =	vadd.f32 v2, v0;
	_ =	sdelay $0x1  }
0x3c9: {  	v1 =	vld [tilespmem:s21+$0x15410];
	[tilespmem:s21+$0xE400] =	vst v0  }
0x3ca: {  	v0 =	vld [tilespmem:s25+$0x810];
	_ =	sdelay $0x1  }
0x3cb: {  	v2 =	vld [tilespmem:s20+$0x10];
	_ =	sdelay $0x2  }
0x3cc: {  	v0 =	vadd.f32 v0, v1;
	_ =	sdelay $0x1  }
0x3cd: {  	s26 =	sld [smem:$0x7E7];
	v0 =	vadd.f32 v2, v0  }
0x3ce: {  	s19 =	sadd.s32 $0xFFFFFFFF, s19  }
0x3cf: {  	s28 =	sld [smem:$0x7EA];
	s18 =	sadd.s32 $0xFFFFFFFF, s18;
	s25 =	simm.s32 $0x0;
	[tilespmem:s21+$0xE410] =	vst v0  }
0x3d0: {  	[hbm4b:s26+s25] =	stream.linear.scatter [tilespmem:s14], [sflag:$0x6], $0x3800, $0x38;
	[tilespmem:$0x18C00] =	vst v63  }
0x3d1: {  	p0 =	seq.s32 s19, $0x0;
	p1 =	seq.s32 s18, $0x0;
	s23 =	smov.u32 s22  }
0x3d2: {  	[tilespmem:s10], [sflag:$0x4] =	stream.linear.gather [hbm4b:s28+s25], $0x3800, $0x38;
	[tilespmem:$0x18C00] =	vst v63  }
0x3d3: {  	s20 =	simm.s32 $0x1;
	s21 =	simm.s32 $0x1;
	_ =	swait.ge [sflag:s11], $0x3800  }
0x3d4: {  	s20 =	simm.s32 @!p1 $0x0;
	s21 =	simm.s32 @!p0 $0x0;
	[sflag:s11] =	ssyncset.done $0x0  }
0x3d5: {  	s0 =	sadd.s32 s21, s0;
	s21 =	sadd.s32 s20, s24;
	[sflag:s11] =	ssyncadd.s32 $0xFFFFC800  }
0x3d6: {  	s20 =	simm.s32 $0x0;
	p2 =	slt.s32 s0, s22;
	_ =	swait.ge [sflag:s15], $0x3800  }
0x3d7: {  	s25 =	smov.u32 s2;
	s23 =	smov.u32 @p2 s0;
	[sflag:s15] =	ssyncset.done $0x0  }
0x3d8: {  	p2 =	slt.s32 s21, s2;
	s0 =	sshll.u32 s23, $0x9;
	[sflag:s15] =	ssyncadd.s32 $0xFFFFC800  }
0x3d9: {  	s25 =	smov.u32 @p2 s21;
	s0 =	sshra.s32 s0, $0x2;
	v0 =	vld [tilespmem:s20+$0x11C00]  }
0x3da: {  	s21 =	sshll.u32 s25, $0x9;
	v1 =	vld [tilespmem:s0+$0x800]  }
0x3db: {  	s21 =	sshra.s32 s21, $0x2  }
0x3dc: {  	v2 =	vld [tilespmem:s21+$0x0];
	_ =	sdelay $0x2  }
0x3dd: {  	v0 =	vadd.f32 v1, v0;
	_ =	sdelay $0x1  }
0x3de: {  	v0 =	vadd.f32 v2, v0;
	_ =	sdelay $0x1  }
0x3df: {  	v1 =	vld [tilespmem:s20+$0x11C10];
	[tilespmem:s20+$0xAC00] =	vst v0  }
0x3e0: {  	s19 =	simm.s32 @p0 $0xA;
	s18 =	simm.s32 @p1 $0x3E8;
	v0 =	vld [tilespmem:s0+$0x810]  }
0x3e1: {  	s19 =	sadd.s32 $0xFFFFFFFF, s19;
	s18 =	sadd.s32 $0xFFFFFFFF, s18  }
0x3e2: {  	p1 =	seq.s32 s18, $0x0;
	p0 =	seq.s32 s19, $0x0;
	v2 =	vld [tilespmem:s21+$0x10];
	s0 =	simm.s32 $0x1  }
0x3e3: {  	s18 =	simm.s32 @p1 $0x3E8;
	s0 =	simm.s32 @!p0 $0x0  }
0x3e4: {  	s26 =	simm.s32 $0x1;
	s19 =	simm.s32 @p0 $0xA;
	s23 =	sadd.s32 s0, s23  }
0x3e5: {  	s26 =	simm.s32 @!p1 $0x0;
	s0 =	smov.u32 s22;
	p0 =	slt.s32 s23, s22;
	v0 =	vadd.f32 v0, v1  }
0x3e6: {  	s24 =	simm.s32 $0x400;
	s0 =	smov.u32 @p0 s23;
	s23 =	sadd.s32 s26, s25  }
0x3e7: {  	s21 =	simm.s32 $0x80;
	s25 =	sshll.u32 s0, $0x9;
	p1 =	slt.s32 s23, s2;
	v0 =	vadd.f32 v2, v0  }
.LBB2_34:
0x3e8: {  	s26 =	sshra.s32 s24, $0x2;
	s25 =	sshra.s32 s25, $0x2;
	s28 =	smov.u32 s24  }
0x3e9: {  	v1 =	vld [tilespmem:s21+$0x11C00];
	p0 =	sne.s32 s24, $0xDE00;
	s28 =	sadd.s32 $0x200, s24;
	s24 =	smov.u32 s2  }
0x3ea: {  	[tilespmem:s20+$0xAC10] =	vst v0;
	s24 =	smov.u32 @p1 s23;
	s20 =	smov.u32 s21  }
0x3eb: {  	s21 =	smov.u32 s26;
	v0 =	vld [tilespmem:s25+$0x800];
	s23 =	sshll.u32 s24, $0x9  }
0x3ec: {  	s23 =	sshra.s32 s23, $0x2  }
0x3ed: {  	v2 =	vld [tilespmem:s23+$0x0];
	_ =	sdelay $0x2  }
0x3ee: {  	v0 =	vadd.f32 v0, v1;
	_ =	sdelay $0x1  }
0x3ef: {  	v0 =	vadd.f32 v2, v0  }
0x3f0: {  	v1 =	vld [tilespmem:s20+$0x11C10]  }
0x3f1: {  	[tilespmem:s20+$0xAC00] =	vst v0  }
0x3f2: {  	s19 =	sadd.s32 $0xFFFFFFFF, s19;
	v0 =	vld [tilespmem:s25+$0x810]  }
0x3f3: {  	s18 =	sadd.s32 $0xFFFFFFFF, s18;
	p1 =	seq.s32 s19, $0x0;
	v2 =	vld [tilespmem:s23+$0x10]  }
0x3f4: {  	s19 =	simm.s32 @p1 $0xA;
	s25 =	simm.s32 $0x1;
	s23 =	simm.s32 $0x1  }
.Ltmp16:
0x3f5: {  	s23 =	simm.s32 @!p1 $0x0;
	p1 =	seq.s32 s18, $0x0;
	(pc) =	sbr.rel @p0 .LBB2_34-.Ltmp16, $4  }
0x3f6: {  	s23 =	sadd.s32 s23, s0;
	s25 =	simm.s32 @!p1 $0x0  }
0x3f7: {  	s18 =	simm.s32 @p1 $0x3E8;
	s0 =	smov.u32 s22;
	p2 =	slt.s32 s23, s22;
	v0 =	vadd.f32 v0, v1  }
0x3f8: {  	s0 =	smov.u32 @p2 s23;
	s23 =	sadd.s32 s25, s24  }
0x3f9: {  	s24 =	smov.u32 s28;
	s25 =	sshll.u32 s0, $0x9;
	p1 =	slt.s32 s23, s2;
	v0 =	vadd.f32 v2, v0  }
0x3fa: {  	s24 =	smov.u32 s2  }
0x3fb: {  	v1 =	vld [tilespmem:s21+$0x11C00];
	s25 =	sshra.s32 s25, $0x2;
	[tilespmem:s20+$0xAC10] =	vst v0;
	s24 =	smov.u32 @p1 s23  }
0x3fc: {  	v0 =	vld [tilespmem:s25+$0x800];
	s23 =	sshll.u32 s24, $0x9  }
0x3fd: {  	s20 =	sshra.s32 s23, $0x2  }
0x3fe: {  	v2 =	vld [tilespmem:s20+$0x0];
	_ =	sdelay $0x2  }
0x3ff: {  	v0 =	vadd.f32 v0, v1;
	_ =	sdelay $0x1  }
0x400: {  	v0 =	vadd.f32 v2, v0;
	_ =	sdelay $0x1  }
0x401: {  	v1 =	vld [tilespmem:s21+$0x11C10];
	[tilespmem:s21+$0xAC00] =	vst v0  }
0x402: {  	v0 =	vld [tilespmem:s25+$0x810];
	_ =	sdelay $0x1  }
0x403: {  	v2 =	vld [tilespmem:s20+$0x10];
	_ =	sdelay $0x2  }
0x404: {  	v0 =	vadd.f32 v0, v1;
	_ =	sdelay $0x1  }
0x405: {  	s26 =	sld [smem:$0x7E9];
	v0 =	vadd.f32 v2, v0  }
0x406: {  	s19 =	sadd.s32 $0xFFFFFFFF, s19  }
0x407: {  	s28 =	sld [smem:$0x7EC];
	s18 =	sadd.s32 $0xFFFFFFFF, s18;
	s25 =	simm.s32 $0x0;
	[tilespmem:s21+$0xAC10] =	vst v0  }
0x408: {  	[hbm4b:s26+s25] =	stream.linear.scatter [tilespmem:s12], [sflag:$0x5], $0x3800, $0x38;
	[tilespmem:$0x18C00] =	vst v63  }
0x409: {  	p0 =	seq.s32 s19, $0x0;
	p1 =	seq.s32 s18, $0x0;
	s23 =	smov.u32 s22  }
0x40a: {  	[tilespmem:s8], [sflag:$0x3] =	stream.linear.gather [hbm4b:s28+s25], $0x3800, $0x38;
	[tilespmem:$0x18C00] =	vst v63  }
0x40b: {  	s20 =	simm.s32 $0x1;
	s21 =	simm.s32 $0x1;
	_ =	swait.ge [sflag:s13], $0x3800  }
0x40c: {  	s20 =	simm.s32 @!p1 $0x0;
	s21 =	simm.s32 @!p0 $0x0;
	[sflag:s13] =	ssyncset.done $0x0  }
0x40d: {  	s0 =	sadd.s32 s21, s0;
	s21 =	sadd.s32 s20, s24;
	[sflag:s13] =	ssyncadd.s32 $0xFFFFC800  }
0x40e: {  	s20 =	simm.s32 $0x0;
	p2 =	slt.s32 s0, s22;
	_ =	swait.ge [sflag:s16], $0x3800  }
0x40f: {  	s25 =	smov.u32 s2;
	s23 =	smov.u32 @p2 s0;
	[sflag:s16] =	ssyncset.done $0x0  }
0x410: {  	p2 =	slt.s32 s21, s2;
	s0 =	sshll.u32 s23, $0x9;
	[sflag:s16] =	ssyncadd.s32 $0xFFFFC800  }
0x411: {  	s25 =	smov.u32 @p2 s21;
	s0 =	sshra.s32 s0, $0x2;
	v0 =	vld [tilespmem:s20+$0x15400]  }
0x412: {  	s21 =	sshll.u32 s25, $0x9;
	v1 =	vld [tilespmem:s0+$0x800]  }
0x413: {  	s21 =	sshra.s32 s21, $0x2  }
0x414: {  	v2 =	vld [tilespmem:s21+$0x0];
	_ =	sdelay $0x2  }
0x415: {  	v0 =	vadd.f32 v1, v0;
	_ =	sdelay $0x1  }
0x416: {  	v0 =	vadd.f32 v2, v0;
	_ =	sdelay $0x1  }
0x417: {  	v1 =	vld [tilespmem:s20+$0x15410];
	[tilespmem:s20+$0xE400] =	vst v0  }
0x418: {  	s19 =	simm.s32 @p0 $0xA;
	s18 =	simm.s32 @p1 $0x3E8;
	v0 =	vld [tilespmem:s0+$0x810]  }
0x419: {  	s19 =	sadd.s32 $0xFFFFFFFF, s19;
	s18 =	sadd.s32 $0xFFFFFFFF, s18  }
0x41a: {  	p1 =	seq.s32 s18, $0x0;
	p0 =	seq.s32 s19, $0x0;
	v2 =	vld [tilespmem:s21+$0x10];
	s0 =	simm.s32 $0x1  }
0x41b: {  	s18 =	simm.s32 @p1 $0x3E8;
	s0 =	simm.s32 @!p0 $0x0  }
0x41c: {  	s26 =	simm.s32 $0x1;
	s19 =	simm.s32 @p0 $0xA;
	s23 =	sadd.s32 s0, s23  }
0x41d: {  	s26 =	simm.s32 @!p1 $0x0;
	s0 =	smov.u32 s22;
	p0 =	slt.s32 s23, s22;
	v0 =	vadd.f32 v0, v1  }
0x41e: {  	s24 =	simm.s32 $0x400;
	s0 =	smov.u32 @p0 s23;
	s23 =	sadd.s32 s26, s25  }
0x41f: {  	s21 =	simm.s32 $0x80;
	s25 =	sshll.u32 s0, $0x9;
	p1 =	slt.s32 s23, s2;
	v0 =	vadd.f32 v2, v0  }
.LBB2_36:
0x420: {  	s26 =	sshra.s32 s24, $0x2;
	s25 =	sshra.s32 s25, $0x2;
	s28 =	smov.u32 s24  }
0x421: {  	v1 =	vld [tilespmem:s21+$0x15400];
	p0 =	sne.s32 s24, $0xDE00;
	s28 =	sadd.s32 $0x200, s24;
	s24 =	smov.u32 s2  }
0x422: {  	[tilespmem:s20+$0xE410] =	vst v0;
	s24 =	smov.u32 @p1 s23;
	s20 =	smov.u32 s21  }
0x423: {  	s21 =	smov.u32 s26;
	v0 =	vld [tilespmem:s25+$0x800];
	s23 =	sshll.u32 s24, $0x9  }
0x424: {  	s23 =	sshra.s32 s23, $0x2  }
0x425: {  	v2 =	vld [tilespmem:s23+$0x0];
	_ =	sdelay $0x2  }
0x426: {  	v0 =	vadd.f32 v0, v1;
	_ =	sdelay $0x1  }
0x427: {  	v0 =	vadd.f32 v2, v0  }
0x428: {  	v1 =	vld [tilespmem:s20+$0x15410]  }
0x429: {  	[tilespmem:s20+$0xE400] =	vst v0  }
0x42a: {  	s19 =	sadd.s32 $0xFFFFFFFF, s19;
	v0 =	vld [tilespmem:s25+$0x810]  }
0x42b: {  	s18 =	sadd.s32 $0xFFFFFFFF, s18;
	p1 =	seq.s32 s19, $0x0;
	v2 =	vld [tilespmem:s23+$0x10]  }
0x42c: {  	s19 =	simm.s32 @p1 $0xA;
	s25 =	simm.s32 $0x1;
	s23 =	simm.s32 $0x1  }
.Ltmp17:
0x42d: {  	s23 =	simm.s32 @!p1 $0x0;
	p1 =	seq.s32 s18, $0x0;
	(pc) =	sbr.rel @p0 .LBB2_36-.Ltmp17, $4  }
0x42e: {  	s23 =	sadd.s32 s23, s0;
	s25 =	simm.s32 @!p1 $0x0  }
0x42f: {  	s18 =	simm.s32 @p1 $0x3E8;
	s0 =	smov.u32 s22;
	p2 =	slt.s32 s23, s22;
	v0 =	vadd.f32 v0, v1  }
0x430: {  	s0 =	smov.u32 @p2 s23;
	s23 =	sadd.s32 s25, s24  }
0x431: {  	s24 =	smov.u32 s28;
	s25 =	sshll.u32 s0, $0x9;
	p1 =	slt.s32 s23, s2;
	v0 =	vadd.f32 v2, v0  }
0x432: {  	s24 =	smov.u32 s2  }
0x433: {  	v1 =	vld [tilespmem:s21+$0x15400];
	s25 =	sshra.s32 s25, $0x2;
	[tilespmem:s20+$0xE410] =	vst v0;
	s24 =	smov.u32 @p1 s23  }
0x434: {  	v0 =	vld [tilespmem:s25+$0x800];
	s23 =	sshll.u32 s24, $0x9  }
0x435: {  	s20 =	sshra.s32 s23, $0x2  }
0x436: {  	v2 =	vld [tilespmem:s20+$0x0];
	_ =	sdelay $0x2  }
0x437: {  	v0 =	vadd.f32 v0, v1;
	_ =	sdelay $0x1  }
0x438: {  	v0 =	vadd.f32 v2, v0;
	_ =	sdelay $0x1  }
0x439: {  	v1 =	vld [tilespmem:s21+$0x15410];
	[tilespmem:s21+$0xE400] =	vst v0  }
0x43a: {  	v0 =	vld [tilespmem:s25+$0x810];
	_ =	sdelay $0x1  }
0x43b: {  	v2 =	vld [tilespmem:s20+$0x10];
	_ =	sdelay $0x2  }
0x43c: {  	v0 =	vadd.f32 v0, v1;
	_ =	sdelay $0x1  }
0x43d: {  	s26 =	sld [smem:$0x7EB];
	v0 =	vadd.f32 v2, v0  }
0x43e: {  	s19 =	sadd.s32 $0xFFFFFFFF, s19  }
0x43f: {  	s28 =	sld [smem:$0x7EE];
	s18 =	sadd.s32 $0xFFFFFFFF, s18;
	s25 =	simm.s32 $0x0;
	[tilespmem:s21+$0xE410] =	vst v0  }
0x440: {  	[hbm4b:s26+s25] =	stream.linear.scatter [tilespmem:s14], [sflag:$0x6], $0x3800, $0x38;
	[tilespmem:$0x18C00] =	vst v63  }
0x441: {  	p0 =	seq.s32 s19, $0x0;
	p1 =	seq.s32 s18, $0x0;
	s23 =	smov.u32 s22  }
0x442: {  	[tilespmem:s10], [sflag:$0x4] =	stream.linear.gather [hbm4b:s28+s25], $0x3800, $0x38;
	[tilespmem:$0x18C00] =	vst v63  }
0x443: {  	s20 =	simm.s32 $0x1;
	s21 =	simm.s32 $0x1;
	_ =	swait.ge [sflag:s11], $0x3800  }
0x444: {  	s20 =	simm.s32 @!p1 $0x0;
	s21 =	simm.s32 @!p0 $0x0;
	[sflag:s11] =	ssyncset.done $0x0  }
0x445: {  	s0 =	sadd.s32 s21, s0;
	s21 =	sadd.s32 s20, s24;
	[sflag:s11] =	ssyncadd.s32 $0xFFFFC800  }
0x446: {  	s20 =	simm.s32 $0x0;
	p2 =	slt.s32 s0, s22;
	_ =	swait.ge [sflag:s15], $0x3800  }
0x447: {  	s25 =	smov.u32 s2;
	s23 =	smov.u32 @p2 s0;
	[sflag:s15] =	ssyncset.done $0x0  }
0x448: {  	p2 =	slt.s32 s21, s2;
	s0 =	sshll.u32 s23, $0x9;
	[sflag:s15] =	ssyncadd.s32 $0xFFFFC800  }
0x449: {  	s25 =	smov.u32 @p2 s21;
	s0 =	sshra.s32 s0, $0x2;
	v0 =	vld [tilespmem:s20+$0x11C00]  }
0x44a: {  	s21 =	sshll.u32 s25, $0x9;
	v1 =	vld [tilespmem:s0+$0x800]  }
0x44b: {  	s21 =	sshra.s32 s21, $0x2  }
0x44c: {  	v2 =	vld [tilespmem:s21+$0x0];
	_ =	sdelay $0x2  }
0x44d: {  	v0 =	vadd.f32 v1, v0;
	_ =	sdelay $0x1  }
0x44e: {  	v0 =	vadd.f32 v2, v0;
	_ =	sdelay $0x1  }
0x44f: {  	v1 =	vld [tilespmem:s20+$0x11C10];
	[tilespmem:s20+$0xAC00] =	vst v0  }
0x450: {  	s19 =	simm.s32 @p0 $0xA;
	s18 =	simm.s32 @p1 $0x3E8;
	v0 =	vld [tilespmem:s0+$0x810]  }
0x451: {  	s19 =	sadd.s32 $0xFFFFFFFF, s19;
	s18 =	sadd.s32 $0xFFFFFFFF, s18  }
0x452: {  	p1 =	seq.s32 s18, $0x0;
	p0 =	seq.s32 s19, $0x0;
	v2 =	vld [tilespmem:s21+$0x10];
	s0 =	simm.s32 $0x1  }
0x453: {  	s18 =	simm.s32 @p1 $0x3E8;
	s0 =	simm.s32 @!p0 $0x0  }
0x454: {  	s26 =	simm.s32 $0x1;
	s19 =	simm.s32 @p0 $0xA;
	s23 =	sadd.s32 s0, s23  }
0x455: {  	s26 =	simm.s32 @!p1 $0x0;
	s0 =	smov.u32 s22;
	p0 =	slt.s32 s23, s22;
	v0 =	vadd.f32 v0, v1  }
0x456: {  	s24 =	simm.s32 $0x400;
	s0 =	smov.u32 @p0 s23;
	s23 =	sadd.s32 s26, s25  }
0x457: {  	s21 =	simm.s32 $0x80;
	s25 =	sshll.u32 s0, $0x9;
	p1 =	slt.s32 s23, s2;
	v0 =	vadd.f32 v2, v0  }
.LBB2_38:
0x458: {  	s26 =	sshra.s32 s24, $0x2;
	s25 =	sshra.s32 s25, $0x2;
	s28 =	smov.u32 s24  }
0x459: {  	v1 =	vld [tilespmem:s21+$0x11C00];
	p0 =	sne.s32 s24, $0xDE00;
	s28 =	sadd.s32 $0x200, s24;
	s24 =	smov.u32 s2  }
0x45a: {  	[tilespmem:s20+$0xAC10] =	vst v0;
	s24 =	smov.u32 @p1 s23;
	s20 =	smov.u32 s21  }
0x45b: {  	s21 =	smov.u32 s26;
	v0 =	vld [tilespmem:s25+$0x800];
	s23 =	sshll.u32 s24, $0x9  }
0x45c: {  	s23 =	sshra.s32 s23, $0x2  }
0x45d: {  	v2 =	vld [tilespmem:s23+$0x0];
	_ =	sdelay $0x2  }
0x45e: {  	v0 =	vadd.f32 v0, v1;
	_ =	sdelay $0x1  }
0x45f: {  	v0 =	vadd.f32 v2, v0  }
0x460: {  	v1 =	vld [tilespmem:s20+$0x11C10]  }
0x461: {  	[tilespmem:s20+$0xAC00] =	vst v0  }
0x462: {  	s19 =	sadd.s32 $0xFFFFFFFF, s19;
	v0 =	vld [tilespmem:s25+$0x810]  }
0x463: {  	s18 =	sadd.s32 $0xFFFFFFFF, s18;
	p1 =	seq.s32 s19, $0x0;
	v2 =	vld [tilespmem:s23+$0x10]  }
0x464: {  	s19 =	simm.s32 @p1 $0xA;
	s25 =	simm.s32 $0x1;
	s23 =	simm.s32 $0x1  }
.Ltmp18:
0x465: {  	s23 =	simm.s32 @!p1 $0x0;
	p1 =	seq.s32 s18, $0x0;
	(pc) =	sbr.rel @p0 .LBB2_38-.Ltmp18, $4  }
0x466: {  	s23 =	sadd.s32 s23, s0;
	s25 =	simm.s32 @!p1 $0x0  }
0x467: {  	s18 =	simm.s32 @p1 $0x3E8;
	s0 =	smov.u32 s22;
	p2 =	slt.s32 s23, s22;
	v0 =	vadd.f32 v0, v1  }
0x468: {  	s0 =	smov.u32 @p2 s23;
	s23 =	sadd.s32 s25, s24  }
0x469: {  	s24 =	smov.u32 s28;
	s25 =	sshll.u32 s0, $0x9;
	p1 =	slt.s32 s23, s2;
	v0 =	vadd.f32 v2, v0  }
0x46a: {  	s24 =	smov.u32 s2  }
0x46b: {  	v1 =	vld [tilespmem:s21+$0x11C00];
	s25 =	sshra.s32 s25, $0x2;
	[tilespmem:s20+$0xAC10] =	vst v0;
	s24 =	smov.u32 @p1 s23  }
0x46c: {  	v0 =	vld [tilespmem:s25+$0x800];
	s23 =	sshll.u32 s24, $0x9  }
0x46d: {  	s20 =	sshra.s32 s23, $0x2  }
0x46e: {  	v2 =	vld [tilespmem:s20+$0x0];
	_ =	sdelay $0x2  }
0x46f: {  	v0 =	vadd.f32 v0, v1;
	_ =	sdelay $0x1  }
0x470: {  	v0 =	vadd.f32 v2, v0;
	_ =	sdelay $0x1  }
0x471: {  	v1 =	vld [tilespmem:s21+$0x11C10];
	[tilespmem:s21+$0xAC00] =	vst v0  }
0x472: {  	v0 =	vld [tilespmem:s25+$0x810];
	_ =	sdelay $0x1  }
0x473: {  	v2 =	vld [tilespmem:s20+$0x10];
	_ =	sdelay $0x2  }
0x474: {  	v0 =	vadd.f32 v0, v1;
	_ =	sdelay $0x1  }
0x475: {  	s26 =	sld [smem:$0x7ED];
	v0 =	vadd.f32 v2, v0  }
0x476: {  	s19 =	sadd.s32 $0xFFFFFFFF, s19  }
0x477: {  	s28 =	sld [smem:$0x7F0];
	s18 =	sadd.s32 $0xFFFFFFFF, s18;
	s25 =	simm.s32 $0x0;
	[tilespmem:s21+$0xAC10] =	vst v0  }
0x478: {  	[hbm4b:s26+s25] =	stream.linear.scatter [tilespmem:s12], [sflag:$0x5], $0x3800, $0x38;
	[tilespmem:$0x18C00] =	vst v63  }
0x479: {  	p0 =	seq.s32 s19, $0x0;
	p1 =	seq.s32 s18, $0x0;
	s23 =	smov.u32 s22  }
0x47a: {  	[tilespmem:s8], [sflag:$0x3] =	stream.linear.gather [hbm4b:s28+s25], $0x3800, $0x38;
	[tilespmem:$0x18C00] =	vst v63  }
0x47b: {  	s20 =	simm.s32 $0x1;
	s21 =	simm.s32 $0x1;
	_ =	swait.ge [sflag:s13], $0x3800  }
0x47c: {  	s20 =	simm.s32 @!p1 $0x0;
	s21 =	simm.s32 @!p0 $0x0;
	[sflag:s13] =	ssyncset.done $0x0  }
0x47d: {  	s0 =	sadd.s32 s21, s0;
	s21 =	sadd.s32 s20, s24;
	[sflag:s13] =	ssyncadd.s32 $0xFFFFC800  }
0x47e: {  	s20 =	simm.s32 $0x0;
	p2 =	slt.s32 s0, s22;
	_ =	swait.ge [sflag:s16], $0x3800  }
0x47f: {  	s25 =	smov.u32 s2;
	s23 =	smov.u32 @p2 s0;
	[sflag:s16] =	ssyncset.done $0x0  }
0x480: {  	p2 =	slt.s32 s21, s2;
	s0 =	sshll.u32 s23, $0x9;
	[sflag:s16] =	ssyncadd.s32 $0xFFFFC800  }
0x481: {  	s25 =	smov.u32 @p2 s21;
	s0 =	sshra.s32 s0, $0x2;
	v0 =	vld [tilespmem:s20+$0x15400]  }
0x482: {  	s21 =	sshll.u32 s25, $0x9;
	v1 =	vld [tilespmem:s0+$0x800]  }
0x483: {  	s21 =	sshra.s32 s21, $0x2  }
0x484: {  	v2 =	vld [tilespmem:s21+$0x0];
	_ =	sdelay $0x2  }
0x485: {  	v0 =	vadd.f32 v1, v0;
	_ =	sdelay $0x1  }
0x486: {  	v0 =	vadd.f32 v2, v0;
	_ =	sdelay $0x1  }
0x487: {  	v1 =	vld [tilespmem:s20+$0x15410];
	[tilespmem:s20+$0xE400] =	vst v0  }
0x488: {  	s19 =	simm.s32 @p0 $0xA;
	s18 =	simm.s32 @p1 $0x3E8;
	v0 =	vld [tilespmem:s0+$0x810]  }
0x489: {  	s19 =	sadd.s32 $0xFFFFFFFF, s19;
	s18 =	sadd.s32 $0xFFFFFFFF, s18  }
0x48a: {  	p1 =	seq.s32 s18, $0x0;
	p0 =	seq.s32 s19, $0x0;
	v2 =	vld [tilespmem:s21+$0x10];
	s0 =	simm.s32 $0x1  }
0x48b: {  	s18 =	simm.s32 @p1 $0x3E8;
	s0 =	simm.s32 @!p0 $0x0  }
0x48c: {  	s26 =	simm.s32 $0x1;
	s19 =	simm.s32 @p0 $0xA;
	s23 =	sadd.s32 s0, s23  }
0x48d: {  	s26 =	simm.s32 @!p1 $0x0;
	s0 =	smov.u32 s22;
	p0 =	slt.s32 s23, s22;
	v0 =	vadd.f32 v0, v1  }
0x48e: {  	s24 =	simm.s32 $0x400;
	s0 =	smov.u32 @p0 s23;
	s23 =	sadd.s32 s26, s25  }
0x48f: {  	s21 =	simm.s32 $0x80;
	s25 =	sshll.u32 s0, $0x9;
	p1 =	slt.s32 s23, s2;
	v0 =	vadd.f32 v2, v0  }
.LBB2_40:
0x490: {  	s26 =	sshra.s32 s24, $0x2;
	s25 =	sshra.s32 s25, $0x2;
	s28 =	smov.u32 s24  }
0x491: {  	v1 =	vld [tilespmem:s21+$0x15400];
	p0 =	sne.s32 s24, $0xDE00;
	s28 =	sadd.s32 $0x200, s24;
	s24 =	smov.u32 s2  }
0x492: {  	[tilespmem:s20+$0xE410] =	vst v0;
	s24 =	smov.u32 @p1 s23;
	s20 =	smov.u32 s21  }
0x493: {  	s21 =	smov.u32 s26;
	v0 =	vld [tilespmem:s25+$0x800];
	s23 =	sshll.u32 s24, $0x9  }
0x494: {  	s23 =	sshra.s32 s23, $0x2  }
0x495: {  	v2 =	vld [tilespmem:s23+$0x0];
	_ =	sdelay $0x2  }
0x496: {  	v0 =	vadd.f32 v0, v1;
	_ =	sdelay $0x1  }
0x497: {  	v0 =	vadd.f32 v2, v0  }
0x498: {  	v1 =	vld [tilespmem:s20+$0x15410]  }
0x499: {  	[tilespmem:s20+$0xE400] =	vst v0  }
0x49a: {  	s19 =	sadd.s32 $0xFFFFFFFF, s19;
	v0 =	vld [tilespmem:s25+$0x810]  }
0x49b: {  	s18 =	sadd.s32 $0xFFFFFFFF, s18;
	p1 =	seq.s32 s19, $0x0;
	v2 =	vld [tilespmem:s23+$0x10]  }
0x49c: {  	s19 =	simm.s32 @p1 $0xA;
	s25 =	simm.s32 $0x1;
	s23 =	simm.s32 $0x1  }
.Ltmp19:
0x49d: {  	s23 =	simm.s32 @!p1 $0x0;
	p1 =	seq.s32 s18, $0x0;
	(pc) =	sbr.rel @p0 .LBB2_40-.Ltmp19, $4  }
0x49e: {  	s23 =	sadd.s32 s23, s0;
	s25 =	simm.s32 @!p1 $0x0  }
0x49f: {  	s18 =	simm.s32 @p1 $0x3E8;
	s0 =	smov.u32 s22;
	p2 =	slt.s32 s23, s22;
	v0 =	vadd.f32 v0, v1  }
0x4a0: {  	s0 =	smov.u32 @p2 s23;
	s23 =	sadd.s32 s25, s24  }
0x4a1: {  	s24 =	smov.u32 s28;
	s25 =	sshll.u32 s0, $0x9;
	p1 =	slt.s32 s23, s2;
	v0 =	vadd.f32 v2, v0  }
0x4a2: {  	s24 =	smov.u32 s2  }
0x4a3: {  	v1 =	vld [tilespmem:s21+$0x15400];
	s25 =	sshra.s32 s25, $0x2;
	[tilespmem:s20+$0xE410] =	vst v0;
	s24 =	smov.u32 @p1 s23  }
0x4a4: {  	v0 =	vld [tilespmem:s25+$0x800];
	s23 =	sshll.u32 s24, $0x9  }
0x4a5: {  	s20 =	sshra.s32 s23, $0x2  }
0x4a6: {  	v2 =	vld [tilespmem:s20+$0x0];
	_ =	sdelay $0x2  }
0x4a7: {  	v0 =	vadd.f32 v0, v1;
	_ =	sdelay $0x1  }
0x4a8: {  	v0 =	vadd.f32 v2, v0;
	_ =	sdelay $0x1  }
0x4a9: {  	v1 =	vld [tilespmem:s21+$0x15410];
	[tilespmem:s21+$0xE400] =	vst v0  }
0x4aa: {  	v0 =	vld [tilespmem:s25+$0x810];
	_ =	sdelay $0x1  }
0x4ab: {  	v2 =	vld [tilespmem:s20+$0x10];
	_ =	sdelay $0x2  }
0x4ac: {  	v0 =	vadd.f32 v0, v1;
	_ =	sdelay $0x1  }
0x4ad: {  	s26 =	sld [smem:$0x7EF];
	v0 =	vadd.f32 v2, v0  }
0x4ae: {  	s19 =	sadd.s32 $0xFFFFFFFF, s19  }
0x4af: {  	s28 =	sld [smem:$0x7F2];
	s18 =	sadd.s32 $0xFFFFFFFF, s18;
	s25 =	simm.s32 $0x0;
	[tilespmem:s21+$0xE410] =	vst v0  }
0x4b0: {  	[hbm4b:s26+s25] =	stream.linear.scatter [tilespmem:s14], [sflag:$0x6], $0x3800, $0x38;
	[tilespmem:$0x18C00] =	vst v63  }
0x4b1: {  	p0 =	seq.s32 s19, $0x0;
	p1 =	seq.s32 s18, $0x0;
	s23 =	smov.u32 s22  }
0x4b2: {  	[tilespmem:s10], [sflag:$0x4] =	stream.linear.gather [hbm4b:s28+s25], $0x3800, $0x38;
	[tilespmem:$0x18C00] =	vst v63  }
0x4b3: {  	s20 =	simm.s32 $0x1;
	s21 =	simm.s32 $0x1;
	_ =	swait.ge [sflag:s11], $0x3800  }
0x4b4: {  	s20 =	simm.s32 @!p1 $0x0;
	s21 =	simm.s32 @!p0 $0x0;
	[sflag:s11] =	ssyncset.done $0x0  }
0x4b5: {  	s0 =	sadd.s32 s21, s0;
	s21 =	sadd.s32 s20, s24;
	[sflag:s11] =	ssyncadd.s32 $0xFFFFC800  }
0x4b6: {  	s20 =	simm.s32 $0x0;
	p2 =	slt.s32 s0, s22;
	_ =	swait.ge [sflag:s15], $0x3800  }
0x4b7: {  	s25 =	smov.u32 s2;
	s23 =	smov.u32 @p2 s0;
	[sflag:s15] =	ssyncset.done $0x0  }
0x4b8: {  	p2 =	slt.s32 s21, s2;
	s0 =	sshll.u32 s23, $0x9;
	[sflag:s15] =	ssyncadd.s32 $0xFFFFC800  }
0x4b9: {  	s25 =	smov.u32 @p2 s21;
	s0 =	sshra.s32 s0, $0x2;
	v0 =	vld [tilespmem:s20+$0x11C00]  }
0x4ba: {  	s21 =	sshll.u32 s25, $0x9;
	v1 =	vld [tilespmem:s0+$0x800]  }
0x4bb: {  	s21 =	sshra.s32 s21, $0x2  }
0x4bc: {  	v2 =	vld [tilespmem:s21+$0x0];
	_ =	sdelay $0x2  }
0x4bd: {  	v0 =	vadd.f32 v1, v0;
	_ =	sdelay $0x1  }
0x4be: {  	v0 =	vadd.f32 v2, v0;
	_ =	sdelay $0x1  }
0x4bf: {  	v1 =	vld [tilespmem:s20+$0x11C10];
	[tilespmem:s20+$0xAC00] =	vst v0  }
0x4c0: {  	s19 =	simm.s32 @p0 $0xA;
	s18 =	simm.s32 @p1 $0x3E8;
	v0 =	vld [tilespmem:s0+$0x810]  }
0x4c1: {  	s19 =	sadd.s32 $0xFFFFFFFF, s19;
	s18 =	sadd.s32 $0xFFFFFFFF, s18  }
0x4c2: {  	p1 =	seq.s32 s18, $0x0;
	p0 =	seq.s32 s19, $0x0;
	v2 =	vld [tilespmem:s21+$0x10];
	s0 =	simm.s32 $0x1  }
0x4c3: {  	s18 =	simm.s32 @p1 $0x3E8;
	s0 =	simm.s32 @!p0 $0x0  }
0x4c4: {  	s26 =	simm.s32 $0x1;
	s19 =	simm.s32 @p0 $0xA;
	s23 =	sadd.s32 s0, s23  }
0x4c5: {  	s26 =	simm.s32 @!p1 $0x0;
	s0 =	smov.u32 s22;
	p0 =	slt.s32 s23, s22;
	v0 =	vadd.f32 v0, v1  }
0x4c6: {  	s24 =	simm.s32 $0x400;
	s0 =	smov.u32 @p0 s23;
	s23 =	sadd.s32 s26, s25  }
0x4c7: {  	s21 =	simm.s32 $0x80;
	s25 =	sshll.u32 s0, $0x9;
	p1 =	slt.s32 s23, s2;
	v0 =	vadd.f32 v2, v0  }
.LBB2_42:
0x4c8: {  	s26 =	sshra.s32 s24, $0x2;
	s25 =	sshra.s32 s25, $0x2;
	s28 =	smov.u32 s24  }
0x4c9: {  	v1 =	vld [tilespmem:s21+$0x11C00];
	p0 =	sne.s32 s24, $0xDE00;
	s28 =	sadd.s32 $0x200, s24;
	s24 =	smov.u32 s2  }
0x4ca: {  	[tilespmem:s20+$0xAC10] =	vst v0;
	s24 =	smov.u32 @p1 s23;
	s20 =	smov.u32 s21  }
0x4cb: {  	s21 =	smov.u32 s26;
	v0 =	vld [tilespmem:s25+$0x800];
	s23 =	sshll.u32 s24, $0x9  }
0x4cc: {  	s23 =	sshra.s32 s23, $0x2  }
0x4cd: {  	v2 =	vld [tilespmem:s23+$0x0];
	_ =	sdelay $0x2  }
0x4ce: {  	v0 =	vadd.f32 v0, v1;
	_ =	sdelay $0x1  }
0x4cf: {  	v0 =	vadd.f32 v2, v0  }
0x4d0: {  	v1 =	vld [tilespmem:s20+$0x11C10]  }
0x4d1: {  	[tilespmem:s20+$0xAC00] =	vst v0  }
0x4d2: {  	s19 =	sadd.s32 $0xFFFFFFFF, s19;
	v0 =	vld [tilespmem:s25+$0x810]  }
0x4d3: {  	s18 =	sadd.s32 $0xFFFFFFFF, s18;
	p1 =	seq.s32 s19, $0x0;
	v2 =	vld [tilespmem:s23+$0x10]  }
0x4d4: {  	s19 =	simm.s32 @p1 $0xA;
	s25 =	simm.s32 $0x1;
	s23 =	simm.s32 $0x1  }
.Ltmp20:
0x4d5: {  	s23 =	simm.s32 @!p1 $0x0;
	p1 =	seq.s32 s18, $0x0;
	(pc) =	sbr.rel @p0 .LBB2_42-.Ltmp20, $4  }
0x4d6: {  	s23 =	sadd.s32 s23, s0;
	s25 =	simm.s32 @!p1 $0x0  }
0x4d7: {  	s18 =	simm.s32 @p1 $0x3E8;
	s0 =	smov.u32 s22;
	p2 =	slt.s32 s23, s22;
	v0 =	vadd.f32 v0, v1  }
0x4d8: {  	s0 =	smov.u32 @p2 s23;
	s23 =	sadd.s32 s25, s24  }
0x4d9: {  	s24 =	smov.u32 s28;
	s25 =	sshll.u32 s0, $0x9;
	p1 =	slt.s32 s23, s2;
	v0 =	vadd.f32 v2, v0  }
0x4da: {  	s24 =	smov.u32 s2  }
0x4db: {  	v1 =	vld [tilespmem:s21+$0x11C00];
	s25 =	sshra.s32 s25, $0x2;
	[tilespmem:s20+$0xAC10] =	vst v0;
	s24 =	smov.u32 @p1 s23  }
0x4dc: {  	v0 =	vld [tilespmem:s25+$0x800];
	s23 =	sshll.u32 s24, $0x9  }
0x4dd: {  	s20 =	sshra.s32 s23, $0x2  }
0x4de: {  	v2 =	vld [tilespmem:s20+$0x0];
	_ =	sdelay $0x2  }
0x4df: {  	v0 =	vadd.f32 v0, v1;
	_ =	sdelay $0x1  }
0x4e0: {  	v0 =	vadd.f32 v2, v0;
	_ =	sdelay $0x1  }
0x4e1: {  	v1 =	vld [tilespmem:s21+$0x11C10];
	[tilespmem:s21+$0xAC00] =	vst v0  }
0x4e2: {  	v0 =	vld [tilespmem:s25+$0x810];
	_ =	sdelay $0x1  }
0x4e3: {  	v2 =	vld [tilespmem:s20+$0x10];
	_ =	sdelay $0x2  }
0x4e4: {  	v0 =	vadd.f32 v0, v1;
	_ =	sdelay $0x1  }
0x4e5: {  	s26 =	sld [smem:$0x7F1];
	v0 =	vadd.f32 v2, v0  }
0x4e6: {  	s19 =	sadd.s32 $0xFFFFFFFF, s19  }
0x4e7: {  	s28 =	sld [smem:$0x7F4];
	s18 =	sadd.s32 $0xFFFFFFFF, s18;
	s25 =	simm.s32 $0x0;
	[tilespmem:s21+$0xAC10] =	vst v0  }
0x4e8: {  	[hbm4b:s26+s25] =	stream.linear.scatter [tilespmem:s12], [sflag:$0x5], $0x3800, $0x38;
	[tilespmem:$0x18C00] =	vst v63  }
0x4e9: {  	p0 =	seq.s32 s19, $0x0;
	p1 =	seq.s32 s18, $0x0;
	s23 =	smov.u32 s22  }
0x4ea: {  	[tilespmem:s8], [sflag:$0x3] =	stream.linear.gather [hbm4b:s28+s25], $0x3800, $0x38;
	[tilespmem:$0x18C00] =	vst v63  }
0x4eb: {  	s20 =	simm.s32 $0x1;
	s21 =	simm.s32 $0x1;
	_ =	swait.ge [sflag:s13], $0x3800  }
0x4ec: {  	s20 =	simm.s32 @!p1 $0x0;
	s21 =	simm.s32 @!p0 $0x0;
	[sflag:s13] =	ssyncset.done $0x0  }
0x4ed: {  	s0 =	sadd.s32 s21, s0;
	s21 =	sadd.s32 s20, s24;
	[sflag:s13] =	ssyncadd.s32 $0xFFFFC800  }
0x4ee: {  	s20 =	simm.s32 $0x0;
	p2 =	slt.s32 s0, s22;
	_ =	swait.ge [sflag:s16], $0x3800  }
0x4ef: {  	s25 =	smov.u32 s2;
	s23 =	smov.u32 @p2 s0;
	[sflag:s16] =	ssyncset.done $0x0  }
0x4f0: {  	p2 =	slt.s32 s21, s2;
	s0 =	sshll.u32 s23, $0x9;
	[sflag:s16] =	ssyncadd.s32 $0xFFFFC800  }
0x4f1: {  	s25 =	smov.u32 @p2 s21;
	s0 =	sshra.s32 s0, $0x2;
	v0 =	vld [tilespmem:s20+$0x15400]  }
0x4f2: {  	s21 =	sshll.u32 s25, $0x9;
	v1 =	vld [tilespmem:s0+$0x800]  }
0x4f3: {  	s21 =	sshra.s32 s21, $0x2  }
0x4f4: {  	v2 =	vld [tilespmem:s21+$0x0];
	_ =	sdelay $0x2  }
0x4f5: {  	v0 =	vadd.f32 v1, v0;
	_ =	sdelay $0x1  }
0x4f6: {  	v0 =	vadd.f32 v2, v0;
	_ =	sdelay $0x1  }
0x4f7: {  	v1 =	vld [tilespmem:s20+$0x15410];
	[tilespmem:s20+$0xE400] =	vst v0  }
0x4f8: {  	s19 =	simm.s32 @p0 $0xA;
	s18 =	simm.s32 @p1 $0x3E8;
	v0 =	vld [tilespmem:s0+$0x810]  }
0x4f9: {  	s19 =	sadd.s32 $0xFFFFFFFF, s19;
	s18 =	sadd.s32 $0xFFFFFFFF, s18  }
0x4fa: {  	p1 =	seq.s32 s18, $0x0;
	p0 =	seq.s32 s19, $0x0;
	v2 =	vld [tilespmem:s21+$0x10];
	s0 =	simm.s32 $0x1  }
0x4fb: {  	s18 =	simm.s32 @p1 $0x3E8;
	s0 =	simm.s32 @!p0 $0x0  }
0x4fc: {  	s26 =	simm.s32 $0x1;
	s19 =	simm.s32 @p0 $0xA;
	s23 =	sadd.s32 s0, s23  }
0x4fd: {  	s26 =	simm.s32 @!p1 $0x0;
	s0 =	smov.u32 s22;
	p0 =	slt.s32 s23, s22;
	v0 =	vadd.f32 v0, v1  }
0x4fe: {  	s24 =	simm.s32 $0x400;
	s0 =	smov.u32 @p0 s23;
	s23 =	sadd.s32 s26, s25  }
0x4ff: {  	s21 =	simm.s32 $0x80;
	s25 =	sshll.u32 s0, $0x9;
	p1 =	slt.s32 s23, s2;
	v0 =	vadd.f32 v2, v0  }
.LBB2_44:
0x500: {  	s26 =	sshra.s32 s24, $0x2;
	s25 =	sshra.s32 s25, $0x2;
	s28 =	smov.u32 s24  }
0x501: {  	v1 =	vld [tilespmem:s21+$0x15400];
	p0 =	sne.s32 s24, $0xDE00;
	s28 =	sadd.s32 $0x200, s24;
	s24 =	smov.u32 s2  }
0x502: {  	[tilespmem:s20+$0xE410] =	vst v0;
	s24 =	smov.u32 @p1 s23;
	s20 =	smov.u32 s21  }
0x503: {  	s21 =	smov.u32 s26;
	v0 =	vld [tilespmem:s25+$0x800];
	s23 =	sshll.u32 s24, $0x9  }
0x504: {  	s23 =	sshra.s32 s23, $0x2  }
0x505: {  	v2 =	vld [tilespmem:s23+$0x0];
	_ =	sdelay $0x2  }
0x506: {  	v0 =	vadd.f32 v0, v1;
	_ =	sdelay $0x1  }
0x507: {  	v0 =	vadd.f32 v2, v0  }
0x508: {  	v1 =	vld [tilespmem:s20+$0x15410]  }
0x509: {  	[tilespmem:s20+$0xE400] =	vst v0  }
0x50a: {  	s19 =	sadd.s32 $0xFFFFFFFF, s19;
	v0 =	vld [tilespmem:s25+$0x810]  }
0x50b: {  	s18 =	sadd.s32 $0xFFFFFFFF, s18;
	p1 =	seq.s32 s19, $0x0;
	v2 =	vld [tilespmem:s23+$0x10]  }
0x50c: {  	s19 =	simm.s32 @p1 $0xA;
	s25 =	simm.s32 $0x1;
	s23 =	simm.s32 $0x1  }
.Ltmp21:
0x50d: {  	s23 =	simm.s32 @!p1 $0x0;
	p1 =	seq.s32 s18, $0x0;
	(pc) =	sbr.rel @p0 .LBB2_44-.Ltmp21, $4  }
0x50e: {  	s23 =	sadd.s32 s23, s0;
	s25 =	simm.s32 @!p1 $0x0  }
0x50f: {  	s18 =	simm.s32 @p1 $0x3E8;
	s0 =	smov.u32 s22;
	p2 =	slt.s32 s23, s22;
	v0 =	vadd.f32 v0, v1  }
0x510: {  	s0 =	smov.u32 @p2 s23;
	s23 =	sadd.s32 s25, s24  }
0x511: {  	s24 =	smov.u32 s28;
	s25 =	sshll.u32 s0, $0x9;
	p1 =	slt.s32 s23, s2;
	v0 =	vadd.f32 v2, v0  }
0x512: {  	s24 =	smov.u32 s2  }
0x513: {  	v1 =	vld [tilespmem:s21+$0x15400];
	s25 =	sshra.s32 s25, $0x2;
	[tilespmem:s20+$0xE410] =	vst v0;
	s24 =	smov.u32 @p1 s23  }
0x514: {  	v0 =	vld [tilespmem:s25+$0x800];
	s23 =	sshll.u32 s24, $0x9  }
0x515: {  	s20 =	sshra.s32 s23, $0x2  }
0x516: {  	v2 =	vld [tilespmem:s20+$0x0];
	_ =	sdelay $0x2  }
0x517: {  	v0 =	vadd.f32 v0, v1;
	_ =	sdelay $0x1  }
0x518: {  	v0 =	vadd.f32 v2, v0;
	_ =	sdelay $0x1  }
0x519: {  	v1 =	vld [tilespmem:s21+$0x15410];
	[tilespmem:s21+$0xE400] =	vst v0  }
0x51a: {  	v0 =	vld [tilespmem:s25+$0x810];
	_ =	sdelay $0x1  }
0x51b: {  	v2 =	vld [tilespmem:s20+$0x10];
	_ =	sdelay $0x2  }
0x51c: {  	v0 =	vadd.f32 v0, v1;
	_ =	sdelay $0x1  }
0x51d: {  	s26 =	sld [smem:$0x7F3];
	v0 =	vadd.f32 v2, v0  }
0x51e: {  	s19 =	sadd.s32 $0xFFFFFFFF, s19  }
0x51f: {  	s28 =	sld [smem:$0x7F6];
	s18 =	sadd.s32 $0xFFFFFFFF, s18;
	s25 =	simm.s32 $0x0;
	[tilespmem:s21+$0xE410] =	vst v0  }
0x520: {  	[hbm4b:s26+s25] =	stream.linear.scatter [tilespmem:s14], [sflag:$0x6], $0x3800, $0x38;
	[tilespmem:$0x18C00] =	vst v63  }
0x521: {  	p0 =	seq.s32 s19, $0x0;
	p1 =	seq.s32 s18, $0x0;
	s23 =	smov.u32 s22  }
0x522: {  	[tilespmem:s10], [sflag:$0x4] =	stream.linear.gather [hbm4b:s28+s25], $0x3800, $0x38;
	[tilespmem:$0x18C00] =	vst v63  }
0x523: {  	s20 =	simm.s32 $0x1;
	s21 =	simm.s32 $0x1;
	_ =	swait.ge [sflag:s11], $0x3800  }
0x524: {  	s20 =	simm.s32 @!p1 $0x0;
	s21 =	simm.s32 @!p0 $0x0;
	[sflag:s11] =	ssyncset.done $0x0  }
0x525: {  	s0 =	sadd.s32 s21, s0;
	s21 =	sadd.s32 s20, s24;
	[sflag:s11] =	ssyncadd.s32 $0xFFFFC800  }
0x526: {  	s20 =	simm.s32 $0x0;
	p2 =	slt.s32 s0, s22;
	_ =	swait.ge [sflag:s15], $0x3800  }
0x527: {  	s25 =	smov.u32 s2;
	s23 =	smov.u32 @p2 s0;
	[sflag:s15] =	ssyncset.done $0x0  }
0x528: {  	p2 =	slt.s32 s21, s2;
	s0 =	sshll.u32 s23, $0x9;
	[sflag:s15] =	ssyncadd.s32 $0xFFFFC800  }
0x529: {  	s25 =	smov.u32 @p2 s21;
	s0 =	sshra.s32 s0, $0x2;
	v0 =	vld [tilespmem:s20+$0x11C00]  }
0x52a: {  	s21 =	sshll.u32 s25, $0x9;
	v1 =	vld [tilespmem:s0+$0x800]  }
0x52b: {  	s21 =	sshra.s32 s21, $0x2  }
0x52c: {  	v2 =	vld [tilespmem:s21+$0x0];
	_ =	sdelay $0x2  }
0x52d: {  	v0 =	vadd.f32 v1, v0;
	_ =	sdelay $0x1  }
0x52e: {  	v0 =	vadd.f32 v2, v0;
	_ =	sdelay $0x1  }
0x52f: {  	v1 =	vld [tilespmem:s20+$0x11C10];
	[tilespmem:s20+$0xAC00] =	vst v0  }
0x530: {  	s19 =	simm.s32 @p0 $0xA;
	s18 =	simm.s32 @p1 $0x3E8;
	v0 =	vld [tilespmem:s0+$0x810]  }
0x531: {  	s19 =	sadd.s32 $0xFFFFFFFF, s19;
	s18 =	sadd.s32 $0xFFFFFFFF, s18  }
0x532: {  	p1 =	seq.s32 s18, $0x0;
	p0 =	seq.s32 s19, $0x0;
	v2 =	vld [tilespmem:s21+$0x10];
	s0 =	simm.s32 $0x1  }
0x533: {  	s18 =	simm.s32 @p1 $0x3E8;
	s0 =	simm.s32 @!p0 $0x0  }
0x534: {  	s26 =	simm.s32 $0x1;
	s19 =	simm.s32 @p0 $0xA;
	s23 =	sadd.s32 s0, s23  }
0x535: {  	s26 =	simm.s32 @!p1 $0x0;
	s0 =	smov.u32 s22;
	p0 =	slt.s32 s23, s22;
	v0 =	vadd.f32 v0, v1  }
0x536: {  	s24 =	simm.s32 $0x400;
	s0 =	smov.u32 @p0 s23;
	s23 =	sadd.s32 s26, s25  }
0x537: {  	s21 =	simm.s32 $0x80;
	s25 =	sshll.u32 s0, $0x9;
	p1 =	slt.s32 s23, s2;
	v0 =	vadd.f32 v2, v0  }
.LBB2_46:
0x538: {  	s26 =	sshra.s32 s24, $0x2;
	s25 =	sshra.s32 s25, $0x2;
	s28 =	smov.u32 s24  }
0x539: {  	v1 =	vld [tilespmem:s21+$0x11C00];
	p0 =	sne.s32 s24, $0xDE00;
	s28 =	sadd.s32 $0x200, s24;
	s24 =	smov.u32 s2  }
0x53a: {  	[tilespmem:s20+$0xAC10] =	vst v0;
	s24 =	smov.u32 @p1 s23;
	s20 =	smov.u32 s21  }
0x53b: {  	s21 =	smov.u32 s26;
	v0 =	vld [tilespmem:s25+$0x800];
	s23 =	sshll.u32 s24, $0x9  }
0x53c: {  	s23 =	sshra.s32 s23, $0x2  }
0x53d: {  	v2 =	vld [tilespmem:s23+$0x0];
	_ =	sdelay $0x2  }
0x53e: {  	v0 =	vadd.f32 v0, v1;
	_ =	sdelay $0x1  }
0x53f: {  	v0 =	vadd.f32 v2, v0  }
0x540: {  	v1 =	vld [tilespmem:s20+$0x11C10]  }
0x541: {  	[tilespmem:s20+$0xAC00] =	vst v0  }
0x542: {  	s19 =	sadd.s32 $0xFFFFFFFF, s19;
	v0 =	vld [tilespmem:s25+$0x810]  }
0x543: {  	s18 =	sadd.s32 $0xFFFFFFFF, s18;
	p1 =	seq.s32 s19, $0x0;
	v2 =	vld [tilespmem:s23+$0x10]  }
0x544: {  	s19 =	simm.s32 @p1 $0xA;
	s25 =	simm.s32 $0x1;
	s23 =	simm.s32 $0x1  }
.Ltmp22:
0x545: {  	s23 =	simm.s32 @!p1 $0x0;
	p1 =	seq.s32 s18, $0x0;
	(pc) =	sbr.rel @p0 .LBB2_46-.Ltmp22, $4  }
0x546: {  	s23 =	sadd.s32 s23, s0;
	s25 =	simm.s32 @!p1 $0x0  }
0x547: {  	s18 =	simm.s32 @p1 $0x3E8;
	s0 =	smov.u32 s22;
	p2 =	slt.s32 s23, s22;
	v0 =	vadd.f32 v0, v1  }
0x548: {  	s0 =	smov.u32 @p2 s23;
	s23 =	sadd.s32 s25, s24  }
0x549: {  	s24 =	smov.u32 s28;
	s25 =	sshll.u32 s0, $0x9;
	p1 =	slt.s32 s23, s2;
	v0 =	vadd.f32 v2, v0  }
0x54a: {  	s24 =	smov.u32 s2  }
0x54b: {  	v1 =	vld [tilespmem:s21+$0x11C00];
	s25 =	sshra.s32 s25, $0x2;
	[tilespmem:s20+$0xAC10] =	vst v0;
	s24 =	smov.u32 @p1 s23  }
0x54c: {  	v0 =	vld [tilespmem:s25+$0x800];
	s23 =	sshll.u32 s24, $0x9  }
0x54d: {  	s20 =	sshra.s32 s23, $0x2  }
0x54e: {  	v2 =	vld [tilespmem:s20+$0x0];
	_ =	sdelay $0x2  }
0x54f: {  	v0 =	vadd.f32 v0, v1;
	_ =	sdelay $0x1  }
0x550: {  	v0 =	vadd.f32 v2, v0;
	_ =	sdelay $0x1  }
0x551: {  	v1 =	vld [tilespmem:s21+$0x11C10];
	[tilespmem:s21+$0xAC00] =	vst v0  }
0x552: {  	v0 =	vld [tilespmem:s25+$0x810];
	_ =	sdelay $0x1  }
0x553: {  	v2 =	vld [tilespmem:s20+$0x10];
	_ =	sdelay $0x2  }
0x554: {  	v0 =	vadd.f32 v0, v1;
	_ =	sdelay $0x1  }
0x555: {  	s26 =	sld [smem:$0x7F5];
	v0 =	vadd.f32 v2, v0  }
0x556: {  	s19 =	sadd.s32 $0xFFFFFFFF, s19  }
0x557: {  	s28 =	sld [smem:$0x7F8];
	s18 =	sadd.s32 $0xFFFFFFFF, s18;
	s25 =	simm.s32 $0x0;
	[tilespmem:s21+$0xAC10] =	vst v0  }
0x558: {  	[hbm4b:s26+s25] =	stream.linear.scatter [tilespmem:s12], [sflag:$0x5], $0x3800, $0x38;
	[tilespmem:$0x18C00] =	vst v63  }
0x559: {  	p0 =	seq.s32 s19, $0x0;
	p1 =	seq.s32 s18, $0x0;
	s23 =	smov.u32 s22  }
0x55a: {  	[tilespmem:s8], [sflag:$0x3] =	stream.linear.gather [hbm4b:s28+s25], $0x3800, $0x38;
	[tilespmem:$0x18C00] =	vst v63  }
0x55b: {  	s20 =	simm.s32 $0x1;
	s21 =	simm.s32 $0x1;
	_ =	swait.ge [sflag:s13], $0x3800  }
0x55c: {  	s20 =	simm.s32 @!p1 $0x0;
	s21 =	simm.s32 @!p0 $0x0;
	[sflag:s13] =	ssyncset.done $0x0  }
0x55d: {  	s0 =	sadd.s32 s21, s0;
	s21 =	sadd.s32 s20, s24;
	[sflag:s13] =	ssyncadd.s32 $0xFFFFC800  }
0x55e: {  	s20 =	simm.s32 $0x0;
	p2 =	slt.s32 s0, s22;
	_ =	swait.ge [sflag:s16], $0x3800  }
0x55f: {  	s25 =	smov.u32 s2;
	s23 =	smov.u32 @p2 s0;
	[sflag:s16] =	ssyncset.done $0x0  }
0x560: {  	p2 =	slt.s32 s21, s2;
	s0 =	sshll.u32 s23, $0x9;
	[sflag:s16] =	ssyncadd.s32 $0xFFFFC800  }
0x561: {  	s25 =	smov.u32 @p2 s21;
	s0 =	sshra.s32 s0, $0x2;
	v0 =	vld [tilespmem:s20+$0x15400]  }
0x562: {  	s21 =	sshll.u32 s25, $0x9;
	v1 =	vld [tilespmem:s0+$0x800]  }
0x563: {  	s21 =	sshra.s32 s21, $0x2  }
0x564: {  	v2 =	vld [tilespmem:s21+$0x0];
	_ =	sdelay $0x2  }
0x565: {  	v0 =	vadd.f32 v1, v0;
	_ =	sdelay $0x1  }
0x566: {  	v0 =	vadd.f32 v2, v0;
	_ =	sdelay $0x1  }
0x567: {  	v1 =	vld [tilespmem:s20+$0x15410];
	[tilespmem:s20+$0xE400] =	vst v0  }
0x568: {  	s19 =	simm.s32 @p0 $0xA;
	s18 =	simm.s32 @p1 $0x3E8;
	v0 =	vld [tilespmem:s0+$0x810]  }
0x569: {  	s19 =	sadd.s32 $0xFFFFFFFF, s19;
	s18 =	sadd.s32 $0xFFFFFFFF, s18  }
0x56a: {  	p1 =	seq.s32 s18, $0x0;
	p0 =	seq.s32 s19, $0x0;
	v2 =	vld [tilespmem:s21+$0x10];
	s0 =	simm.s32 $0x1  }
0x56b: {  	s18 =	simm.s32 @p1 $0x3E8;
	s0 =	simm.s32 @!p0 $0x0  }
0x56c: {  	s26 =	simm.s32 $0x1;
	s19 =	simm.s32 @p0 $0xA;
	s23 =	sadd.s32 s0, s23  }
0x56d: {  	s26 =	simm.s32 @!p1 $0x0;
	s0 =	smov.u32 s22;
	p0 =	slt.s32 s23, s22;
	v0 =	vadd.f32 v0, v1  }
0x56e: {  	s24 =	simm.s32 $0x400;
	s0 =	smov.u32 @p0 s23;
	s23 =	sadd.s32 s26, s25  }
0x56f: {  	s21 =	simm.s32 $0x80;
	s25 =	sshll.u32 s0, $0x9;
	p1 =	slt.s32 s23, s2;
	v0 =	vadd.f32 v2, v0  }
.LBB2_48:
0x570: {  	s26 =	sshra.s32 s24, $0x2;
	s25 =	sshra.s32 s25, $0x2;
	s28 =	smov.u32 s24  }
0x571: {  	v1 =	vld [tilespmem:s21+$0x15400];
	p0 =	sne.s32 s24, $0xDE00;
	s28 =	sadd.s32 $0x200, s24;
	s24 =	smov.u32 s2  }
0x572: {  	[tilespmem:s20+$0xE410] =	vst v0;
	s24 =	smov.u32 @p1 s23;
	s20 =	smov.u32 s21  }
0x573: {  	s21 =	smov.u32 s26;
	v0 =	vld [tilespmem:s25+$0x800];
	s23 =	sshll.u32 s24, $0x9  }
0x574: {  	s23 =	sshra.s32 s23, $0x2  }
0x575: {  	v2 =	vld [tilespmem:s23+$0x0];
	_ =	sdelay $0x2  }
0x576: {  	v0 =	vadd.f32 v0, v1;
	_ =	sdelay $0x1  }
0x577: {  	v0 =	vadd.f32 v2, v0  }
0x578: {  	v1 =	vld [tilespmem:s20+$0x15410]  }
0x579: {  	[tilespmem:s20+$0xE400] =	vst v0  }
0x57a: {  	s19 =	sadd.s32 $0xFFFFFFFF, s19;
	v0 =	vld [tilespmem:s25+$0x810]  }
0x57b: {  	s18 =	sadd.s32 $0xFFFFFFFF, s18;
	p1 =	seq.s32 s19, $0x0;
	v2 =	vld [tilespmem:s23+$0x10]  }
0x57c: {  	s19 =	simm.s32 @p1 $0xA;
	s25 =	simm.s32 $0x1;
	s23 =	simm.s32 $0x1  }
.Ltmp23:
0x57d: {  	s23 =	simm.s32 @!p1 $0x0;
	p1 =	seq.s32 s18, $0x0;
	(pc) =	sbr.rel @p0 .LBB2_48-.Ltmp23, $4  }
0x57e: {  	s23 =	sadd.s32 s23, s0;
	s25 =	simm.s32 @!p1 $0x0  }
0x57f: {  	s18 =	simm.s32 @p1 $0x3E8;
	s0 =	smov.u32 s22;
	p2 =	slt.s32 s23, s22;
	v0 =	vadd.f32 v0, v1  }
0x580: {  	s0 =	smov.u32 @p2 s23;
	s23 =	sadd.s32 s25, s24  }
0x581: {  	s24 =	smov.u32 s28;
	s25 =	sshll.u32 s0, $0x9;
	p1 =	slt.s32 s23, s2;
	v0 =	vadd.f32 v2, v0  }
0x582: {  	s24 =	smov.u32 s2  }
0x583: {  	v1 =	vld [tilespmem:s21+$0x15400];
	s25 =	sshra.s32 s25, $0x2;
	[tilespmem:s20+$0xE410] =	vst v0;
	s24 =	smov.u32 @p1 s23  }
0x584: {  	v0 =	vld [tilespmem:s25+$0x800];
	s23 =	sshll.u32 s24, $0x9  }
0x585: {  	s20 =	sshra.s32 s23, $0x2  }
0x586: {  	v2 =	vld [tilespmem:s20+$0x0];
	_ =	sdelay $0x2  }
0x587: {  	v0 =	vadd.f32 v0, v1;
	_ =	sdelay $0x1  }
0x588: {  	v0 =	vadd.f32 v2, v0;
	_ =	sdelay $0x1  }
0x589: {  	v1 =	vld [tilespmem:s21+$0x15410];
	[tilespmem:s21+$0xE400] =	vst v0  }
0x58a: {  	v0 =	vld [tilespmem:s25+$0x810];
	_ =	sdelay $0x1  }
0x58b: {  	v2 =	vld [tilespmem:s20+$0x10];
	_ =	sdelay $0x2  }
0x58c: {  	v0 =	vadd.f32 v0, v1;
	_ =	sdelay $0x1  }
0x58d: {  	s26 =	sld [smem:$0x7F7];
	v0 =	vadd.f32 v2, v0  }
0x58e: {  	s19 =	sadd.s32 $0xFFFFFFFF, s19  }
0x58f: {  	s28 =	sld [smem:$0x7FA];
	s18 =	sadd.s32 $0xFFFFFFFF, s18;
	s25 =	simm.s32 $0x0;
	[tilespmem:s21+$0xE410] =	vst v0  }
0x590: {  	[hbm4b:s26+s25] =	stream.linear.scatter [tilespmem:s14], [sflag:$0x6], $0x3800, $0x38;
	[tilespmem:$0x18C00] =	vst v63  }
0x591: {  	p0 =	seq.s32 s19, $0x0;
	p1 =	seq.s32 s18, $0x0;
	s23 =	smov.u32 s22  }
0x592: {  	[tilespmem:s10], [sflag:$0x4] =	stream.linear.gather [hbm4b:s28+s25], $0x3800, $0x38;
	[tilespmem:$0x18C00] =	vst v63  }
0x593: {  	s20 =	simm.s32 $0x1;
	s21 =	simm.s32 $0x1;
	_ =	swait.ge [sflag:s11], $0x3800  }
0x594: {  	s20 =	simm.s32 @!p1 $0x0;
	s21 =	simm.s32 @!p0 $0x0;
	[sflag:s11] =	ssyncset.done $0x0  }
0x595: {  	s0 =	sadd.s32 s21, s0;
	s21 =	sadd.s32 s20, s24;
	[sflag:s11] =	ssyncadd.s32 $0xFFFFC800  }
0x596: {  	s20 =	simm.s32 $0x0;
	p2 =	slt.s32 s0, s22;
	_ =	swait.ge [sflag:s15], $0x3800  }
0x597: {  	s25 =	smov.u32 s2;
	s23 =	smov.u32 @p2 s0;
	[sflag:s15] =	ssyncset.done $0x0  }
0x598: {  	p2 =	slt.s32 s21, s2;
	s0 =	sshll.u32 s23, $0x9;
	[sflag:s15] =	ssyncadd.s32 $0xFFFFC800  }
0x599: {  	s25 =	smov.u32 @p2 s21;
	s0 =	sshra.s32 s0, $0x2;
	v0 =	vld [tilespmem:s20+$0x11C00]  }
0x59a: {  	s21 =	sshll.u32 s25, $0x9;
	v1 =	vld [tilespmem:s0+$0x800]  }
0x59b: {  	s21 =	sshra.s32 s21, $0x2  }
0x59c: {  	v2 =	vld [tilespmem:s21+$0x0];
	_ =	sdelay $0x2  }
0x59d: {  	v0 =	vadd.f32 v1, v0;
	_ =	sdelay $0x1  }
0x59e: {  	v0 =	vadd.f32 v2, v0;
	_ =	sdelay $0x1  }
0x59f: {  	v1 =	vld [tilespmem:s20+$0x11C10];
	[tilespmem:s20+$0xAC00] =	vst v0  }
0x5a0: {  	s19 =	simm.s32 @p0 $0xA;
	s18 =	simm.s32 @p1 $0x3E8;
	v0 =	vld [tilespmem:s0+$0x810]  }
0x5a1: {  	s19 =	sadd.s32 $0xFFFFFFFF, s19;
	s18 =	sadd.s32 $0xFFFFFFFF, s18  }
0x5a2: {  	p1 =	seq.s32 s18, $0x0;
	p0 =	seq.s32 s19, $0x0;
	v2 =	vld [tilespmem:s21+$0x10];
	s0 =	simm.s32 $0x1  }
0x5a3: {  	s18 =	simm.s32 @p1 $0x3E8;
	s0 =	simm.s32 @!p0 $0x0  }
0x5a4: {  	s26 =	simm.s32 $0x1;
	s19 =	simm.s32 @p0 $0xA;
	s23 =	sadd.s32 s0, s23  }
0x5a5: {  	s26 =	simm.s32 @!p1 $0x0;
	s0 =	smov.u32 s22;
	p0 =	slt.s32 s23, s22;
	v0 =	vadd.f32 v0, v1  }
0x5a6: {  	s24 =	simm.s32 $0x400;
	s0 =	smov.u32 @p0 s23;
	s23 =	sadd.s32 s26, s25  }
0x5a7: {  	s21 =	simm.s32 $0x80;
	s25 =	sshll.u32 s0, $0x9;
	p1 =	slt.s32 s23, s2;
	v0 =	vadd.f32 v2, v0  }
.LBB2_50:
0x5a8: {  	s26 =	sshra.s32 s24, $0x2;
	s25 =	sshra.s32 s25, $0x2;
	s28 =	smov.u32 s24  }
0x5a9: {  	v1 =	vld [tilespmem:s21+$0x11C00];
	p0 =	sne.s32 s24, $0xDE00;
	s28 =	sadd.s32 $0x200, s24;
	s24 =	smov.u32 s2  }
0x5aa: {  	[tilespmem:s20+$0xAC10] =	vst v0;
	s24 =	smov.u32 @p1 s23;
	s20 =	smov.u32 s21  }
0x5ab: {  	s21 =	smov.u32 s26;
	v0 =	vld [tilespmem:s25+$0x800];
	s23 =	sshll.u32 s24, $0x9  }
0x5ac: {  	s23 =	sshra.s32 s23, $0x2  }
0x5ad: {  	v2 =	vld [tilespmem:s23+$0x0];
	_ =	sdelay $0x2  }
0x5ae: {  	v0 =	vadd.f32 v0, v1;
	_ =	sdelay $0x1  }
0x5af: {  	v0 =	vadd.f32 v2, v0  }
0x5b0: {  	v1 =	vld [tilespmem:s20+$0x11C10]  }
0x5b1: {  	[tilespmem:s20+$0xAC00] =	vst v0  }
0x5b2: {  	s19 =	sadd.s32 $0xFFFFFFFF, s19;
	v0 =	vld [tilespmem:s25+$0x810]  }
0x5b3: {  	s18 =	sadd.s32 $0xFFFFFFFF, s18;
	p1 =	seq.s32 s19, $0x0;
	v2 =	vld [tilespmem:s23+$0x10]  }
0x5b4: {  	s19 =	simm.s32 @p1 $0xA;
	s25 =	simm.s32 $0x1;
	s23 =	simm.s32 $0x1  }
.Ltmp24:
0x5b5: {  	s23 =	simm.s32 @!p1 $0x0;
	p1 =	seq.s32 s18, $0x0;
	(pc) =	sbr.rel @p0 .LBB2_50-.Ltmp24, $4  }
0x5b6: {  	s23 =	sadd.s32 s23, s0;
	s25 =	simm.s32 @!p1 $0x0  }
0x5b7: {  	s18 =	simm.s32 @p1 $0x3E8;
	s0 =	smov.u32 s22;
	p2 =	slt.s32 s23, s22;
	v0 =	vadd.f32 v0, v1  }
0x5b8: {  	s0 =	smov.u32 @p2 s23;
	s23 =	sadd.s32 s25, s24  }
0x5b9: {  	s24 =	smov.u32 s28;
	s25 =	sshll.u32 s0, $0x9;
	p1 =	slt.s32 s23, s2;
	v0 =	vadd.f32 v2, v0  }
0x5ba: {  	s24 =	smov.u32 s2  }
0x5bb: {  	v1 =	vld [tilespmem:s21+$0x11C00];
	s25 =	sshra.s32 s25, $0x2;
	[tilespmem:s20+$0xAC10] =	vst v0;
	s24 =	smov.u32 @p1 s23  }
0x5bc: {  	v0 =	vld [tilespmem:s25+$0x800];
	s23 =	sshll.u32 s24, $0x9  }
0x5bd: {  	s20 =	sshra.s32 s23, $0x2  }
0x5be: {  	v2 =	vld [tilespmem:s20+$0x0];
	_ =	sdelay $0x2  }
0x5bf: {  	v0 =	vadd.f32 v0, v1;
	_ =	sdelay $0x1  }
0x5c0: {  	v0 =	vadd.f32 v2, v0;
	_ =	sdelay $0x1  }
0x5c1: {  	v1 =	vld [tilespmem:s21+$0x11C10];
	[tilespmem:s21+$0xAC00] =	vst v0  }
0x5c2: {  	v0 =	vld [tilespmem:s25+$0x810];
	_ =	sdelay $0x1  }
0x5c3: {  	v2 =	vld [tilespmem:s20+$0x10];
	_ =	sdelay $0x2  }
0x5c4: {  	v0 =	vadd.f32 v0, v1;
	_ =	sdelay $0x1  }
0x5c5: {  	s26 =	sld [smem:$0x7F9];
	v0 =	vadd.f32 v2, v0  }
0x5c6: {  	s19 =	sadd.s32 $0xFFFFFFFF, s19  }
0x5c7: {  	s28 =	sld [smem:$0x7FC];
	s18 =	sadd.s32 $0xFFFFFFFF, s18;
	s25 =	simm.s32 $0x0;
	[tilespmem:s21+$0xAC10] =	vst v0  }
0x5c8: {  	[hbm4b:s26+s25] =	stream.linear.scatter [tilespmem:s12], [sflag:$0x5], $0x3800, $0x38;
	[tilespmem:$0x18C00] =	vst v63  }
0x5c9: {  	p0 =	seq.s32 s19, $0x0;
	p1 =	seq.s32 s18, $0x0;
	s23 =	smov.u32 s22  }
0x5ca: {  	[tilespmem:s8], [sflag:$0x3] =	stream.linear.gather [hbm4b:s28+s25], $0x3800, $0x38;
	[tilespmem:$0x18C00] =	vst v63  }
0x5cb: {  	s20 =	simm.s32 $0x1;
	s21 =	simm.s32 $0x1;
	_ =	swait.ge [sflag:s13], $0x3800  }
0x5cc: {  	s20 =	simm.s32 @!p1 $0x0;
	s21 =	simm.s32 @!p0 $0x0;
	[sflag:s13] =	ssyncset.done $0x0  }
0x5cd: {  	s0 =	sadd.s32 s21, s0;
	s21 =	sadd.s32 s20, s24;
	[sflag:s13] =	ssyncadd.s32 $0xFFFFC800  }
0x5ce: {  	s20 =	simm.s32 $0x0;
	p2 =	slt.s32 s0, s22;
	_ =	swait.ge [sflag:s16], $0x3800  }
0x5cf: {  	s25 =	smov.u32 s2;
	s23 =	smov.u32 @p2 s0;
	[sflag:s16] =	ssyncset.done $0x0  }
0x5d0: {  	p2 =	slt.s32 s21, s2;
	s0 =	sshll.u32 s23, $0x9;
	[sflag:s16] =	ssyncadd.s32 $0xFFFFC800  }
0x5d1: {  	s25 =	smov.u32 @p2 s21;
	s0 =	sshra.s32 s0, $0x2;
	v0 =	vld [tilespmem:s20+$0x15400]  }
0x5d2: {  	s21 =	sshll.u32 s25, $0x9;
	v1 =	vld [tilespmem:s0+$0x800]  }
0x5d3: {  	s21 =	sshra.s32 s21, $0x2  }
0x5d4: {  	v2 =	vld [tilespmem:s21+$0x0];
	_ =	sdelay $0x2  }
0x5d5: {  	v0 =	vadd.f32 v1, v0;
	_ =	sdelay $0x1  }
0x5d6: {  	v0 =	vadd.f32 v2, v0;
	_ =	sdelay $0x1  }
0x5d7: {  	v1 =	vld [tilespmem:s20+$0x15410];
	[tilespmem:s20+$0xE400] =	vst v0  }
0x5d8: {  	s19 =	simm.s32 @p0 $0xA;
	s18 =	simm.s32 @p1 $0x3E8;
	v0 =	vld [tilespmem:s0+$0x810]  }
0x5d9: {  	s19 =	sadd.s32 $0xFFFFFFFF, s19;
	s18 =	sadd.s32 $0xFFFFFFFF, s18  }
0x5da: {  	p1 =	seq.s32 s18, $0x0;
	p0 =	seq.s32 s19, $0x0;
	v2 =	vld [tilespmem:s21+$0x10];
	s0 =	simm.s32 $0x1  }
0x5db: {  	s18 =	simm.s32 @p1 $0x3E8;
	s0 =	simm.s32 @!p0 $0x0  }
0x5dc: {  	s26 =	simm.s32 $0x1;
	s19 =	simm.s32 @p0 $0xA;
	s23 =	sadd.s32 s0, s23  }
0x5dd: {  	s26 =	simm.s32 @!p1 $0x0;
	s0 =	smov.u32 s22;
	p0 =	slt.s32 s23, s22;
	v0 =	vadd.f32 v0, v1  }
0x5de: {  	s24 =	simm.s32 $0x400;
	s0 =	smov.u32 @p0 s23;
	s23 =	sadd.s32 s26, s25  }
0x5df: {  	s21 =	simm.s32 $0x80;
	s25 =	sshll.u32 s0, $0x9;
	p1 =	slt.s32 s23, s2;
	v0 =	vadd.f32 v2, v0  }
.LBB2_52:
0x5e0: {  	s26 =	sshra.s32 s24, $0x2;
	s25 =	sshra.s32 s25, $0x2;
	s28 =	smov.u32 s24  }
0x5e1: {  	v1 =	vld [tilespmem:s21+$0x15400];
	p0 =	sne.s32 s24, $0xDE00;
	s28 =	sadd.s32 $0x200, s24;
	s24 =	smov.u32 s2  }
0x5e2: {  	[tilespmem:s20+$0xE410] =	vst v0;
	s24 =	smov.u32 @p1 s23;
	s20 =	smov.u32 s21  }
0x5e3: {  	s21 =	smov.u32 s26;
	v0 =	vld [tilespmem:s25+$0x800];
	s23 =	sshll.u32 s24, $0x9  }
0x5e4: {  	s23 =	sshra.s32 s23, $0x2  }
0x5e5: {  	v2 =	vld [tilespmem:s23+$0x0];
	_ =	sdelay $0x2  }
0x5e6: {  	v0 =	vadd.f32 v0, v1;
	_ =	sdelay $0x1  }
0x5e7: {  	v0 =	vadd.f32 v2, v0  }
0x5e8: {  	v1 =	vld [tilespmem:s20+$0x15410]  }
0x5e9: {  	[tilespmem:s20+$0xE400] =	vst v0  }
0x5ea: {  	s19 =	sadd.s32 $0xFFFFFFFF, s19;
	v0 =	vld [tilespmem:s25+$0x810]  }
0x5eb: {  	s18 =	sadd.s32 $0xFFFFFFFF, s18;
	p1 =	seq.s32 s19, $0x0;
	v2 =	vld [tilespmem:s23+$0x10]  }
0x5ec: {  	s19 =	simm.s32 @p1 $0xA;
	s25 =	simm.s32 $0x1;
	s23 =	simm.s32 $0x1  }
.Ltmp25:
0x5ed: {  	s23 =	simm.s32 @!p1 $0x0;
	p1 =	seq.s32 s18, $0x0;
	(pc) =	sbr.rel @p0 .LBB2_52-.Ltmp25, $4  }
0x5ee: {  	s23 =	sadd.s32 s23, s0;
	s25 =	simm.s32 @!p1 $0x0  }
0x5ef: {  	s18 =	simm.s32 @p1 $0x3E8;
	s0 =	smov.u32 s22;
	p2 =	slt.s32 s23, s22;
	v0 =	vadd.f32 v0, v1  }
0x5f0: {  	s0 =	smov.u32 @p2 s23;
	s23 =	sadd.s32 s25, s24  }
0x5f1: {  	s24 =	smov.u32 s28;
	s25 =	sshll.u32 s0, $0x9;
	p1 =	slt.s32 s23, s2;
	v0 =	vadd.f32 v2, v0  }
0x5f2: {  	s24 =	smov.u32 s2  }
0x5f3: {  	v1 =	vld [tilespmem:s21+$0x15400];
	s25 =	sshra.s32 s25, $0x2;
	[tilespmem:s20+$0xE410] =	vst v0;
	s24 =	smov.u32 @p1 s23  }
0x5f4: {  	v0 =	vld [tilespmem:s25+$0x800];
	s28 =	sshll.u32 s24, $0x9  }
0x5f5: {  	s20 =	sshra.s32 s28, $0x2  }
0x5f6: {  	v2 =	vld [tilespmem:s20+$0x0];
	_ =	sdelay $0x2  }
0x5f7: {  	v0 =	vadd.f32 v0, v1;
	_ =	sdelay $0x1  }
0x5f8: {  	v0 =	vadd.f32 v2, v0;
	_ =	sdelay $0x1  }
0x5f9: {  	v1 =	vld [tilespmem:s21+$0x15410];
	[tilespmem:s21+$0xE400] =	vst v0  }
0x5fa: {  	v0 =	vld [tilespmem:s25+$0x810];
	_ =	sdelay $0x1  }
0x5fb: {  	v2 =	vld [tilespmem:s20+$0x10];
	_ =	sdelay $0x2  }
0x5fc: {  	v0 =	vadd.f32 v0, v1;
	_ =	sdelay $0x1  }
0x5fd: {  	s25 =	sld [smem:$0x7FB];
	v0 =	vadd.f32 v2, v0  }
0x5fe: {  	s19 =	sadd.s32 $0xFFFFFFFF, s19;
	s26 =	sld [smem:$0x7FD]  }
0x5ff: {  	s23 =	simm.s32 $0x0;
	p0 =	seq.s32 s19, $0x0;
	[tilespmem:s21+$0xE410] =	vst v0;
	s21 =	simm.s32 $0x1  }
0x600: {  	[hbm4b:s25+s23] =	stream.linear.scatter [tilespmem:s14], [sflag:$0x6], $0x3800, $0x38;
	[tilespmem:$0x18C00] =	vst v63  }
0x601: {  	s20 =	simm.s32 $0x0;
	s21 =	simm.s32 @!p0 $0x0  }
0x602: {  	[tilespmem:s10], [sflag:$0x4] =	stream.linear.gather [hbm4b:s26+s23], $0x3800, $0x38;
	[tilespmem:$0x18C00] =	vst v63  }
0x603: {  	s25 =	smov.u32 s22;
	s0 =	sadd.s32 s21, s0;
	_ =	swait.ge [sflag:s11], $0x3800  }
0x604: {  	s23 =	sadd.s32 $0xFFFFFFFF, s18;
	s18 =	simm.s32 $0x1;
	[sflag:s11] =	ssyncset.done $0x0  }
0x605: {  	p2 =	slt.s32 s0, s22;
	p1 =	seq.s32 s23, $0x0;
	[sflag:s11] =	ssyncadd.s32 $0xFFFFC800  }
0x606: {  	s26 =	smov.u32 s2;
	s18 =	simm.s32 @!p1 $0x0;
	_ =	swait.ge [sflag:s15], $0x3800  }
0x607: {  	s25 =	smov.u32 @p2 s0;
	s18 =	sadd.s32 s18, s24;
	[sflag:s15] =	ssyncset.done $0x0  }
0x608: {  	s0 =	sshll.u32 s25, $0x9;
	p2 =	slt.s32 s18, s2;
	[sflag:s15] =	ssyncadd.s32 $0xFFFFC800  }
0x609: {  	s0 =	sshra.s32 s0, $0x2;
	s26 =	smov.u32 @p2 s18;
	v0 =	vld [tilespmem:s20+$0x11C00]  }
0x60a: {  	s18 =	sshll.u32 s26, $0x9;
	v1 =	vld [tilespmem:s0+$0x800]  }
0x60b: {  	s28 =	sshra.s32 s18, $0x2  }
0x60c: {  	v2 =	vld [tilespmem:s28+$0x0];
	_ =	sdelay $0x2  }
0x60d: {  	v0 =	vadd.f32 v1, v0;
	_ =	sdelay $0x1  }
0x60e: {  	v0 =	vadd.f32 v2, v0;
	_ =	sdelay $0x1  }
0x60f: {  	v1 =	vld [tilespmem:s20+$0x11C10];
	[tilespmem:s20+$0xAC00] =	vst v0  }
0x610: {  	s19 =	simm.s32 @p0 $0xA;
	v0 =	vld [tilespmem:s0+$0x810]  }
0x611: {  	s23 =	simm.s32 @p1 $0x3E8;
	s18 =	sadd.s32 $0xFFFFFFFF, s19  }
0x612: {  	s19 =	sadd.s32 $0xFFFFFFFF, s23;
	p0 =	seq.s32 s18, $0x0;
	v2 =	vld [tilespmem:s28+$0x10];
	s0 =	simm.s32 $0x1  }
0x613: {  	s21 =	simm.s32 $0x80;
	p1 =	seq.s32 s19, $0x0;
	s0 =	simm.s32 @!p0 $0x0  }
0x614: {  	s18 =	simm.s32 @p0 $0xA;
	s23 =	sadd.s32 s0, s25;
	s25 =	simm.s32 $0x1  }
0x615: {  	s0 =	smov.u32 s22;
	p0 =	slt.s32 s23, s22;
	s25 =	simm.s32 @!p1 $0x0;
	v0 =	vadd.f32 v0, v1  }
0x616: {  	s24 =	simm.s32 $0x400;
	s0 =	smov.u32 @p0 s23;
	s23 =	sadd.s32 s25, s26  }
0x617: {  	s19 =	simm.s32 @p1 $0x3E8;
	s25 =	sshll.u32 s0, $0x9;
	p1 =	slt.s32 s23, s2;
	v0 =	vadd.f32 v2, v0  }
.LBB2_54:
0x618: {  	s26 =	sshra.s32 s24, $0x2;
	s25 =	sshra.s32 s25, $0x2;
	s28 =	smov.u32 s24  }
0x619: {  	v1 =	vld [tilespmem:s21+$0x11C00];
	p0 =	sne.s32 s24, $0xDE00;
	s28 =	sadd.s32 $0x200, s24;
	s24 =	smov.u32 s2  }
0x61a: {  	[tilespmem:s20+$0xAC10] =	vst v0;
	s24 =	smov.u32 @p1 s23;
	s20 =	smov.u32 s21  }
0x61b: {  	s21 =	smov.u32 s26;
	v0 =	vld [tilespmem:s25+$0x800];
	s23 =	sshll.u32 s24, $0x9  }
0x61c: {  	s23 =	sshra.s32 s23, $0x2  }
0x61d: {  	v2 =	vld [tilespmem:s23+$0x0];
	_ =	sdelay $0x2  }
0x61e: {  	v0 =	vadd.f32 v0, v1;
	_ =	sdelay $0x1  }
0x61f: {  	v0 =	vadd.f32 v2, v0  }
0x620: {  	v1 =	vld [tilespmem:s20+$0x11C10]  }
0x621: {  	[tilespmem:s20+$0xAC00] =	vst v0  }
0x622: {  	s18 =	sadd.s32 $0xFFFFFFFF, s18;
	v0 =	vld [tilespmem:s25+$0x810]  }
0x623: {  	s19 =	sadd.s32 $0xFFFFFFFF, s19;
	p1 =	seq.s32 s18, $0x0;
	v2 =	vld [tilespmem:s23+$0x10]  }
0x624: {  	s18 =	simm.s32 @p1 $0xA;
	s25 =	simm.s32 $0x1;
	s23 =	simm.s32 $0x1  }
.Ltmp26:
0x625: {  	s23 =	simm.s32 @!p1 $0x0;
	p1 =	seq.s32 s19, $0x0;
	(pc) =	sbr.rel @p0 .LBB2_54-.Ltmp26, $4  }
0x626: {  	s23 =	sadd.s32 s23, s0;
	s25 =	simm.s32 @!p1 $0x0  }
0x627: {  	s19 =	simm.s32 @p1 $0x3E8;
	s0 =	smov.u32 s22;
	p2 =	slt.s32 s23, s22;
	v0 =	vadd.f32 v0, v1  }
0x628: {  	s0 =	smov.u32 @p2 s23;
	s23 =	sadd.s32 s25, s24  }
0x629: {  	s24 =	smov.u32 s28;
	s25 =	sshll.u32 s0, $0x9;
	p1 =	slt.s32 s23, s2;
	v0 =	vadd.f32 v2, v0  }
0x62a: {  	s24 =	smov.u32 s2  }
0x62b: {  	v1 =	vld [tilespmem:s21+$0x11C00];
	s25 =	sshra.s32 s25, $0x2;
	[tilespmem:s20+$0xAC10] =	vst v0;
	s24 =	smov.u32 @p1 s23  }
0x62c: {  	v0 =	vld [tilespmem:s25+$0x800];
	s26 =	sshll.u32 s24, $0x9  }
0x62d: {  	s20 =	sshra.s32 s26, $0x2  }
0x62e: {  	v2 =	vld [tilespmem:s20+$0x0];
	_ =	sdelay $0x2  }
0x62f: {  	v0 =	vadd.f32 v0, v1;
	_ =	sdelay $0x1  }
0x630: {  	v0 =	vadd.f32 v2, v0;
	_ =	sdelay $0x1  }
0x631: {  	v1 =	vld [tilespmem:s21+$0x11C10];
	[tilespmem:s21+$0xAC00] =	vst v0  }
0x632: {  	v0 =	vld [tilespmem:s25+$0x810];
	_ =	sdelay $0x1  }
0x633: {  	v2 =	vld [tilespmem:s20+$0x10];
	_ =	sdelay $0x2  }
0x634: {  	v0 =	vadd.f32 v0, v1;
	_ =	sdelay $0x1  }
0x635: {  	s20 =	sadd.s32 $0xFFFFFFFF, s18;
	v0 =	vadd.f32 v2, v0  }
0x636: {  	s18 =	simm.s32 $0x1;
	p0 =	seq.s32 s20, $0x0  }
0x637: {  	s28 =	simm.s32 $0x0;
	s23 =	smov.u32 s22;
	s18 =	simm.s32 @!p0 $0x0;
	[tilespmem:s21+$0xAC10] =	vst v0  }
0x638: {  	[hbm4b:s29+s28] =	stream.linear.scatter [tilespmem:s12], [sflag:$0x5], $0x3800, $0x38;
	[tilespmem:$0x18C00] =	vst v63  }
0x639: {  	s25 =	smov.u32 s2;
	s0 =	sadd.s32 s18, s0;
	_ =	swait.ge [sflag:s13], $0x3800  }
0x63a: {  	s18 =	simm.s32 $0x0;
	s21 =	sadd.s32 $0xFFFFFFFF, s19;
	[sflag:s13] =	ssyncset.done $0x0  }
0x63b: {  	s19 =	simm.s32 $0x1;
	p1 =	seq.s32 s21, $0x0;
	[sflag:s13] =	ssyncadd.s32 $0xFFFFC800  }
0x63c: {  	p2 =	slt.s32 s0, s22;
	s19 =	simm.s32 @!p1 $0x0;
	_ =	swait.ge [sflag:s16], $0x3800  }
0x63d: {  	s23 =	smov.u32 @p2 s0;
	s19 =	sadd.s32 s19, s24;
	[sflag:s16] =	ssyncset.done $0x0  }
0x63e: {  	s0 =	sshll.u32 s23, $0x9;
	p2 =	slt.s32 s19, s2;
	[sflag:s16] =	ssyncadd.s32 $0xFFFFC800  }
0x63f: {  	s0 =	sshra.s32 s0, $0x2;
	s25 =	smov.u32 @p2 s19;
	v0 =	vld [tilespmem:s18+$0x15400]  }
0x640: {  	s19 =	sshll.u32 s25, $0x9;
	v1 =	vld [tilespmem:s0+$0x800]  }
0x641: {  	s19 =	sshra.s32 s19, $0x2  }
0x642: {  	v2 =	vld [tilespmem:s19+$0x0];
	_ =	sdelay $0x2  }
0x643: {  	v0 =	vadd.f32 v1, v0;
	_ =	sdelay $0x1  }
0x644: {  	v0 =	vadd.f32 v2, v0;
	_ =	sdelay $0x1  }
0x645: {  	v1 =	vld [tilespmem:s18+$0x15410];
	[tilespmem:s18+$0xE400] =	vst v0  }
0x646: {  	s20 =	simm.s32 @p0 $0xA;
	v0 =	vld [tilespmem:s0+$0x810]  }
0x647: {  	s26 =	simm.s32 $0x1;
	s0 =	sadd.s32 $0xFFFFFFFF, s20  }
0x648: {  	s21 =	simm.s32 @p1 $0x3E8;
	s24 =	simm.s32 $0x1;
	v2 =	vld [tilespmem:s19+$0x10];
	p0 =	seq.s32 s0, $0x0  }
0x649: {  	s19 =	simm.s32 $0x80;
	s20 =	sadd.s32 $0xFFFFFFFF, s21;
	s24 =	simm.s32 @!p0 $0x0  }
0x64a: {  	s21 =	smov.u32 s22;
	p1 =	seq.s32 s20, $0x0;
	s23 =	sadd.s32 s24, s23  }
0x64b: {  	s0 =	simm.s32 @p0 $0xA;
	s26 =	simm.s32 @!p1 $0x0;
	p0 =	slt.s32 s23, s22;
	v0 =	vadd.f32 v0, v1  }
0x64c: {  	s20 =	simm.s32 @p1 $0x3E8;
	s21 =	smov.u32 @p0 s23;
	s23 =	sadd.s32 s26, s25  }
0x64d: {  	s24 =	simm.s32 $0x400;
	s25 =	sshll.u32 s21, $0x9;
	p1 =	slt.s32 s23, s2;
	v0 =	vadd.f32 v2, v0  }
.LBB2_56:
0x64e: {  	s26 =	sshra.s32 s24, $0x2;
	s25 =	sshra.s32 s25, $0x2;
	s28 =	smov.u32 s24  }
0x64f: {  	v1 =	vld [tilespmem:s19+$0x15400];
	p0 =	sne.s32 s24, $0xDE00;
	s28 =	sadd.s32 $0x200, s24;
	s24 =	smov.u32 s2  }
0x650: {  	[tilespmem:s18+$0xE410] =	vst v0;
	s24 =	smov.u32 @p1 s23;
	s18 =	smov.u32 s19  }
0x651: {  	s19 =	smov.u32 s26;
	v0 =	vld [tilespmem:s25+$0x800];
	s23 =	sshll.u32 s24, $0x9  }
0x652: {  	s23 =	sshra.s32 s23, $0x2  }
0x653: {  	v2 =	vld [tilespmem:s23+$0x0];
	_ =	sdelay $0x2  }
0x654: {  	v0 =	vadd.f32 v0, v1;
	_ =	sdelay $0x1  }
0x655: {  	v0 =	vadd.f32 v2, v0  }
0x656: {  	v1 =	vld [tilespmem:s18+$0x15410]  }
0x657: {  	[tilespmem:s18+$0xE400] =	vst v0  }
0x658: {  	s0 =	sadd.s32 $0xFFFFFFFF, s0;
	v0 =	vld [tilespmem:s25+$0x810]  }
0x659: {  	s20 =	sadd.s32 $0xFFFFFFFF, s20;
	p1 =	seq.s32 s0, $0x0;
	v2 =	vld [tilespmem:s23+$0x10]  }
0x65a: {  	s0 =	simm.s32 @p1 $0xA;
	s25 =	simm.s32 $0x1;
	s23 =	simm.s32 $0x1  }
.Ltmp27:
0x65b: {  	s23 =	simm.s32 @!p1 $0x0;
	p1 =	seq.s32 s20, $0x0;
	(pc) =	sbr.rel @p0 .LBB2_56-.Ltmp27, $4  }
0x65c: {  	s23 =	sadd.s32 s23, s21;
	s25 =	simm.s32 @!p1 $0x0  }
0x65d: {  	s20 =	simm.s32 @p1 $0x3E8;
	s21 =	smov.u32 s22;
	p2 =	slt.s32 s23, s22;
	v0 =	vadd.f32 v0, v1  }
0x65e: {  	s21 =	smov.u32 @p2 s23;
	s23 =	sadd.s32 s25, s24  }
0x65f: {  	s24 =	smov.u32 s28;
	s25 =	sshll.u32 s21, $0x9;
	p1 =	slt.s32 s23, s2;
	v0 =	vadd.f32 v2, v0  }
0x660: {  	s0 =	smov.u32 s2  }
0x661: {  	v1 =	vld [tilespmem:s19+$0x15400];
	s28 =	sshra.s32 s25, $0x2;
	[tilespmem:s18+$0xE410] =	vst v0;
	s0 =	smov.u32 @p1 s23  }
0x662: {  	v0 =	vld [tilespmem:s28+$0x800];
	s0 =	sshll.u32 s0, $0x9  }
0x663: {  	s0 =	sshra.s32 s0, $0x2  }
0x664: {  	v2 =	vld [tilespmem:s0+$0x0];
	_ =	sdelay $0x2  }
0x665: {  	v0 =	vadd.f32 v0, v1;
	_ =	sdelay $0x1  }
0x666: {  	v0 =	vadd.f32 v2, v0;
	_ =	sdelay $0x1  }
0x667: {  	v62 =	vld [tilespmem:s19+$0x15410];
	[tilespmem:s19+$0xE400] =	vst v0  }
0x668: {  	v0 =	vld [tilespmem:s28+$0x810];
	_ =	sdelay $0x1  }
0x669: {  	v63 =	vld [tilespmem:s0+$0x10];
	_ =	sdelay $0x2  }
0x66a: {  	v0 =	vadd.f32 v0, v62;
	_ =	sdelay $0x1  }
0x66b: {  	v0 =	vadd.f32 v63, v0;
	_ =	sdelay $0x1  }
0x66c: {  	s17 =	sadd.s32 $0x1, s17;
	[tilespmem:s19+$0xE410] =	vst v0  }
0x66d: {  	[hbm4b:s30+s1] =	stream.linear.scatter [tilespmem:s14], [sflag:$0x6], $0x3800, $0x38;
	[tilespmem:$0x18C00] =	vst v63  }
0x66e: {  	p0 =	sne.s32 s17, s6;
	_ =	swait.ge [sflag:s15], $0x3800  }
.Ltmp28:
0x66f: {  	[sflag:s15] =	ssyncset.done $0x0;
	(pc) =	sbr.rel @p0 .LBB2_1-.Ltmp28, $4  }
0x670: {  	[sflag:s15] =	ssyncadd.s32 $0xFFFFC800  }
0x671: {  	_ =	swait.ge [sflag:s16], $0x3800  }
0x672: {  	[sflag:s16] =	ssyncset.done $0x0  }
0x673: {  	[sflag:s16] =	ssyncadd.s32 $0xFFFFC800  }
0x674: {  	_ =	sfence.sel $0x180000  }
0x675: {  	[bflag:$0x0] =	sbarrier.arrive $0xFFFF  }
0x676: {  	_ =	strace $0x90000047  }
0x677: {  	s0 =	stileid.u32;
	[bflag:$0x2] =	sbarrier.arrive $0xFFFF  }
0x678: {  	p0 =	sne.s32 s0, $0x0;
	s0 =	rddreg [dreg:$0x2]  }
0x679: {  	s0 =	sadd.s32 @!p0 $0x100000, s0  }
0x67a: {  	[sflag:s0] =	ssyncadd.tile.s32 @!p0 $0x1;
	_ =	shalt  }
.Lfunc_end2:
_tile_overlayer_lowered:
.L_overlay_start_2:
0x67b: {  	(tag) =	ssettag $0x2  }
0x67c: {  	s0 =	rddreg [dreg:$0x0];
	s2 =	stileid.u32  }
0x67d: {  	s1 =	rddreg [dreg:$0x1];
	p0 =	sne.s32 s2, $0x0  }
0x67e: {  	s3 =	rddreg [dreg:$0x2];
	[bflag:$0x3] =	sbarrier.arrive $0xFFFF;
	s2 =	simm.s32 @!p0 $0x1C07  }
0x67f: {  	[timem:s3], [sflag:s2] =	dma.local @!p0 [hbm:s0], s1  }
0x680: {  	s0 =	simm.s32 @!p0 $0x7  }
0x681: {  	_ =	swait.ge @!p0 [sflag:s0], s1  }
0x682: {  	s1 =	ssub.s32 @!p0 $0x0, s1;
	[sflag:s0] =	ssyncset.done @!p0 $0x0  }
0x683: {  	[sflag:s0] =	ssyncadd.s32 @!p0 s1  }
0x684: {  	[bflag:$0x3] =	sbarrier.arrive $0xFFFF  }
0x685: {  	_ =	shalt  }

</sc_bundles>
